<compile_context>
chip_gen: v7x
topology: tpu7x:2x2x1
jax: 0.10.2.dev20260603
libtpu: 0.0.44.dev20260713+nightly
codegen_flags: <defaults>
</compile_context>

<pallas_src>
import jax
import jax.numpy as jnp
from jax.experimental import pallas as pl
from jax.experimental.pallas import tpu as pltpu

_BN = 1000


def _atom_kernel(x_ref, emb_ref, o_ref):
    b = x_ref.shape[0]
    v = emb_ref.shape[1]
    acc = jnp.zeros((b, emb_ref.shape[2]), jnp.float32)
    for i in range(x_ref.shape[1]):
        col = x_ref[:, i]
        oh = (col[:, None] == jax.lax.broadcasted_iota(jnp.int32, (b, v), 1)
              ).astype(jnp.float32)
        acc = acc + jnp.dot(oh, emb_ref[i], preferred_element_type=jnp.float32)
    o_ref[:] = acc


def _node_kernel(h_ref, w_ref, asrc_ref, adst_ref, xl_ref, sc_ref):
    xl = jnp.dot(h_ref[:], w_ref[:], preferred_element_type=jnp.float32)
    xl_ref[:] = xl
    s1 = jnp.sum(xl * asrc_ref[:], axis=1, keepdims=True)
    s2 = jnp.sum(xl * adst_ref[:], axis=1, keepdims=True)
    sc_ref[:] = jnp.concatenate([s1, s2], axis=1)


def _pool_kernel(h_ref, b_ref, fc1w_ref, fc1b_ref, fc2w_ref, fc2b_ref,
                 out_ref, sums_ref, cnt_ref):
    i = pl.program_id(0)
    ng = pl.num_programs(0)
    g = sums_ref.shape[0]
    bn = h_ref.shape[0]

    @pl.when(i == 0)
    def _():
        sums_ref[:] = jnp.zeros_like(sums_ref)
        cnt_ref[:] = jnp.zeros_like(cnt_ref)

    bcol = b_ref[:, 0]
    oht = (jax.lax.broadcasted_iota(jnp.int32, (g, bn), 0) == bcol[None, :]
           ).astype(jnp.float32)
    sums_ref[:] = sums_ref[:] + jnp.dot(oht, h_ref[:],
                                        preferred_element_type=jnp.float32)
    cnt_ref[:] = cnt_ref[:] + jnp.sum(oht, axis=1, keepdims=True)

    @pl.when(i == ng - 1)
    def _():
        hg = sums_ref[:] / jnp.maximum(cnt_ref[:], 1.0)
        t = jnp.dot(hg, fc1w_ref[:], preferred_element_type=jnp.float32)
        t = t + fc1b_ref[:]
        out_ref[:] = jnp.dot(t, fc2w_ref[:],
                             preferred_element_type=jnp.float32) + fc2b_ref[:]


def kernel(x, edge_index, edge_attr, batch, atom_emb, bond_emb, W, att_src,
           att_dst, W_edge, att_edge, bias_gat, fc1_w, fc1_b, fc2_w, fc2_b):
    n = x.shape[0]
    emb = W.shape[1]
    num_layer = W.shape[0]
    g = 1000

    npad = (-n) % _BN
    n_p = n + npad
    x_p = jnp.pad(x, ((0, npad), (0, 0)))
    grid_n = n_p // _BN

    h = pl.pallas_call(
        _atom_kernel,
        grid=(grid_n,),
        in_specs=[
            pl.BlockSpec((_BN, x.shape[1]), lambda i: (i, 0)),
            pl.BlockSpec(atom_emb.shape, lambda i: (0, 0, 0)),
        ],
        out_specs=pl.BlockSpec((_BN, emb), lambda i: (i, 0)),
        out_shape=jax.ShapeDtypeStruct((n_p, emb), jnp.float32),
    )(x_p, atom_emb)
    h = h[:n]

    src0 = edge_index[0]
    dst0 = edge_index[1]
    loops = jnp.arange(n, dtype=edge_index.dtype)
    src = jnp.concatenate([src0, loops])
    dst = jnp.concatenate([dst0, loops])

    node_call = pl.pallas_call(
        _node_kernel,
        grid=(grid_n,),
        in_specs=[
            pl.BlockSpec((_BN, emb), lambda i: (i, 0)),
            pl.BlockSpec((emb, emb), lambda i: (0, 0)),
            pl.BlockSpec((1, emb), lambda i: (0, 0)),
            pl.BlockSpec((1, emb), lambda i: (0, 0)),
        ],
        out_specs=[
            pl.BlockSpec((_BN, emb), lambda i: (i, 0)),
            pl.BlockSpec((_BN, 2), lambda i: (i, 0)),
        ],
        out_shape=[
            jax.ShapeDtypeStruct((n_p, emb), jnp.float32),
            jax.ShapeDtypeStruct((n_p, 2), jnp.float32),
        ],
    )

    for l in range(num_layer):
        we = W_edge[l] @ att_edge[l]
        lut = jnp.einsum('jvc,c->jv', bond_emb[l], we)
        lut3 = (lut[0][:, None, None] + lut[1][None, :, None]
                + lut[2][None, None, :]).reshape(-1)
        eidx = (edge_attr[:, 0] * 256 + edge_attr[:, 1] * 16
                + edge_attr[:, 2])
        esc = lut3[eidx]
        loop_score = jnp.mean(esc)

        h_p = jnp.pad(h, ((0, npad), (0, 0)))
        xl_p, sc_p = node_call(h_p, W[l], att_src[l][None, :],
                               att_dst[l][None, :])
        xl = xl_p[:n]
        asrc = sc_p[:n, 0]
        adst = sc_p[:n, 1]

        a = jnp.concatenate([asrc[src0] + adst[dst0] + esc,
                             asrc + adst + loop_score])
        a = jax.nn.leaky_relu(a, negative_slope=0.2)
        ea = jnp.exp(a)
        denom = jax.ops.segment_sum(ea, dst, num_segments=n)
        s = jax.ops.segment_sum(xl[src] * ea[:, None], dst, num_segments=n)
        out = s / (denom + 1e-16)[:, None] + bias_gat[l]
        if l < num_layer - 1:
            out = jax.nn.relu(out)
        h = out + h

    batch_p = jnp.pad(batch, (0, npad), constant_values=g)
    h_p = jnp.pad(h, ((0, npad), (0, 0)))
    out = pl.pallas_call(
        _pool_kernel,
        grid=(grid_n,),
        in_specs=[
            pl.BlockSpec((_BN, emb), lambda i: (i, 0)),
            pl.BlockSpec((_BN, 1), lambda i: (i, 0)),
            pl.BlockSpec(fc1_w.shape, lambda i: (0, 0)),
            pl.BlockSpec((1, emb), lambda i: (0, 0)),
            pl.BlockSpec(fc2_w.shape, lambda i: (0, 0)),
            pl.BlockSpec((1, 1), lambda i: (0, 0)),
        ],
        out_specs=pl.BlockSpec((g, 1), lambda i: (0, 0)),
        out_shape=jax.ShapeDtypeStruct((g, 1), jnp.float32),
        scratch_shapes=[
            pltpu.VMEM((g, emb), jnp.float32),
            pltpu.VMEM((g, 1), jnp.float32),
        ],
    )(h_p, batch_p[:, None], fc1_w, fc1_b[None, :], fc2_w, fc2_b[None, :])
    return out

# --- scband reference (transcript-rebuilt; emitter-appended) ---
"""Pipeline reference for scband-gat-76184129896720 (READ-ONLY COPY).

The authoritative reference and input builder live on the scoring server;
editing this copy changes nothing except your own understanding.
"""

import jax, jax.numpy as jnp
import numpy as np

N = 50000
E = 800000
G = 1000
EMB = 32
L = 3
ATOM_VOCAB = 128
BOND_VOCAB = 16


def setup_inputs():
    ks = jax.random.split(jax.random.key(0), 16)
    x = jax.random.randint(ks[0], (N, 9), 0, 100, dtype=jnp.int32)
    edge_index = jax.random.randint(ks[1], (2, E), 0, N, dtype=jnp.int32)
    edge_attr = jax.random.randint(ks[2], (E, 3), 0, 8, dtype=jnp.int32)
    batch = jnp.sort(jax.random.randint(ks[3], (N,), 0, G, dtype=jnp.int32))
    s = 0.1
    atom_emb = jax.random.normal(ks[4], (9, ATOM_VOCAB, EMB), dtype=jnp.float32) * s
    bond_emb = jax.random.normal(ks[5], (L, 3, BOND_VOCAB, 3), dtype=jnp.float32) * s
    W = jax.random.normal(ks[6], (L, EMB, EMB), dtype=jnp.float32) / np.sqrt(EMB)
    att_src = jax.random.normal(ks[7], (L, EMB), dtype=jnp.float32) * s
    att_dst = jax.random.normal(ks[8], (L, EMB), dtype=jnp.float32) * s
    W_edge = jax.random.normal(ks[9], (L, 3, EMB), dtype=jnp.float32) * s
    att_edge = jax.random.normal(ks[10], (L, EMB), dtype=jnp.float32) * s
    bias_gat = jnp.zeros((L, EMB), dtype=jnp.float32)
    fc1_w = jax.random.normal(ks[11], (EMB, EMB), dtype=jnp.float32) / np.sqrt(EMB)
    fc1_b = jnp.zeros((EMB,), dtype=jnp.float32)
    fc2_w = jax.random.normal(ks[12], (EMB, 1), dtype=jnp.float32) / np.sqrt(EMB)
    fc2_b = jnp.zeros((1,), dtype=jnp.float32)
    return dict(x=x, edge_index=edge_index, edge_attr=edge_attr, batch=batch,
                atom_emb=atom_emb, bond_emb=bond_emb, W=W, att_src=att_src,
                att_dst=att_dst, W_edge=W_edge, att_edge=att_edge, bias_gat=bias_gat,
                fc1_w=fc1_w, fc1_b=fc1_b, fc2_w=fc2_w, fc2_b=fc2_b)


def reference(x, edge_index, edge_attr, batch, atom_emb, bond_emb, W, att_src,
              att_dst, W_edge, att_edge, bias_gat, fc1_w, fc1_b, fc2_w, fc2_b):
    n = x.shape[0]
    # AtomEncoder (OGB-style): sum of per-feature embeddings
    h = atom_emb[0][x[:, 0]]
    for i in range(1, x.shape[1]):
        h = h + atom_emb[i][x[:, i]]
    # GATConv adds self loops (fill_value='mean' for edge_attr)
    loops = jnp.arange(n, dtype=edge_index.dtype)
    src = jnp.concatenate([edge_index[0], loops])
    dst = jnp.concatenate([edge_index[1], loops])
    h_list = [h]
    num_layer = W.shape[0]
    for l in range(num_layer):
        # BondEncoder with emb_dim=3
        e = bond_emb[l, 0][edge_attr[:, 0]] + bond_emb[l, 1][edge_attr[:, 1]] + bond_emb[l, 2][edge_attr[:, 2]]
        loop_attr = jnp.broadcast_to(jnp.mean(e, axis=0), (n, e.shape[1]))
        e2 = jnp.concatenate([e, loop_attr], axis=0)
        xl = h_list[l] @ W[l]
        el = e2 @ W_edge[l]
        a = jnp.sum(xl * att_src[l], axis=-1)[src] + jnp.sum(xl * att_dst[l], axis=-1)[dst] + jnp.sum(el * att_edge[l], axis=-1)
        a = jax.nn.leaky_relu(a, negative_slope=0.2)
        m = jax.ops.segment_max(a, dst, num_segments=n)
        ea = jnp.exp(a - m[dst])
        denom = jax.ops.segment_sum(ea, dst, num_segments=n)
        alpha = ea / (denom[dst] + 1e-16)
        out = jax.ops.segment_sum(xl[src] * alpha[:, None], dst, num_segments=n) + bias_gat[l]
        # eval mode: dropout is identity
        if l < num_layer - 1:
            out = jax.nn.relu(out)
        out = out + h_list[l]  # residual
        h_list.append(out)
    h_node = h_list[-1]  # JK='last'
    sums = jax.ops.segment_sum(h_node, batch, num_segments=G)
    cnt = jax.ops.segment_sum(jnp.ones((n,), dtype=jnp.float32), batch, num_segments=G)
    hg = sums / jnp.maximum(cnt, 1.0)[:, None]  # global_mean_pool
    return (hg @ fc1_w + fc1_b) @ fc2_w + fc2_b

if __name__ == "__main__":
    import jax
    _d = setup_inputs()
    print(jax.jit(kernel)(*tuple(_d.values())))

</pallas_src>

<mosaic_0001>
module attributes {stable_mosaic.version = 14 : i64} {
  func.func @_atom_kernel(%arg0: i32, %arg1: memref<1000x9xi32, #tpu.memory_space<vmem>>, %arg2: memref<9x128x32xf32, #tpu.memory_space<vmem>>, %arg3: memref<1000x32xf32, #tpu.memory_space<vmem>>) attributes {dimension_semantics = [#tpu.dimension_semantics<arbitrary>], iteration_bounds = array<i64: 50>, scalar_prefetch = 0 : i64, scratch_operands = 0 : i64, tpu.core_type = #tpu.core_type<tc>, window_params = [{transform_indices = @transform_0, window_bounds = array<i64: 1000, 9>}, {pipeline_mode = #tpu.pipeline_mode<synchronous>, transform_indices = @transform_1, window_bounds = array<i64: 9, 128, 32>}, {transform_indices = @transform_2, window_bounds = array<i64: 1000, 32>}]} {
    %broadcast_in_dim3A = arith.constant 0.000000e+00 : f32
    %broadcast_in_dim3A_0 = vector.broadcast %broadcast_in_dim3A : f32 to vector<1000x32xf32>
    %get3A = arith.constant 0 : index
    %get3A_1 = arith.constant 0 : index
    %get3A_2 = vector.load %arg1[%get3A, %get3A_1] : memref<1000x9xi32, #tpu.memory_space<vmem>>, vector<1000x1xi32>
    %get3A_3 = vector.shape_cast %get3A_2 : vector<1000x1xi32> to vector<1000xi32>
    %broadcast_in_dim3A_4 = vector.shape_cast %get3A_3 : vector<1000xi32> to vector<1000x1xi32>
    %iota3A = tpu.iota {dimensions = array<i32: 1>} : vector<1000x128xi32>
    %eq3A = vector.broadcast %broadcast_in_dim3A_4 : vector<1000x1xi32> to vector<1000x128xi32>
    %eq3A_5 = arith.cmpi eq, %eq3A, %iota3A : vector<1000x128xi32>
    %convert_element_type3A = arith.extui %eq3A_5 : vector<1000x128xi1> to vector<1000x128xi32>
    %convert_element_type3A_6 = arith.sitofp %convert_element_type3A : vector<1000x128xi32> to vector<1000x128xf32>
    %get3A_7 = arith.constant 0 : index
    %get3A_8 = arith.constant 0 : index
    %get3A_9 = arith.constant 0 : index
    %get3A_10 = vector.load %arg2[%get3A_7, %get3A_8, %get3A_9] : memref<9x128x32xf32, #tpu.memory_space<vmem>>, vector<1x128x32xf32>
    %get3A_11 = vector.shape_cast %get3A_10 : vector<1x128x32xf32> to vector<128x32xf32>
    %dot_general3A = arith.constant dense<0.000000e+00> : vector<1000x32xf32>
    %dot_general3A_12 = tpu.matmul %convert_element_type3A_6, %get3A_11, %dot_general3A {dimension_numbers = #tpu.dot_dimension_numbers<[1], [0], [0], [1], [0, 0, 1, 1], [], []>, transpose_lhs_hint = false} : vector<1000x128xf32>, vector<128x32xf32>, vector<1000x32xf32> -> vector<1000x32xf32>
    %add3A = arith.addf %broadcast_in_dim3A_0, %dot_general3A_12 : vector<1000x32xf32>
    %get3A_13 = arith.constant 0 : index
    %get3A_14 = arith.constant 1 : index
    %get3A_15 = vector.load %arg1[%get3A_13, %get3A_14] : memref<1000x9xi32, #tpu.memory_space<vmem>>, vector<1000x1xi32>
    %get3A_16 = vector.shape_cast %get3A_15 : vector<1000x1xi32> to vector<1000xi32>
    %broadcast_in_dim3A_17 = vector.shape_cast %get3A_16 : vector<1000xi32> to vector<1000x1xi32>
    %iota3A_18 = tpu.iota {dimensions = array<i32: 1>} : vector<1000x128xi32>
    %eq3A_19 = vector.broadcast %broadcast_in_dim3A_17 : vector<1000x1xi32> to vector<1000x128xi32>
    %eq3A_20 = arith.cmpi eq, %eq3A_19, %iota3A_18 : vector<1000x128xi32>
    %convert_element_type3A_21 = arith.extui %eq3A_20 : vector<1000x128xi1> to vector<1000x128xi32>
    %convert_element_type3A_22 = arith.sitofp %convert_element_type3A_21 : vector<1000x128xi32> to vector<1000x128xf32>
    %get3A_23 = arith.constant 1 : index
    %get3A_24 = arith.constant 0 : index
    %get3A_25 = arith.constant 0 : index
    %get3A_26 = vector.load %arg2[%get3A_23, %get3A_24, %get3A_25] : memref<9x128x32xf32, #tpu.memory_space<vmem>>, vector<1x128x32xf32>
    %get3A_27 = vector.shape_cast %get3A_26 : vector<1x128x32xf32> to vector<128x32xf32>
    %dot_general3A_28 = arith.constant dense<0.000000e+00> : vector<1000x32xf32>
    %dot_general3A_29 = tpu.matmul %convert_element_type3A_22, %get3A_27, %dot_general3A_28 {dimension_numbers = #tpu.dot_dimension_numbers<[1], [0], [0], [1], [0, 0, 1, 1], [], []>, transpose_lhs_hint = false} : vector<1000x128xf32>, vector<128x32xf32>, vector<1000x32xf32> -> vector<1000x32xf32>
    %add3A_30 = arith.addf %add3A, %dot_general3A_29 : vector<1000x32xf32>
    %get3A_31 = arith.constant 0 : index
    %get3A_32 = arith.constant 2 : index
    %get3A_33 = vector.load %arg1[%get3A_31, %get3A_32] : memref<1000x9xi32, #tpu.memory_space<vmem>>, vector<1000x1xi32>
    %get3A_34 = vector.shape_cast %get3A_33 : vector<1000x1xi32> to vector<1000xi32>
    %broadcast_in_dim3A_35 = vector.shape_cast %get3A_34 : vector<1000xi32> to vector<1000x1xi32>
    %iota3A_36 = tpu.iota {dimensions = array<i32: 1>} : vector<1000x128xi32>
    %eq3A_37 = vector.broadcast %broadcast_in_dim3A_35 : vector<1000x1xi32> to vector<1000x128xi32>
    %eq3A_38 = arith.cmpi eq, %eq3A_37, %iota3A_36 : vector<1000x128xi32>
    %convert_element_type3A_39 = arith.extui %eq3A_38 : vector<1000x128xi1> to vector<1000x128xi32>
    %convert_element_type3A_40 = arith.sitofp %convert_element_type3A_39 : vector<1000x128xi32> to vector<1000x128xf32>
    %get3A_41 = arith.constant 2 : index
    %get3A_42 = arith.constant 0 : index
    %get3A_43 = arith.constant 0 : index
    %get3A_44 = vector.load %arg2[%get3A_41, %get3A_42, %get3A_43] : memref<9x128x32xf32, #tpu.memory_space<vmem>>, vector<1x128x32xf32>
    %get3A_45 = vector.shape_cast %get3A_44 : vector<1x128x32xf32> to vector<128x32xf32>
    %dot_general3A_46 = arith.constant dense<0.000000e+00> : vector<1000x32xf32>
    %dot_general3A_47 = tpu.matmul %convert_element_type3A_40, %get3A_45, %dot_general3A_46 {dimension_numbers = #tpu.dot_dimension_numbers<[1], [0], [0], [1], [0, 0, 1, 1], [], []>, transpose_lhs_hint = false} : vector<1000x128xf32>, vector<128x32xf32>, vector<1000x32xf32> -> vector<1000x32xf32>
    %add3A_48 = arith.addf %add3A_30, %dot_general3A_47 : vector<1000x32xf32>
    %get3A_49 = arith.constant 0 : index
    %get3A_50 = arith.constant 3 : index
    %get3A_51 = vector.load %arg1[%get3A_49, %get3A_50] : memref<1000x9xi32, #tpu.memory_space<vmem>>, vector<1000x1xi32>
    %get3A_52 = vector.shape_cast %get3A_51 : vector<1000x1xi32> to vector<1000xi32>
    %broadcast_in_dim3A_53 = vector.shape_cast %get3A_52 : vector<1000xi32> to vector<1000x1xi32>
    %iota3A_54 = tpu.iota {dimensions = array<i32: 1>} : vector<1000x128xi32>
    %eq3A_55 = vector.broadcast %broadcast_in_dim3A_53 : vector<1000x1xi32> to vector<1000x128xi32>
    %eq3A_56 = arith.cmpi eq, %eq3A_55, %iota3A_54 : vector<1000x128xi32>
    %convert_element_type3A_57 = arith.extui %eq3A_56 : vector<1000x128xi1> to vector<1000x128xi32>
    %convert_element_type3A_58 = arith.sitofp %convert_element_type3A_57 : vector<1000x128xi32> to vector<1000x128xf32>
    %get3A_59 = arith.constant 3 : index
    %get3A_60 = arith.constant 0 : index
    %get3A_61 = arith.constant 0 : index
    %get3A_62 = vector.load %arg2[%get3A_59, %get3A_60, %get3A_61] : memref<9x128x32xf32, #tpu.memory_space<vmem>>, vector<1x128x32xf32>
    %get3A_63 = vector.shape_cast %get3A_62 : vector<1x128x32xf32> to vector<128x32xf32>
    %dot_general3A_64 = arith.constant dense<0.000000e+00> : vector<1000x32xf32>
    %dot_general3A_65 = tpu.matmul %convert_element_type3A_58, %get3A_63, %dot_general3A_64 {dimension_numbers = #tpu.dot_dimension_numbers<[1], [0], [0], [1], [0, 0, 1, 1], [], []>, transpose_lhs_hint = false} : vector<1000x128xf32>, vector<128x32xf32>, vector<1000x32xf32> -> vector<1000x32xf32>
    %add3A_66 = arith.addf %add3A_48, %dot_general3A_65 : vector<1000x32xf32>
    %get3A_67 = arith.constant 0 : index
    %get3A_68 = arith.constant 4 : index
    %get3A_69 = vector.load %arg1[%get3A_67, %get3A_68] : memref<1000x9xi32, #tpu.memory_space<vmem>>, vector<1000x1xi32>
    %get3A_70 = vector.shape_cast %get3A_69 : vector<1000x1xi32> to vector<1000xi32>
    %broadcast_in_dim3A_71 = vector.shape_cast %get3A_70 : vector<1000xi32> to vector<1000x1xi32>
    %iota3A_72 = tpu.iota {dimensions = array<i32: 1>} : vector<1000x128xi32>
    %eq3A_73 = vector.broadcast %broadcast_in_dim3A_71 : vector<1000x1xi32> to vector<1000x128xi32>
    %eq3A_74 = arith.cmpi eq, %eq3A_73, %iota3A_72 : vector<1000x128xi32>
    %convert_element_type3A_75 = arith.extui %eq3A_74 : vector<1000x128xi1> to vector<1000x128xi32>
    %convert_element_type3A_76 = arith.sitofp %convert_element_type3A_75 : vector<1000x128xi32> to vector<1000x128xf32>
    %get3A_77 = arith.constant 4 : index
    %get3A_78 = arith.constant 0 : index
    %get3A_79 = arith.constant 0 : index
    %get3A_80 = vector.load %arg2[%get3A_77, %get3A_78, %get3A_79] : memref<9x128x32xf32, #tpu.memory_space<vmem>>, vector<1x128x32xf32>
    %get3A_81 = vector.shape_cast %get3A_80 : vector<1x128x32xf32> to vector<128x32xf32>
    %dot_general3A_82 = arith.constant dense<0.000000e+00> : vector<1000x32xf32>
    %dot_general3A_83 = tpu.matmul %convert_element_type3A_76, %get3A_81, %dot_general3A_82 {dimension_numbers = #tpu.dot_dimension_numbers<[1], [0], [0], [1], [0, 0, 1, 1], [], []>, transpose_lhs_hint = false} : vector<1000x128xf32>, vector<128x32xf32>, vector<1000x32xf32> -> vector<1000x32xf32>
    %add3A_84 = arith.addf %add3A_66, %dot_general3A_83 : vector<1000x32xf32>
    %get3A_85 = arith.constant 0 : index
    %get3A_86 = arith.constant 5 : index
    %get3A_87 = vector.load %arg1[%get3A_85, %get3A_86] : memref<1000x9xi32, #tpu.memory_space<vmem>>, vector<1000x1xi32>
    %get3A_88 = vector.shape_cast %get3A_87 : vector<1000x1xi32> to vector<1000xi32>
    %broadcast_in_dim3A_89 = vector.shape_cast %get3A_88 : vector<1000xi32> to vector<1000x1xi32>
    %iota3A_90 = tpu.iota {dimensions = array<i32: 1>} : vector<1000x128xi32>
    %eq3A_91 = vector.broadcast %broadcast_in_dim3A_89 : vector<1000x1xi32> to vector<1000x128xi32>
    %eq3A_92 = arith.cmpi eq, %eq3A_91, %iota3A_90 : vector<1000x128xi32>
    %convert_element_type3A_93 = arith.extui %eq3A_92 : vector<1000x128xi1> to vector<1000x128xi32>
    %convert_element_type3A_94 = arith.sitofp %convert_element_type3A_93 : vector<1000x128xi32> to vector<1000x128xf32>
    %get3A_95 = arith.constant 5 : index
    %get3A_96 = arith.constant 0 : index
    %get3A_97 = arith.constant 0 : index
    %get3A_98 = vector.load %arg2[%get3A_95, %get3A_96, %get3A_97] : memref<9x128x32xf32, #tpu.memory_space<vmem>>, vector<1x128x32xf32>
    %get3A_99 = vector.shape_cast %get3A_98 : vector<1x128x32xf32> to vector<128x32xf32>
    %dot_general3A_100 = arith.constant dense<0.000000e+00> : vector<1000x32xf32>
    %dot_general3A_101 = tpu.matmul %convert_element_type3A_94, %get3A_99, %dot_general3A_100 {dimension_numbers = #tpu.dot_dimension_numbers<[1], [0], [0], [1], [0, 0, 1, 1], [], []>, transpose_lhs_hint = false} : vector<1000x128xf32>, vector<128x32xf32>, vector<1000x32xf32> -> vector<1000x32xf32>
    %add3A_102 = arith.addf %add3A_84, %dot_general3A_101 : vector<1000x32xf32>
    %get3A_103 = arith.constant 0 : index
    %get3A_104 = arith.constant 6 : index
    %get3A_105 = vector.load %arg1[%get3A_103, %get3A_104] : memref<1000x9xi32, #tpu.memory_space<vmem>>, vector<1000x1xi32>
    %get3A_106 = vector.shape_cast %get3A_105 : vector<1000x1xi32> to vector<1000xi32>
    %broadcast_in_dim3A_107 = vector.shape_cast %get3A_106 : vector<1000xi32> to vector<1000x1xi32>
    %iota3A_108 = tpu.iota {dimensions = array<i32: 1>} : vector<1000x128xi32>
    %eq3A_109 = vector.broadcast %broadcast_in_dim3A_107 : vector<1000x1xi32> to vector<1000x128xi32>
    %eq3A_110 = arith.cmpi eq, %eq3A_109, %iota3A_108 : vector<1000x128xi32>
    %convert_element_type3A_111 = arith.extui %eq3A_110 : vector<1000x128xi1> to vector<1000x128xi32>
    %convert_element_type3A_112 = arith.sitofp %convert_element_type3A_111 : vector<1000x128xi32> to vector<1000x128xf32>
    %get3A_113 = arith.constant 6 : index
    %get3A_114 = arith.constant 0 : index
    %get3A_115 = arith.constant 0 : index
    %get3A_116 = vector.load %arg2[%get3A_113, %get3A_114, %get3A_115] : memref<9x128x32xf32, #tpu.memory_space<vmem>>, vector<1x128x32xf32>
    %get3A_117 = vector.shape_cast %get3A_116 : vector<1x128x32xf32> to vector<128x32xf32>
    %dot_general3A_118 = arith.constant dense<0.000000e+00> : vector<1000x32xf32>
    %dot_general3A_119 = tpu.matmul %convert_element_type3A_112, %get3A_117, %dot_general3A_118 {dimension_numbers = #tpu.dot_dimension_numbers<[1], [0], [0], [1], [0, 0, 1, 1], [], []>, transpose_lhs_hint = false} : vector<1000x128xf32>, vector<128x32xf32>, vector<1000x32xf32> -> vector<1000x32xf32>
    %add3A_120 = arith.addf %add3A_102, %dot_general3A_119 : vector<1000x32xf32>
    %get3A_121 = arith.constant 0 : index
    %get3A_122 = arith.constant 7 : index
    %get3A_123 = vector.load %arg1[%get3A_121, %get3A_122] : memref<1000x9xi32, #tpu.memory_space<vmem>>, vector<1000x1xi32>
    %get3A_124 = vector.shape_cast %get3A_123 : vector<1000x1xi32> to vector<1000xi32>
    %broadcast_in_dim3A_125 = vector.shape_cast %get3A_124 : vector<1000xi32> to vector<1000x1xi32>
    %iota3A_126 = tpu.iota {dimensions = array<i32: 1>} : vector<1000x128xi32>
    %eq3A_127 = vector.broadcast %broadcast_in_dim3A_125 : vector<1000x1xi32> to vector<1000x128xi32>
    %eq3A_128 = arith.cmpi eq, %eq3A_127, %iota3A_126 : vector<1000x128xi32>
    %convert_element_type3A_129 = arith.extui %eq3A_128 : vector<1000x128xi1> to vector<1000x128xi32>
    %convert_element_type3A_130 = arith.sitofp %convert_element_type3A_129 : vector<1000x128xi32> to vector<1000x128xf32>
    %get3A_131 = arith.constant 7 : index
    %get3A_132 = arith.constant 0 : index
    %get3A_133 = arith.constant 0 : index
    %get3A_134 = vector.load %arg2[%get3A_131, %get3A_132, %get3A_133] : memref<9x128x32xf32, #tpu.memory_space<vmem>>, vector<1x128x32xf32>
    %get3A_135 = vector.shape_cast %get3A_134 : vector<1x128x32xf32> to vector<128x32xf32>
    %dot_general3A_136 = arith.constant dense<0.000000e+00> : vector<1000x32xf32>
    %dot_general3A_137 = tpu.matmul %convert_element_type3A_130, %get3A_135, %dot_general3A_136 {dimension_numbers = #tpu.dot_dimension_numbers<[1], [0], [0], [1], [0, 0, 1, 1], [], []>, transpose_lhs_hint = false} : vector<1000x128xf32>, vector<128x32xf32>, vector<1000x32xf32> -> vector<1000x32xf32>
    %add3A_138 = arith.addf %add3A_120, %dot_general3A_137 : vector<1000x32xf32>
    %get3A_139 = arith.constant 0 : index
    %get3A_140 = arith.constant 8 : index
    %get3A_141 = vector.load %arg1[%get3A_139, %get3A_140] : memref<1000x9xi32, #tpu.memory_space<vmem>>, vector<1000x1xi32>
    %get3A_142 = vector.shape_cast %get3A_141 : vector<1000x1xi32> to vector<1000xi32>
    %broadcast_in_dim3A_143 = vector.shape_cast %get3A_142 : vector<1000xi32> to vector<1000x1xi32>
    %iota3A_144 = tpu.iota {dimensions = array<i32: 1>} : vector<1000x128xi32>
    %eq3A_145 = vector.broadcast %broadcast_in_dim3A_143 : vector<1000x1xi32> to vector<1000x128xi32>
    %eq3A_146 = arith.cmpi eq, %eq3A_145, %iota3A_144 : vector<1000x128xi32>
    %convert_element_type3A_147 = arith.extui %eq3A_146 : vector<1000x128xi1> to vector<1000x128xi32>
    %convert_element_type3A_148 = arith.sitofp %convert_element_type3A_147 : vector<1000x128xi32> to vector<1000x128xf32>
    %get3A_149 = arith.constant 8 : index
    %get3A_150 = arith.constant 0 : index
    %get3A_151 = arith.constant 0 : index
    %get3A_152 = vector.load %arg2[%get3A_149, %get3A_150, %get3A_151] : memref<9x128x32xf32, #tpu.memory_space<vmem>>, vector<1x128x32xf32>
    %get3A_153 = vector.shape_cast %get3A_152 : vector<1x128x32xf32> to vector<128x32xf32>
    %dot_general3A_154 = arith.constant dense<0.000000e+00> : vector<1000x32xf32>
    %dot_general3A_155 = tpu.matmul %convert_element_type3A_148, %get3A_153, %dot_general3A_154 {dimension_numbers = #tpu.dot_dimension_numbers<[1], [0], [0], [1], [0, 0, 1, 1], [], []>, transpose_lhs_hint = false} : vector<1000x128xf32>, vector<128x32xf32>, vector<1000x32xf32> -> vector<1000x32xf32>
    %add3A_156 = arith.addf %add3A_138, %dot_general3A_155 : vector<1000x32xf32>
    %swap3A = arith.constant 0 : index
    %swap3A_157 = arith.constant 0 : index
    %swap3A_158 = vector.load %arg3[%swap3A, %swap3A_157] : memref<1000x32xf32, #tpu.memory_space<vmem>>, vector<1000x32xf32>
    tpu.vector_store %arg3[%swap3A, %swap3A_157], %add3A_156 {strides = array<i32>} : memref<1000x32xf32, #tpu.memory_space<vmem>>, vector<1000x32xf32>,
    return
  }
  func.func @transform_0(%arg0: i32) -> (i32, i32) {
    %c0_i32 = arith.constant 0 : i32
    %c0_i32_0 = arith.constant 0 : i32
    return %arg0, %c0_i32 : i32, i32
  }
  func.func @transform_1(%arg0: i32) -> (i32, i32, i32) {
    %c0_i32 = arith.constant 0 : i32
    %c0_i32_0 = arith.constant 0 : i32
    %c0_i32_1 = arith.constant 0 : i32
    %c0_i32_2 = arith.constant 0 : i32
    return %c0_i32, %c0_i32_0, %c0_i32_1 : i32, i32, i32
  }
  func.func @transform_2(%arg0: i32) -> (i32, i32) {
    %c0_i32 = arith.constant 0 : i32
    %c0_i32_0 = arith.constant 0 : i32
    return %arg0, %c0_i32 : i32, i32
  }
}

module attributes {stable_mosaic.version = 14 : i64} {
  func.func @_node_kernel(%arg0: i32, %arg1: memref<1000x32xf32, #tpu.memory_space<vmem>>, %arg2: memref<32x32xf32, #tpu.memory_space<vmem>>, %arg3: memref<1x32xf32, #tpu.memory_space<vmem>>, %arg4: memref<1x32xf32, #tpu.memory_space<vmem>>, %arg5: memref<1000x32xf32, #tpu.memory_space<vmem>>, %arg6: memref<1000x2xf32, #tpu.memory_space<vmem>>) attributes {dimension_semantics = [#tpu.dimension_semantics<arbitrary>], iteration_bounds = array<i64: 50>, scalar_prefetch = 0 : i64, scratch_operands = 0 : i64, tpu.core_type = #tpu.core_type<tc>, window_params = [{transform_indices = @transform_0, window_bounds = array<i64: 1000, 32>}, {pipeline_mode = #tpu.pipeline_mode<synchronous>, transform_indices = @transform_1, window_bounds = array<i64: 32, 32>}, {pipeline_mode = #tpu.pipeline_mode<synchronous>, transform_indices = @transform_2, window_bounds = array<i64: 1, 32>}, {pipeline_mode = #tpu.pipeline_mode<synchronous>, transform_indices = @transform_3, window_bounds = array<i64: 1, 32>}, {transform_indices = @transform_4, window_bounds = array<i64: 1000, 32>}, {transform_indices = @transform_5, window_bounds = array<i64: 1000, 2>}]} {
    %get3A = arith.constant 0 : index
    %get3A_0 = arith.constant 0 : index
    %get3A_1 = vector.load %arg1[%get3A, %get3A_0] : memref<1000x32xf32, #tpu.memory_space<vmem>>, vector<1000x32xf32>
    %get3A_2 = arith.constant 0 : index
    %get3A_3 = arith.constant 0 : index
    %get3A_4 = vector.load %arg2[%get3A_2, %get3A_3] : memref<32x32xf32, #tpu.memory_space<vmem>>, vector<32x32xf32>
    %dot_general3A = arith.constant dense<0.000000e+00> : vector<1000x32xf32>
    %dot_general3A_5 = tpu.matmul %get3A_1, %get3A_4, %dot_general3A {dimension_numbers = #tpu.dot_dimension_numbers<[1], [0], [0], [1], [0, 0, 1, 1], [], []>, transpose_lhs_hint = false} : vector<1000x32xf32>, vector<32x32xf32>, vector<1000x32xf32> -> vector<1000x32xf32>
    %swap3A = arith.constant 0 : index
    %swap3A_6 = arith.constant 0 : index
    %swap3A_7 = vector.load %arg5[%swap3A, %swap3A_6] : memref<1000x32xf32, #tpu.memory_space<vmem>>, vector<1000x32xf32>
    tpu.vector_store %arg5[%swap3A, %swap3A_6], %dot_general3A_5 {strides = array<i32>} : memref<1000x32xf32, #tpu.memory_space<vmem>>, vector<1000x32xf32>,
    %get3A_8 = arith.constant 0 : index
    %get3A_9 = arith.constant 0 : index
    %get3A_10 = vector.load %arg3[%get3A_8, %get3A_9] : memref<1x32xf32, #tpu.memory_space<vmem>>, vector<1x32xf32>
    %mul3A = vector.broadcast %get3A_10 : vector<1x32xf32> to vector<1000x32xf32>
    %mul3A_11 = arith.mulf %dot_general3A_5, %mul3A : vector<1000x32xf32>
    %reduce_sum3A = arith.constant dense<0.000000e+00> : vector<1000xf32>
    %reduce_sum3A_12 = vector.multi_reduction <add>, %mul3A_11, %reduce_sum3A [1] : vector<1000x32xf32> to vector<1000xf32>
    %broadcast_in_dim3A = vector.shape_cast %reduce_sum3A_12 : vector<1000xf32> to vector<1000x1xf32>
    %get3A_13 = arith.constant 0 : index
    %get3A_14 = arith.constant 0 : index
    %get3A_15 = vector.load %arg4[%get3A_13, %get3A_14] : memref<1x32xf32, #tpu.memory_space<vmem>>, vector<1x32xf32>
    %mul3A_16 = vector.broadcast %get3A_15 : vector<1x32xf32> to vector<1000x32xf32>
    %mul3A_17 = arith.mulf %dot_general3A_5, %mul3A_16 : vector<1000x32xf32>
    %reduce_sum3A_18 = arith.constant dense<0.000000e+00> : vector<1000xf32>
    %reduce_sum3A_19 = vector.multi_reduction <add>, %mul3A_17, %reduce_sum3A_18 [1] : vector<1000x32xf32> to vector<1000xf32>
    %broadcast_in_dim3A_20 = vector.shape_cast %reduce_sum3A_19 : vector<1000xf32> to vector<1000x1xf32>
    %concatenate3A = tpu.concatenate %broadcast_in_dim3A, %broadcast_in_dim3A_20 in 1 : vector<1000x1xf32>, vector<1000x1xf32> -> vector<1000x2xf32>
    %swap3A_21 = arith.constant 0 : index
    %swap3A_22 = arith.constant 0 : index
    %swap3A_23 = vector.load %arg6[%swap3A_21, %swap3A_22] : memref<1000x2xf32, #tpu.memory_space<vmem>>, vector<1000x2xf32>
    tpu.vector_store %arg6[%swap3A_21, %swap3A_22], %concatenate3A {strides = array<i32>} : memref<1000x2xf32, #tpu.memory_space<vmem>>, vector<1000x2xf32>,
    return
  }
  func.func @transform_0(%arg0: i32) -> (i32, i32) {
    %c0_i32 = arith.constant 0 : i32
    %c0_i32_0 = arith.constant 0 : i32
    return %arg0, %c0_i32 : i32, i32
  }
  func.func @transform_1(%arg0: i32) -> (i32, i32) {
    %c0_i32 = arith.constant 0 : i32
    %c0_i32_0 = arith.constant 0 : i32
    %c0_i32_1 = arith.constant 0 : i32
    return %c0_i32, %c0_i32_0 : i32, i32
  }
  func.func @transform_2(%arg0: i32) -> (i32, i32) {
    %c0_i32 = arith.constant 0 : i32
    %c0_i32_0 = arith.constant 0 : i32
    %c0_i32_1 = arith.constant 0 : i32
    return %c0_i32, %c0_i32_0 : i32, i32
  }
  func.func @transform_3(%arg0: i32) -> (i32, i32) {
    %c0_i32 = arith.constant 0 : i32
    %c0_i32_0 = arith.constant 0 : i32
    %c0_i32_1 = arith.constant 0 : i32
    return %c0_i32, %c0_i32_0 : i32, i32
  }
  func.func @transform_4(%arg0: i32) -> (i32, i32) {
    %c0_i32 = arith.constant 0 : i32
    %c0_i32_0 = arith.constant 0 : i32
    return %arg0, %c0_i32 : i32, i32
  }
  func.func @transform_5(%arg0: i32) -> (i32, i32) {
    %c0_i32 = arith.constant 0 : i32
    %c0_i32_0 = arith.constant 0 : i32
    return %arg0, %c0_i32 : i32, i32
  }
}

module attributes {stable_mosaic.version = 14 : i64} {
  func.func @_pool_kernel(%arg0: i32, %arg1: memref<1000x32xf32, #tpu.memory_space<vmem>>, %arg2: memref<1000x1xi32, #tpu.memory_space<vmem>>, %arg3: memref<32x32xf32, #tpu.memory_space<vmem>>, %arg4: memref<1x32xf32, #tpu.memory_space<vmem>>, %arg5: memref<32x1xf32, #tpu.memory_space<vmem>>, %arg6: memref<1x1xf32, #tpu.memory_space<vmem>>, %arg7: memref<1000x1xf32, #tpu.memory_space<vmem>>, %arg8: memref<1000x32xf32, #tpu.memory_space<vmem>>, %arg9: memref<1000x1xf32, #tpu.memory_space<vmem>>) attributes {dimension_semantics = [#tpu.dimension_semantics<arbitrary>], iteration_bounds = array<i64: 50>, scalar_prefetch = 0 : i64, scratch_operands = 2 : i64, tpu.core_type = #tpu.core_type<tc>, window_params = [{transform_indices = @transform_0, window_bounds = array<i64: 1000, 32>}, {transform_indices = @transform_1, window_bounds = array<i64: 1000, 1>}, {pipeline_mode = #tpu.pipeline_mode<synchronous>, transform_indices = @transform_2, window_bounds = array<i64: 32, 32>}, {pipeline_mode = #tpu.pipeline_mode<synchronous>, transform_indices = @transform_3, window_bounds = array<i64: 1, 32>}, {pipeline_mode = #tpu.pipeline_mode<synchronous>, transform_indices = @transform_4, window_bounds = array<i64: 32, 1>}, {pipeline_mode = #tpu.pipeline_mode<synchronous>, transform_indices = @transform_5, window_bounds = array<i64: 1, 1>}, {pipeline_mode = #tpu.pipeline_mode<synchronous>, transform_indices = @transform_6, window_bounds = array<i64: 1000, 1>}]} {
    %eq3A = arith.constant 0 : i32
    %eq3A_0 = arith.cmpi eq, %arg0, %eq3A : i32
    %convert_element_type3A = arith.extui %eq3A_0 : i1 to i32
    %cond3A = arith.constant 0 : i32
    %cond3A_1 = arith.cmpi ne, %convert_element_type3A, %cond3A : i32
    scf.if %cond3A_1 {
      %broadcast_in_dim3A_32 = arith.constant 0.000000e+00 : f32
      %broadcast_in_dim3A_33 = vector.broadcast %broadcast_in_dim3A_32 : f32 to vector<1000x32xf32>
      %swap3A_34 = arith.constant 0 : index
      %swap3A_35 = arith.constant 0 : index
      %swap3A_36 = vector.load %arg8[%swap3A_34, %swap3A_35] : memref<1000x32xf32, #tpu.memory_space<vmem>>, vector<1000x32xf32>
      tpu.vector_store %arg8[%swap3A_34, %swap3A_35], %broadcast_in_dim3A_33 {strides = array<i32>} : memref<1000x32xf32, #tpu.memory_space<vmem>>, vector<1000x32xf32>,
      %broadcast_in_dim3A_37 = arith.constant 0.000000e+00 : f32
      %broadcast_in_dim3A_38 = vector.broadcast %broadcast_in_dim3A_37 : f32 to vector<1000x1xf32>
      %swap3A_39 = arith.constant 0 : index
      %swap3A_40 = arith.constant 0 : index
      %swap3A_41 = vector.load %arg9[%swap3A_39, %swap3A_40] : memref<1000x1xf32, #tpu.memory_space<vmem>>, vector<1000x1xf32>
      tpu.vector_store %arg9[%swap3A_39, %swap3A_40], %broadcast_in_dim3A_38 {strides = array<i32>} : memref<1000x1xf32, #tpu.memory_space<vmem>>, vector<1000x1xf32>,
    } else {
    }
    %get3A = arith.constant 0 : index
    %get3A_2 = arith.constant 0 : index
    %get3A_3 = vector.load %arg2[%get3A, %get3A_2] : memref<1000x1xi32, #tpu.memory_space<vmem>>, vector<1000x1xi32>
    %get3A_4 = vector.shape_cast %get3A_3 : vector<1000x1xi32> to vector<1000xi32>
    %iota3A = tpu.iota {dimensions = array<i32: 0>} : vector<1000x1000xi32>
    %broadcast_in_dim3A = vector.shape_cast %get3A_4 : vector<1000xi32> to vector<1x1000xi32>
    %eq3A_5 = vector.broadcast %broadcast_in_dim3A : vector<1x1000xi32> to vector<1000x1000xi32>
    %eq3A_6 = arith.cmpi eq, %iota3A, %eq3A_5 : vector<1000x1000xi32>
    %convert_element_type3A_7 = arith.extui %eq3A_6 : vector<1000x1000xi1> to vector<1000x1000xi32>
    %convert_element_type3A_8 = arith.sitofp %convert_element_type3A_7 : vector<1000x1000xi32> to vector<1000x1000xf32>
    %get3A_9 = arith.constant 0 : index
    %get3A_10 = arith.constant 0 : index
    %get3A_11 = vector.load %arg8[%get3A_9, %get3A_10] : memref<1000x32xf32, #tpu.memory_space<vmem>>, vector<1000x32xf32>
    %get3A_12 = arith.constant 0 : index
    %get3A_13 = arith.constant 0 : index
    %get3A_14 = vector.load %arg1[%get3A_12, %get3A_13] : memref<1000x32xf32, #tpu.memory_space<vmem>>, vector<1000x32xf32>
    %dot_general3A = arith.constant dense<0.000000e+00> : vector<1000x32xf32>
    %dot_general3A_15 = tpu.matmul %convert_element_type3A_8, %get3A_14, %dot_general3A {dimension_numbers = #tpu.dot_dimension_numbers<[1], [0], [0], [1], [0, 0, 1, 1], [], []>, transpose_lhs_hint = false} : vector<1000x1000xf32>, vector<1000x32xf32>, vector<1000x32xf32> -> vector<1000x32xf32>
    %add3A = arith.addf %get3A_11, %dot_general3A_15 : vector<1000x32xf32>
    %swap3A = arith.constant 0 : index
    %swap3A_16 = arith.constant 0 : index
    %swap3A_17 = vector.load %arg8[%swap3A, %swap3A_16] : memref<1000x32xf32, #tpu.memory_space<vmem>>, vector<1000x32xf32>
    tpu.vector_store %arg8[%swap3A, %swap3A_16], %add3A {strides = array<i32>} : memref<1000x32xf32, #tpu.memory_space<vmem>>, vector<1000x32xf32>,
    %get3A_18 = arith.constant 0 : index
    %get3A_19 = arith.constant 0 : index
    %get3A_20 = vector.load %arg9[%get3A_18, %get3A_19] : memref<1000x1xf32, #tpu.memory_space<vmem>>, vector<1000x1xf32>
    %reduce_sum3A = arith.constant dense<0.000000e+00> : vector<1000xf32>
    %reduce_sum3A_21 = vector.multi_reduction <add>, %convert_element_type3A_8, %reduce_sum3A [1] : vector<1000x1000xf32> to vector<1000xf32>
    %broadcast_in_dim3A_22 = vector.shape_cast %reduce_sum3A_21 : vector<1000xf32> to vector<1000x1xf32>
    %add3A_23 = arith.addf %get3A_20, %broadcast_in_dim3A_22 : vector<1000x1xf32>
    %swap3A_24 = arith.constant 0 : index
    %swap3A_25 = arith.constant 0 : index
    %swap3A_26 = vector.load %arg9[%swap3A_24, %swap3A_25] : memref<1000x1xf32, #tpu.memory_space<vmem>>, vector<1000x1xf32>
    tpu.vector_store %arg9[%swap3A_24, %swap3A_25], %add3A_23 {strides = array<i32>} : memref<1000x1xf32, #tpu.memory_space<vmem>>, vector<1000x1xf32>,
    %eq3A_27 = arith.constant 49 : i32
    %eq3A_28 = arith.cmpi eq, %arg0, %eq3A_27 : i32
    %convert_element_type3A_29 = arith.extui %eq3A_28 : i1 to i32
    %cond3A_30 = arith.constant 0 : i32
    %cond3A_31 = arith.cmpi ne, %convert_element_type3A_29, %cond3A_30 : i32
    scf.if %cond3A_31 {
      %get3A_32 = arith.constant 0 : index
      %get3A_33 = arith.constant 0 : index
      %get3A_34 = vector.load %arg8[%get3A_32, %get3A_33] : memref<1000x32xf32, #tpu.memory_space<vmem>>, vector<1000x32xf32>
      %get3A_35 = arith.constant 0 : index
      %get3A_36 = arith.constant 0 : index
      %get3A_37 = vector.load %arg9[%get3A_35, %get3A_36] : memref<1000x1xf32, #tpu.memory_space<vmem>>, vector<1000x1xf32>
      %max3A = arith.constant 1.000000e+00 : f32
      %max3A_38 = vector.broadcast %max3A : f32 to vector<1000x1xf32>
      %max3A_39 = arith.maximumf %get3A_37, %max3A_38 : vector<1000x1xf32>
      %div3A = vector.broadcast %max3A_39 : vector<1000x1xf32> to vector<1000x32xf32>
      %div3A_40 = arith.divf %get3A_34, %div3A : vector<1000x32xf32>
      %get3A_41 = arith.constant 0 : index
      %get3A_42 = arith.constant 0 : index
      %get3A_43 = vector.load %arg3[%get3A_41, %get3A_42] : memref<32x32xf32, #tpu.memory_space<vmem>>, vector<32x32xf32>
      %dot_general3A_44 = arith.constant dense<0.000000e+00> : vector<1000x32xf32>
      %dot_general3A_45 = tpu.matmul %div3A_40, %get3A_43, %dot_general3A_44 {dimension_numbers = #tpu.dot_dimension_numbers<[1], [0], [0], [1], [0, 0, 1, 1], [], []>, transpose_lhs_hint = false} : vector<1000x32xf32>, vector<32x32xf32>, vector<1000x32xf32> -> vector<1000x32xf32>
      %get3A_46 = arith.constant 0 : index
      %get3A_47 = arith.constant 0 : index
      %get3A_48 = vector.load %arg4[%get3A_46, %get3A_47] : memref<1x32xf32, #tpu.memory_space<vmem>>, vector<1x32xf32>
      %add3A_49 = vector.broadcast %get3A_48 : vector<1x32xf32> to vector<1000x32xf32>
      %add3A_50 = arith.addf %dot_general3A_45, %add3A_49 : vector<1000x32xf32>
      %get3A_51 = arith.constant 0 : index
      %get3A_52 = arith.constant 0 : index
      %get3A_53 = vector.load %arg5[%get3A_51, %get3A_52] : memref<32x1xf32, #tpu.memory_space<vmem>>, vector<32x1xf32>
      %dot_general3A_54 = arith.constant dense<0.000000e+00> : vector<1000x1xf32>
      %dot_general3A_55 = tpu.matmul %add3A_50, %get3A_53, %dot_general3A_54 {dimension_numbers = #tpu.dot_dimension_numbers<[1], [0], [0], [1], [0, 0, 1, 1], [], []>, transpose_lhs_hint = false} : vector<1000x32xf32>, vector<32x1xf32>, vector<1000x1xf32> -> vector<1000x1xf32>
      %get3A_56 = arith.constant 0 : index
      %get3A_57 = arith.constant 0 : index
      %get3A_58 = vector.load %arg6[%get3A_56, %get3A_57] : memref<1x1xf32, #tpu.memory_space<vmem>>, vector<1x1xf32>
      %add3A_59 = vector.broadcast %get3A_58 : vector<1x1xf32> to vector<1000x1xf32>
      %add3A_60 = arith.addf %dot_general3A_55, %add3A_59 : vector<1000x1xf32>
      %swap3A_61 = arith.constant 0 : index
      %swap3A_62 = arith.constant 0 : index
      %swap3A_63 = vector.load %arg7[%swap3A_61, %swap3A_62] : memref<1000x1xf32, #tpu.memory_space<vmem>>, vector<1000x1xf32>
      tpu.vector_store %arg7[%swap3A_61, %swap3A_62], %add3A_60 {strides = array<i32>} : memref<1000x1xf32, #tpu.memory_space<vmem>>, vector<1000x1xf32>,
    } else {
    }
    return
  }
  func.func @transform_0(%arg0: i32) -> (i32, i32) {
    %c0_i32 = arith.constant 0 : i32
    %c0_i32_0 = arith.constant 0 : i32
    return %arg0, %c0_i32 : i32, i32
  }
  func.func @transform_1(%arg0: i32) -> (i32, i32) {
    %c0_i32 = arith.constant 0 : i32
    %c0_i32_0 = arith.constant 0 : i32
    return %arg0, %c0_i32 : i32, i32
  }
  func.func @transform_2(%arg0: i32) -> (i32, i32) {
    %c0_i32 = arith.constant 0 : i32
    %c0_i32_0 = arith.constant 0 : i32
    %c0_i32_1 = arith.constant 0 : i32
    return %c0_i32, %c0_i32_0 : i32, i32
  }
  func.func @transform_3(%arg0: i32) -> (i32, i32) {
    %c0_i32 = arith.constant 0 : i32
    %c0_i32_0 = arith.constant 0 : i32
    %c0_i32_1 = arith.constant 0 : i32
    return %c0_i32, %c0_i32_0 : i32, i32
  }
  func.func @transform_4(%arg0: i32) -> (i32, i32) {
    %c0_i32 = arith.constant 0 : i32
    %c0_i32_0 = arith.constant 0 : i32
    %c0_i32_1 = arith.constant 0 : i32
    return %c0_i32, %c0_i32_0 : i32, i32
  }
  func.func @transform_5(%arg0: i32) -> (i32, i32) {
    %c0_i32 = arith.constant 0 : i32
    %c0_i32_0 = arith.constant 0 : i32
    %c0_i32_1 = arith.constant 0 : i32
    return %c0_i32, %c0_i32_0 : i32, i32
  }
  func.func @transform_6(%arg0: i32) -> (i32, i32) {
    %c0_i32 = arith.constant 0 : i32
    %c0_i32_0 = arith.constant 0 : i32
    %c0_i32_1 = arith.constant 0 : i32
    return %c0_i32, %c0_i32_0 : i32, i32
  }
}

</mosaic_0001>

<sc_bundles>
// kernel: scatter_offload_async_start.1
scs
__scs_entry_jumppad:
0x0: {  	(pc) =	sbr.rel $0x88, $3  }
0x1: {  	(tag) =	ssettag $0x0;
	lr =	simm.s32 $0x1  }
0x2: {  	[smem:$0x3F91] =	sst lr;
	_ =	strace $0xD0000000  }
0x3: {  	_ = 	snop  }
0x4: {  	_ = 	snop  }
0x5: {  	_ = 	snop  }
0x6: {  	_ = 	snop  }
0x7: {  	_ = 	snop  }
__scs_overlays_trampoline_lowered:
0x8: {  	[smem:$0x3FA0] =	sst s0  }
0x9: {  	[smem:$0x3FA1] =	sst s1  }
0xa: {  	[smem:$0x3FA2] =	sst s2  }
0xb: {  	[smem:$0x3FA3] =	sst s3  }
0xc: {  	[smem:$0x3FA4] =	sst s4  }
0xd: {  	[smem:$0x3FA5] =	sst s5  }
0xe: {  	[smem:$0x3FA6] =	sst s6  }
0xf: {  	[smem:$0x3FA7] =	sst s7  }
0x10: {  	[smem:$0x3FA8] =	sst s8  }
0x11: {  	[smem:$0x3FA9] =	sst s9;
	s0 =	simm.s32 @!p0 $0x0  }
0x12: {  	s1 =	sld [smem:$0x3F8F];
	s0 =	simm.s32 @p0 $0x1  }
0x13: {  	[smem:$0x3FAA] =	sst s0;
	s0 =	simm.s32 @!p1 $0x0  }
0x14: {  	s2 =	sld [smem:$0x3F8E];
	s0 =	simm.s32 @p1 $0x1  }
0x15: {  	[smem:$0x3FAB] =	sst s0;
	s0 =	simm.s32 @!p2 $0x0  }
0x16: {  	s3 =	sld [smem:$0x3FDB];
	s0 =	simm.s32 @p2 $0x1  }
0x17: {  	s4 =	simm.s32 $0x1BF5;
	[smem:$0x3FAD] =	sst s0  }
0x18: {  	s0 =	sld [smem:$0x3F90];
	_ =	swait.ge [sflag:s4], $0x0  }
0x19: {  	s7 =	sld [smem:$0x3F91]  }
0x1a: {  	s8 =	sadd.s32 $0xFFFFE003, lr  }
0x1b: {  	s9 =	sadd.s32 $0xFFFFFEF7, lr;
	s5 =	simm.s32 $0xFFFFFFFF;
	p2 =	slt.u32 s8, $0xFFFFF086  }
0x1c: {  	p1 =	slt.u32 s9, $0xF7A;
	s5 =	simm.s32 @!p2 $0x0  }
0x1d: {  	s5 =	simm.s32 @p1 $0x1;
	p0 =	seq.s32 s7, s2  }
0x1e: {  	s7 =	smul.u32 @!p0 $0xF7A, s2;
	p2 =	seq.s32 @!p0 s5, $0x0  }
0x1f: {  	s9 =	smul.u32 $0xF7A, s1;
	s8 =	simm.s32 @!p0 $0x1BF5;
	p2 =	por !p2, p0  }
0x20: {  	[sflag:s8] =	ssyncset.s32 @!p0 $0xFFFFF086;
	s6 =	sadd.s32 @!p0 s3, s7;
	s7 =	simm.s32 @!p0 $0x108  }
0x21: {  	s3 =	sadd.s32 s3, s9;
	s6 =	sadd.s32 @!p0 $0x88, s6;
	s7 =	simm.s32 @p2 $0x1082  }
0x22: {  	[simem:s7], [sflag:s8] =	dma.local @!p0 [hbm:s6], $0xF7A  }
0x23: {  	s9 =	sor.u32 $0xD0000000, s2;
	s6 =	simm.s32 $0x108;
	_ =	swait.ge @!p0 [sflag:s8], $0x0  }
0x24: {  	s3 =	sadd.s32 $0x88, s3;
	s6 =	simm.s32 @!p1 $0x1082;
	[sflag:s4] =	ssyncset.s32 $0xFFFFF086  }
0x25: {  	[simem:s6], [sflag:s4] =	dma.local [hbm:s3], $0xF7A  }
0x26: {  	[smem:$0x3F91] =	sst s1;
	(tag) =	ssettag s2;
	_ =	strace s9  }
0x27: {  	s1 =	sld [smem:$0x3FA1]  }
0x28: {  	s2 =	sld [smem:$0x3FA2]  }
0x29: {  	s4 =	sld [smem:$0x3FA4]  }
0x2a: {  	p0 =	seq.s32 s5, $0x0;
	s5 =	sld [smem:$0x3FA5]  }
0x2b: {  	s6 =	sld [smem:$0x3FA6]  }
0x2c: {  	s7 =	sld [smem:$0x3FA7]  }
0x2d: {  	s3 =	simm.s32 $0x108;
	s8 =	sld [smem:$0x3FA8]  }
0x2e: {  	s3 =	simm.s32 @!p0 $0x1082;
	s9 =	sld [smem:$0x3FA9]  }
0x2f: {  	lr =	sadd.s32 s0, s3;
	s0 =	sld [smem:$0x3FA0]  }
0x30: {  	s3 =	sld [smem:$0x3FA3]  }
0x31: {  	[smem:$0x3FAC] =	sst s10  }
0x32: {  	s10 =	sld [smem:$0x3FAA];
	_ =	sdelay $0x3  }
0x33: {  	p0 =	seq.s32 s10, $0x1;
	s10 =	sld [smem:$0x3FAC];
	_ =	sdelay $0x3  }
0x34: {  	[smem:$0x3FAC] =	sst s10  }
0x35: {  	s10 =	sld [smem:$0x3FAB];
	_ =	sdelay $0x3  }
0x36: {  	p1 =	seq.s32 s10, $0x1;
	s10 =	sld [smem:$0x3FAC];
	_ =	sdelay $0x3  }
0x37: {  	[smem:$0x3FAC] =	sst s10  }
0x38: {  	s10 =	sld [smem:$0x3FAD]  }
0x39: {  	_ = 	snop;
	(pc) =	sbr.ind lr, $3  }
0x3a: {  	_ = 	snop  }
0x3b: {  	_ = 	snop  }
0x3c: {  	p2 =	seq.s32 s10, $0x1;
	s10 =	sld [smem:$0x3FAC]  }
0x3d: {  	_ =	shalt  }
0x3e: {  	_ =	shalt  }
0x3f: {  	_ =	shalt  }
0x40: {  	_ =	shalt  }
0x41: {  	_ =	shalt  }
0x42: {  	_ =	shalt  }
0x43: {  	_ =	shalt  }
0x44: {  	_ =	shalt  }
0x45: {  	_ =	shalt  }
0x46: {  	_ =	shalt  }
0x47: {  	_ =	shalt  }
0x48: {  	_ =	shalt  }
0x49: {  	_ =	shalt  }
0x4a: {  	_ =	shalt  }
0x4b: {  	_ =	shalt  }
0x4c: {  	_ =	shalt  }
0x4d: {  	_ =	shalt  }
0x4e: {  	_ =	shalt  }
0x4f: {  	_ =	shalt  }
0x50: {  	_ =	shalt  }
0x51: {  	_ =	shalt  }
0x52: {  	_ =	shalt  }
0x53: {  	_ =	shalt  }
0x54: {  	_ =	shalt  }
0x55: {  	_ =	shalt  }
0x56: {  	_ =	shalt  }
0x57: {  	_ =	shalt  }
0x58: {  	_ =	shalt  }
0x59: {  	_ =	shalt  }
0x5a: {  	_ =	shalt  }
0x5b: {  	_ =	shalt  }
0x5c: {  	_ =	shalt  }
0x5d: {  	_ =	shalt  }
0x5e: {  	_ =	shalt  }
0x5f: {  	_ =	shalt  }
0x60: {  	_ =	shalt  }
0x61: {  	_ =	shalt  }
0x62: {  	_ =	shalt  }
0x63: {  	_ =	shalt  }
0x64: {  	_ =	shalt  }
0x65: {  	_ =	shalt  }
0x66: {  	_ =	shalt  }
0x67: {  	_ =	shalt  }
0x68: {  	_ =	shalt  }
0x69: {  	_ =	shalt  }
0x6a: {  	_ =	shalt  }
0x6b: {  	_ =	shalt  }
0x6c: {  	_ =	shalt  }
0x6d: {  	_ =	shalt  }
0x6e: {  	_ =	shalt  }
0x6f: {  	_ =	shalt  }
0x70: {  	_ =	shalt  }
0x71: {  	_ =	shalt  }
0x72: {  	_ =	shalt  }
0x73: {  	_ =	shalt  }
0x74: {  	_ =	shalt  }
0x75: {  	_ =	shalt  }
0x76: {  	_ =	shalt  }
0x77: {  	_ =	shalt  }
0x78: {  	_ =	shalt  }
0x79: {  	_ =	shalt  }
0x7a: {  	_ =	shalt  }
0x7b: {  	_ =	shalt  }
0x7c: {  	_ =	shalt  }
0x7d: {  	_ =	shalt  }
0x7e: {  	_ =	shalt  }
0x7f: {  	_ =	shalt  }
0x80: {  	_ =	shalt  }
0x81: {  	_ =	shalt  }
0x82: {  	_ =	shalt  }
0x83: {  	_ =	shalt  }
0x84: {  	_ =	shalt  }
0x85: {  	_ =	shalt  }
0x86: {  	_ =	shalt  }
0x87: {  	_ =	shalt  }
.Lfunc_end0:
.L_simem_size_0:
called_computation.1_lowered:
.L_overlay_start_0:
0x88: {  	s0 =	sld [smem:$0x3FD9]  }
0x89: {  	s1 =	sld [smem:$0x3FFE];
	_ =	sdelay $0x3  }
0x8a: {  	s0 =	sadd.s32 s1, s0  }
0x8b: {  	[smem:$0x3FB8] =	sst s0  }
0x8c: {  	_ = 	snop  }
0x8d: {  	(tm) =	ssettm $0x1  }
0x8e: {  	s14 =	sld [smem:$0x3FFB];
	_ =	sdelay $0x3  }
0x8f: {  	_ =	strace s14  }
0x90: {  	s0 =	sld [smem:$0x3FFC];
	_ =	sdelay $0x3  }
0x91: {  	_ =	strace s0  }
0x92: {  	s0 =	sld [smem:$0x3FFD];
	_ =	sdelay $0x3  }
0x93: {  	_ =	strace s0  }
0x94: {  	_ =	strace $0x8FFFFFFF  }
0x95: {  	s15 =	sld [smem:$0x3FDB];
	_ =	sdelay $0x1  }
0x96: {  	s16 =	simm.s32 $_scs_section_size  }
0x97: {  	s2 =	simm.s32 $_size__tile_overlayer_lowered;
	s3 =	simm.s32 $_tile_overlayer_lowered  }
0x98: {  	s4 =	simm.s32 $0x1BFF;
	s17 =	sshll.u32 s3, $0x1;
	s1 =	sadd.s32 s16, s15  }
0x99: {  	s18 =	simm.s32 $0x0;
	s2 =	sshll.u32 s2, $0x1;
	s3 =	sadd.s32 s17, s1  }
0x9a: {  	[timem:s18], [sflag:s4] =	dma.local [hbm:s3], s2  }
0x9b: {  	_ =	swait.ge [sflag:s4], s2  }
0x9c: {  	s2 =	ssub.s32 $0x0, s2;
	[sflag:s4] =	ssyncset.done $0x0  }
0x9d: {  	[sflag:s4] =	ssyncadd.s32 s2;
	_ =	sdelay $0x1  }
0x9e: {  	s19 =	simm.s32 $0x1B8B  }
0x9f: {  	_ =	swait.ge [sflag:s19], $0x1  }
0xa0: {  	[sflag:s19] =	ssyncset.done $0x0  }
0xa1: {  	s21 =	simm.s32 $0x1B8E;
	s20 =	sld [smem:$0x3FFE];
	[sflag:s19] =	ssyncadd.s32 $0xFFFFFFFF  }
0xa2: {  	s22 =	simm.s32 $execute0_lowered;
	[smem:$0x3FD2] =	sst s21  }
0xa3: {  	s3 =	sshll.u32 s22, $0x1;
	_ =	strace $0x8000004C;
	[dreg:$0x1] =	wrdreg $0xFFFFFFFF  }
0xa4: {  	s23 =	simm.s32 $_size_execute0_lowered;
	s3 =	sadd.s32 s1, s3;
	[dreg:$0x0] =	wrdreg $0x0  }
0xa5: {  	s4 =	sshll.u32 s23, $0x1;
	[dreg:$0x2] =	wrdreg s3  }
0xa6: {  	[dreg:$0x3] =	wrdreg s4  }
0xa7: {  	[dreg:$0x4] =	wrdreg $0xC0  }
0xa8: {  	s24 =	simm.s32 $execute1_lowered;
	_ =	task [dreg:s18], $0x5FFFF  }
0xa9: {  	s3 =	sshll.u32 s24, $0x1;
	[dreg:$0x1] =	wrdreg $0xFFFFFFFF  }
0xaa: {  	s1 =	sadd.s32 s1, s3;
	[dreg:$0x0] =	wrdreg $0x60  }
0xab: {  	[dreg:$0x2] =	wrdreg s1  }
0xac: {  	[dreg:$0x3] =	wrdreg s20  }
0xad: {  	[dreg:$0x4] =	wrdreg $0xB  }
0xae: {  	_ =	task.clear_ibuf [dreg:s18], $0x5FFFF;
	_ =	strace $0x9000004C  }
0xaf: {  	s25 =	simm.s32 $0xB;
	_ =	strace $0x8000004E  }
0xb0: {  	_ =	swait.ge [sflag:s25], $0x1  }
0xb1: {  	[sflag:s25] =	ssyncadd.s32 $0xFFFFFFFF  }
0xb2: {  	_ =	strace $0x9000004E  }
0xb3: {  	_ =	strace $0x8000004F;
	[dreg:$0x1] =	wrdreg $0xFFFFFFFF  }
0xb4: {  	[dreg:$0x0] =	wrdreg $0x2030  }
0xb5: {  	[dreg:$0x2] =	wrdreg s20  }
0xb6: {  	[dreg:$0x3] =	wrdreg $0xC  }
0xb7: {  	_ =	task.clear_ibuf [dreg:s18], $0x4FFFF;
	_ =	strace $0x9000004F  }
0xb8: {  	s26 =	simm.s32 $0xC;
	_ =	strace $0x80000051  }
0xb9: {  	_ =	swait.ge [sflag:s26], $0x1  }
0xba: {  	[sflag:s26] =	ssyncadd.s32 $0xFFFFFFFF  }
0xbb: {  	_ =	strace $0x90000051  }
0xbc: {  	_ =	sfence  }
0xbd: {  	s28 =	sld [smem:$0x0];
	_ =	sdelay $0x1  }
0xbe: {  	s29 =	srdreg.scid  }
0xbf: {  	s30 =	sshll.u32 s29, $0xD;
	s31 =	sshrl.u32 s29, $0x2  }
0xc0: {  	s2 =	sand.u32 $0x1, s29;
	s3 =	sand.u32 $0x4000, s30;
	s1 =	sadd.s32 s31, s28  }
0xc1: {  	s2 =	sor.u32 s3, s2;
	s1 =	sshll.u32 s1, $0x11  }
0xc2: {  	s1 =	sor.u32 s1, s2  }
0xc3: {  	s1 =	sadd.s32 $0x8F2B, s1  }
0xc4: {  	[sflag:s1] =	ssyncadd.remote.s32 $0x1  }
0xc5: {  	_ =	sfence.sel $0xFFFF  }
0xc6: {  	[dreg:$0x0] =	wrdreg $0xFFFFFFFF;
	(pc) =	sbr.abs _section_cstart, $3  }
0xc7: {  	[dreg:$0x1] =	wrdreg $0xFFFFFFFF  }
0xc8: {  	_ =	task.clear_ibuf [dreg:s18], $0x2FFFF;
	_ =	strace $0x9FFFFFFF  }
0xc9: {  	(tm) =	ssettm $0x7FFFFFFF  }
tec
execute0_lowered:
.L_overlay_start_1:
0x0: {  	(tag) =	ssettag $0x1  }
0x1: {  	s2 =	rddreg [dreg:$0x0]  }
0x2: {  	s5 =	rddreg [dreg:$0x1]  }
0x3: {  	s0 =	rddreg [dreg:$0x2];
	s3 =	stileid.u32  }
0x4: {  	[bflag:$0x3] =	sbarrier.arrive $0xFFFF;
	s1 =	simm.s32 $_size_execute1_lowered;
	s31 =	simm.s32 $0x2  }
0x5: {  	s13 =	simm.s32 $0x0;
	s8 =	simm.s32 $0x20;
	s9 =	simm.s32 $0x80  }
0x6: {  	s11 =	simm.s32 $0x0;
	s12 =	simm.s32 $0x0;
	p0 =	sne.s32 s3, $0x0  }
0x7: {  	s1 =	sshll.u32 s1, $0x1;
	s3 =	sshll.u32 s3, $0x9;
	s4 =	simm.s32 @!p0 $0x1C3F  }
.Ltmp0:
0x8: {  	s6 =	simm.s32 @!p0 $0x4060;
	s7 =	ssub.s32 $0xC200, s3;
	(pc) =	sbr.rel .LBB2_1-.Ltmp0, $4  }
0x9: {  	[timem:s6], [sflag:s4] =	dma.local @!p0 [hbm:s2], s1  }
0xa: {  	s10 =	smov.u32 s3;
	s4 =	simm.s32 $0x1;
	_ =	strace $0x8000004D  }
0xb: {  	s2 =	sadd.s32 $0xEFCE00, s5;
	s6 =	sshrl.u32 s7, $0xD;
	[sflag:s4] =	ssyncpa.u1 $0x0  }
0xc: {  	s5 =	sadd.s32 $0xFC0400, s5;
	s7 =	sadd.s32 $0x2, s6;
	[sflag:s31] =	ssyncpa.u1 $0x0  }
.LBB2_5:
0xd: {  	_ =	sdelay $0x3  }
0xe: {  	[tilespmem:v1+s16+$0x0 ss:$0x1] =	vst.idx.msk $0xffff, v2  }
0xf: {  	[tilespmem:v1+s17+$0x0 ss:$0x1] =	vst.idx.msk $0xffff, v3  }
.LBB2_6:
0x10: {  	s16 =	sand.u32 $0x1FFFFFF, s11  }
0x11: {  	s17 =	smulhi.u32 $0x14F8B59, s16;
	_ =	sdelay $0x1  }
0x12: {  	s17 =	sshrl.u32 s17, $0x8  }
0x13: {  	s17 =	smul.u32 $0xC350, s17;
	_ =	sdelay $0x1  }
0x14: {  	s16 =	ssub.s32 s16, s17  }
0x15: {  	s16 =	sshll.u32 s16, $0x4  }
0x16: {  	s16 =	sadd.s32 s5, s16  }
0x17: {  	[hbm4b:s16+s8] =	stream.strided.scatter [tilespmem:s15], [sflag:$0x2], s14, s9, s8, $0x38;
	[tilespmem:$0x10000] =	vst v63  }
.LBB2_7:
0x18: {  	p1 =	slt.u32 s12, $0x2  }
0x19: {  	p2 =	sgt.s32 @!p1 s13, $0xC150  }
0x1a: {  	s14 =	smov.u32 s13;
	s15 =	sshra.s32 @!p1 s13, $0x1F;
	p2 =	por !p2, p1  }
0x1b: {  	s13 =	sand.u32 @!p1 s15, s13;
	s14 =	simm.s32 @p2 $0xC150  }
0x1c: {  	s13 =	ssub.s32 @!p1 s14, s13  }
0x1d: {  	s13 =	sadd.s32 @!p1 $0xFFFF3EB0, s13  }
0x1e: {  	s14 =	sshll.u32 @!p1 s13, $0x7  }
0x1f: {  	p2 =	sgt.s32 @!p1 s13, $0x1FF;
	s13 =	ssub.s32 @!p1 $0x10000, s14  }
0x20: {  	s15 =	sadd.s32 $0x2000, s10;
	p2 =	por !p2, p1;
	s13 =	sshrl.u32 @!p1 s13, $0x2  }
0x21: {  	s13 =	simm.s32 @!p2 $0x0;
	p2 =	sgt.s32 s15, $0xC34F  }
0x22: {  	s15 =	smov.u32 @p2 s3;
	p2 =	sne.s32 s12, s7  }
.Ltmp1:
0x23: {  	_ = 	snop;
	(pc) =	sbr.rel @!p2 .LBB2_8-.Ltmp1, $4  }
0x24: {  	s14 =	simm.s32 @!p1 $0x2  }
0x25: {  	_ =	swait.ge @!p1 [sflag:s14], s13;
	s16 =	ssub.s32 @!p1 $0x0, s13  }
0x26: {  	s13 =	smov.u32 s11;
	s12 =	sadd.s32 $0x1, s12;
	[sflag:s14] =	ssyncset.done @!p1 $0x0  }
0x27: {  	s11 =	smov.u32 s10;
	s10 =	smov.u32 s15;
	[sflag:s14] =	ssyncadd.s32 @!p1 s16  }
.LBB2_1:
0x28: {  	p1 =	sgt.u32 s12, s6  }
0x29: {  	s15 =	smov.u32 s10;
	p2 =	sgt.s32 @!p1 s10, $0xC150  }
0x2a: {  	s14 =	sand.u32 @!p1 $0x1FFFFFF, s10;
	s16 =	sshra.s32 @!p1 s10, $0x1F;
	p2 =	por !p2, p1  }
0x2b: {  	s17 =	smulhi.u32 @!p1 $0x14F8B59, s14;
	s16 =	sand.u32 @!p1 s16, s10;
	s15 =	simm.s32 @p2 $0xC150  }
0x2c: {  	s15 =	ssub.s32 @!p1 s15, s16  }
0x2d: {  	s16 =	sshrl.u32 @!p1 s17, $0x8;
	s15 =	sadd.s32 @!p1 $0xFFFF3EB0, s15  }
0x2e: {  	s17 =	sxor.u32 @!p1 $0xFFFFFFFF, s12;
	s16 =	smul.u32 @!p1 $0xC350, s16;
	s18 =	sshll.u32 @!p1 s15, $0x7  }
0x2f: {  	s17 =	sshll.u32 @!p1 s17, $0xE;
	p2 =	sgt.s32 @!p1 s15, $0x1FF;
	s15 =	ssub.s32 @!p1 $0x10000, s18  }
0x30: {  	s14 =	ssub.s32 @!p1 s14, s16;
	p2 =	por !p2, p1;
	s16 =	sand.u32 @!p1 $0x4000, s17  }
0x31: {  	s17 =	simm.s32 @!p1 $0x20;
	s15 =	sshrl.u32 @!p1 s15, $0x2;
	s14 =	sshll.u32 @!p1 s14, $0x4  }
0x32: {  	s18 =	simm.s32 @!p1 $0x80;
	s15 =	simm.s32 @!p2 $0x0;
	s14 =	sadd.s32 @!p1 s2, s14  }
0x33: {  	[tilespmem:s16], [sflag:$0x1] =	stream.strided.gather @!p1 [hbm4b:s14+s17], s15, s18, s17, $0x38;
	[tilespmem:$0x10000] =	vst v63  }
0x34: {  	p1 =	seq.s32 s12, $0x0  }
0x35: {  	p2 =	sge.u32 @!p1 s12, s7  }
0x36: {  	p1 =	por p1, p2  }
.Ltmp2:
0x37: {  	_ = 	snop;
	(pc) =	sbr.rel @p1 .LBB2_7-.Ltmp2, $1  }
0x38: {  	_ =	sdelay $0x3  }
0x39: {  	p1 =	sgt.s32 s11, $0xC150;
	s14 =	smov.u32 s11;
	s15 =	sshra.s32 s11, $0x1F  }
0x3a: {  	s14 =	simm.s32 @!p1 $0xC150;
	s15 =	sand.u32 s15, s11  }
0x3b: {  	s14 =	ssub.s32 s14, s15  }
0x3c: {  	s14 =	sadd.s32 $0xFFFF3EB0, s14  }
0x3d: {  	s31 =	sshll.u32 s14, $0x7  }
0x3e: {  	s15 =	ssub.s32 $0x10000, s31  }
0x3f: {  	p1 =	sgt.s32 s14, $0x1FF;
	s14 =	sshrl.u32 s15, $0x2;
	s15 =	sadd.s32 $0x200, s11  }
0x40: {  	s14 =	simm.s32 @p1 $0x0;
	p1 =	slt.s32 s15, $0xC350  }
0x41: {  	s15 =	simm.s32 @!p1 $0xC350  }
0x42: {  	s18 =	ssub.s32 s15, s11  }
0x43: {  	p1 =	slt.s32 s18, $0x1  }
.Ltmp3:
0x44: {  	_ = 	snop;
	(pc) =	sbr.rel @p1 .LBB2_6-.Ltmp3, $4  }
0x45: {  	_ = 	snop  }
0x46: {  	s16 =	sshll.u32 s12, $0xE;
	_ =	swait.ge [sflag:s4], s14  }
0x47: {  	s16 =	sand.u32 $0x4000, s16;
	s17 =	ssub.s32 $0x0, s14;
	[sflag:s4] =	ssyncset.done $0x0  }
0x48: {  	s15 =	sor.u32 $0x8000, s16;
	[sflag:s4] =	ssyncadd.s32 s17  }
0x49: {  	v0 =	vmov s16;
	_ =	sdelay $0x2  }
0x4a: {  	s31 =	simm.s32 $0x0;
	p1 =	sne.s32 s18, $0x1  }
.Ltmp4:
0x4b: {  	s16 =	sand.u32 $0x3FE0, s31;
	(pc) =	sbr.rel @!p1 .LBB2_5-.Ltmp4, $3  }
0x4c: {  	v1 =	vmov s15;
	s17 =	sor.u32 $0x10, s16;
	v2 =	vld.idx.msk [tilespmem:v0+s16+$0x0 ss:$0x1], $0xffff  }
0x4d: {  	v3 =	vld.idx.msk [tilespmem:v0+s17+$0x0 ss:$0x1], $0xffff;
	_ =	sdelay $0x1  }
0x4e: {  	s18 =	sadd.s32 $0xFFFFFFFF, s18;
	s19 =	simm.s32 $0x20  }
.LBB2_4:
0x4f: {  	s20 =	sand.u32 $0x3FE0, s19;
	p1 =	sne.s32 s18, $0x1;
	s18 =	sadd.s32 $0xFFFFFFFF, s18  }
.Ltmp5:
0x50: {  	s21 =	sor.u32 $0x10, s20;
	[tilespmem:v1+s16+$0x0 ss:$0x1] =	vst.idx.msk $0xffff, v2;
	v2 =	vld.idx.msk [tilespmem:v0+s20+$0x0 ss:$0x1], $0xffff;
	s16 =	smov.u32 s20;
	(pc) =	sbr.rel @p1 .LBB2_4-.Ltmp5, $2  }
0x51: {  	[tilespmem:v1+s17+$0x0 ss:$0x1] =	vst.idx.msk $0xffff, v3;
	v3 =	vld.idx.msk [tilespmem:v0+s21+$0x0 ss:$0x1], $0xffff;
	s17 =	smov.u32 s21;
	_ =	sdelay $0x2  }
0x52: {  	s19 =	sadd.s32 $0x20, s19  }
.Ltmp6:
0x53: {  	_ = 	snop;
	(pc) =	sbr.rel .LBB2_5-.Ltmp6, $1  }
0x54: {  	_ =	sdelay $0x3  }
.LBB2_8:
0x55: {  	_ =	sfence.sel $0x180000  }
0x56: {  	s2 =	simm.s32 $0x1;
	[bflag:$0x0] =	sbarrier.arrive $0xFFFF  }
0x57: {  	s31 =	simm.s32 $0x2;
	[sflag:s2] =	ssyncpa.u1 $0x1  }
0x58: {  	[sflag:s31] =	ssyncpa.u1 $0x1  }
0x59: {  	_ =	strace $0x9000004D  }
0x5a: {  	s0 =	sadd.s32 @!p0 $0x100000, s0;
	[bflag:$0x2] =	sbarrier.arrive $0xFFFF  }
0x5b: {  	[sflag:s0] =	ssyncadd.tile.s32 @!p0 $0x1;
	s0 =	simm.s32 @!p0 $0x3F  }
0x5c: {  	_ =	swait.ge @!p0 [sflag:s0], s1  }
0x5d: {  	s1 =	ssub.s32 @!p0 $0x0, s1;
	[sflag:s0] =	ssyncset.done @!p0 $0x0  }
0x5e: {  	[sflag:s0] =	ssyncadd.s32 @!p0 s1  }
0x5f: {  	[bflag:$0x3] =	sbarrier.arrive $0xFFFF  }
0x60: {  	_ =	shalt  }
.Lfunc_end2:
execute1_lowered:
.L_overlay_start_2:
0x61: {  	(tag) =	ssettag $0x2  }
0x62: {  	s2 =	rddreg [dreg:$0x0];
	_ =	strace $0x80000050;
	s1 =	simm.s32 $0x1  }
0x63: {  	v0 =	vimm.s32 $0x0;
	[sflag:s1] =	ssyncpa.u1 $0x0  }
0x64: {  	[tilespmem:$0x48] =	vst v0  }
0x65: {  	[tilespmem:$0x58] =	vst v0  }
0x66: {  	[tilespmem:$0x68] =	vst v0  }
0x67: {  	[tilespmem:$0x78] =	vst v0  }
0x68: {  	[tilespmem:$0x88] =	vst v0  }
0x69: {  	[tilespmem:$0x98] =	vst v0  }
0x6a: {  	[tilespmem:$0xA8] =	vst v0  }
0x6b: {  	[tilespmem:$0xB8] =	vst v0  }
0x6c: {  	[tilespmem:$0xC8] =	vst v0  }
0x6d: {  	[tilespmem:$0xD8] =	vst v0  }
0x6e: {  	[tilespmem:$0xE8] =	vst v0  }
0x6f: {  	[tilespmem:$0xF8] =	vst v0  }
0x70: {  	[tilespmem:$0x108] =	vst v0  }
0x71: {  	[tilespmem:$0x118] =	vst v0  }
0x72: {  	[tilespmem:$0x128] =	vst v0  }
0x73: {  	[tilespmem:$0x138] =	vst v0  }
0x74: {  	[tilespmem:$0x148] =	vst v0  }
0x75: {  	[tilespmem:$0x158] =	vst v0  }
0x76: {  	[tilespmem:$0x168] =	vst v0  }
0x77: {  	[tilespmem:$0x178] =	vst v0  }
0x78: {  	[tilespmem:$0x188] =	vst v0  }
0x79: {  	[tilespmem:$0x198] =	vst v0  }
0x7a: {  	[tilespmem:$0x1A8] =	vst v0  }
0x7b: {  	[tilespmem:$0x1B8] =	vst v0  }
0x7c: {  	[tilespmem:$0x1C8] =	vst v0  }
0x7d: {  	[tilespmem:$0x1D8] =	vst v0  }
0x7e: {  	[tilespmem:$0x1E8] =	vst v0  }
0x7f: {  	[tilespmem:$0x1F8] =	vst v0  }
0x80: {  	[tilespmem:$0x208] =	vst v0  }
0x81: {  	[tilespmem:$0x218] =	vst v0  }
0x82: {  	[tilespmem:$0x228] =	vst v0  }
0x83: {  	[tilespmem:$0x238] =	vst v0  }
0x84: {  	[tilespmem:$0x248] =	vst v0  }
0x85: {  	[tilespmem:$0x258] =	vst v0  }
0x86: {  	[tilespmem:$0x268] =	vst v0  }
0x87: {  	[tilespmem:$0x278] =	vst v0  }
0x88: {  	[tilespmem:$0x288] =	vst v0  }
0x89: {  	[tilespmem:$0x298] =	vst v0  }
0x8a: {  	[tilespmem:$0x2A8] =	vst v0  }
0x8b: {  	[tilespmem:$0x2B8] =	vst v0  }
0x8c: {  	[tilespmem:$0x2C8] =	vst v0  }
0x8d: {  	[tilespmem:$0x2D8] =	vst v0  }
0x8e: {  	[tilespmem:$0x2E8] =	vst v0  }
0x8f: {  	[tilespmem:$0x2F8] =	vst v0  }
0x90: {  	[tilespmem:$0x308] =	vst v0  }
0x91: {  	[tilespmem:$0x318] =	vst v0  }
0x92: {  	[tilespmem:$0x328] =	vst v0  }
0x93: {  	[tilespmem:$0x338] =	vst v0  }
0x94: {  	[tilespmem:$0x348] =	vst v0  }
0x95: {  	[tilespmem:$0x358] =	vst v0  }
0x96: {  	[tilespmem:$0x368] =	vst v0  }
0x97: {  	[tilespmem:$0x378] =	vst v0  }
0x98: {  	[tilespmem:$0x388] =	vst v0  }
0x99: {  	[tilespmem:$0x398] =	vst v0  }
0x9a: {  	[tilespmem:$0x3A8] =	vst v0  }
0x9b: {  	[tilespmem:$0x3B8] =	vst v0  }
0x9c: {  	[tilespmem:$0x3C8] =	vst v0  }
0x9d: {  	[tilespmem:$0x3D8] =	vst v0  }
0x9e: {  	[tilespmem:$0x3E8] =	vst v0  }
0x9f: {  	[tilespmem:$0x3F8] =	vst v0  }
0xa0: {  	[tilespmem:$0x408] =	vst v0  }
0xa1: {  	[tilespmem:$0x418] =	vst v0  }
0xa2: {  	[tilespmem:$0x428] =	vst v0  }
0xa3: {  	[tilespmem:$0x438] =	vst v0  }
0xa4: {  	[tilespmem:$0x448] =	vst v0  }
0xa5: {  	[tilespmem:$0x458] =	vst v0  }
0xa6: {  	[tilespmem:$0x468] =	vst v0  }
0xa7: {  	[tilespmem:$0x478] =	vst v0  }
0xa8: {  	[tilespmem:$0x488] =	vst v0  }
0xa9: {  	[tilespmem:$0x498] =	vst v0  }
0xaa: {  	[tilespmem:$0x4A8] =	vst v0  }
0xab: {  	[tilespmem:$0x4B8] =	vst v0  }
0xac: {  	[tilespmem:$0x4C8] =	vst v0  }
0xad: {  	[tilespmem:$0x4D8] =	vst v0  }
0xae: {  	[tilespmem:$0x4E8] =	vst v0  }
0xaf: {  	[tilespmem:$0x4F8] =	vst v0  }
0xb0: {  	[tilespmem:$0x508] =	vst v0  }
0xb1: {  	[tilespmem:$0x518] =	vst v0  }
0xb2: {  	[tilespmem:$0x528] =	vst v0  }
0xb3: {  	[tilespmem:$0x538] =	vst v0  }
0xb4: {  	[tilespmem:$0x548] =	vst v0  }
0xb5: {  	[tilespmem:$0x558] =	vst v0  }
0xb6: {  	[tilespmem:$0x568] =	vst v0  }
0xb7: {  	[tilespmem:$0x578] =	vst v0  }
0xb8: {  	[tilespmem:$0x588] =	vst v0  }
0xb9: {  	[tilespmem:$0x598] =	vst v0  }
0xba: {  	[tilespmem:$0x5A8] =	vst v0  }
0xbb: {  	[tilespmem:$0x5B8] =	vst v0  }
0xbc: {  	[tilespmem:$0x5C8] =	vst v0  }
0xbd: {  	[tilespmem:$0x5D8] =	vst v0  }
0xbe: {  	[tilespmem:$0x5E8] =	vst v0  }
0xbf: {  	[tilespmem:$0x5F8] =	vst v0  }
0xc0: {  	[tilespmem:$0x608] =	vst v0  }
0xc1: {  	[tilespmem:$0x618] =	vst v0  }
0xc2: {  	[tilespmem:$0x628] =	vst v0  }
0xc3: {  	[tilespmem:$0x638] =	vst v0  }
0xc4: {  	[tilespmem:$0x648] =	vst v0  }
0xc5: {  	[tilespmem:$0x658] =	vst v0  }
0xc6: {  	[tilespmem:$0x668] =	vst v0  }
0xc7: {  	[tilespmem:$0x678] =	vst v0  }
0xc8: {  	[tilespmem:$0x688] =	vst v0  }
0xc9: {  	[tilespmem:$0x698] =	vst v0  }
0xca: {  	[tilespmem:$0x6A8] =	vst v0  }
0xcb: {  	[tilespmem:$0x6B8] =	vst v0  }
0xcc: {  	[tilespmem:$0x6C8] =	vst v0  }
0xcd: {  	[tilespmem:$0x6D8] =	vst v0  }
0xce: {  	[tilespmem:$0x6E8] =	vst v0  }
0xcf: {  	[tilespmem:$0x6F8] =	vst v0  }
0xd0: {  	[tilespmem:$0x708] =	vst v0  }
0xd1: {  	[tilespmem:$0x718] =	vst v0  }
0xd2: {  	[tilespmem:$0x728] =	vst v0  }
0xd3: {  	[tilespmem:$0x738] =	vst v0  }
0xd4: {  	[tilespmem:$0x748] =	vst v0  }
0xd5: {  	[tilespmem:$0x758] =	vst v0  }
0xd6: {  	[tilespmem:$0x768] =	vst v0  }
0xd7: {  	[tilespmem:$0x778] =	vst v0  }
0xd8: {  	[tilespmem:$0x788] =	vst v0  }
0xd9: {  	[tilespmem:$0x798] =	vst v0  }
0xda: {  	[tilespmem:$0x7A8] =	vst v0  }
0xdb: {  	[tilespmem:$0x7B8] =	vst v0  }
0xdc: {  	[tilespmem:$0x7C8] =	vst v0  }
0xdd: {  	[tilespmem:$0x7D8] =	vst v0  }
0xde: {  	[tilespmem:$0x7E8] =	vst v0  }
0xdf: {  	[tilespmem:$0x7F8] =	vst v0  }
0xe0: {  	[tilespmem:$0x808] =	vst v0  }
0xe1: {  	[tilespmem:$0x818] =	vst v0  }
0xe2: {  	[tilespmem:$0x828] =	vst v0  }
0xe3: {  	[tilespmem:$0x838] =	vst v0  }
0xe4: {  	[tilespmem:$0x848] =	vst v0  }
0xe5: {  	[tilespmem:$0x858] =	vst v0  }
0xe6: {  	[tilespmem:$0x868] =	vst v0  }
0xe7: {  	[tilespmem:$0x878] =	vst v0  }
0xe8: {  	[tilespmem:$0x888] =	vst v0  }
0xe9: {  	[tilespmem:$0x898] =	vst v0  }
0xea: {  	[tilespmem:$0x8A8] =	vst v0  }
0xeb: {  	[tilespmem:$0x8B8] =	vst v0  }
0xec: {  	[tilespmem:$0x8C8] =	vst v0  }
0xed: {  	[tilespmem:$0x8D8] =	vst v0  }
0xee: {  	[tilespmem:$0x8E8] =	vst v0  }
0xef: {  	[tilespmem:$0x8F8] =	vst v0  }
0xf0: {  	[tilespmem:$0x908] =	vst v0  }
0xf1: {  	[tilespmem:$0x918] =	vst v0  }
0xf2: {  	[tilespmem:$0x928] =	vst v0  }
0xf3: {  	[tilespmem:$0x938] =	vst v0  }
0xf4: {  	[tilespmem:$0x948] =	vst v0  }
0xf5: {  	[tilespmem:$0x958] =	vst v0  }
0xf6: {  	[tilespmem:$0x968] =	vst v0  }
0xf7: {  	[tilespmem:$0x978] =	vst v0  }
0xf8: {  	[tilespmem:$0x988] =	vst v0  }
0xf9: {  	[tilespmem:$0x998] =	vst v0  }
0xfa: {  	[tilespmem:$0x9A8] =	vst v0  }
0xfb: {  	[tilespmem:$0x9B8] =	vst v0  }
0xfc: {  	[tilespmem:$0x9C8] =	vst v0  }
0xfd: {  	[tilespmem:$0x9D8] =	vst v0  }
0xfe: {  	[tilespmem:$0x9E8] =	vst v0  }
0xff: {  	[tilespmem:$0x9F8] =	vst v0  }
0x100: {  	[tilespmem:$0xA08] =	vst v0  }
0x101: {  	[tilespmem:$0xA18] =	vst v0  }
0x102: {  	[tilespmem:$0xA28] =	vst v0  }
0x103: {  	[tilespmem:$0xA38] =	vst v0  }
0x104: {  	[tilespmem:$0xA48] =	vst v0  }
0x105: {  	[tilespmem:$0xA58] =	vst v0  }
0x106: {  	[tilespmem:$0xA68] =	vst v0  }
0x107: {  	[tilespmem:$0xA78] =	vst v0  }
0x108: {  	[tilespmem:$0xA88] =	vst v0  }
0x109: {  	[tilespmem:$0xA98] =	vst v0  }
0x10a: {  	[tilespmem:$0xAA8] =	vst v0  }
0x10b: {  	[tilespmem:$0xAB8] =	vst v0  }
0x10c: {  	[tilespmem:$0xAC8] =	vst v0  }
0x10d: {  	[tilespmem:$0xAD8] =	vst v0  }
0x10e: {  	[tilespmem:$0xAE8] =	vst v0  }
0x10f: {  	[tilespmem:$0xAF8] =	vst v0  }
0x110: {  	[tilespmem:$0xB08] =	vst v0  }
0x111: {  	[tilespmem:$0xB18] =	vst v0  }
0x112: {  	[tilespmem:$0xB28] =	vst v0  }
0x113: {  	[tilespmem:$0xB38] =	vst v0  }
0x114: {  	[tilespmem:$0xB48] =	vst v0  }
0x115: {  	[tilespmem:$0xB58] =	vst v0  }
0x116: {  	[tilespmem:$0xB68] =	vst v0  }
0x117: {  	[tilespmem:$0xB78] =	vst v0  }
0x118: {  	[tilespmem:$0xB88] =	vst v0  }
0x119: {  	[tilespmem:$0xB98] =	vst v0  }
0x11a: {  	[tilespmem:$0xBA8] =	vst v0  }
0x11b: {  	[tilespmem:$0xBB8] =	vst v0  }
0x11c: {  	[tilespmem:$0xBC8] =	vst v0  }
0x11d: {  	[tilespmem:$0xBD8] =	vst v0  }
0x11e: {  	[tilespmem:$0xBE8] =	vst v0  }
0x11f: {  	[tilespmem:$0xBF8] =	vst v0  }
0x120: {  	[tilespmem:$0xC08] =	vst v0  }
0x121: {  	[tilespmem:$0xC18] =	vst v0  }
0x122: {  	[tilespmem:$0xC28] =	vst v0  }
0x123: {  	[tilespmem:$0xC38] =	vst v0  }
0x124: {  	[tilespmem:$0xC48] =	vst v0  }
0x125: {  	[tilespmem:$0xC58] =	vst v0  }
0x126: {  	[tilespmem:$0xC68] =	vst v0  }
0x127: {  	[tilespmem:$0xC78] =	vst v0  }
0x128: {  	[tilespmem:$0xC88] =	vst v0  }
0x129: {  	[tilespmem:$0xC98] =	vst v0  }
0x12a: {  	[tilespmem:$0xCA8] =	vst v0  }
0x12b: {  	[tilespmem:$0xCB8] =	vst v0  }
0x12c: {  	[tilespmem:$0xCC8] =	vst v0  }
0x12d: {  	[tilespmem:$0xCD8] =	vst v0  }
0x12e: {  	[tilespmem:$0xCE8] =	vst v0  }
0x12f: {  	[tilespmem:$0xCF8] =	vst v0  }
0x130: {  	[tilespmem:$0xD08] =	vst v0  }
0x131: {  	[tilespmem:$0xD18] =	vst v0  }
0x132: {  	[tilespmem:$0xD28] =	vst v0  }
0x133: {  	[tilespmem:$0xD38] =	vst v0  }
0x134: {  	[tilespmem:$0xD48] =	vst v0  }
0x135: {  	[tilespmem:$0xD58] =	vst v0  }
0x136: {  	[tilespmem:$0xD68] =	vst v0  }
0x137: {  	[tilespmem:$0xD78] =	vst v0  }
0x138: {  	[tilespmem:$0xD88] =	vst v0  }
0x139: {  	[tilespmem:$0xD98] =	vst v0  }
0x13a: {  	[tilespmem:$0xDA8] =	vst v0  }
0x13b: {  	[tilespmem:$0xDB8] =	vst v0  }
0x13c: {  	[tilespmem:$0xDC8] =	vst v0  }
0x13d: {  	[tilespmem:$0xDD8] =	vst v0  }
0x13e: {  	[tilespmem:$0xDE8] =	vst v0  }
0x13f: {  	[tilespmem:$0xDF8] =	vst v0  }
0x140: {  	[tilespmem:$0xE08] =	vst v0  }
0x141: {  	[tilespmem:$0xE18] =	vst v0  }
0x142: {  	[tilespmem:$0xE28] =	vst v0  }
0x143: {  	[tilespmem:$0xE38] =	vst v0  }
0x144: {  	[tilespmem:$0xE48] =	vst v0  }
0x145: {  	[tilespmem:$0xE58] =	vst v0  }
0x146: {  	[tilespmem:$0xE68] =	vst v0  }
0x147: {  	[tilespmem:$0xE78] =	vst v0  }
0x148: {  	[tilespmem:$0xE88] =	vst v0  }
0x149: {  	[tilespmem:$0xE98] =	vst v0  }
0x14a: {  	[tilespmem:$0xEA8] =	vst v0  }
0x14b: {  	[tilespmem:$0xEB8] =	vst v0  }
0x14c: {  	[tilespmem:$0xEC8] =	vst v0  }
0x14d: {  	[tilespmem:$0xED8] =	vst v0  }
0x14e: {  	[tilespmem:$0xEE8] =	vst v0  }
0x14f: {  	[tilespmem:$0xEF8] =	vst v0  }
0x150: {  	[tilespmem:$0xF08] =	vst v0  }
0x151: {  	[tilespmem:$0xF18] =	vst v0  }
0x152: {  	[tilespmem:$0xF28] =	vst v0  }
0x153: {  	[tilespmem:$0xF38] =	vst v0  }
0x154: {  	[tilespmem:$0xF48] =	vst v0  }
0x155: {  	[tilespmem:$0xF58] =	vst v0  }
0x156: {  	[tilespmem:$0xF68] =	vst v0  }
0x157: {  	[tilespmem:$0xF78] =	vst v0  }
0x158: {  	[tilespmem:$0xF88] =	vst v0  }
0x159: {  	[tilespmem:$0xF98] =	vst v0  }
0x15a: {  	[tilespmem:$0xFA8] =	vst v0  }
0x15b: {  	[tilespmem:$0xFB8] =	vst v0  }
0x15c: {  	[tilespmem:$0xFC8] =	vst v0  }
0x15d: {  	[tilespmem:$0xFD8] =	vst v0  }
0x15e: {  	[tilespmem:$0xFE8] =	vst v0  }
0x15f: {  	[tilespmem:$0xFF8] =	vst v0  }
0x160: {  	[tilespmem:$0x1008] =	vst v0  }
0x161: {  	[tilespmem:$0x1018] =	vst v0  }
0x162: {  	[tilespmem:$0x1028] =	vst v0  }
0x163: {  	[tilespmem:$0x1038] =	vst v0  }
0x164: {  	[tilespmem:$0x1048] =	vst v0  }
0x165: {  	[tilespmem:$0x1058] =	vst v0  }
0x166: {  	[tilespmem:$0x1068] =	vst v0  }
0x167: {  	[tilespmem:$0x1078] =	vst v0  }
0x168: {  	[tilespmem:$0x1088] =	vst v0  }
0x169: {  	[tilespmem:$0x1098] =	vst v0  }
0x16a: {  	[tilespmem:$0x10A8] =	vst v0  }
0x16b: {  	[tilespmem:$0x10B8] =	vst v0  }
0x16c: {  	[tilespmem:$0x10C8] =	vst v0  }
0x16d: {  	[tilespmem:$0x10D8] =	vst v0  }
0x16e: {  	[tilespmem:$0x10E8] =	vst v0  }
0x16f: {  	[tilespmem:$0x10F8] =	vst v0  }
0x170: {  	[tilespmem:$0x1108] =	vst v0  }
0x171: {  	[tilespmem:$0x1118] =	vst v0  }
0x172: {  	[tilespmem:$0x1128] =	vst v0  }
0x173: {  	[tilespmem:$0x1138] =	vst v0  }
0x174: {  	[tilespmem:$0x1148] =	vst v0  }
0x175: {  	[tilespmem:$0x1158] =	vst v0  }
0x176: {  	[tilespmem:$0x1168] =	vst v0  }
0x177: {  	[tilespmem:$0x1178] =	vst v0  }
0x178: {  	[tilespmem:$0x1188] =	vst v0  }
0x179: {  	[tilespmem:$0x1198] =	vst v0  }
0x17a: {  	[tilespmem:$0x11A8] =	vst v0  }
0x17b: {  	[tilespmem:$0x11B8] =	vst v0  }
0x17c: {  	[tilespmem:$0x11C8] =	vst v0  }
0x17d: {  	[tilespmem:$0x11D8] =	vst v0  }
0x17e: {  	[tilespmem:$0x11E8] =	vst v0  }
0x17f: {  	[tilespmem:$0x11F8] =	vst v0  }
0x180: {  	[tilespmem:$0x1208] =	vst v0  }
0x181: {  	[tilespmem:$0x1218] =	vst v0  }
0x182: {  	[tilespmem:$0x1228] =	vst v0  }
0x183: {  	[tilespmem:$0x1238] =	vst v0  }
0x184: {  	[tilespmem:$0x1248] =	vst v0  }
0x185: {  	[tilespmem:$0x1258] =	vst v0  }
0x186: {  	[tilespmem:$0x1268] =	vst v0  }
0x187: {  	[tilespmem:$0x1278] =	vst v0  }
0x188: {  	[tilespmem:$0x1288] =	vst v0  }
0x189: {  	[tilespmem:$0x1298] =	vst v0  }
0x18a: {  	[tilespmem:$0x12A8] =	vst v0  }
0x18b: {  	[tilespmem:$0x12B8] =	vst v0  }
0x18c: {  	[tilespmem:$0x12C8] =	vst v0  }
0x18d: {  	[tilespmem:$0x12D8] =	vst v0  }
0x18e: {  	[tilespmem:$0x12E8] =	vst v0  }
0x18f: {  	[tilespmem:$0x12F8] =	vst v0  }
0x190: {  	[tilespmem:$0x1308] =	vst v0  }
0x191: {  	[tilespmem:$0x1318] =	vst v0  }
0x192: {  	[tilespmem:$0x1328] =	vst v0  }
0x193: {  	[tilespmem:$0x1338] =	vst v0  }
0x194: {  	[tilespmem:$0x1348] =	vst v0  }
0x195: {  	[tilespmem:$0x1358] =	vst v0  }
0x196: {  	[tilespmem:$0x1368] =	vst v0  }
0x197: {  	[tilespmem:$0x1378] =	vst v0  }
0x198: {  	[tilespmem:$0x1388] =	vst v0  }
0x199: {  	[tilespmem:$0x1398] =	vst v0  }
0x19a: {  	[tilespmem:$0x13A8] =	vst v0  }
0x19b: {  	[tilespmem:$0x13B8] =	vst v0  }
0x19c: {  	[tilespmem:$0x13C8] =	vst v0  }
0x19d: {  	[tilespmem:$0x13D8] =	vst v0  }
0x19e: {  	[tilespmem:$0x13E8] =	vst v0  }
0x19f: {  	[tilespmem:$0x13F8] =	vst v0  }
0x1a0: {  	[tilespmem:$0x1408] =	vst v0  }
0x1a1: {  	[tilespmem:$0x1418] =	vst v0  }
0x1a2: {  	[tilespmem:$0x1428] =	vst v0  }
0x1a3: {  	[tilespmem:$0x1438] =	vst v0  }
0x1a4: {  	[tilespmem:$0x1448] =	vst v0  }
0x1a5: {  	[tilespmem:$0x1458] =	vst v0  }
0x1a6: {  	[tilespmem:$0x1468] =	vst v0  }
0x1a7: {  	[tilespmem:$0x1478] =	vst v0  }
0x1a8: {  	[tilespmem:$0x1488] =	vst v0  }
0x1a9: {  	[tilespmem:$0x1498] =	vst v0  }
0x1aa: {  	[tilespmem:$0x14A8] =	vst v0  }
0x1ab: {  	[tilespmem:$0x14B8] =	vst v0  }
0x1ac: {  	[tilespmem:$0x14C8] =	vst v0  }
0x1ad: {  	[tilespmem:$0x14D8] =	vst v0  }
0x1ae: {  	[tilespmem:$0x14E8] =	vst v0  }
0x1af: {  	[tilespmem:$0x14F8] =	vst v0  }
0x1b0: {  	[tilespmem:$0x1508] =	vst v0  }
0x1b1: {  	[tilespmem:$0x1518] =	vst v0  }
0x1b2: {  	[tilespmem:$0x1528] =	vst v0  }
0x1b3: {  	[tilespmem:$0x1538] =	vst v0  }
0x1b4: {  	[tilespmem:$0x1548] =	vst v0  }
0x1b5: {  	[tilespmem:$0x1558] =	vst v0  }
0x1b6: {  	[tilespmem:$0x1568] =	vst v0  }
0x1b7: {  	[tilespmem:$0x1578] =	vst v0  }
0x1b8: {  	[tilespmem:$0x1588] =	vst v0  }
0x1b9: {  	[tilespmem:$0x1598] =	vst v0  }
0x1ba: {  	[tilespmem:$0x15A8] =	vst v0  }
0x1bb: {  	[tilespmem:$0x15B8] =	vst v0  }
0x1bc: {  	[tilespmem:$0x15C8] =	vst v0  }
0x1bd: {  	[tilespmem:$0x15D8] =	vst v0  }
0x1be: {  	[tilespmem:$0x15E8] =	vst v0  }
0x1bf: {  	[tilespmem:$0x15F8] =	vst v0  }
0x1c0: {  	[tilespmem:$0x1608] =	vst v0  }
0x1c1: {  	[tilespmem:$0x1618] =	vst v0  }
0x1c2: {  	[tilespmem:$0x1628] =	vst v0  }
0x1c3: {  	[tilespmem:$0x1638] =	vst v0  }
0x1c4: {  	[tilespmem:$0x1648] =	vst v0  }
0x1c5: {  	[tilespmem:$0x1658] =	vst v0  }
0x1c6: {  	[tilespmem:$0x1668] =	vst v0  }
0x1c7: {  	[tilespmem:$0x1678] =	vst v0  }
0x1c8: {  	[tilespmem:$0x1688] =	vst v0  }
0x1c9: {  	[tilespmem:$0x1698] =	vst v0  }
0x1ca: {  	[tilespmem:$0x16A8] =	vst v0  }
0x1cb: {  	[tilespmem:$0x16B8] =	vst v0  }
0x1cc: {  	[tilespmem:$0x16C8] =	vst v0  }
0x1cd: {  	[tilespmem:$0x16D8] =	vst v0  }
0x1ce: {  	[tilespmem:$0x16E8] =	vst v0  }
0x1cf: {  	[tilespmem:$0x16F8] =	vst v0  }
0x1d0: {  	[tilespmem:$0x1708] =	vst v0  }
0x1d1: {  	[tilespmem:$0x1718] =	vst v0  }
0x1d2: {  	[tilespmem:$0x1728] =	vst v0  }
0x1d3: {  	[tilespmem:$0x1738] =	vst v0  }
0x1d4: {  	[tilespmem:$0x1748] =	vst v0  }
0x1d5: {  	[tilespmem:$0x1758] =	vst v0  }
0x1d6: {  	[tilespmem:$0x1768] =	vst v0  }
0x1d7: {  	[tilespmem:$0x1778] =	vst v0  }
0x1d8: {  	[tilespmem:$0x1788] =	vst v0  }
0x1d9: {  	[tilespmem:$0x1798] =	vst v0  }
0x1da: {  	[tilespmem:$0x17A8] =	vst v0  }
0x1db: {  	[tilespmem:$0x17B8] =	vst v0  }
0x1dc: {  	[tilespmem:$0x17C8] =	vst v0  }
0x1dd: {  	[tilespmem:$0x17D8] =	vst v0  }
0x1de: {  	[tilespmem:$0x17E8] =	vst v0  }
0x1df: {  	[tilespmem:$0x17F8] =	vst v0  }
0x1e0: {  	[tilespmem:$0x1808] =	vst v0  }
0x1e1: {  	[tilespmem:$0x1818] =	vst v0  }
0x1e2: {  	[tilespmem:$0x1828] =	vst v0  }
0x1e3: {  	[tilespmem:$0x1838] =	vst v0  }
0x1e4: {  	[tilespmem:$0x1848] =	vst v0  }
0x1e5: {  	[tilespmem:$0x1858] =	vst v0  }
0x1e6: {  	[tilespmem:$0x1868] =	vst v0  }
0x1e7: {  	[tilespmem:$0x1878] =	vst v0  }
0x1e8: {  	[tilespmem:$0x1888] =	vst v0  }
0x1e9: {  	[tilespmem:$0x1898] =	vst v0  }
0x1ea: {  	[tilespmem:$0x18A8] =	vst v0  }
0x1eb: {  	[tilespmem:$0x18B8] =	vst v0  }
0x1ec: {  	[tilespmem:$0x18C8] =	vst v0  }
0x1ed: {  	[tilespmem:$0x18D8] =	vst v0  }
0x1ee: {  	[tilespmem:$0x18E8] =	vst v0  }
0x1ef: {  	[tilespmem:$0x18F8] =	vst v0  }
0x1f0: {  	[tilespmem:$0x1908] =	vst v0  }
0x1f1: {  	[tilespmem:$0x1918] =	vst v0  }
0x1f2: {  	[tilespmem:$0x1928] =	vst v0  }
0x1f3: {  	[tilespmem:$0x1938] =	vst v0  }
0x1f4: {  	[tilespmem:$0x1948] =	vst v0  }
0x1f5: {  	[tilespmem:$0x1958] =	vst v0  }
0x1f6: {  	[tilespmem:$0x1968] =	vst v0  }
0x1f7: {  	[tilespmem:$0x1978] =	vst v0  }
0x1f8: {  	[tilespmem:$0x1988] =	vst v0  }
0x1f9: {  	[tilespmem:$0x1998] =	vst v0  }
0x1fa: {  	[tilespmem:$0x19A8] =	vst v0  }
0x1fb: {  	[tilespmem:$0x19B8] =	vst v0  }
0x1fc: {  	[tilespmem:$0x19C8] =	vst v0  }
0x1fd: {  	[tilespmem:$0x19D8] =	vst v0  }
0x1fe: {  	[tilespmem:$0x19E8] =	vst v0  }
0x1ff: {  	[tilespmem:$0x19F8] =	vst v0  }
0x200: {  	[tilespmem:$0x1A08] =	vst v0  }
0x201: {  	[tilespmem:$0x1A18] =	vst v0  }
0x202: {  	[tilespmem:$0x1A28] =	vst v0  }
0x203: {  	[tilespmem:$0x1A38] =	vst v0  }
0x204: {  	[tilespmem:$0x1A48] =	vst v0  }
0x205: {  	[tilespmem:$0x1A58] =	vst v0  }
0x206: {  	[tilespmem:$0x1A68] =	vst v0  }
0x207: {  	[tilespmem:$0x1A78] =	vst v0  }
0x208: {  	[tilespmem:$0x1A88] =	vst v0  }
0x209: {  	[tilespmem:$0x1A98] =	vst v0  }
0x20a: {  	[tilespmem:$0x1AA8] =	vst v0  }
0x20b: {  	[tilespmem:$0x1AB8] =	vst v0  }
0x20c: {  	[tilespmem:$0x1AC8] =	vst v0  }
0x20d: {  	[tilespmem:$0x1AD8] =	vst v0  }
0x20e: {  	[tilespmem:$0x1AE8] =	vst v0  }
0x20f: {  	[tilespmem:$0x1AF8] =	vst v0  }
0x210: {  	[tilespmem:$0x1B08] =	vst v0  }
0x211: {  	[tilespmem:$0x1B18] =	vst v0  }
0x212: {  	[tilespmem:$0x1B28] =	vst v0  }
0x213: {  	[tilespmem:$0x1B38] =	vst v0  }
0x214: {  	[tilespmem:$0x1B48] =	vst v0  }
0x215: {  	[tilespmem:$0x1B58] =	vst v0  }
0x216: {  	[tilespmem:$0x1B68] =	vst v0  }
0x217: {  	[tilespmem:$0x1B78] =	vst v0  }
0x218: {  	[tilespmem:$0x1B88] =	vst v0  }
0x219: {  	[tilespmem:$0x1B98] =	vst v0  }
0x21a: {  	[tilespmem:$0x1BA8] =	vst v0  }
0x21b: {  	[tilespmem:$0x1BB8] =	vst v0  }
0x21c: {  	[tilespmem:$0x1BC8] =	vst v0  }
0x21d: {  	[tilespmem:$0x1BD8] =	vst v0  }
0x21e: {  	[tilespmem:$0x1BE8] =	vst v0  }
0x21f: {  	[tilespmem:$0x1BF8] =	vst v0  }
0x220: {  	[tilespmem:$0x1C08] =	vst v0  }
0x221: {  	[tilespmem:$0x1C18] =	vst v0  }
0x222: {  	[tilespmem:$0x1C28] =	vst v0  }
0x223: {  	[tilespmem:$0x1C38] =	vst v0  }
0x224: {  	[tilespmem:$0x1C48] =	vst v0  }
0x225: {  	[tilespmem:$0x1C58] =	vst v0  }
0x226: {  	[tilespmem:$0x1C68] =	vst v0  }
0x227: {  	[tilespmem:$0x1C78] =	vst v0  }
0x228: {  	[tilespmem:$0x1C88] =	vst v0  }
0x229: {  	[tilespmem:$0x1C98] =	vst v0  }
0x22a: {  	[tilespmem:$0x1CA8] =	vst v0  }
0x22b: {  	[tilespmem:$0x1CB8] =	vst v0  }
0x22c: {  	[tilespmem:$0x1CC8] =	vst v0  }
0x22d: {  	[tilespmem:$0x1CD8] =	vst v0  }
0x22e: {  	[tilespmem:$0x1CE8] =	vst v0  }
0x22f: {  	[tilespmem:$0x1CF8] =	vst v0  }
0x230: {  	[tilespmem:$0x1D08] =	vst v0  }
0x231: {  	[tilespmem:$0x1D18] =	vst v0  }
0x232: {  	[tilespmem:$0x1D28] =	vst v0  }
0x233: {  	[tilespmem:$0x1D38] =	vst v0  }
0x234: {  	[tilespmem:$0x1D48] =	vst v0  }
0x235: {  	[tilespmem:$0x1D58] =	vst v0  }
0x236: {  	[tilespmem:$0x1D68] =	vst v0  }
0x237: {  	[tilespmem:$0x1D78] =	vst v0  }
0x238: {  	[tilespmem:$0x1D88] =	vst v0  }
0x239: {  	[tilespmem:$0x1D98] =	vst v0  }
0x23a: {  	[tilespmem:$0x1DA8] =	vst v0  }
0x23b: {  	[tilespmem:$0x1DB8] =	vst v0  }
0x23c: {  	[tilespmem:$0x1DC8] =	vst v0  }
0x23d: {  	[tilespmem:$0x1DD8] =	vst v0  }
0x23e: {  	[tilespmem:$0x1DE8] =	vst v0  }
0x23f: {  	[tilespmem:$0x1DF8] =	vst v0  }
0x240: {  	[tilespmem:$0x1E08] =	vst v0  }
0x241: {  	[tilespmem:$0x1E18] =	vst v0  }
0x242: {  	[tilespmem:$0x1E28] =	vst v0  }
0x243: {  	[tilespmem:$0x1E38] =	vst v0  }
0x244: {  	[tilespmem:$0x1E48] =	vst v0  }
0x245: {  	[tilespmem:$0x1E58] =	vst v0  }
0x246: {  	[tilespmem:$0x1E68] =	vst v0  }
0x247: {  	[tilespmem:$0x1E78] =	vst v0  }
0x248: {  	[tilespmem:$0x1E88] =	vst v0  }
0x249: {  	[tilespmem:$0x1E98] =	vst v0  }
0x24a: {  	[tilespmem:$0x1EA8] =	vst v0  }
0x24b: {  	[tilespmem:$0x1EB8] =	vst v0  }
0x24c: {  	[tilespmem:$0x1EC8] =	vst v0  }
0x24d: {  	[tilespmem:$0x1ED8] =	vst v0  }
0x24e: {  	[tilespmem:$0x1EE8] =	vst v0  }
0x24f: {  	[tilespmem:$0x1EF8] =	vst v0  }
0x250: {  	[tilespmem:$0x1F08] =	vst v0  }
0x251: {  	[tilespmem:$0x1F18] =	vst v0  }
0x252: {  	[tilespmem:$0x1F28] =	vst v0  }
0x253: {  	[tilespmem:$0x1F38] =	vst v0  }
0x254: {  	[tilespmem:$0x1F48] =	vst v0  }
0x255: {  	[tilespmem:$0x1F58] =	vst v0  }
0x256: {  	[tilespmem:$0x1F68] =	vst v0  }
0x257: {  	[tilespmem:$0x1F78] =	vst v0  }
0x258: {  	[tilespmem:$0x1F88] =	vst v0  }
0x259: {  	[tilespmem:$0x1F98] =	vst v0  }
0x25a: {  	[tilespmem:$0x1FA8] =	vst v0  }
0x25b: {  	[tilespmem:$0x1FB8] =	vst v0  }
0x25c: {  	[tilespmem:$0x1FC8] =	vst v0  }
0x25d: {  	[tilespmem:$0x1FD8] =	vst v0  }
0x25e: {  	[tilespmem:$0x1FE8] =	vst v0  }
0x25f: {  	[tilespmem:$0x1FF8] =	vst v0  }
0x260: {  	[tilespmem:$0x2008] =	vst v0  }
0x261: {  	[tilespmem:$0x2018] =	vst v0  }
0x262: {  	[tilespmem:$0x2028] =	vst v0  }
0x263: {  	[tilespmem:$0x2038] =	vst v0  }
0x264: {  	[tilespmem:$0x2048] =	vst v0  }
0x265: {  	[tilespmem:$0x2058] =	vst v0  }
0x266: {  	[tilespmem:$0x2068] =	vst v0  }
0x267: {  	[tilespmem:$0x2078] =	vst v0  }
0x268: {  	[tilespmem:$0x2088] =	vst v0  }
0x269: {  	[tilespmem:$0x2098] =	vst v0  }
0x26a: {  	[tilespmem:$0x20A8] =	vst v0  }
0x26b: {  	[tilespmem:$0x20B8] =	vst v0  }
0x26c: {  	[tilespmem:$0x20C8] =	vst v0  }
0x26d: {  	[tilespmem:$0x20D8] =	vst v0  }
0x26e: {  	[tilespmem:$0x20E8] =	vst v0  }
0x26f: {  	[tilespmem:$0x20F8] =	vst v0  }
0x270: {  	[tilespmem:$0x2108] =	vst v0  }
0x271: {  	[tilespmem:$0x2118] =	vst v0  }
0x272: {  	[tilespmem:$0x2128] =	vst v0  }
0x273: {  	[tilespmem:$0x2138] =	vst v0  }
0x274: {  	[tilespmem:$0x2148] =	vst v0  }
0x275: {  	[tilespmem:$0x2158] =	vst v0  }
0x276: {  	[tilespmem:$0x2168] =	vst v0  }
0x277: {  	[tilespmem:$0x2228] =	vst v0  }
0x278: {  	[tilespmem:$0x3058] =	vst v0  }
0x279: {  	[tilespmem:$0x3048] =	vst v0  }
0x27a: {  	[tilespmem:$0x3038] =	vst v0  }
0x27b: {  	[tilespmem:$0x3028] =	vst v0  }
0x27c: {  	[tilespmem:$0x3018] =	vst v0  }
0x27d: {  	[tilespmem:$0x3008] =	vst v0  }
0x27e: {  	[tilespmem:$0x2FF8] =	vst v0  }
0x27f: {  	[tilespmem:$0x2FE8] =	vst v0  }
0x280: {  	[tilespmem:$0x2FD8] =	vst v0  }
0x281: {  	[tilespmem:$0x2FC8] =	vst v0  }
0x282: {  	[tilespmem:$0x2FB8] =	vst v0  }
0x283: {  	[tilespmem:$0x2FA8] =	vst v0  }
0x284: {  	[tilespmem:$0x2F98] =	vst v0  }
0x285: {  	[tilespmem:$0x2F88] =	vst v0  }
0x286: {  	[tilespmem:$0x2F78] =	vst v0  }
0x287: {  	[tilespmem:$0x2F68] =	vst v0  }
0x288: {  	[tilespmem:$0x2F58] =	vst v0  }
0x289: {  	[tilespmem:$0x2F48] =	vst v0  }
0x28a: {  	[tilespmem:$0x2F38] =	vst v0  }
0x28b: {  	[tilespmem:$0x2F28] =	vst v0  }
0x28c: {  	[tilespmem:$0x2F18] =	vst v0  }
0x28d: {  	[tilespmem:$0x2F08] =	vst v0  }
0x28e: {  	[tilespmem:$0x2EF8] =	vst v0  }
0x28f: {  	[tilespmem:$0x2EE8] =	vst v0  }
0x290: {  	[tilespmem:$0x2ED8] =	vst v0  }
0x291: {  	[tilespmem:$0x2EC8] =	vst v0  }
0x292: {  	[tilespmem:$0x2EB8] =	vst v0  }
0x293: {  	[tilespmem:$0x2EA8] =	vst v0  }
0x294: {  	[tilespmem:$0x2E98] =	vst v0  }
0x295: {  	[tilespmem:$0x2E88] =	vst v0  }
0x296: {  	[tilespmem:$0x2E78] =	vst v0  }
0x297: {  	[tilespmem:$0x2E68] =	vst v0  }
0x298: {  	[tilespmem:$0x2E58] =	vst v0  }
0x299: {  	[tilespmem:$0x2E48] =	vst v0  }
0x29a: {  	[tilespmem:$0x2E38] =	vst v0  }
0x29b: {  	[tilespmem:$0x2E28] =	vst v0  }
0x29c: {  	[tilespmem:$0x2E18] =	vst v0  }
0x29d: {  	[tilespmem:$0x2E08] =	vst v0  }
0x29e: {  	[tilespmem:$0x2DF8] =	vst v0  }
0x29f: {  	[tilespmem:$0x2DE8] =	vst v0  }
0x2a0: {  	[tilespmem:$0x2DD8] =	vst v0  }
0x2a1: {  	[tilespmem:$0x2DC8] =	vst v0  }
0x2a2: {  	[tilespmem:$0x2DB8] =	vst v0  }
0x2a3: {  	[tilespmem:$0x2DA8] =	vst v0  }
0x2a4: {  	[tilespmem:$0x2D98] =	vst v0  }
0x2a5: {  	[tilespmem:$0x2D88] =	vst v0  }
0x2a6: {  	[tilespmem:$0x2D78] =	vst v0  }
0x2a7: {  	[tilespmem:$0x2D68] =	vst v0  }
0x2a8: {  	[tilespmem:$0x2D58] =	vst v0  }
0x2a9: {  	[tilespmem:$0x2D48] =	vst v0  }
0x2aa: {  	[tilespmem:$0x2D38] =	vst v0  }
0x2ab: {  	[tilespmem:$0x2D28] =	vst v0  }
0x2ac: {  	[tilespmem:$0x2D18] =	vst v0  }
0x2ad: {  	[tilespmem:$0x2D08] =	vst v0  }
0x2ae: {  	[tilespmem:$0x2CF8] =	vst v0  }
0x2af: {  	[tilespmem:$0x2CE8] =	vst v0  }
0x2b0: {  	[tilespmem:$0x2CD8] =	vst v0  }
0x2b1: {  	[tilespmem:$0x2CC8] =	vst v0  }
0x2b2: {  	[tilespmem:$0x2CB8] =	vst v0  }
0x2b3: {  	[tilespmem:$0x2CA8] =	vst v0  }
0x2b4: {  	[tilespmem:$0x2C98] =	vst v0  }
0x2b5: {  	[tilespmem:$0x2C88] =	vst v0  }
0x2b6: {  	[tilespmem:$0x2C78] =	vst v0  }
0x2b7: {  	[tilespmem:$0x2C68] =	vst v0  }
0x2b8: {  	[tilespmem:$0x2C58] =	vst v0  }
0x2b9: {  	[tilespmem:$0x2C48] =	vst v0  }
0x2ba: {  	[tilespmem:$0x2C38] =	vst v0  }
0x2bb: {  	[tilespmem:$0x2C28] =	vst v0  }
0x2bc: {  	[tilespmem:$0x2C18] =	vst v0  }
0x2bd: {  	[tilespmem:$0x2C08] =	vst v0  }
0x2be: {  	[tilespmem:$0x2BF8] =	vst v0  }
0x2bf: {  	[tilespmem:$0x2BE8] =	vst v0  }
0x2c0: {  	[tilespmem:$0x2BD8] =	vst v0  }
0x2c1: {  	[tilespmem:$0x2BC8] =	vst v0  }
0x2c2: {  	[tilespmem:$0x2BB8] =	vst v0  }
0x2c3: {  	[tilespmem:$0x2BA8] =	vst v0  }
0x2c4: {  	[tilespmem:$0x2B98] =	vst v0  }
0x2c5: {  	[tilespmem:$0x2B88] =	vst v0  }
0x2c6: {  	[tilespmem:$0x2B78] =	vst v0  }
0x2c7: {  	[tilespmem:$0x2B68] =	vst v0  }
0x2c8: {  	[tilespmem:$0x2B58] =	vst v0  }
0x2c9: {  	[tilespmem:$0x2B48] =	vst v0  }
0x2ca: {  	[tilespmem:$0x2B38] =	vst v0  }
0x2cb: {  	[tilespmem:$0x2B28] =	vst v0  }
0x2cc: {  	[tilespmem:$0x2B18] =	vst v0  }
0x2cd: {  	[tilespmem:$0x2B08] =	vst v0  }
0x2ce: {  	[tilespmem:$0x2AF8] =	vst v0  }
0x2cf: {  	[tilespmem:$0x2AE8] =	vst v0  }
0x2d0: {  	[tilespmem:$0x2AD8] =	vst v0  }
0x2d1: {  	[tilespmem:$0x2AC8] =	vst v0  }
0x2d2: {  	[tilespmem:$0x2AB8] =	vst v0  }
0x2d3: {  	[tilespmem:$0x2AA8] =	vst v0  }
0x2d4: {  	[tilespmem:$0x2A98] =	vst v0  }
0x2d5: {  	[tilespmem:$0x2A88] =	vst v0  }
0x2d6: {  	[tilespmem:$0x2A78] =	vst v0  }
0x2d7: {  	[tilespmem:$0x2A68] =	vst v0  }
0x2d8: {  	[tilespmem:$0x2A58] =	vst v0  }
0x2d9: {  	[tilespmem:$0x2A48] =	vst v0  }
0x2da: {  	[tilespmem:$0x2A38] =	vst v0  }
0x2db: {  	[tilespmem:$0x2A28] =	vst v0  }
0x2dc: {  	[tilespmem:$0x2A18] =	vst v0  }
0x2dd: {  	[tilespmem:$0x2A08] =	vst v0  }
0x2de: {  	[tilespmem:$0x29F8] =	vst v0  }
0x2df: {  	[tilespmem:$0x29E8] =	vst v0  }
0x2e0: {  	[tilespmem:$0x29D8] =	vst v0  }
0x2e1: {  	[tilespmem:$0x29C8] =	vst v0  }
0x2e2: {  	[tilespmem:$0x29B8] =	vst v0  }
0x2e3: {  	[tilespmem:$0x29A8] =	vst v0  }
0x2e4: {  	[tilespmem:$0x2998] =	vst v0  }
0x2e5: {  	[tilespmem:$0x2988] =	vst v0  }
0x2e6: {  	[tilespmem:$0x2978] =	vst v0  }
0x2e7: {  	[tilespmem:$0x2968] =	vst v0  }
0x2e8: {  	[tilespmem:$0x2958] =	vst v0  }
0x2e9: {  	[tilespmem:$0x2948] =	vst v0  }
0x2ea: {  	[tilespmem:$0x2938] =	vst v0  }
0x2eb: {  	[tilespmem:$0x2928] =	vst v0  }
0x2ec: {  	[tilespmem:$0x2918] =	vst v0  }
0x2ed: {  	[tilespmem:$0x2908] =	vst v0  }
0x2ee: {  	[tilespmem:$0x28F8] =	vst v0  }
0x2ef: {  	[tilespmem:$0x28E8] =	vst v0  }
0x2f0: {  	[tilespmem:$0x28D8] =	vst v0  }
0x2f1: {  	[tilespmem:$0x28C8] =	vst v0  }
0x2f2: {  	[tilespmem:$0x28B8] =	vst v0  }
0x2f3: {  	[tilespmem:$0x28A8] =	vst v0  }
0x2f4: {  	[tilespmem:$0x2898] =	vst v0  }
0x2f5: {  	[tilespmem:$0x2888] =	vst v0  }
0x2f6: {  	[tilespmem:$0x2878] =	vst v0  }
0x2f7: {  	[tilespmem:$0x2868] =	vst v0  }
0x2f8: {  	[tilespmem:$0x2858] =	vst v0  }
0x2f9: {  	[tilespmem:$0x2848] =	vst v0  }
0x2fa: {  	[tilespmem:$0x2838] =	vst v0  }
0x2fb: {  	[tilespmem:$0x2828] =	vst v0  }
0x2fc: {  	[tilespmem:$0x2818] =	vst v0  }
0x2fd: {  	[tilespmem:$0x2808] =	vst v0  }
0x2fe: {  	[tilespmem:$0x27F8] =	vst v0  }
0x2ff: {  	[tilespmem:$0x27E8] =	vst v0  }
0x300: {  	[tilespmem:$0x27D8] =	vst v0  }
0x301: {  	[tilespmem:$0x27C8] =	vst v0  }
0x302: {  	[tilespmem:$0x27B8] =	vst v0  }
0x303: {  	[tilespmem:$0x27A8] =	vst v0  }
0x304: {  	[tilespmem:$0x2798] =	vst v0  }
0x305: {  	[tilespmem:$0x2788] =	vst v0  }
0x306: {  	[tilespmem:$0x2778] =	vst v0  }
0x307: {  	[tilespmem:$0x2768] =	vst v0  }
0x308: {  	[tilespmem:$0x2758] =	vst v0  }
0x309: {  	[tilespmem:$0x2748] =	vst v0  }
0x30a: {  	[tilespmem:$0x2738] =	vst v0  }
0x30b: {  	[tilespmem:$0x2728] =	vst v0  }
0x30c: {  	[tilespmem:$0x2718] =	vst v0  }
0x30d: {  	[tilespmem:$0x2708] =	vst v0  }
0x30e: {  	[tilespmem:$0x26F8] =	vst v0  }
0x30f: {  	[tilespmem:$0x26E8] =	vst v0  }
0x310: {  	[tilespmem:$0x26D8] =	vst v0  }
0x311: {  	[tilespmem:$0x26C8] =	vst v0  }
0x312: {  	[tilespmem:$0x26B8] =	vst v0  }
0x313: {  	[tilespmem:$0x26A8] =	vst v0  }
0x314: {  	[tilespmem:$0x2698] =	vst v0  }
0x315: {  	[tilespmem:$0x2688] =	vst v0  }
0x316: {  	[tilespmem:$0x2678] =	vst v0  }
0x317: {  	[tilespmem:$0x2668] =	vst v0  }
0x318: {  	[tilespmem:$0x2658] =	vst v0  }
0x319: {  	[tilespmem:$0x2648] =	vst v0  }
0x31a: {  	[tilespmem:$0x2638] =	vst v0  }
0x31b: {  	[tilespmem:$0x2628] =	vst v0  }
0x31c: {  	[tilespmem:$0x2618] =	vst v0  }
0x31d: {  	[tilespmem:$0x2608] =	vst v0  }
0x31e: {  	[tilespmem:$0x25F8] =	vst v0  }
0x31f: {  	[tilespmem:$0x25E8] =	vst v0  }
0x320: {  	[tilespmem:$0x25D8] =	vst v0  }
0x321: {  	[tilespmem:$0x25C8] =	vst v0  }
0x322: {  	[tilespmem:$0x25B8] =	vst v0  }
0x323: {  	[tilespmem:$0x25A8] =	vst v0  }
0x324: {  	[tilespmem:$0x2598] =	vst v0  }
0x325: {  	[tilespmem:$0x2588] =	vst v0  }
0x326: {  	[tilespmem:$0x2578] =	vst v0  }
0x327: {  	[tilespmem:$0x2568] =	vst v0  }
0x328: {  	[tilespmem:$0x2558] =	vst v0  }
0x329: {  	[tilespmem:$0x2548] =	vst v0  }
0x32a: {  	[tilespmem:$0x2538] =	vst v0  }
0x32b: {  	[tilespmem:$0x2528] =	vst v0  }
0x32c: {  	[tilespmem:$0x2518] =	vst v0  }
0x32d: {  	[tilespmem:$0x2508] =	vst v0  }
0x32e: {  	[tilespmem:$0x24F8] =	vst v0  }
0x32f: {  	[tilespmem:$0x24E8] =	vst v0  }
0x330: {  	[tilespmem:$0x24D8] =	vst v0  }
0x331: {  	[tilespmem:$0x24C8] =	vst v0  }
0x332: {  	[tilespmem:$0x24B8] =	vst v0  }
0x333: {  	[tilespmem:$0x24A8] =	vst v0  }
0x334: {  	[tilespmem:$0x2498] =	vst v0  }
0x335: {  	[tilespmem:$0x2488] =	vst v0  }
0x336: {  	[tilespmem:$0x2478] =	vst v0  }
0x337: {  	[tilespmem:$0x2468] =	vst v0  }
0x338: {  	[tilespmem:$0x2458] =	vst v0  }
0x339: {  	[tilespmem:$0x2448] =	vst v0  }
0x33a: {  	[tilespmem:$0x2438] =	vst v0  }
0x33b: {  	[tilespmem:$0x2428] =	vst v0  }
0x33c: {  	[tilespmem:$0x2418] =	vst v0  }
0x33d: {  	[tilespmem:$0x2408] =	vst v0  }
0x33e: {  	[tilespmem:$0x23F8] =	vst v0  }
0x33f: {  	[tilespmem:$0x23E8] =	vst v0  }
0x340: {  	[tilespmem:$0x23D8] =	vst v0  }
0x341: {  	[tilespmem:$0x23C8] =	vst v0  }
0x342: {  	[tilespmem:$0x23B8] =	vst v0  }
0x343: {  	[tilespmem:$0x23A8] =	vst v0  }
0x344: {  	[tilespmem:$0x2398] =	vst v0  }
0x345: {  	[tilespmem:$0x2388] =	vst v0  }
0x346: {  	[tilespmem:$0x2378] =	vst v0  }
0x347: {  	[tilespmem:$0x2368] =	vst v0  }
0x348: {  	[tilespmem:$0x2358] =	vst v0  }
0x349: {  	[tilespmem:$0x2348] =	vst v0  }
0x34a: {  	[tilespmem:$0x2338] =	vst v0  }
0x34b: {  	[tilespmem:$0x2328] =	vst v0  }
0x34c: {  	[tilespmem:$0x2318] =	vst v0  }
0x34d: {  	[tilespmem:$0x2308] =	vst v0  }
0x34e: {  	[tilespmem:$0x22F8] =	vst v0  }
0x34f: {  	[tilespmem:$0x22E8] =	vst v0  }
0x350: {  	[tilespmem:$0x22D8] =	vst v0  }
0x351: {  	[tilespmem:$0x22C8] =	vst v0  }
0x352: {  	[tilespmem:$0x22B8] =	vst v0  }
0x353: {  	[tilespmem:$0x22A8] =	vst v0  }
0x354: {  	[tilespmem:$0x2298] =	vst v0  }
0x355: {  	[tilespmem:$0x2288] =	vst v0  }
0x356: {  	[tilespmem:$0x2278] =	vst v0  }
0x357: {  	s8 =	stileid.u32;
	[tilespmem:$0x2268] =	vst v0  }
0x358: {  	s0 =	smul.u32 $0x8A, s8;
	[tilespmem:$0x2258] =	vst v0  }
0x359: {  	s3 =	smin.u32 s8, $0x6;
	[tilespmem:$0x2248] =	vst v0  }
0x35a: {  	[tilespmem:$0x2238] =	vst v0;
	s0 =	sadd.s32 s3, s0  }
0x35b: {  	p0 =	slt.u32 s8, $0x6;
	[tilespmem:$0x2208] =	vst v0;
	s3 =	simm.s32 $0xD080;
	s5 =	smul.u32 $0x180, s0  }
0x35c: {  	s3 =	simm.s32 @!p0 $0xCF00;
	[tilespmem:$0x2218] =	vst v0  }
0x35d: {  	[tilespmem:$0x21F8] =	vst v0;
	s0 =	sadd.s32 s3, s5  }
0x35e: {  	[tilespmem:$0x2188] =	vst v0;
	s6 =	smin.u32 s0, $0xCF850  }
0x35f: {  	[tilespmem:$0x21E8] =	vst v0;
	s0 =	ssub.s32 s6, s5  }
0x360: {  	s4 =	simm.s32 $0x2;
	[tilespmem:$0x21D8] =	vst v0;
	p0 =	sgt.s32 s0, $0x0  }
0x361: {  	s11 =	simm.s32 $0x7;
	s31 =	simm.s32 $0x8;
	[tilespmem:$0x21C8] =	vst v0;
	s0 =	simm.s32 @!p0 $0x0  }
0x362: {  	s15 =	simm.s32 $0x0;
	p1 =	por $0x0, $0x0;
	[tilespmem:$0x21B8] =	vst v0;
	s29 =	smulhi.u32 $0x2AAAAAAB, s0  }
0x363: {  	s16 =	simm.s32 $0xA;
	s20 =	simm.s32 $0x0;
	s17 =	simm.s32 $0x0;
	[tilespmem:$0x21A8] =	vst v0  }
0x364: {  	s19 =	simm.s32 $0x0;
	s9 =	sadd.s32 $0x64A00, s2;
	[tilespmem:$0x2198] =	vst v0;
	s30 =	sshrl.u32 s29, $0x6  }
0x365: {  	s10 =	sadd.s32 $0x204800, s2;
	[tilespmem:$0x2178] =	vst v0;
	[sflag:s4] =	ssyncpa.u1 $0x0;
	v0 =	vimm.s32 $0xFFFFFFFF;
	s7 =	smul.u32 $0x180, s30  }
.Ltmp7:
0x366: {  	[tilespmem:$0x6088] =	vst v0;
	[sflag:s11] =	ssyncpa.u1 $0x0;
	s11 =	simm.s32 $0x9;
	(pc) =	sbr.rel .LBB3_1-.Ltmp7, $4  }
0x367: {  	[sflag:s31] =	ssyncpa.u1 $0x0;
	p0 =	sne.s32 s0, s7;
	s0 =	simm.s32 $0x1  }
0x368: {  	s13 =	sshll.u32 s8, $0x6;
	[sflag:s11] =	ssyncpa.u1 $0x0;
	s0 =	simm.s32 @!p0 $0x0  }
0x369: {  	s3 =	sadd.s32 $0xFC0400, s2;
	s2 =	sadd.s32 $0xCB600, s2;
	s12 =	sadd.s32 s0, s30  }
0x36a: {  	v0 =	vlaneseq.u32;
	s18 =	smov.u32 s5;
	p0 =	por $0x1, $0x1;
	s14 =	sadd.s32 $0x1, s12  }
.LBB3_22:
0x36b: {  	s0 =	sshrl.u32 s29, $0x2  }
.LBB3_24:
0x36c: {  	_ =	swait.ge [sflag:s16], s0  }
0x36d: {  	s31 =	ssub.s32 $0x0, s0;
	v1 =	vmov s22;
	vm0 =	veq.s32 v0, $0x0;
	[sflag:s16] =	ssyncset.done $0x0  }
0x36e: {  	vm15 =	veq.s32 v0, $0x2;
	v1 =	vsel vm0, s28, v1;
	[sflag:s16] =	ssyncadd.s32 s31  }
0x36f: {  	v1 =	vsel vm15, s20, v1;
	[sflag:s16] =	ssyncpa.u1 $0x1  }
0x370: {  	[tilespmem:$0x6088] =	vst v1  }
.LBB3_25:
0x371: {  	s0 =	sadd.s32 $0x180, s18  }
0x372: {  	s4 =	smov.u32 s5;
	p2 =	slt.s32 s0, s6  }
0x373: {  	s4 =	smov.u32 @p2 s0;
	p2 =	sne.s32 s19, s14  }
.Ltmp8:
0x374: {  	_ = 	snop;
	(pc) =	sbr.rel @!p2 .LBB3_26-.Ltmp8, $4  }
0x375: {  	_ = 	snop  }
0x376: {  	s20 =	smov.u32 s17  }
0x377: {  	s31 =	sadd.s32 $0x1, s19;
	s17 =	smov.u32 s18;
	p0 =	por !p0, !p0  }
0x378: {  	p1 =	por !p1, !p1;
	s19 =	smov.u32 s31;
	s18 =	smov.u32 s4  }
.LBB3_1:
0x379: {  	p2 =	sge.u32 s19, s12  }
0x37a: {  	s0 =	smulhi.u32 @!p2 $0xAAAAAAAB, s19  }
0x37b: {  	s4 =	smov.u32 s18;
	p3 =	sgt.s32 @!p2 s18, $0xCF6D0  }
0x37c: {  	s7 =	sshra.s32 @!p2 s18, $0x1F;
	p3 =	por !p3, p2;
	s0 =	sshrl.u32 @!p2 s0, $0x1  }
0x37d: {  	s7 =	sand.u32 @!p2 s7, s18;
	s4 =	simm.s32 @p3 $0xCF6D0;
	s0 =	smul.u32 @!p2 $0x3, s0  }
0x37e: {  	s4 =	ssub.s32 @!p2 s4, s7  }
0x37f: {  	s22 =	sadd.s32 $0xFFFFFFFF, s19;
	s4 =	sadd.s32 @!p2 $0xFFF30930, s4;
	s0 =	ssub.s32 @!p2 s19, s0  }
0x380: {  	s7 =	sshll.u32 @!p2 s4, $0x2;
	p3 =	sgt.s32 @!p2 s4, $0x17F;
	s0 =	smul.u32 @!p2 $0x600, s0  }
0x381: {  	s21 =	sand.u32 @!p2 $0x7, s18;
	s4 =	ssub.s32 @!p2 $0x600, s7;
	p3 =	por !p3, p2  }
0x382: {  	s7 =	sshrl.u32 @!p2 s18, $0x3;
	s4 =	sshrl.u32 @!p2 s4, $0x2;
	s0 =	sshrl.u32 @!p2 s0, $0x2  }
0x383: {  	s7 =	sadd.s32 @!p2 s2, s7;
	s4 =	simm.s32 @!p3 $0x0;
	s0 =	sadd.s32 @!p2 $0x64B8, s0  }
0x384: {  	[tilespmem:s0], [sflag:$0x8] =	stream.linear.gather @!p2 [hbm4b:s7+s21], s4, $0x38;
	[tilespmem:$0x1EC38] =	vst v63  }
0x385: {  	p2 =	sge.u32 s22, s12  }
0x386: {  	p3 =	sgt.s32 @!p2 s17, $0xCF6D0  }
0x387: {  	s0 =	smov.u32 s17;
	s4 =	sshra.s32 @!p2 s17, $0x1F;
	p3 =	por !p3, p2  }
0x388: {  	s4 =	sand.u32 @!p2 s4, s17;
	s0 =	simm.s32 @p3 $0xCF6D0  }
0x389: {  	s0 =	ssub.s32 @!p2 s0, s4  }
0x38a: {  	s0 =	sadd.s32 @!p2 $0xFFF30930, s0  }
0x38b: {  	s4 =	sshll.u32 @!p2 s0, $0x2  }
0x38c: {  	p3 =	sgt.s32 @!p2 s0, $0x17F;
	s0 =	ssub.s32 @!p2 $0x600, s4  }
0x38d: {  	p3 =	por !p3, p2;
	s0 =	sshrl.u32 @!p2 s0, $0x2  }
0x38e: {  	s7 =	simm.s32 @!p2 $0x8;
	s4 =	sand.u32 @!p2 $0x1, s22;
	s0 =	simm.s32 @!p3 $0x0  }
0x38f: {  	s4 =	smul.u32 @!p2 $0x600, s4;
	_ =	swait.ge @!p2 [sflag:s7], s0  }
0x390: {  	s21 =	ssub.s32 @!p2 $0x0, s0;
	[sflag:s7] =	ssyncset.done @!p2 $0x0  }
0x391: {  	s4 =	sshrl.u32 @!p2 s4, $0x2;
	[sflag:s7] =	ssyncadd.s32 @!p2 s21;
	s7 =	sshrl.u32 @!p2 s17, $0x3  }
0x392: {  	s4 =	sadd.s32 @!p2 $0x6938, s4;
	s21 =	sand.u32 @!p2 $0x7, s17;
	s7 =	sadd.s32 @!p2 s9, s7  }
0x393: {  	[tilespmem:s4], [sflag:$0x9] =	stream.linear.gather @!p2 [hbm4b:s7+s21], s0, $0x38;
	[tilespmem:$0x1EC38] =	vst v63  }
0x394: {  	s21 =	ssub.s32 @!p2 $0xCF850, s17  }
0x395: {  	p3 =	slt.s32 @!p2 s21, $0x1  }
0x396: {  	p3 =	por p2, p3  }
.Ltmp9:
0x397: {  	_ = 	snop;
	(pc) =	sbr.rel @p3 .LBB3_7-.Ltmp9, $1  }
0x398: {  	_ =	sdelay $0x3  }
0x399: {  	s0 =	smulhi.u32 $0xAAAAAAAB, s22;
	_ =	sdelay $0x1  }
0x39a: {  	s0 =	sshrl.u32 s0, $0x1  }
0x39b: {  	s0 =	smul.u32 $0x3, s0;
	_ =	sdelay $0x1  }
0x39c: {  	s0 =	ssub.s32 s22, s0  }
0x39d: {  	s4 =	simm.s32 $0x1;
	s0 =	smul.u32 $0x600, s0  }
.Ltmp10:
0x39e: {  	s4 =	simm.s32 @!p0 $0x0;
	(pc) =	sbr.rel .LBB3_4-.Ltmp10, $4  }
0x39f: {  	s4 =	smul.u32 $0x30000, s4  }
0x3a0: {  	p3 =	slt.s32 @!p2 s21, $0x180;
	s0 =	sshrl.u32 s0, $0x2  }
0x3a1: {  	p2 =	por !p3, p2;
	s4 =	sshrl.u32 s4, $0x2;
	s0 =	sadd.s32 $0x64B8, s0  }
0x3a2: {  	s23 =	simm.s32 $0x0;
	s21 =	simm.s32 @p2 $0x180;
	s22 =	sadd.s32 $0x6C38, s4;
	v1 =	vmov s0  }
.LBB3_3:
0x3a3: {  	p2 =	sge.s32 s23, s21  }
.Ltmp11:
0x3a4: {  	_ = 	snop;
	(pc) =	sbr.rel @p2 .LBB3_7-.Ltmp11, $2  }
0x3a5: {  	_ =	sdelay $0x2  }
0x3a6: {  	s22 =	sadd.s32 $0x800, s22  }
.LBB3_4:
0x3a7: {  	p2 =	sle.s32 s21, s23  }
.Ltmp12:
0x3a8: {  	_ = 	snop;
	(pc) =	sbr.rel @p2 .LBB3_3-.Ltmp12, $2  }
0x3a9: {  	_ =	sdelay $0x2  }
0x3aa: {  	s24 =	smov.u32 s23;
	s23 =	sadd.s32 $0x10, s23  }
0x3ab: {  	s0 =	ssub.s32 s21, s24  }
0x3ac: {  	p2 =	slt.s32 s0, $0x10  }
0x3ad: {  	s0 =	simm.s32 @!p2 $0x10  }
0x3ae: {  	v2 =	vmov s0  }
0x3af: {  	vm0 =	vgt.s32 v2, v0;
	_ =	sdelay $0x5  }
0x3b0: {  	v2 =	vld.idx.msk [tilespmem:v1+s24+$0x0 ss:$0x1], vm0;
	_ =	sdelay $0x2  }
0x3b1: {  	p2 =	slt.s32 s23, s21;
	s0 =	smov.u32 s21  }
0x3b2: {  	s4 =	smov.u32 s22;
	s25 =	simm.s32 $0x0;
	s0 =	smov.u32 @p2 s23  }
.LBB3_6:
0x3b3: {  	(v2sf) =	vpush v2, s25;
	_ =	sdelay $0xc  }
0x3b4: {  	s25 =	sadd.s32 $0x1, s25  }
0x3b5: {  	s31 =	sadd.s32 s25, s24  }
0x3b6: {  	p2 =	slt.s32 s31, s0;
	s7 =	spop (v2sf)  }
.Ltmp13:
0x3b7: {  	s7 =	sshll.u32 s7, $0x4;
	(pc) =	sbr.rel @p2 .LBB3_6-.Ltmp13, $4  }
0x3b8: {  	s7 =	sand.u32 $0x1FFFFFF0, s7  }
0x3b9: {  	s7 =	sadd.s32 s10, s7  }
0x3ba: {  	[tilespmem:s4], [sflag:$0x7] =	stream.linear.gather [hbm4b:s7+s15], $0x20, $0x38;
	[tilespmem:$0x1EC38] =	vst v63  }
0x3bb: {  	s4 =	sadd.s32 $0x80, s4  }
.Ltmp14:
0x3bc: {  	_ = 	snop;
	(pc) =	sbr.rel .LBB3_3-.Ltmp14, $1  }
0x3bd: {  	_ =	sdelay $0x3  }
.LBB3_7:
0x3be: {  	p2 =	slt.u32 s19, $0x2  }
.Ltmp15:
0x3bf: {  	_ = 	snop;
	(pc) =	sbr.rel @p2 .LBB3_25-.Ltmp15, $1  }
0x3c0: {  	_ =	sdelay $0x3  }
0x3c1: {  	p2 =	sgt.s32 s20, $0xCF6D0;
	s0 =	smov.u32 s20  }
0x3c2: {  	s4 =	sshra.s32 s20, $0x1F;
	s7 =	ssub.s32 $0xCF850, s20;
	s0 =	simm.s32 @!p2 $0xCF6D0  }
0x3c3: {  	s4 =	sand.u32 s4, s20;
	p2 =	slt.s32 s7, $0x180;
	s21 =	smov.u32 s7  }
0x3c4: {  	s0 =	ssub.s32 s0, s4;
	s21 =	simm.s32 @!p2 $0x180  }
0x3c5: {  	s0 =	sadd.s32 $0xFFF30930, s0;
	s26 =	sshll.u32 s21, $0x5  }
0x3c6: {  	s8 =	simm.s32 $0x7;
	s29 =	sshll.u32 s0, $0x2;
	s4 =	sand.u32 $0x3FFFFFE0, s26  }
0x3c7: {  	p2 =	sgt.s32 s0, $0x17F;
	s30 =	ssub.s32 $0x600, s29;
	_ =	swait.ge [sflag:s8], s4  }
0x3c8: {  	s4 =	ssub.s32 $0x0, s4;
	[sflag:s8] =	ssyncset.done $0x0;
	s0 =	sshrl.u32 s30, $0x2  }
0x3c9: {  	[sflag:s8] =	ssyncadd.s32 s4;
	s0 =	simm.s32 @p2 $0x0  }
0x3ca: {  	_ =	swait.ge [sflag:s11], s0  }
0x3cb: {  	s0 =	ssub.s32 $0x0, s0;
	[sflag:s11] =	ssyncset.done $0x0  }
0x3cc: {  	[sflag:s11] =	ssyncadd.s32 s0  }
0x3cd: {  	v1 =	vld [tilespmem:$0x6088];
	_ =	sdelay $0x4  }
0x3ce: {  	(v2sf) =	vpush v1, $0x0  }
0x3cf: {  	(v2sf) =	vpush v1, $0x1  }
0x3d0: {  	(v2sf) =	vpush v1, $0x2;
	_ =	sdelay $0x3  }
0x3d1: {  	s0 =	sadd.s32 $0x180, s20  }
0x3d2: {  	p2 =	slt.s32 s6, s0  }
0x3d3: {  	s0 =	smov.u32 @p2 s6;
	p2 =	sgt.s32 s7, $0x0  }
0x3d4: {  	s24 =	ssub.s32 s0, s20;
	s7 =	simm.s32 @!p2 $0x0  }
0x3d5: {  	p2 =	slt.s32 s7, s24  }
0x3d6: {  	s24 =	smov.u32 @p2 s7  }
0x3d7: {  	s23 =	simm.s32 $0x1;
	p2 =	slt.s32 s24, $0x1  }
.Ltmp16:
0x3d8: {  	s23 =	simm.s32 @!p1 $0x0;
	(pc) =	sbr.rel @p2 .LBB3_12-.Ltmp16, $4  }
0x3d9: {  	s31 =	smul.u32 $0x600, s23  }
0x3da: {  	s25 =	spop (v2sf)  }
0x3db: {  	s0 =	sshrl.u32 s31, $0x2;
	s28 =	spop (v2sf)  }
0x3dc: {  	s21 =	sadd.s32 $0x6938, s0;
	s20 =	spop (v2sf)  }
0x3dd: {  	s0 =	smin.u32 s24, $0x10  }
0x3de: {  	v1 =	vmov s0  }
0x3df: {  	p3 =	sgt.s32 s24, $0x10;
	vm1 =	vgt.u32 v1, v0  }
.Ltmp17:
0x3e0: {  	_ = 	snop;
	(pc) =	sbr.rel @!p3 .LBB3_11-.Ltmp17, $2  }
0x3e1: {  	_ =	sdelay $0x2  }
0x3e2: {  	s26 =	simm.s32 $0x10;
	s29 =	sadd.s32 $0xFFFFFFF0, s24;
	s22 =	smov.u32 s21;
	vm0 =	vmmov vm1  }
.LBB3_10:
0x3e3: {  	s0 =	smin.u32 s29, $0x10;
	s26 =	sadd.s32 $0x10, s26;
	v1 =	vld.msk [tilespmem:s22+$0x0 ss:$0x1], vm1  }
0x3e4: {  	v2 =	vmov s0;
	p3 =	slt.s32 s26, s24  }
0x3e5: {  	vm1 =	vgt.u32 v2, v0  }
.Ltmp18:
0x3e6: {  	(pc) =	sbr.rel @p3 .LBB3_10-.Ltmp18, $3  }
0x3e7: {  	_ =	sdelay $0x1  }
0x3e8: {  	v1 =	vshll.u32 v1, $0x4  }
0x3e9: {  	s29 =	sadd.s32 $0xFFFFFFF0, s29;
	[tilespmem:s22+$0x0] =	vst.msk vm0, v1;
	s22 =	sadd.s32 $0x10, s22;
	vm0 =	vmmov vm1  }
.LBB3_11:
0x3ea: {  	_ =	sdelay $0x4  }
0x3eb: {  	v1 =	vld.msk [tilespmem:s22+$0x0 ss:$0x1], vm1;
	_ =	sdelay $0x4  }
0x3ec: {  	v1 =	vshll.u32 v1, $0x4  }
0x3ed: {  	[tilespmem:s22+$0x0] =	vst.msk vm0, v1  }
.LBB3_12:
0x3ee: {  	s0 =	sand.u32 $0x1, s19  }
0x3ef: {  	s0 =	smul.u32 $0x180, s0  }
0x3f0: {  	p3 =	sne.s32 s28, $0xFFFFFFFF  }
0x3f1: {  	v1 =	vld.msk @!p3 [tilespmem:s0+$0x6938], $0x1;
	_ =	sdelay $0x4  }
0x3f2: {  	(v2sf) =	vpush @!p3 v1, $0x0;
	_ =	sdelay $0xc  }
.Ltmp19:
0x3f3: {  	_ = 	snop;
	(pc) =	sbr.rel @p2 .LBB3_23-.Ltmp19, $4  }
0x3f4: {  	_ = 	snop  }
0x3f5: {  	s26 =	spop @!p3 (v2sf)  }
0x3f6: {  	s20 =	simm.s32 @!p3 $0x0;
	s22 =	smov.u32 s26  }
0x3f7: {  	[sflag:s16] =	ssyncpa.u1 $0x0;
	s26 =	smov.u32 @p3 s25;
	s22 =	smov.u32 @p3 s28  }
0x3f8: {  	v1 =	vld.msk [tilespmem:s21+$0x0], $0x1;
	_ =	sdelay $0x4  }
0x3f9: {  	(v2sf) =	vpush v1, $0x0;
	_ =	sdelay $0xe  }
0x3fa: {  	s0 =	smul.u32 $0x30000, s23;
	s30 =	spop (v2sf)  }
0x3fb: {  	s24 =	ssub.s32 $0x0, s24;
	p2 =	seq.s32 s26, s30  }
0x3fc: {  	s28 =	sadd.s32 $0x1, s24;
	s0 =	sshrl.u32 s0, $0x2;
	p3 =	sgt.s32 @!p2 s26, $0x0  }
0x3fd: {  	s23 =	sadd.s32 $0x6C48, s0;
	s0 =	smov.u32 s26;
	p3 =	por !p3, p2  }
0x3fe: {  	s0 =	simm.s32 @p3 $0x0;
	p3 =	seq.s32 s28, $0x0  }
.Ltmp20:
0x3ff: {  	_ = 	snop;
	(pc) =	sbr.rel @p3 .LBB3_15-.Ltmp20, $4  }
0x400: {  	_ = 	snop  }
0x401: {  	s25 =	simm.s32 $0x0;
	s31 =	simm.s32 @!p2 $0x1;
	s4 =	smin.u32 @!p2 s0, $0xC34FC  }
0x402: {  	s29 =	sadd.s32 $0x1, s21;
	s31 =	smov.u32 @p2 s25;
	s7 =	sand.u32 @!p2 $0xFFFF8, s4  }
0x403: {  	s0 =	simm.s32 @!p2 $0x3068;
	s4 =	sand.u32 @!p2 $0x7, s4;
	s7 =	sadd.s32 @!p2 s3, s7  }
.LBB3_14:
0x404: {  	s8 =	smov.u32 s31  }
0x405: {  	[tilespmem:s0], [sflag:$0x2] =	stream.linear.gather @!p2 [hbm4b:s7+s4], $0x20, $0x38;
	[tilespmem:$0x1EC38] =	vst v63  }
0x406: {  	s28 =	sadd.s32 $0x1, s28;
	s4 =	smov.u32 s30;
	v1 =	vld.msk [tilespmem:s29+$0x0], $0x1  }
0x407: {  	p3 =	seq.s32 s28, $0x0;
	_ =	sdelay $0x3  }
0x408: {  	(v2sf) =	vpush v1, $0x0;
	_ =	sdelay $0xe  }
0x409: {  	s30 =	spop (v2sf)  }
0x40a: {  	p2 =	seq.s32 s4, s30  }
0x40b: {  	p4 =	sgt.s32 @!p2 s4, $0x0;
	s0 =	sshll.u32 @!p2 s31, $0x7;
	s31 =	sadd.s32 @!p2 $0x1, s31  }
.Ltmp21:
0x40c: {  	p4 =	por !p4, p2;
	s0 =	sshra.s32 @!p2 s0, $0x2;
	(pc) =	sbr.rel @!p3 .LBB3_14-.Ltmp21, $4  }
0x40d: {  	s31 =	smov.u32 @p2 s8;
	s4 =	simm.s32 @p4 $0x0;
	s0 =	sadd.s32 @!p2 $0x3068, s0  }
0x40e: {  	s4 =	smin.u32 @!p2 s4, $0xC34FC  }
0x40f: {  	s7 =	sand.u32 @!p2 $0xFFFF8, s4;
	s4 =	sand.u32 @!p2 $0x7, s4  }
0x410: {  	s29 =	sadd.s32 $0x1, s29;
	s7 =	sadd.s32 @!p2 s3, s7  }
.LBB3_15:
0x411: {  	[tilespmem:s0], [sflag:$0x2] =	stream.linear.gather @!p2 [hbm4b:s7+s4], $0x20, $0x38;
	[tilespmem:$0x1EC38] =	vst v63  }
.Ltmp22:
0x412: {  	s30 =	sshll.u32 s31, $0x5;
	(pc) =	sbr.rel .LBB3_16-.Ltmp22, $4  }
0x413: {  	s31 =	simm.s32 $0x2;
	s0 =	sand.u32 $0x3FFFFFE0, s30  }
0x414: {  	_ =	swait.ge [sflag:s31], s0  }
0x415: {  	s0 =	ssub.s32 $0x0, s0;
	[sflag:s31] =	ssyncset.done $0x0  }
0x416: {  	s29 =	simm.s32 $0x0;
	[sflag:s31] =	ssyncadd.s32 s0  }
.LBB3_17:
0x417: {  	v1 =	vld [tilespmem:s23+$0xFFFFFFF0];
	_ =	sdelay $0x4  }
0x418: {  	[tilespmem:s0+$0x48] =	vst.add.f32.msk $0xffff, v1  }
0x419: {  	v1 =	vld [tilespmem:s23+$0x0];
	_ =	sdelay $0x4  }
0x41a: {  	[tilespmem:s0+$0x58] =	vst.add.f32.msk $0xffff, v1  }
.LBB3_21:
0x41b: {  	s24 =	sadd.s32 $0x1, s24  }
0x41c: {  	p2 =	seq.s32 s24, $0x0  }
.Ltmp23:
0x41d: {  	_ = 	snop;
	(pc) =	sbr.rel @p2 .LBB3_22-.Ltmp23, $2  }
0x41e: {  	_ =	sdelay $0x2  }
0x41f: {  	s23 =	sadd.s32 $0x80, s23;
	s21 =	sadd.s32 $0x1, s21;
	s26 =	smov.u32 s28  }
.LBB3_16:
0x420: {  	v1 =	vld.msk [tilespmem:s21+$0x0], $0x1;
	_ =	sdelay $0x4  }
0x421: {  	(v2sf) =	vpush v1, $0x0;
	_ =	sdelay $0xe  }
0x422: {  	s28 =	spop (v2sf)  }
0x423: {  	p2 =	sne.s32 s26, s28  }
.Ltmp24:
0x424: {  	_ = 	snop;
	(pc) =	sbr.rel @!p2 .LBB3_17-.Ltmp24, $3  }
0x425: {  	_ =	sdelay $0x1  }
0x426: {  	s0 =	sshll.u32 s20, $0x7  }
0x427: {  	s0 =	sshra.s32 s0, $0x2  }
0x428: {  	p2 =	seq.s32 s26, s22  }
.Ltmp25:
0x429: {  	_ = 	snop;
	(pc) =	sbr.rel @!p2 .LBB3_19-.Ltmp25, $1  }
0x42a: {  	_ =	sdelay $0x3  }
.Ltmp26:
0x42b: {  	s0 =	sadd.s32 $0x48, s0;
	(pc) =	sbr.rel .LBB3_20-.Ltmp26, $4  }
0x42c: {  	[spmem:s13] =	stream.linear.scatter [tilespmem:s0], [sflag:$0x1], $0x20, $0x38;
	[tilespmem:$0x1EC38] =	vst v63  }
0x42d: {  	_ =	swait.ge [sflag:s1], $0x20  }
0x42e: {  	[sflag:s1] =	ssyncset.done $0x0  }
0x42f: {  	[sflag:s1] =	ssyncadd.s32 $0xFFFFFFE0  }
.LBB3_19:
0x430: {  	s4 =	sshll.u32 s25, $0x7  }
0x431: {  	s4 =	sshra.s32 s4, $0x2  }
0x432: {  	v1 =	vld [tilespmem:s4+$0x3068];
	_ =	sdelay $0x4  }
0x433: {  	[tilespmem:s0+$0x48] =	vst.add.f32.msk $0xffff, v1  }
0x434: {  	v1 =	vld [tilespmem:s4+$0x3078];
	_ =	sdelay $0x2  }
0x435: {  	p2 =	sgt.u32 s26, $0xC34FC  }
0x436: {  	s4 =	sand.u32 @!p2 $0xFFFF8, s26  }
0x437: {  	s7 =	sadd.s32 $0x48, s0;
	[tilespmem:s0+$0x58] =	vst.add.f32.msk $0xffff, v1;
	s0 =	sadd.s32 @!p2 s3, s4;
	s4 =	sand.u32 @!p2 $0x7, s26  }
0x438: {  	[hbm4b:s0+s4] =	stream.linear.scatter @!p2 [tilespmem:s7], [sflag:$0xA], $0x20, $0x38;
	[tilespmem:$0x1EC38] =	vst v63  }
0x439: {  	s0 =	simm.s32 $0x0  }
0x43a: {  	s0 =	simm.s32 @!p2 $0x80  }
0x43b: {  	s29 =	sadd.s32 s0, s29  }
.LBB3_20:
0x43c: {  	s0 =	sadd.s32 $0x1, s20  }
0x43d: {  	s4 =	smulhi.u32 $0xAAAAAAAB, s0;
	_ =	sdelay $0x1  }
0x43e: {  	v1 =	vld [tilespmem:s23+$0xFFFFFFF0];
	s4 =	sshrl.u32 s4, $0x8  }
0x43f: {  	s4 =	smul.u32 $0x180, s4;
	_ =	sdelay $0x1  }
0x440: {  	s20 =	ssub.s32 s0, s4  }
0x441: {  	s0 =	sshll.u32 s20, $0x5  }
0x442: {  	[tilespmem:s0+$0x48] =	vst v1  }
0x443: {  	v1 =	vld [tilespmem:s23+$0x0]  }
.Ltmp27:
0x444: {  	_ = 	snop;
	(pc) =	sbr.rel .LBB3_21-.Ltmp27, $2  }
0x445: {  	_ =	sdelay $0x2  }
0x446: {  	s25 =	sadd.s32 $0x1, s25;
	[tilespmem:s0+$0x58] =	vst v1  }
.LBB3_23:
.Ltmp28:
0x447: {  	(pc) =	sbr.rel .LBB3_24-.Ltmp28, $4  }
0x448: {  	_ = 	snop  }
0x449: {  	s0 =	simm.s32 $0x2  }
0x44a: {  	_ =	swait.ge [sflag:s0], $0x0  }
0x44b: {  	s28 =	smov.u32 s26;
	[sflag:s0] =	ssyncset.done $0x0;
	s0 =	simm.s32 $0x0  }
.LBB3_26:
0x44c: {  	_ =	sfence.sel $0x180000  }
0x44d: {  	s0 =	simm.s32 $0x7;
	[bflag:$0x0] =	sbarrier.arrive $0xFFFF  }
0x44e: {  	s25 =	simm.s32 $0x8;
	[sflag:s0] =	ssyncpa.u1 $0x1  }
0x44f: {  	s26 =	simm.s32 $0x9;
	[sflag:s25] =	ssyncpa.u1 $0x1  }
0x450: {  	s28 =	simm.s32 $0x2;
	[sflag:s26] =	ssyncpa.u1 $0x1  }
0x451: {  	[sflag:s28] =	ssyncpa.u1 $0x1  }
0x452: {  	v0 =	vld [tilespmem:$0x6088];
	_ =	sdelay $0x4  }
0x453: {  	(v2sf) =	vpush v0, $0x0  }
0x454: {  	(v2sf) =	vpush v0, $0x1;
	_ =	sdelay $0x1  }
0x455: {  	(v2sf) =	vpush v0, $0x2;
	_ =	sdelay $0xb  }
0x456: {  	s0 =	spop (v2sf)  }
0x457: {  	s1 =	spop (v2sf)  }
0x458: {  	s2 =	smov.u32 s0;
	p0 =	sne.s32 s0, s1  }
0x459: {  	s4 =	spop (v2sf);
	s2 =	simm.s32 @!p0 $0xFFFFFFFF  }
0x45a: {  	v2 =	vimm.s32 $0x1;
	v3 =	vlaneseq.u32;
	p0 =	seq.s32 s4, $0xFFFFFFFF;
	v1 =	vmov s2  }
0x45b: {  	s7 =	stileid.u32;
	v0 =	vperm.xlane v0, v2;
	p1 =	sne.s32 @!p0 s0, s1;
	v1 =	vperm.xlane v1, v3  }
0x45c: {  	vm0 =	vcmask $0x3F04;
	s6 =	simm.s32 $0x6088;
	s0 =	simm.s32 @!p0 $0x1;
	p1 =	por !p1, p0  }
0x45d: {  	s2 =	sshll.u32 s7, $0x1;
	s1 =	sshll.u32 @!p0 s4, $0x7;
	s0 =	simm.s32 @p1 $0x0;
	v0 =	vsel vm0, v1, v0  }
0x45e: {  	s5 =	sor.u32 $0x400, s2;
	s1 =	sshra.s32 @!p0 s1, $0x2;
	s0 =	sor.u32 @!p0 s0, s2;
	[tilespmem:$0x6088] =	vst v0  }
0x45f: {  	[spmem:s5] =	stream.linear.scatter [tilespmem:s6], [sflag:$0x1], $0x2, $0x38;
	[tilespmem:$0x1EC38] =	vst v63  }
0x460: {  	s1 =	sadd.s32 @!p0 $0x48, s1;
	s0 =	sshll.u32 @!p0 s0, $0x5  }
0x461: {  	[spmem:s0] =	stream.linear.scatter @!p0 [tilespmem:s1], [sflag:$0x1], $0x20, $0x38;
	[tilespmem:$0x1EC38] =	vst v63  }
0x462: {  	s1 =	simm.s32 @!p0 $0x22  }
0x463: {  	s0 =	simm.s32 $0x1;
	s1 =	simm.s32 @p0 $0x2  }
0x464: {  	_ =	swait.ge [sflag:s0], s1  }
0x465: {  	s1 =	ssub.s32 $0x0, s1;
	[sflag:s0] =	ssyncset.done $0x0  }
0x466: {  	[sflag:s0] =	ssyncadd.s32 s1  }
0x467: {  	_ =	sfence.stream.spmem  }
0x468: {  	s29 =	simm.s32 $0x3;
	[bflag:$0x0] =	sbarrier.arrive $0xFFFF  }
0x469: {  	s30 =	simm.s32 $0x4;
	[sflag:s29] =	ssyncpa.u1 $0x1  }
0x46a: {  	s31 =	simm.s32 $0x3C;
	[sflag:s30] =	ssyncpa.u1 $0x1  }
0x46b: {  	p0 =	sne.s32 s7, $0x0;
	[sflag:s31] =	ssyncpa.u1 $0x1  }
0x46c: {  	_ =	sfence @p0  }
0x46d: {  	[sflag:s0] =	ssyncpa.u1 @p0 $0x1  }
0x46e: {  	_ =	strace @p0 $0x90000050  }
0x46f: {  	[bflag:$0x2] =	sbarrier.arrive @p0 $0xFFFF  }
0x470: {  	_ =	shalt @p0  }
.LBB3_27:
0x471: {  	_ =	sfence.stream.spmem;
	s0 =	simm.s32 $0x5  }
0x472: {  	s1 =	simm.s32 $0x400;
	s2 =	simm.s32 $0x6098;
	[sflag:s0] =	ssyncpa.u1 $0x0  }
0x473: {  	[tilespmem:s2], [sflag:$0x5] =	stream.linear.gather [spmem:s1], $0x20, $0x38;
	[tilespmem:$0x1EC38] =	vst v63  }
0x474: {  	s30 =	simm.s32 $0x60B8;
	s1 =	simm.s32 $0x0  }
0x475: {  	[tilespmem:s30], [sflag:$0x5] =	stream.linear.gather [spmem:s1], $0x400, $0x38;
	[tilespmem:$0x1EC38] =	vst v63  }
.Ltmp29:
0x476: {  	_ = 	snop;
	(pc) =	sbr.rel .LBB3_28-.Ltmp29, $4  }
0x477: {  	_ =	swait.ge [sflag:s0], $0x420  }
0x478: {  	[sflag:s0] =	ssyncset.done $0x0  }
0x479: {  	s31 =	simm.s32 $0x6;
	[sflag:s0] =	ssyncadd.s32 $0xFFFFFBE0  }
0x47a: {  	s2 =	simm.s32 $0x0;
	[sflag:s31] =	ssyncpa.u1 $0x0  }
.LBB3_34:
0x47b: {  	p0 =	slt.u32 s4, $0xC34FD  }
0x47c: {  	s0 =	sand.u32 @p0 $0xFFFF8, s4  }
0x47d: {  	s4 =	sand.u32 @p0 $0x7, s4;
	s5 =	simm.s32 @p0 $0x6068;
	s0 =	sadd.s32 @p0 s3, s0  }
0x47e: {  	[tilespmem:s5], [sflag:$0x6] =	stream.linear.gather @p0 [hbm4b:s0+s4], $0x20, $0x38;
	[tilespmem:$0x1EC38] =	vst v63  }
0x47f: {  	s0 =	simm.s32 @p0 $0x6  }
0x480: {  	_ =	swait.ge @p0 [sflag:s0], $0x20  }
0x481: {  	[sflag:s0] =	ssyncset.done @p0 $0x0  }
0x482: {  	[sflag:s0] =	ssyncadd.s32 @p0 $0xFFFFFFE0  }
0x483: {  	v1 =	vld @p0 [tilespmem:$0x6068];
	_ =	sdelay $0x2  }
0x484: {  	s0 =	sshll.u32 @p0 s2, $0x7  }
0x485: {  	s4 =	sshrl.u32 @p0 s0, $0x2  }
0x486: {  	[tilespmem:s4+$0x60B8] =	vst.add.f32.msk @p0 $0xffff, v1  }
0x487: {  	v1 =	vld @p0 [tilespmem:$0x6078];
	_ =	sdelay $0x3  }
0x488: {  	s5 =	sshll.u32 @!p0 s2, $0x7  }
0x489: {  	s5 =	smov.u32 @p0 s0;
	[tilespmem:s4+$0x60C8] =	vst.add.f32.msk @p0 $0xffff, v1  }
0x48a: {  	s0 =	sshrl.u32 s5, $0x2;
	[tilespmem:s1+$0x6098] =	vst.msk $0x1, v0  }
0x48b: {  	v0 =	vld [tilespmem:s0+$0x60B8];
	_ =	sdelay $0x2  }
0x48c: {  	s31 =	sshll.u32 s1, $0x7  }
0x48d: {  	s4 =	sshra.s32 s31, $0x2  }
0x48e: {  	[tilespmem:s4+$0x60B8] =	vst v0  }
0x48f: {  	v0 =	vld [tilespmem:s0+$0x60C8];
	_ =	sdelay $0x4  }
0x490: {  	s1 =	sadd.s32 $0x1, s1;
	[tilespmem:s4+$0x60C8] =	vst v0  }
.LBB3_35:
0x491: {  	s2 =	sadd.s32 $0x1, s2  }
0x492: {  	p0 =	sne.s32 s2, $0x20  }
.Ltmp30:
0x493: {  	_ = 	snop;
	(pc) =	sbr.rel @!p0 .LBB3_36-.Ltmp30, $1  }
0x494: {  	_ =	sdelay $0x3  }
.LBB3_28:
0x495: {  	v0 =	vld.msk [tilespmem:s2+$0x6098], $0x1;
	_ =	sdelay $0x4  }
0x496: {  	(v2sf) =	vpush v0, $0x0;
	_ =	sdelay $0xe  }
0x497: {  	s4 =	spop (v2sf)  }
0x498: {  	p0 =	seq.s32 s4, $0xFFFFFFFF  }
.Ltmp31:
0x499: {  	_ = 	snop;
	(pc) =	sbr.rel @p0 .LBB3_35-.Ltmp31, $1  }
0x49a: {  	_ =	sdelay $0x3  }
0x49b: {  	p0 =	slt.s32 s1, $0x1  }
.Ltmp32:
0x49c: {  	_ = 	snop;
	(pc) =	sbr.rel @p0 .LBB3_34-.Ltmp32, $1  }
0x49d: {  	_ =	sdelay $0x3  }
0x49e: {  	s5 =	simm.s32 $0x6098;
	p0 =	por $0x0, $0x0  }
0x49f: {  	v1 =	vld.msk @!p0 [tilespmem:s5+$0x0], $0x1;
	_ =	sdelay $0x4  }
0x4a0: {  	(v2sf) =	vpush @!p0 v1, $0x0;
	_ =	sdelay $0xd  }
0x4a1: {  	p2 =	sne.s32 s1, $0x1  }
.Ltmp33:
0x4a2: {  	s0 =	spop @!p0 (v2sf);
	(pc) =	sbr.rel @!p2 .LBB3_32-.Ltmp33, $4  }
0x4a3: {  	p1 =	seq.s32 @!p0 s4, s0  }
0x4a4: {  	s6 =	simm.s32 $0x0;
	p1 =	por !p1, p0  }
0x4a5: {  	s0 =	simm.s32 $0xFFFFFFFF;
	s6 =	simm.s32 @p1 $0xFFFFFFFF  }
0x4a6: {  	s7 =	simm.s32 $0x1;
	s6 =	smov.u32 @p0 s0  }
.LBB3_31:
0x4a7: {  	s0 =	smov.u32 s6;
	p0 =	sne.s32 s6, $0xFFFFFFFF  }
0x4a8: {  	s5 =	sadd.s32 $0x1, s5;
	s6 =	smov.u32 s7;
	s7 =	sadd.s32 $0x1, s7  }
0x4a9: {  	p1 =	sne.s32 s1, s7;
	v1 =	vld.msk @!p0 [tilespmem:s5+$0x0], $0x1;
	_ =	sdelay $0x4  }
0x4aa: {  	(v2sf) =	vpush @!p0 v1, $0x0;
	_ =	sdelay $0xe  }
.Ltmp34:
0x4ab: {  	s8 =	spop @!p0 (v2sf);
	(pc) =	sbr.rel @p1 .LBB3_31-.Ltmp34, $4  }
0x4ac: {  	p2 =	seq.s32 @!p0 s4, s8  }
0x4ad: {  	p2 =	por !p2, p0  }
0x4ae: {  	s6 =	simm.s32 @p2 $0xFFFFFFFF  }
0x4af: {  	s6 =	smov.u32 @p0 s0  }
.LBB3_32:
0x4b0: {  	p0 =	seq.s32 s6, $0xFFFFFFFF  }
.Ltmp35:
0x4b1: {  	_ = 	snop;
	(pc) =	sbr.rel @p0 .LBB3_34-.Ltmp35, $1  }
0x4b2: {  	_ =	sdelay $0x3  }
0x4b3: {  	s0 =	sshll.u32 s2, $0x5  }
0x4b4: {  	s0 =	sand.u32 $0x3FFFFFE0, s0  }
0x4b5: {  	v0 =	vld [tilespmem:s0+$0x60B8];
	_ =	sdelay $0x2  }
0x4b6: {  	s4 =	sshll.u32 s6, $0x7  }
0x4b7: {  	s4 =	sshra.s32 s4, $0x2  }
0x4b8: {  	[tilespmem:s4+$0x60B8] =	vst.add.f32.msk $0xffff, v0  }
0x4b9: {  	v0 =	vld [tilespmem:s0+$0x60C8]  }
.Ltmp36:
0x4ba: {  	_ = 	snop;
	(pc) =	sbr.rel .LBB3_35-.Ltmp36, $2  }
0x4bb: {  	_ =	sdelay $0x2  }
0x4bc: {  	[tilespmem:s4+$0x60C8] =	vst.add.f32.msk $0xffff, v0  }
.LBB3_36:
0x4bd: {  	p0 =	slt.s32 s1, $0x1  }
.Ltmp37:
0x4be: {  	_ = 	snop;
	(pc) =	sbr.rel @p0 .LBB3_40-.Ltmp37, $3  }
0x4bf: {  	_ =	sdelay $0x1  }
0x4c0: {  	s0 =	simm.s32 $0x6  }
0x4c1: {  	s2 =	simm.s32 $0x0;
	[sflag:s0] =	ssyncpa.u1 $0x1  }
0x4c2: {  	s0 =	simm.s32 $0x6098  }
0x4c3: {  	v0 =	vld.msk [tilespmem:s0+$0x0], $0x1;
	_ =	sdelay $0x4  }
0x4c4: {  	(v2sf) =	vpush v0, $0x0;
	_ =	sdelay $0xe  }
0x4c5: {  	s1 =	sadd.s32 $0xFFFFFFFF, s1;
	s0 =	spop (v2sf)  }
0x4c6: {  	p1 =	sne.s32 s1, $0x0;
	p0 =	sgt.u32 s0, $0xC34FC  }
.Ltmp38:
0x4c7: {  	s5 =	sand.u32 @!p0 $0xFFFF8, s0;
	(pc) =	sbr.rel @!p1 .LBB3_39-.Ltmp38, $4  }
0x4c8: {  	s4 =	simm.s32 $0x60B8;
	s0 =	sand.u32 @!p0 $0x7, s0;
	s5 =	sadd.s32 @!p0 s3, s5  }
0x4c9: {  	[hbm4b:s5+s0] =	stream.linear.scatter @!p0 [tilespmem:s4], [sflag:$0x5], $0x20, $0x38;
	[tilespmem:$0x1EC38] =	vst v63  }
0x4ca: {  	s0 =	simm.s32 $0x0  }
0x4cb: {  	s5 =	simm.s32 $0x6099;
	s0 =	simm.s32 @!p0 $0x80  }
.LBB3_38:
0x4cc: {  	v0 =	vld.msk [tilespmem:s5+$0x0], $0x1;
	s1 =	sadd.s32 $0xFFFFFFFF, s1;
	s2 =	sadd.s32 s2, s0  }
0x4cd: {  	p0 =	sne.s32 s1, $0x0;
	_ =	sdelay $0x3  }
0x4ce: {  	(v2sf) =	vpush v0, $0x0;
	_ =	sdelay $0xe  }
.Ltmp39:
0x4cf: {  	s6 =	spop (v2sf);
	(pc) =	sbr.rel @p0 .LBB3_38-.Ltmp39, $4  }
0x4d0: {  	s0 =	simm.s32 $0x0;
	p1 =	sgt.u32 s6, $0xC34FC  }
0x4d1: {  	s4 =	sadd.s32 $0x20, s4;
	s0 =	simm.s32 @!p1 $0x80;
	s7 =	sand.u32 @!p1 $0xFFFF8, s6  }
0x4d2: {  	s5 =	sadd.s32 $0x1, s5;
	s6 =	sand.u32 @!p1 $0x7, s6;
	s7 =	sadd.s32 @!p1 s3, s7  }
0x4d3: {  	[hbm4b:s7+s6] =	stream.linear.scatter @!p1 [tilespmem:s4], [sflag:$0x5], $0x20, $0x38;
	[tilespmem:$0x1EC38] =	vst v63  }
.LBB3_39:
0x4d4: {  	s0 =	sadd.s32 s2, s0  }
0x4d5: {  	s2 =	sshrl.u32 s0, $0x2  }
.LBB3_40:
0x4d6: {  	s0 =	simm.s32 $0x5  }
0x4d7: {  	_ =	swait.ge [sflag:s0], s2  }
0x4d8: {  	s1 =	ssub.s32 $0x0, s2;
	[sflag:s0] =	ssyncset.done $0x0  }
0x4d9: {  	[sflag:s0] =	ssyncadd.s32 s1  }
0x4da: {  	[sflag:s0] =	ssyncpa.u1 $0x1  }
0x4db: {  	s30 =	simm.s32 $0x1;
	_ =	sfence  }
0x4dc: {  	[sflag:s30] =	ssyncpa.u1 $0x1  }
0x4dd: {  	_ =	strace $0x90000050  }
0x4de: {  	[bflag:$0x2] =	sbarrier.arrive $0xFFFF  }
0x4df: {  	s31 =	rddreg [dreg:$0x1]  }
0x4e0: {  	s0 =	sadd.s32 $0x100000, s31  }
0x4e1: {  	[sflag:s0] =	ssyncadd.tile.s32 $0x1;
	_ =	shalt  }
.Lfunc_end3:
_tile_overlayer_lowered:
.L_overlay_start_3:
0x4e2: {  	(tag) =	ssettag $0x3  }
0x4e3: {  	s0 =	rddreg [dreg:$0x0];
	s2 =	stileid.u32  }
0x4e4: {  	s1 =	rddreg [dreg:$0x1];
	p0 =	sne.s32 s2, $0x0  }
0x4e5: {  	s3 =	rddreg [dreg:$0x2];
	[bflag:$0x3] =	sbarrier.arrive $0xFFFF;
	s2 =	simm.s32 @!p0 $0x1C01  }
0x4e6: {  	[timem:s3], [sflag:s2] =	dma.local @!p0 [hbm:s0], s1  }
0x4e7: {  	s0 =	simm.s32 @!p0 $0x1  }
0x4e8: {  	_ =	swait.ge @!p0 [sflag:s0], s1  }
0x4e9: {  	s1 =	ssub.s32 @!p0 $0x0, s1;
	[sflag:s0] =	ssyncset.done @!p0 $0x0  }
0x4ea: {  	[sflag:s0] =	ssyncadd.s32 @!p0 s1  }
0x4eb: {  	[bflag:$0x3] =	sbarrier.arrive $0xFFFF  }
0x4ec: {  	_ =	shalt  }

// kernel: scatter_offload_async_start.2
scs
__scs_entry_jumppad:
0x0: {  	(pc) =	sbr.rel $0x88, $3  }
0x1: {  	(tag) =	ssettag $0x0;
	lr =	simm.s32 $0x1  }
0x2: {  	[smem:$0x3F91] =	sst lr;
	_ =	strace $0xD0000000  }
0x3: {  	_ = 	snop  }
0x4: {  	_ = 	snop  }
0x5: {  	_ = 	snop  }
0x6: {  	_ = 	snop  }
0x7: {  	_ = 	snop  }
__scs_overlays_trampoline_lowered:
0x8: {  	[smem:$0x3FA0] =	sst s0  }
0x9: {  	[smem:$0x3FA1] =	sst s1  }
0xa: {  	[smem:$0x3FA2] =	sst s2  }
0xb: {  	[smem:$0x3FA3] =	sst s3  }
0xc: {  	[smem:$0x3FA4] =	sst s4  }
0xd: {  	[smem:$0x3FA5] =	sst s5  }
0xe: {  	[smem:$0x3FA6] =	sst s6  }
0xf: {  	[smem:$0x3FA7] =	sst s7  }
0x10: {  	[smem:$0x3FA8] =	sst s8  }
0x11: {  	[smem:$0x3FA9] =	sst s9;
	s0 =	simm.s32 @!p0 $0x0  }
0x12: {  	s1 =	sld [smem:$0x3F8F];
	s0 =	simm.s32 @p0 $0x1  }
0x13: {  	[smem:$0x3FAA] =	sst s0;
	s0 =	simm.s32 @!p1 $0x0  }
0x14: {  	s2 =	sld [smem:$0x3F8E];
	s0 =	simm.s32 @p1 $0x1  }
0x15: {  	[smem:$0x3FAB] =	sst s0;
	s0 =	simm.s32 @!p2 $0x0  }
0x16: {  	s3 =	sld [smem:$0x3FDB];
	s0 =	simm.s32 @p2 $0x1  }
0x17: {  	s4 =	simm.s32 $0x1BF5;
	[smem:$0x3FAD] =	sst s0  }
0x18: {  	s0 =	sld [smem:$0x3F90];
	_ =	swait.ge [sflag:s4], $0x0  }
0x19: {  	s7 =	sld [smem:$0x3F91]  }
0x1a: {  	s8 =	sadd.s32 $0xFFFFE003, lr  }
0x1b: {  	s9 =	sadd.s32 $0xFFFFFEF7, lr;
	s5 =	simm.s32 $0xFFFFFFFF;
	p2 =	slt.u32 s8, $0xFFFFF086  }
0x1c: {  	p1 =	slt.u32 s9, $0xF7A;
	s5 =	simm.s32 @!p2 $0x0  }
0x1d: {  	s5 =	simm.s32 @p1 $0x1;
	p0 =	seq.s32 s7, s2  }
0x1e: {  	s7 =	smul.u32 @!p0 $0xF7A, s2;
	p2 =	seq.s32 @!p0 s5, $0x0  }
0x1f: {  	s9 =	smul.u32 $0xF7A, s1;
	s8 =	simm.s32 @!p0 $0x1BF5;
	p2 =	por !p2, p0  }
0x20: {  	[sflag:s8] =	ssyncset.s32 @!p0 $0xFFFFF086;
	s6 =	sadd.s32 @!p0 s3, s7;
	s7 =	simm.s32 @!p0 $0x108  }
0x21: {  	s3 =	sadd.s32 s3, s9;
	s6 =	sadd.s32 @!p0 $0x88, s6;
	s7 =	simm.s32 @p2 $0x1082  }
0x22: {  	[simem:s7], [sflag:s8] =	dma.local @!p0 [hbm:s6], $0xF7A  }
0x23: {  	s9 =	sor.u32 $0xD0000000, s2;
	s6 =	simm.s32 $0x108;
	_ =	swait.ge @!p0 [sflag:s8], $0x0  }
0x24: {  	s3 =	sadd.s32 $0x88, s3;
	s6 =	simm.s32 @!p1 $0x1082;
	[sflag:s4] =	ssyncset.s32 $0xFFFFF086  }
0x25: {  	[simem:s6], [sflag:s4] =	dma.local [hbm:s3], $0xF7A  }
0x26: {  	[smem:$0x3F91] =	sst s1;
	(tag) =	ssettag s2;
	_ =	strace s9  }
0x27: {  	s1 =	sld [smem:$0x3FA1]  }
0x28: {  	s2 =	sld [smem:$0x3FA2]  }
0x29: {  	s4 =	sld [smem:$0x3FA4]  }
0x2a: {  	p0 =	seq.s32 s5, $0x0;
	s5 =	sld [smem:$0x3FA5]  }
0x2b: {  	s6 =	sld [smem:$0x3FA6]  }
0x2c: {  	s7 =	sld [smem:$0x3FA7]  }
0x2d: {  	s3 =	simm.s32 $0x108;
	s8 =	sld [smem:$0x3FA8]  }
0x2e: {  	s3 =	simm.s32 @!p0 $0x1082;
	s9 =	sld [smem:$0x3FA9]  }
0x2f: {  	lr =	sadd.s32 s0, s3;
	s0 =	sld [smem:$0x3FA0]  }
0x30: {  	s3 =	sld [smem:$0x3FA3]  }
0x31: {  	[smem:$0x3FAC] =	sst s10  }
0x32: {  	s10 =	sld [smem:$0x3FAA];
	_ =	sdelay $0x3  }
0x33: {  	p0 =	seq.s32 s10, $0x1;
	s10 =	sld [smem:$0x3FAC];
	_ =	sdelay $0x3  }
0x34: {  	[smem:$0x3FAC] =	sst s10  }
0x35: {  	s10 =	sld [smem:$0x3FAB];
	_ =	sdelay $0x3  }
0x36: {  	p1 =	seq.s32 s10, $0x1;
	s10 =	sld [smem:$0x3FAC];
	_ =	sdelay $0x3  }
0x37: {  	[smem:$0x3FAC] =	sst s10  }
0x38: {  	s10 =	sld [smem:$0x3FAD]  }
0x39: {  	_ = 	snop;
	(pc) =	sbr.ind lr, $3  }
0x3a: {  	_ = 	snop  }
0x3b: {  	_ = 	snop  }
0x3c: {  	p2 =	seq.s32 s10, $0x1;
	s10 =	sld [smem:$0x3FAC]  }
0x3d: {  	_ =	shalt  }
0x3e: {  	_ =	shalt  }
0x3f: {  	_ =	shalt  }
0x40: {  	_ =	shalt  }
0x41: {  	_ =	shalt  }
0x42: {  	_ =	shalt  }
0x43: {  	_ =	shalt  }
0x44: {  	_ =	shalt  }
0x45: {  	_ =	shalt  }
0x46: {  	_ =	shalt  }
0x47: {  	_ =	shalt  }
0x48: {  	_ =	shalt  }
0x49: {  	_ =	shalt  }
0x4a: {  	_ =	shalt  }
0x4b: {  	_ =	shalt  }
0x4c: {  	_ =	shalt  }
0x4d: {  	_ =	shalt  }
0x4e: {  	_ =	shalt  }
0x4f: {  	_ =	shalt  }
0x50: {  	_ =	shalt  }
0x51: {  	_ =	shalt  }
0x52: {  	_ =	shalt  }
0x53: {  	_ =	shalt  }
0x54: {  	_ =	shalt  }
0x55: {  	_ =	shalt  }
0x56: {  	_ =	shalt  }
0x57: {  	_ =	shalt  }
0x58: {  	_ =	shalt  }
0x59: {  	_ =	shalt  }
0x5a: {  	_ =	shalt  }
0x5b: {  	_ =	shalt  }
0x5c: {  	_ =	shalt  }
0x5d: {  	_ =	shalt  }
0x5e: {  	_ =	shalt  }
0x5f: {  	_ =	shalt  }
0x60: {  	_ =	shalt  }
0x61: {  	_ =	shalt  }
0x62: {  	_ =	shalt  }
0x63: {  	_ =	shalt  }
0x64: {  	_ =	shalt  }
0x65: {  	_ =	shalt  }
0x66: {  	_ =	shalt  }
0x67: {  	_ =	shalt  }
0x68: {  	_ =	shalt  }
0x69: {  	_ =	shalt  }
0x6a: {  	_ =	shalt  }
0x6b: {  	_ =	shalt  }
0x6c: {  	_ =	shalt  }
0x6d: {  	_ =	shalt  }
0x6e: {  	_ =	shalt  }
0x6f: {  	_ =	shalt  }
0x70: {  	_ =	shalt  }
0x71: {  	_ =	shalt  }
0x72: {  	_ =	shalt  }
0x73: {  	_ =	shalt  }
0x74: {  	_ =	shalt  }
0x75: {  	_ =	shalt  }
0x76: {  	_ =	shalt  }
0x77: {  	_ =	shalt  }
0x78: {  	_ =	shalt  }
0x79: {  	_ =	shalt  }
0x7a: {  	_ =	shalt  }
0x7b: {  	_ =	shalt  }
0x7c: {  	_ =	shalt  }
0x7d: {  	_ =	shalt  }
0x7e: {  	_ =	shalt  }
0x7f: {  	_ =	shalt  }
0x80: {  	_ =	shalt  }
0x81: {  	_ =	shalt  }
0x82: {  	_ =	shalt  }
0x83: {  	_ =	shalt  }
0x84: {  	_ =	shalt  }
0x85: {  	_ =	shalt  }
0x86: {  	_ =	shalt  }
0x87: {  	_ =	shalt  }
.Lfunc_end0:
.L_simem_size_0:
called_computation.2_lowered:
.L_overlay_start_0:
0x88: {  	s0 =	sld [smem:$0x3FD9]  }
0x89: {  	s1 =	sld [smem:$0x3FFE];
	_ =	sdelay $0x3  }
0x8a: {  	s0 =	sadd.s32 s1, s0  }
0x8b: {  	[smem:$0x3FB8] =	sst s0  }
0x8c: {  	_ = 	snop  }
0x8d: {  	(tm) =	ssettm $0x1  }
0x8e: {  	s14 =	sld [smem:$0x3FFB];
	_ =	sdelay $0x3  }
0x8f: {  	_ =	strace s14  }
0x90: {  	s0 =	sld [smem:$0x3FFC];
	_ =	sdelay $0x3  }
0x91: {  	_ =	strace s0  }
0x92: {  	s0 =	sld [smem:$0x3FFD];
	_ =	sdelay $0x3  }
0x93: {  	_ =	strace s0  }
0x94: {  	_ =	strace $0x8FFFFFFF  }
0x95: {  	s15 =	sld [smem:$0x3FDB];
	_ =	sdelay $0x1  }
0x96: {  	s16 =	simm.s32 $_scs_section_size  }
0x97: {  	s2 =	simm.s32 $_size__tile_overlayer_lowered;
	s3 =	simm.s32 $_tile_overlayer_lowered  }
0x98: {  	s4 =	simm.s32 $0x1BFF;
	s17 =	sshll.u32 s3, $0x1;
	s1 =	sadd.s32 s16, s15  }
0x99: {  	s18 =	simm.s32 $0x0;
	s2 =	sshll.u32 s2, $0x1;
	s3 =	sadd.s32 s17, s1  }
0x9a: {  	[timem:s18], [sflag:s4] =	dma.local [hbm:s3], s2  }
0x9b: {  	_ =	swait.ge [sflag:s4], s2  }
0x9c: {  	s2 =	ssub.s32 $0x0, s2;
	[sflag:s4] =	ssyncset.done $0x0  }
0x9d: {  	[sflag:s4] =	ssyncadd.s32 s2;
	_ =	sdelay $0x1  }
0x9e: {  	s19 =	simm.s32 $0x1B8B  }
0x9f: {  	_ =	swait.ge [sflag:s19], $0x1  }
0xa0: {  	[sflag:s19] =	ssyncset.done $0x0  }
0xa1: {  	s21 =	simm.s32 $0x1B8E;
	s20 =	sld [smem:$0x3FFE];
	[sflag:s19] =	ssyncadd.s32 $0xFFFFFFFF  }
0xa2: {  	s22 =	simm.s32 $execute0_lowered;
	[smem:$0x3FD2] =	sst s21  }
0xa3: {  	s3 =	sshll.u32 s22, $0x1;
	_ =	strace $0x80000052;
	[dreg:$0x1] =	wrdreg $0xFFFFFFFF  }
0xa4: {  	s23 =	simm.s32 $_size_execute0_lowered;
	s3 =	sadd.s32 s1, s3;
	[dreg:$0x0] =	wrdreg $0x0  }
0xa5: {  	s4 =	sshll.u32 s23, $0x1;
	[dreg:$0x2] =	wrdreg s3  }
0xa6: {  	[dreg:$0x3] =	wrdreg s4  }
0xa7: {  	[dreg:$0x4] =	wrdreg $0xC0  }
0xa8: {  	s24 =	simm.s32 $execute1_lowered;
	_ =	task [dreg:s18], $0x5FFFF  }
0xa9: {  	s3 =	sshll.u32 s24, $0x1;
	[dreg:$0x1] =	wrdreg $0xFFFFFFFF  }
0xaa: {  	s1 =	sadd.s32 s1, s3;
	[dreg:$0x0] =	wrdreg $0x60  }
0xab: {  	[dreg:$0x2] =	wrdreg s1  }
0xac: {  	[dreg:$0x3] =	wrdreg s20  }
0xad: {  	[dreg:$0x4] =	wrdreg $0x9  }
0xae: {  	_ =	task.clear_ibuf [dreg:s18], $0x5FFFF;
	_ =	strace $0x90000052  }
0xaf: {  	s25 =	simm.s32 $0x9;
	_ =	strace $0x80000054  }
0xb0: {  	_ =	swait.ge [sflag:s25], $0x1  }
0xb1: {  	[sflag:s25] =	ssyncadd.s32 $0xFFFFFFFF  }
0xb2: {  	_ =	strace $0x90000054  }
0xb3: {  	_ =	strace $0x80000055;
	[dreg:$0x1] =	wrdreg $0xFFFFFFFF  }
0xb4: {  	[dreg:$0x0] =	wrdreg $0x2030  }
0xb5: {  	[dreg:$0x2] =	wrdreg s20  }
0xb6: {  	[dreg:$0x3] =	wrdreg $0xA  }
0xb7: {  	_ =	task.clear_ibuf [dreg:s18], $0x4FFFF;
	_ =	strace $0x90000055  }
0xb8: {  	s26 =	simm.s32 $0xA;
	_ =	strace $0x80000057  }
0xb9: {  	_ =	swait.ge [sflag:s26], $0x1  }
0xba: {  	[sflag:s26] =	ssyncadd.s32 $0xFFFFFFFF  }
0xbb: {  	_ =	strace $0x90000057  }
0xbc: {  	_ =	sfence  }
0xbd: {  	s28 =	sld [smem:$0x0];
	_ =	sdelay $0x1  }
0xbe: {  	s29 =	srdreg.scid  }
0xbf: {  	s30 =	sshll.u32 s29, $0xD;
	s31 =	sshrl.u32 s29, $0x2  }
0xc0: {  	s2 =	sand.u32 $0x1, s29;
	s3 =	sand.u32 $0x4000, s30;
	s1 =	sadd.s32 s31, s28  }
0xc1: {  	s2 =	sor.u32 s3, s2;
	s1 =	sshll.u32 s1, $0x11  }
0xc2: {  	s1 =	sor.u32 s1, s2  }
0xc3: {  	s1 =	sadd.s32 $0x8F2B, s1  }
0xc4: {  	[sflag:s1] =	ssyncadd.remote.s32 $0x1  }
0xc5: {  	_ =	sfence.sel $0xFFFF  }
0xc6: {  	[dreg:$0x0] =	wrdreg $0xFFFFFFFF;
	(pc) =	sbr.abs _section_cstart, $3  }
0xc7: {  	[dreg:$0x1] =	wrdreg $0xFFFFFFFF  }
0xc8: {  	_ =	task.clear_ibuf [dreg:s18], $0x2FFFF;
	_ =	strace $0x9FFFFFFF  }
0xc9: {  	(tm) =	ssettm $0x7FFFFFFF  }
tec
execute0_lowered:
.L_overlay_start_1:
0x0: {  	(tag) =	ssettag $0x1  }
0x1: {  	s2 =	rddreg [dreg:$0x0]  }
0x2: {  	s4 =	rddreg [dreg:$0x1]  }
0x3: {  	s0 =	rddreg [dreg:$0x2];
	s3 =	stileid.u32  }
0x4: {  	[bflag:$0x3] =	sbarrier.arrive $0xFFFF;
	s1 =	simm.s32 $_size_execute1_lowered;
	p0 =	sne.s32 s3, $0x0  }
0x5: {  	s1 =	sshll.u32 s1, $0x1;
	s5 =	simm.s32 @!p0 $0x1C3F;
	s6 =	simm.s32 @!p0 $0x4060  }
0x6: {  	[timem:s6], [sflag:s5] =	dma.local @!p0 [hbm:s2], s1  }
0x7: {  	s2 =	smul.u32 $0xC40, s3  }
.Ltmp0:
0x8: {  	s31 =	simm.s32 $0x2;
	s7 =	simm.s32 $0xC40;
	(pc) =	sbr.rel .LBB2_1-.Ltmp0, $4  }
0x9: {  	s8 =	simm.s32 $0x24C0;
	s10 =	simm.s32 $0x0;
	s9 =	simm.s32 $0x0  }
0xa: {  	s3 =	simm.s32 $0x1;
	_ =	strace $0x80000053;
	s30 =	sshrl.u32 s2, $0x3  }
0xb: {  	s6 =	simm.s32 $0x0;
	[sflag:s3] =	ssyncpa.u1 $0x0;
	s5 =	sadd.s32 s30, s4  }
0xc: {  	s4 =	sadd.s32 $0x119600, s4;
	[sflag:s31] =	ssyncpa.u1 $0x0;
	s5 =	sadd.s32 $0x4D400, s5  }
.LBB2_9:
0xd: {  	p1 =	seq.s32 s9, $0x2  }
.Ltmp1:
0xe: {  	_ = 	snop;
	(pc) =	sbr.rel @p1 .LBB2_11-.Ltmp1, $1  }
0xf: {  	_ =	sdelay $0x3  }
.LBB2_10:
0x10: {  	s9 =	sadd.s32 $0x1, s9;
	s10 =	smov.u32 s2  }
.LBB2_1:
0x11: {  	p1 =	sne.s32 s9, $0x0  }
.Ltmp2:
0x12: {  	_ = 	snop;
	(pc) =	sbr.rel @!p1 .LBB2_2-.Ltmp2, $1  }
0x13: {  	_ =	sdelay $0x3  }
0x14: {  	s11 =	sand.u32 $0x1, s9  }
0x15: {  	p1 =	seq.s32 s11, $0x0  }
.Ltmp3:
0x16: {  	_ = 	snop;
	(pc) =	sbr.rel @p1 .LBB2_9-.Ltmp3, $1  }
0x17: {  	_ =	sdelay $0x3  }
0x18: {  	_ =	swait.ge [sflag:s3], $0xC40  }
0x19: {  	[sflag:s3] =	ssyncset.done $0x0  }
0x1a: {  	s16 =	simm.s32 $0xD30;
	[sflag:s3] =	ssyncadd.s32 $0xFFFFF3C0  }
0x1b: {  	v0 =	vld [tilespmem:s16+$0x0]  }
0x1c: {  	v1 =	vld [tilespmem:s16+$0xFFFFFF20]  }
0x1d: {  	v2 =	vld [tilespmem:s16+$0xFFFFFF30]  }
0x1e: {  	v3 =	vld [tilespmem:s16+$0xFFFFFF40]  }
0x1f: {  	s11 =	simm.s32 $0x25B0;
	v4 =	vld [tilespmem:s16+$0xFFFFFF50]  }
0x20: {  	v5 =	vld [tilespmem:s16+$0xFFFFFF60];
	[tilespmem:s11+$0x0] =	vst v0  }
0x21: {  	[tilespmem:s11+$0xFFFFFF20] =	vst v1;
	v0 =	vld [tilespmem:s16+$0xFFFFFF70]  }
0x22: {  	[tilespmem:s11+$0xFFFFFF30] =	vst v2;
	v1 =	vld [tilespmem:s16+$0xFFFFFF80]  }
0x23: {  	[tilespmem:s11+$0xFFFFFF40] =	vst v3;
	v2 =	vld [tilespmem:s16+$0xFFFFFF90]  }
0x24: {  	[tilespmem:s11+$0xFFFFFF50] =	vst v4;
	v3 =	vld [tilespmem:s16+$0xFFFFFFA0]  }
0x25: {  	[tilespmem:s11+$0xFFFFFF60] =	vst v5;
	v5 =	vld [tilespmem:s16+$0xFFFFFFB0]  }
0x26: {  	[tilespmem:s11+$0xFFFFFF70] =	vst v0;
	v0 =	vld [tilespmem:s16+$0xFFFFFFC0]  }
0x27: {  	[tilespmem:s11+$0xFFFFFF80] =	vst v1;
	v1 =	vld [tilespmem:s16+$0xFFFFFFD0]  }
0x28: {  	[tilespmem:s11+$0xFFFFFF90] =	vst v2;
	v2 =	vld [tilespmem:s16+$0xFFFFFFE0]  }
0x29: {  	s15 =	simm.s32 $0x0;
	s12 =	simm.s32 $0xBF0;
	[tilespmem:s11+$0xFFFFFFA0] =	vst v3;
	v3 =	vld [tilespmem:s16+$0xFFFFFFF0]  }
0x2a: {  	s13 =	simm.s32 $0x30C0;
	s14 =	simm.s32 $0x1840;
	v4 =	vld [tilespmem:s16+$0xFFFFFF10];
	[tilespmem:s11+$0xFFFFFFB0] =	vst v5;
	s16 =	simm.s32 $0xE30  }
.LBB2_5:
0x2b: {  	v5 =	vld [tilespmem:s16+$0x0];
	s15 =	sadd.s32 $0x100, s15;
	[tilespmem:s11+$0xFFFFFFC0] =	vst v0  }
0x2c: {  	v0 =	vld [tilespmem:s16+$0xFFFFFF20];
	p1 =	slt.u32 s15, $0xB00;
	[tilespmem:s11+$0xFFFFFFD0] =	vst v1  }
0x2d: {  	v1 =	vld [tilespmem:s16+$0xFFFFFF30];
	[tilespmem:s11+$0xFFFFFFE0] =	vst v2  }
0x2e: {  	v2 =	vld [tilespmem:s16+$0xFFFFFF40];
	[tilespmem:s11+$0xFFFFFFF0] =	vst v3  }
0x2f: {  	v3 =	vld [tilespmem:s16+$0xFFFFFF50];
	[tilespmem:s11+$0xFFFFFF10] =	vst v4;
	s11 =	sadd.s32 $0x100, s11  }
0x30: {  	v4 =	vld [tilespmem:s16+$0xFFFFFF60];
	[tilespmem:s11+$0x0] =	vst v5  }
0x31: {  	[tilespmem:s11+$0xFFFFFF20] =	vst v0;
	v0 =	vld [tilespmem:s16+$0xFFFFFF70]  }
0x32: {  	[tilespmem:s11+$0xFFFFFF30] =	vst v1;
	v1 =	vld [tilespmem:s16+$0xFFFFFF80]  }
0x33: {  	[tilespmem:s11+$0xFFFFFF40] =	vst v2;
	v2 =	vld [tilespmem:s16+$0xFFFFFF90]  }
0x34: {  	[tilespmem:s11+$0xFFFFFF50] =	vst v3;
	v3 =	vld [tilespmem:s16+$0xFFFFFFA0]  }
0x35: {  	[tilespmem:s11+$0xFFFFFF60] =	vst v4;
	v5 =	vld [tilespmem:s16+$0xFFFFFFB0]  }
.Ltmp4:
0x36: {  	[tilespmem:s11+$0xFFFFFF70] =	vst v0;
	v0 =	vld [tilespmem:s16+$0xFFFFFFC0];
	(pc) =	sbr.rel @p1 .LBB2_5-.Ltmp4, $4  }
0x37: {  	[tilespmem:s11+$0xFFFFFF80] =	vst v1;
	v1 =	vld [tilespmem:s16+$0xFFFFFFD0]  }
0x38: {  	[tilespmem:s11+$0xFFFFFF90] =	vst v2;
	v2 =	vld [tilespmem:s16+$0xFFFFFFE0]  }
0x39: {  	[tilespmem:s11+$0xFFFFFFA0] =	vst v3;
	v3 =	vld [tilespmem:s16+$0xFFFFFFF0]  }
0x3a: {  	v4 =	vld [tilespmem:s16+$0xFFFFFF10];
	[tilespmem:s11+$0xFFFFFFB0] =	vst v5;
	s16 =	sadd.s32 $0x100, s16  }
0x3b: {  	[tilespmem:s11+$0xFFFFFFC0] =	vst v0  }
0x3c: {  	[tilespmem:s11+$0xFFFFFFD0] =	vst v1  }
0x3d: {  	[tilespmem:s11+$0xFFFFFFE0] =	vst v2  }
0x3e: {  	[tilespmem:s11+$0xFFFFFFF0] =	vst v3  }
0x3f: {  	[tilespmem:s11+$0xFFFFFF10] =	vst v4  }
.LBB2_7:
0x40: {  	s12 =	sadd.s32 $0x10, s12  }
0x41: {  	v0 =	vld [tilespmem:s14+$0x0];
	p1 =	slt.u32 s12, $0xC30  }
.Ltmp5:
0x42: {  	_ = 	snop;
	(pc) =	sbr.rel @p1 .LBB2_7-.Ltmp5, $2  }
0x43: {  	_ =	sdelay $0x2  }
0x44: {  	s14 =	sadd.s32 $0x10, s14;
	[tilespmem:s13+$0x0] =	vst v0;
	s13 =	sadd.s32 $0x10, s13  }
.Ltmp6:
0x45: {  	(pc) =	sbr.rel .LBB2_9-.Ltmp6, $4  }
0x46: {  	_ = 	snop  }
0x47: {  	s10 =	sshrl.u32 s10, $0x3  }
0x48: {  	s10 =	sadd.s32 s4, s10  }
0x49: {  	[hbm4b:s10+s6] =	stream.linear.scatter [tilespmem:s8], [sflag:$0x2], $0xC40, $0x38;
	[tilespmem:$0x3100] =	vst v63  }
.LBB2_2:
.Ltmp7:
0x4a: {  	(pc) =	sbr.rel .LBB2_10-.Ltmp7, $2  }
0x4b: {  	_ =	sdelay $0x2  }
0x4c: {  	[tilespmem:s7], [sflag:$0x1] =	stream.linear.gather [hbm4b:s5+s6], $0xC40, $0x38;
	[tilespmem:$0x3100] =	vst v63  }
.LBB2_11:
0x4d: {  	s2 =	simm.s32 $0x2  }
0x4e: {  	_ =	swait.ge [sflag:s2], $0xC40  }
0x4f: {  	[sflag:s2] =	ssyncset.done $0x0  }
0x50: {  	[sflag:s2] =	ssyncadd.s32 $0xFFFFF3C0  }
0x51: {  	_ =	sfence.sel $0x180000  }
0x52: {  	s3 =	simm.s32 $0x1;
	[bflag:$0x0] =	sbarrier.arrive $0xFFFF  }
0x53: {  	[sflag:s3] =	ssyncpa.u1 $0x1  }
0x54: {  	[sflag:s2] =	ssyncpa.u1 $0x1  }
0x55: {  	_ =	strace $0x90000053  }
0x56: {  	s0 =	sadd.s32 @!p0 $0x100000, s0;
	[bflag:$0x2] =	sbarrier.arrive $0xFFFF  }
0x57: {  	[sflag:s0] =	ssyncadd.tile.s32 @!p0 $0x1;
	s0 =	simm.s32 @!p0 $0x3F  }
0x58: {  	_ =	swait.ge @!p0 [sflag:s0], s1  }
0x59: {  	s1 =	ssub.s32 @!p0 $0x0, s1;
	[sflag:s0] =	ssyncset.done @!p0 $0x0  }
0x5a: {  	[sflag:s0] =	ssyncadd.s32 @!p0 s1  }
0x5b: {  	[bflag:$0x3] =	sbarrier.arrive $0xFFFF  }
0x5c: {  	_ =	shalt  }
.Lfunc_end2:
execute1_lowered:
.L_overlay_start_2:
0x5d: {  	(tag) =	ssettag $0x2  }
0x5e: {  	s0 =	rddreg [dreg:$0x0]  }
0x5f: {  	s6 =	stileid.u32;
	_ =	strace $0x80000056;
	s2 =	simm.s32 $0x1  }
0x60: {  	v1 =	vimm.s32 $0xFFFFFFFF;
	s1 =	smul.u32 $0x7, s6;
	[sflag:s2] =	ssyncpa.u1 $0x0  }
0x61: {  	s3 =	smin.u32 s6, $0xD;
	[tilespmem:$0x10] =	vst v1  }
0x62: {  	v0 =	vimm.f32 $0.0e+00;
	[tilespmem:$0x20] =	vst v1;
	s1 =	sadd.s32 s3, s1  }
0x63: {  	p0 =	slt.u32 s6, $0xD;
	[tilespmem:$0x30] =	vst v0;
	s3 =	smul.u32 $0x1A90, s1;
	s1 =	simm.s32 $0xD480  }
0x64: {  	[tilespmem:$0x40] =	vst v0;
	s1 =	simm.s32 @!p0 $0xB9F0  }
0x65: {  	[tilespmem:$0x50] =	vst v0;
	s1 =	sadd.s32 s1, s3  }
0x66: {  	[tilespmem:$0x60] =	vst v1;
	s4 =	smin.u32 s1, $0xCF850  }
0x67: {  	s7 =	simm.s32 $0x2;
	[tilespmem:$0x70] =	vst v1;
	s9 =	ssub.s32 s4, s3  }
0x68: {  	s8 =	simm.s32 $0x8;
	s31 =	simm.s32 $0x9;
	[tilespmem:$0x80] =	vst v1;
	p0 =	sgt.s32 s9, $0x0  }
0x69: {  	s16 =	simm.s32 $0x0;
	s17 =	simm.s32 $0xF0;
	v1 =	vimm.s32 $0x0;
	[tilespmem:$0xB0] =	vst v0;
	s9 =	simm.s32 @!p0 $0x0  }
0x6a: {  	s18 =	simm.s32 $0xFFFFFFFF;
	s19 =	simm.s32 $0xFFFFCBE0;
	[tilespmem:$0x90] =	vst v1;
	s5 =	smulhi.u32 $0x134679AD, s9  }
0x6b: {  	s20 =	simm.s32 $0xFFFFFFFE;
	[tilespmem:$0xA0] =	vst v1;
	[sflag:s7] =	ssyncpa.u1 $0x0;
	s7 =	simm.s32 $0x7  }
0x6c: {  	s21 =	simm.s32 $0xF;
	[sflag:s7] =	ssyncpa.u1 $0x0;
	s10 =	sshrl.u32 s5, $0x9  }
0x6d: {  	s25 =	simm.s32 $0x0;
	[sflag:s8] =	ssyncpa.u1 $0x0;
	s11 =	smul.u32 $0x1A90, s10  }
0x6e: {  	s24 =	simm.s32 $0x0;
	s14 =	sshllo.u32 s6, $0x1;
	[sflag:s31] =	ssyncpa.u1 $0x0  }
.Ltmp8:
0x6f: {  	s1 =	sadd.s32 $0x119600, s0;
	p0 =	sne.s32 s9, s11;
	(pc) =	sbr.rel .LBB3_1-.Ltmp8, $4  }
0x70: {  	s5 =	sadd.s32 $0xE5600, s0;
	s0 =	sadd.s32 $0xFF600, s0;
	s2 =	simm.s32 @!p0 $0x0  }
0x71: {  	s23 =	smov.u32 s3;
	[dreg:$0x2] =	wrdreg s0;
	s9 =	sadd.s32 s2, s10  }
0x72: {  	vm0 =	vmmov $0xffff;
	v2 =	vlaneseq.u32;
	p0 =	por $0x0, $0x0;
	s10 =	sshll.u32 s6, $0x1;
	s11 =	sadd.s32 $0x1, s9  }
0x73: {  	vm1 =	vmxor vm1, vm1;
	vm2 =	vmmov $0x1;
	vm3 =	vcmask $0x3F3C;
	s12 =	sadd.s32 $0x2, s9;
	s13 =	sor.u32 $0x81, s10;
	s15 =	sor.u32 $0x80, s10  }
.LBB3_9:
0x74: {  	p1 =	slt.u32 s24, $0x3  }
0x75: {  	s0 =	simm.s32 @!p1 $0x2  }
0x76: {  	_ =	swait.ge @!p1 [sflag:s0], $0x1A90  }
0x77: {  	[sflag:s0] =	ssyncset.done @!p1 $0x0  }
0x78: {  	[sflag:s0] =	ssyncadd.s32 @!p1 $0xFFFFE570;
	s0 =	simm.s32 @!p1 $0x9  }
0x79: {  	_ =	swait.ge @!p1 [sflag:s0], $0x10  }
0x7a: {  	[sflag:s0] =	ssyncset.done @!p1 $0x0  }
0x7b: {  	[sflag:s0] =	ssyncadd.s32 @!p1 $0xFFFFFFF0;
	p1 =	sne.s32 s24, s12  }
.Ltmp9:
0x7c: {  	s2 =	sadd.s32 $0x1A90, s23;
	(pc) =	sbr.rel @!p1 .LBB3_10-.Ltmp9, $4  }
0x7d: {  	s6 =	smov.u32 s3;
	s31 =	sadd.s32 $0x1, s24;
	s17 =	sadd.s32 $0x1A90, s17  }
0x7e: {  	s18 =	sadd.s32 $0x1, s18;
	s25 =	smov.u32 s23;
	p2 =	slt.s32 s2, s4  }
0x7f: {  	p0 =	por !p0, !p0;
	s19 =	sadd.s32 $0x1A90, s19;
	s6 =	smov.u32 @p2 s2  }
0x80: {  	s20 =	sadd.s32 $0x1, s20;
	s23 =	smov.u32 s6;
	s24 =	smov.u32 s31  }
.LBB3_1:
0x81: {  	p1 =	sge.u32 s24, s9  }
0x82: {  	s0 =	smulhi.u32 @!p1 $0xAAAAAAAB, s24;
	_ =	sdelay $0x1  }
0x83: {  	s0 =	sshrl.u32 @!p1 s0, $0x1  }
0x84: {  	s0 =	smul.u32 @!p1 $0x3, s0;
	_ =	sdelay $0x1  }
0x85: {  	s0 =	ssub.s32 @!p1 s24, s0  }
0x86: {  	s0 =	smul.u32 @!p1 $0x6A40, s0;
	_ =	sdelay $0x1  }
0x87: {  	s2 =	sshrl.u32 @!p1 s23, $0x3;
	s0 =	sshrl.u32 @!p1 s0, $0x2  }
0x88: {  	s22 =	sand.u32 @!p1 $0x7, s23;
	s2 =	sadd.s32 @!p1 s5, s2;
	s0 =	sadd.s32 @!p1 $0x100, s0  }
0x89: {  	[tilespmem:s0], [sflag:$0x7] =	stream.linear.gather @!p1 [hbm4b:s2+s22], $0x1A90, $0x38;
	[tilespmem:$0xF030] =	vst v63  }
0x8a: {  	s0 =	sadd.s32 $0xFFFFFFFF, s24  }
0x8b: {  	p1 =	sge.u32 s0, s9  }
.Ltmp10:
0x8c: {  	_ = 	snop;
	(pc) =	sbr.rel @p1 .LBB3_5-.Ltmp10, $1  }
0x8d: {  	_ =	sdelay $0x3  }
0x8e: {  	s2 =	smulhi.u32 $0xAAAAAAAB, s0;
	_ =	sdelay $0x1  }
0x8f: {  	s2 =	sshrl.u32 s2, $0x1  }
0x90: {  	s2 =	smul.u32 $0x3, s2;
	_ =	sdelay $0x1  }
0x91: {  	s2 =	ssub.s32 s0, s2  }
0x92: {  	s2 =	smul.u32 $0x6A40, s2  }
0x93: {  	_ =	swait.ge [sflag:s7], $0x1A90  }
0x94: {  	[sflag:s7] =	ssyncset.done $0x0;
	s2 =	sshrl.u32 s2, $0x2  }
0x95: {  	[sflag:s7] =	ssyncadd.s32 $0xFFFFE570;
	(ifvalue) =	ssetifvalue $0xFFFFFFFF;
	v3 =	vld.msk [tilespmem:s2+$0x100 ss:$0x1], $0xffff;
	_ =	sdelay $0x2  }
0x96: {  	s30 =	smulhi.u32 $0xAAAAAAAB, s18;
	p1 =	sne.s32 s24, $0x1  }
0x97: {  	v4 =	vimm.s32 @!p1 $0x0  }
0x98: {  	s2 =	sshrl.u32 s30, $0x1;
	v4 =	vperm.xlane @!p1 v3, v4  }
0x99: {  	s22 =	sshll.u32 s24, $0x4;
	s2 =	smul.u32 $0xFFFEC140, s2;
	vm4 =	vlt.u32 v3, $0xC400  }
0x9a: {  	s22 =	sand.u32 $0x10, s22;
	v3 =	vnsel vm4, $0xFFFFFFFE, v3;
	vm4 =	vlt.u32 @!p1 v4, $0xC400  }
0x9b: {  	s2 =	sshra.s32 s2, $0x2;
	[tilespmem:s22+$0x60] =	vst v3;
	v3 =	vnsel @!p1 vm4, $0xFFFFFFFE, v4  }
0x9c: {  	s28 =	sadd.s32 s2, s17;
	[tilespmem:$0x80] =	vst @!p1 v3  }
0x9d: {  	v3 =	vld.msk [tilespmem:s28+$0x0 ss:$0x1], $0xffff;
	_ =	sdelay $0x4  }
0x9e: {  	(xrf1) =	vunique.msk.u32 $0xffff, v3;
	_ =	sdelay $0xd  }
0x9f: {  	v4 =	vimm.s32 $0xFFFFFFFF;
	v5, _, _ =	vpop (xrf1)  }
0xa0: {  	vm5 =	vne.s32 v3, v4;
	vm4 =	veq.s32 v5, v2  }
0xa1: {  	vm6 =	vlt.u32 v3, $0xC400;
	vm4 =	vmand vm5, vm4  }
0xa2: {  	vm4 =	vmand vm6, vm4  }
0xa3: {  	v4 =	vnsel vm4, $0xFFFFFFFF, v3  }
0xa4: {  	s31 =	sand.u32 $0x1, s0  }
0xa5: {  	s0 =	simm.s32 $0x1A90;
	p1 =	seq.s32 s31, $0x1  }
0xa6: {  	s0 =	simm.s32 @!p1 $0x0  }
0xa7: {  	s26 =	sadd.s32 $0x6B30, s0;
	(ifvalue) =	ssetifvalue $0xFFFFFFFF  }
0xa8: {  	v3 =	vperm.xlane v3, v1;
	[tilespmem:s26], [sflag:$0x8] =	stream.indirect_vreg.gather [hbm4b:s1+s16], $0x1, v4, vm0, $0x4038;
	v4 =	vnsel vm6, $0xFFFFFFFE, v4;
	[tilespmem:$0xF030] =	vst v63  }
0xa9: {  	s2 =	simm.s32 $0x0;
	s22 =	sadd.s32 $0xFFFFFFF0, s28;
	[tilespmem:s28+$0x0] =	vst v4  }
.LBB3_3:
0xaa: {  	v4 =	vld.msk [tilespmem:s22+$0x0 ss:$0x1], $0xffff;
	s2 =	sadd.s32 $0x10, s2;
	v5 =	vmov v3;
	s28 =	smov.u32 s22  }
0xab: {  	p1 =	slt.u32 s2, $0x1A80;
	_ =	sdelay $0x4  }
0xac: {  	v3 =	vperm.xlane v4, v1;
	(xrf1) =	vunique.msk.u32 $0xffff, v4;
	_ =	sdelay $0xd  }
0xad: {  	v6, _, _ =	vpop (xrf1)  }
0xae: {  	vm5 =	vne.s32 v4, v5;
	vm4 =	veq.s32 v6, v2  }
0xaf: {  	vm6 =	vlt.u32 v4, $0xC400;
	vm4 =	vmand vm5, vm4  }
0xb0: {  	vm4 =	vmand vm6, vm4  }
0xb1: {  	v4 =	vnsel vm4, $0xFFFFFFFF, v4  }
.Ltmp11:
0xb2: {  	v5 =	vnsel vm6, $0xFFFFFFFE, v4;
	(pc) =	sbr.rel @p1 .LBB3_3-.Ltmp11, $3  }
0xb3: {  	_ =	sdelay $0x1  }
0xb4: {  	s22 =	sadd.s32 $0xFFFFFFF0, s22;
	s26 =	sadd.s32 $0xFFFFFFF0, s26;
	(ifvalue) =	ssetifvalue $0xFFFFFFFF  }
0xb5: {  	[tilespmem:s26], [sflag:$0x8] =	stream.indirect_vreg.gather [hbm4b:s1+s16], $0x1, v4, vm0, $0x4038;
	[tilespmem:s28+$0x0] =	vst v5  }
0xb6: {  	s2 =	sshrl.u32 s25, $0x3;
	s6 =	rddreg [dreg:$0x2]  }
0xb7: {  	s0 =	sadd.s32 $0x85D0, s0;
	s2 =	sadd.s32 s6, s2  }
0xb8: {  	[tilespmem:s0], [sflag:$0x8] =	stream.linear.gather [hbm:s2], $0x1A90, $0x38;
	[tilespmem:$0xF030] =	vst v63  }
.LBB3_5:
0xb9: {  	p1 =	slt.u32 s24, $0x2  }
0xba: {  	p2 =	sge.u32 @!p1 s24, s12  }
0xbb: {  	p1 =	por p1, p2  }
.Ltmp12:
0xbc: {  	_ = 	snop;
	(pc) =	sbr.rel @p1 .LBB3_9-.Ltmp12, $1  }
0xbd: {  	_ =	sdelay $0x3  }
0xbe: {  	s0 =	sadd.s32 $0xFFFFFFFE, s24  }
0xbf: {  	s2 =	smulhi.u32 $0xAAAAAAAB, s0;
	_ =	sdelay $0x1  }
0xc0: {  	s2 =	sshrl.u32 s2, $0x1  }
0xc1: {  	s2 =	smul.u32 $0x3, s2;
	_ =	sdelay $0x1  }
0xc2: {  	s0 =	ssub.s32 s0, s2  }
0xc3: {  	_ =	swait.ge [sflag:s8], $0x3520;
	s0 =	smul.u32 $0x1A90, s0  }
0xc4: {  	p1 =	sne.s32 s24, s11;
	[sflag:s8] =	ssyncset.done $0x0  }
0xc5: {  	[sflag:s8] =	ssyncadd.s32 $0xFFFFCAE0;
	s2 =	sadd.s32 @!p1 $0x1B8F, s0  }
0xc6: {  	[spmem:s13] =	stream.linear.scatter @!p1 [tilespmem:s2], [sflag:$0x1], $0x1, $0x38;
	[tilespmem:$0xF030] =	vst v63  }
0xc7: {  	s2 =	simm.s32 @!p1 $0x1  }
0xc8: {  	_ =	swait.ge @!p1 [sflag:s2], $0x1  }
0xc9: {  	s22 =	sshll.u32 s24, $0x4;
	[sflag:s2] =	ssyncset.done @!p1 $0x0  }
0xca: {  	s25 =	sand.u32 $0x10, s22;
	[sflag:s2] =	ssyncadd.s32 @!p1 $0xFFFFFFFF  }
0xcb: {  	s2 =	sxor.u32 $0x10, s25;
	v4 =	vld [tilespmem:s25+$0x10]  }
0xcc: {  	v5 =	vld [tilespmem:s2+$0x60]  }
0xcd: {  	v3 =	vld [tilespmem:$0x80];
	_ =	sdelay $0x2  }
0xce: {  	(v2sf) =	vpush v4, $0x0  }
0xcf: {  	(v2sf) =	vpush v5, $0x0  }
0xd0: {  	(v2sf) =	vpush v3, $0x0;
	_ =	sdelay $0xc  }
0xd1: {  	s6 =	spop (v2sf)  }
0xd2: {  	s28 =	spop (v2sf)  }
0xd3: {  	s26 =	spop (v2sf)  }
0xd4: {  	p2 =	seq.s32 s6, s28;
	p3 =	seq.s32 s26, s6  }
0xd5: {  	p3 =	por p2, p3  }
0xd6: {  	s6 =	sand.u32 $0x1, s24;
	v4 =	vpsel p3, $0xFFFFFFFF, v4  }
0xd7: {  	s28 =	smul.u32 $0x1A90, s6;
	[tilespmem:s25+$0x10] =	vst.msk $0x1, v4  }
0xd8: {  	v4 =	vld [tilespmem:$0x30]  }
0xd9: {  	v5 =	vld [tilespmem:s28+$0x85D0]  }
0xda: {  	v6 =	vld [tilespmem:s25+$0x40];
	_ =	sdelay $0x3  }
0xdb: {  	vm4 =	vmmov vm1;
	v5 =	vadd.f32 v5, v4  }
0xdc: {  	vm5 =	vmmov vm2;
	vm4 =	vmmov @p2 vm2;
	v4 =	vadd.f32 v6, v4  }
0xdd: {  	s22 =	sshll.u32 s6, $0x4;
	vm5 =	vmmov @p3 vm1;
	[tilespmem:s28+$0x85D0] =	vst.msk vm4, v5  }
0xde: {  	[tilespmem:s22+$0xF010] =	vst.msk vm5, v4  }
0xdf: {  	v4 =	vld [tilespmem:s28+$0x6B30];
	_ =	sdelay $0x3  }
0xe0: {  	v5 =	vimm.f32 $0.0e+00  }
0xe1: {  	v4 =	vshift.insert v4, v5, s21  }
0xe2: {  	s29 =	sor.u32 $0x40, s2  }
0xe3: {  	[tilespmem:s29+$0x0] =	vst.msk $0x1, v4  }
0xe4: {  	[tilespmem:s28+$0x6B3F] =	vst.msk $0x1, v5  }
0xe5: {  	v4 =	vld [tilespmem:s0+$0x1B80];
	_ =	sdelay $0x1  }
0xe6: {  	s29 =	smulhi.u32 $0xAAAAAAAB, s20;
	s0 =	simm.s32 $0x1  }
0xe7: {  	s0 =	simm.s32 @!p0 $0x0  }
0xe8: {  	s29 =	sshrl.u32 s29, $0x1;
	s0 =	smul.u32 $0x6A40, s0  }
0xe9: {  	s29 =	smul.u32 $0xFFFEC140, s29;
	v4 =	vshift.insert v4, v1, s21  }
0xea: {  	s0 =	sshrl.u32 s0, $0x2  }
0xeb: {  	s29 =	sshra.s32 s29, $0x2;
	s30 =	sadd.s32 $0x85D0, s0;
	[tilespmem:s2+$0x10] =	vst.msk $0x1, v4  }
0xec: {  	s6 =	sadd.s32 s29, s19;
	v6 =	vld [tilespmem:s30+$0x0]  }
0xed: {  	v7 =	vld [tilespmem:s6+$0x0];
	_ =	sdelay $0x3  }
0xee: {  	v5 =	vadd.f32 v6, v5  }
0xef: {  	vm4 =	vne.s32 v7, $0xFFFFFFFF  }
0xf0: {  	(xrf2) =	vadd.seg.scan.f32 vm4, v5;
	_ =	sdelay $0x3  }
0xf1: {  	s31 =	sadd.s32 $0x50B0, s0;
	v5 =	vperm.xlane v4, v1  }
0xf2: {  	v6 =	vld [tilespmem:s31+$0x0]  }
0xf3: {  	vm5 =	veq.s32 v7, v3;
	vm6 =	veq.s32 v7, v5  }
0xf4: {  	vm7 =	vgt.u32 v7, $0xFFFFFFFD;
	vm6 =	vmor vm6, vm5  }
0xf5: {  	vm6 =	vmor vm6, vm7  }
0xf6: {  	v9 =	vld [tilespmem:$0xA0];
	v7 =	vsel vm6, $0xFFFFFFFF, v7  }
0xf7: {  	v10 =	vld [tilespmem:$0x90];
	v6 =	vsel vm5, $0x0, v6;
	v8, _, _ =	vpop (xrf2)  }
0xf8: {  	v6 =	vadd.f32 v8, v6  }
0xf9: {  	s0 =	sadd.s32 $0xBAF0, s0  }
0xfa: {  	vm4 =	vmand vm4, vm3;
	[tilespmem:s0+$0x0] =	vst v6;
	(ifvalue) =	ssetifvalue $0xFFFFFFFF  }
0xfb: {  	vm6 =	veq.s32 v9, $0x1;
	[hbm4b:s1+s16] =	stream.indirect_vreg.scatter [tilespmem:s0], [sflag:$0x2], $0x1, v7, vm0, $0x4038;
	v7 =	vsel vm4, $0x0, v8;
	[tilespmem:$0xF030] =	vst v63  }
0xfc: {  	s29 =	sadd.s32 $0xF010, s22;
	s22 =	sadd.s32 $0x10, s6;
	s2 =	simm.s32 $0x0;
	vm4 =	vmor vm6, vm5;
	v6 =	vsel vm5, v8, v10;
	v7 =	vshift.insert v7, v0, s21  }
.LBB3_7:
0xfd: {  	v8 =	vld [tilespmem:s22+$0x0];
	s30 =	sadd.s32 $0x10, s30  }
0xfe: {  	s31 =	sadd.s32 $0x10, s31;
	v9 =	vld [tilespmem:s30+$0x0]  }
0xff: {  	s2 =	sadd.s32 $0x10, s2;
	v10 =	vld [tilespmem:s31+$0x0]  }
0x100: {  	p2 =	slt.u32 s2, $0x1A80;
	_ =	sdelay $0x2  }
0x101: {  	v7 =	vadd.f32 v9, v7  }
0x102: {  	vm5 =	vne.s32 v8, $0xFFFFFFFF  }
0x103: {  	vm6 =	vmand vm5, vm3;
	(xrf2) =	vadd.seg.scan.f32 vm5, v7;
	_ =	sdelay $0x5  }
0x104: {  	vm7 =	veq.s32 v8, v5;
	vm5 =	veq.s32 v8, v3  }
0x105: {  	vm8 =	vgt.u32 v8, $0xFFFFFFFD;
	vm4 =	vmor vm4, vm5;
	vm7 =	vmor vm7, vm5  }
0x106: {  	vm7 =	vmor vm7, vm8  }
0x107: {  	v8 =	vsel vm7, $0xFFFFFFFF, v8  }
.Ltmp13:
0x108: {  	v7 =	vsel vm5, $0x0, v10;
	v9, _, _ =	vpop (xrf2);
	(pc) =	sbr.rel @p2 .LBB3_7-.Ltmp13, $4  }
0x109: {  	v6 =	vsel vm5, v9, v6;
	v10 =	vadd.f32 v9, v7;
	v7 =	vsel vm6, $0x0, v9  }
0x10a: {  	s0 =	sadd.s32 $0x10, s0;
	v7 =	vshift.insert v7, v0, s21  }
0x10b: {  	s22 =	sadd.s32 $0x10, s22;
	[tilespmem:s0+$0x0] =	vst v10;
	(ifvalue) =	ssetifvalue $0xFFFFFFFF  }
0x10c: {  	[hbm4b:s1+s16] =	stream.indirect_vreg.scatter [tilespmem:s0], [sflag:$0x2], $0x1, v8, vm0, $0x4038;
	[tilespmem:$0xF030] =	vst v63  }
0x10d: {  	v3 =	vld [tilespmem:s28+$0xD570];
	_ =	sdelay $0x4  }
0x10e: {  	v3 =	vshift.insert v3, v0, s21  }
0x10f: {  	s0 =	simm.s32 $0x30  }
0x110: {  	[tilespmem:s0+$0x0] =	vst.msk $0x1, v3  }
0x111: {  	v3 =	vsel vm4, $0x1, v1;
	[tilespmem:$0x90] =	vst v6  }
0x112: {  	s0 =	sadd.s32 @!p1 $0xD57F, s28;
	[tilespmem:$0xA0] =	vst v3  }
0x113: {  	[spmem:s14] =	stream.linear.scatter @!p1 [tilespmem:s0], [sflag:$0x1], $0x1, $0x38;
	[tilespmem:$0xF030] =	vst v63  }
0x114: {  	s0 =	simm.s32 @!p1 $0x1  }
0x115: {  	v3 =	vmctz.xlane @!p1 vm4;
	_ =	swait.ge @!p1 [sflag:s0], $0x1  }
0x116: {  	(v2sf) =	vpush @!p1 v4, $0x0  }
0x117: {  	(v2sf) =	vpush @!p1 v3, $0x0;
	_ =	sdelay $0xd  }
0x118: {  	s2 =	spop @!p1 (v2sf)  }
0x119: {  	s6 =	spop @!p1 (v2sf)  }
0x11a: {  	p2 =	sne.s32 @!p1 s26, s2;
	p3 =	slt.s32 @!p1 s6, $0xF  }
0x11b: {  	[sflag:s0] =	ssyncset.done @!p1 $0x0;
	p2 =	por p2, p1;
	p3 =	por !p3, p1  }
0x11c: {  	[sflag:s0] =	ssyncadd.s32 @!p1 $0xFFFFFFFF;
	v3 =	vimm.s32 @!p2 $0xFFFFFFFF;
	s6 =	simm.s32 @p3 $0xF  }
0x11d: {  	[tilespmem:$0x80] =	vst @!p2 v3;
	s2 =	sadd.s32 @!p1 $0x90, s6  }
0x11e: {  	[spmem:s10] =	stream.linear.scatter @!p1 [tilespmem:s2], [sflag:$0x1], $0x1, $0x38;
	[tilespmem:$0xF030] =	vst v63  }
0x11f: {  	_ =	swait.ge @!p1 [sflag:s0], $0x1  }
0x120: {  	[sflag:s0] =	ssyncset.done @!p1 $0x0  }
0x121: {  	s2 =	simm.s32 @!p1 $0x80;
	[sflag:s0] =	ssyncadd.s32 @!p1 $0xFFFFFFFF  }
0x122: {  	[spmem:s15] =	stream.linear.scatter @!p1 [tilespmem:s2], [sflag:$0x1], $0x1, $0x38;
	[tilespmem:$0xF030] =	vst v63  }
0x123: {  	_ =	swait.ge @!p1 [sflag:s0], $0x1  }
0x124: {  	[sflag:s0] =	ssyncset.done @!p1 $0x0  }
0x125: {  	[sflag:s0] =	ssyncadd.s32 @!p1 $0xFFFFFFFF;
	(ifvalue) =	ssetifvalue $0xFFFFFFFF;
	v3 =	vld [tilespmem:s25+$0x10];
	_ =	sdelay $0x3  }
.Ltmp14:
0x126: {  	_ = 	snop;
	(pc) =	sbr.rel .LBB3_9-.Ltmp14, $3  }
0x127: {  	_ =	sdelay $0x1  }
0x128: {  	(ifvalue) =	ssetifvalue $0xFFFFFFFF  }
0x129: {  	[hbm4b:s1+s16] =	stream.indirect_vreg.scatter [tilespmem:s29], [sflag:$0x9], $0x1, v3, vm0, $0x4038;
	[tilespmem:$0xF030] =	vst v63  }
.LBB3_10:
0x12a: {  	_ =	sfence.sel $0x180000  }
0x12b: {  	s0 =	simm.s32 $0x7;
	[bflag:$0x0] =	sbarrier.arrive $0xFFFF  }
0x12c: {  	s26 =	simm.s32 $0x8;
	[sflag:s0] =	ssyncpa.u1 $0x1  }
0x12d: {  	s28 =	simm.s32 $0x9;
	[sflag:s26] =	ssyncpa.u1 $0x1  }
0x12e: {  	[sflag:s28] =	ssyncpa.u1 $0x1  }
0x12f: {  	_ =	sfence.stream.spmem  }
0x130: {  	s29 =	simm.s32 $0x3;
	[bflag:$0x0] =	sbarrier.arrive $0xFFFF  }
0x131: {  	s30 =	simm.s32 $0x4;
	[sflag:s29] =	ssyncpa.u1 $0x1  }
0x132: {  	s31 =	simm.s32 $0x3C;
	s2 =	stileid.u32;
	[sflag:s30] =	ssyncpa.u1 $0x1  }
0x133: {  	p0 =	sne.s32 s2, $0x0;
	[sflag:s31] =	ssyncpa.u1 $0x1  }
0x134: {  	s0 =	simm.s32 @p0 $0x1;
	_ =	sfence @p0  }
0x135: {  	[sflag:s0] =	ssyncpa.u1 @p0 $0x1;
	s0 =	simm.s32 @p0 $0x2  }
0x136: {  	[sflag:s0] =	ssyncpa.u1 @p0 $0x1  }
0x137: {  	_ =	strace @p0 $0x90000056  }
0x138: {  	[bflag:$0x2] =	sbarrier.arrive @p0 $0xFFFF  }
0x139: {  	_ =	shalt @p0  }
.LBB3_11:
0x13a: {  	_ =	sfence.stream.spmem;
	s0 =	simm.s32 $0x5  }
0x13b: {  	s2 =	simm.s32 $0x80;
	s3 =	simm.s32 $0xC0;
	[sflag:s0] =	ssyncpa.u1 $0x0  }
0x13c: {  	[tilespmem:s3], [sflag:$0x5] =	stream.linear.gather [spmem:s2], $0x20, $0x38;
	[tilespmem:$0xF030] =	vst v63  }
0x13d: {  	s2 =	simm.s32 $0x0;
	s3 =	simm.s32 $0xE0  }
0x13e: {  	[tilespmem:s3], [sflag:$0x5] =	stream.linear.gather [spmem:s2], $0x20, $0x38;
	[tilespmem:$0xF030] =	vst v63  }
.Ltmp15:
0x13f: {  	_ = 	snop;
	(pc) =	sbr.rel .LBB3_12-.Ltmp15, $4  }
0x140: {  	_ =	swait.ge [sflag:s0], $0x40  }
0x141: {  	[sflag:s0] =	ssyncset.done $0x0  }
0x142: {  	s31 =	simm.s32 $0x6;
	[sflag:s0] =	ssyncadd.s32 $0xFFFFFFC0  }
0x143: {  	s4 =	simm.s32 $0x0;
	[sflag:s31] =	ssyncpa.u1 $0x0  }
.LBB3_17:
0x144: {  	p0 =	sgt.u32 s5, $0xC3FF  }
0x145: {  	s0 =	sshrl.u32 @!p0 s5, $0x3  }
0x146: {  	s5 =	sand.u32 @!p0 $0x7, s5;
	s6 =	simm.s32 @!p0 $0xB0;
	s0 =	sadd.s32 @!p0 s1, s0  }
0x147: {  	[tilespmem:s6], [sflag:$0x6] =	stream.linear.gather @!p0 [hbm4b:s0+s5], $0x1, $0x38;
	[tilespmem:$0xF030] =	vst v63  }
0x148: {  	s0 =	simm.s32 @!p0 $0x6  }
0x149: {  	_ =	swait.ge @!p0 [sflag:s0], $0x1  }
0x14a: {  	[sflag:s0] =	ssyncset.done @!p0 $0x0  }
0x14b: {  	[sflag:s0] =	ssyncadd.s32 @!p0 $0xFFFFFFFF  }
0x14c: {  	v2 =	vmov @!p0 s4;
	v1 =	vld.msk @!p0 [tilespmem:$0xB0], $0x1;
	_ =	sdelay $0x3  }
0x14d: {  	s0 =	simm.s32 @!p0 $0xE0  }
0x14e: {  	[tilespmem:v2+s0+$0x0], v1 =	vst.idx.ret.add.f32.msk @!p0 $0x1, v1  }
0x14f: {  	[tilespmem:s2+$0xC0] =	vst.msk $0x1, v0  }
0x150: {  	v0 =	vld.msk [tilespmem:s4+$0xE0], $0x1;
	_ =	sdelay $0x4  }
0x151: {  	[tilespmem:s2+$0xE0] =	vst.msk $0x1, v0;
	s2 =	sadd.s32 $0x1, s2  }
.LBB3_19:
0x152: {  	s4 =	sadd.s32 $0x1, s4  }
0x153: {  	p0 =	sne.s32 s4, $0x20  }
.Ltmp16:
0x154: {  	_ = 	snop;
	(pc) =	sbr.rel @!p0 .LBB3_20-.Ltmp16, $1  }
0x155: {  	_ =	sdelay $0x3  }
.LBB3_12:
0x156: {  	v0 =	vld.msk [tilespmem:s4+$0xC0], $0x1;
	_ =	sdelay $0x4  }
0x157: {  	(v2sf) =	vpush v0, $0x0;
	_ =	sdelay $0xe  }
0x158: {  	s5 =	spop (v2sf)  }
0x159: {  	p0 =	seq.s32 s5, $0xFFFFFFFF  }
.Ltmp17:
0x15a: {  	_ = 	snop;
	(pc) =	sbr.rel @p0 .LBB3_19-.Ltmp17, $1  }
0x15b: {  	_ =	sdelay $0x3  }
0x15c: {  	p0 =	slt.s32 s2, $0x1  }
.Ltmp18:
0x15d: {  	_ = 	snop;
	(pc) =	sbr.rel @p0 .LBB3_17-.Ltmp18, $1  }
0x15e: {  	_ =	sdelay $0x3  }
0x15f: {  	s0 =	simm.s32 $0xC0;
	p0 =	por $0x0, $0x0  }
0x160: {  	v1 =	vld.msk @!p0 [tilespmem:s0+$0x0], $0x1;
	_ =	sdelay $0x4  }
0x161: {  	(v2sf) =	vpush @!p0 v1, $0x0;
	_ =	sdelay $0xd  }
0x162: {  	p2 =	sne.s32 s2, $0x1  }
.Ltmp19:
0x163: {  	s6 =	spop @!p0 (v2sf);
	(pc) =	sbr.rel @!p2 .LBB3_16-.Ltmp19, $4  }
0x164: {  	p1 =	seq.s32 @!p0 s5, s6  }
0x165: {  	s6 =	simm.s32 $0x0;
	p1 =	por !p1, p0  }
0x166: {  	s8 =	simm.s32 $0xFFFFFFFF;
	s6 =	simm.s32 @p1 $0xFFFFFFFF  }
0x167: {  	s7 =	simm.s32 $0x1;
	s6 =	smov.u32 @p0 s8  }
.LBB3_15:
0x168: {  	s8 =	smov.u32 s6;
	p0 =	sne.s32 s6, $0xFFFFFFFF  }
0x169: {  	s0 =	sadd.s32 $0x1, s0;
	s6 =	smov.u32 s7;
	s7 =	sadd.s32 $0x1, s7  }
0x16a: {  	p1 =	sne.s32 s2, s7;
	v1 =	vld.msk @!p0 [tilespmem:s0+$0x0], $0x1;
	_ =	sdelay $0x4  }
0x16b: {  	(v2sf) =	vpush @!p0 v1, $0x0;
	_ =	sdelay $0xe  }
.Ltmp20:
0x16c: {  	s9 =	spop @!p0 (v2sf);
	(pc) =	sbr.rel @p1 .LBB3_15-.Ltmp20, $4  }
0x16d: {  	p2 =	seq.s32 @!p0 s5, s9  }
0x16e: {  	p2 =	por !p2, p0  }
0x16f: {  	s6 =	simm.s32 @p2 $0xFFFFFFFF  }
0x170: {  	s6 =	smov.u32 @p0 s8  }
.LBB3_16:
0x171: {  	p0 =	sne.s32 s6, $0xFFFFFFFF  }
.Ltmp21:
0x172: {  	_ = 	snop;
	(pc) =	sbr.rel @!p0 .LBB3_17-.Ltmp21, $1  }
0x173: {  	_ =	sdelay $0x3  }
0x174: {  	v0 =	vld.msk [tilespmem:s4+$0xE0], $0x1;
	v1 =	vmov s6  }
.Ltmp22:
0x175: {  	_ = 	snop;
	(pc) =	sbr.rel .LBB3_19-.Ltmp22, $2  }
0x176: {  	_ =	sdelay $0x2  }
0x177: {  	[tilespmem:v1+s3+$0x0], v0 =	vst.idx.ret.add.f32.msk $0x1, v0  }
.LBB3_20:
0x178: {  	p0 =	slt.s32 s2, $0x1  }
.Ltmp23:
0x179: {  	_ = 	snop;
	(pc) =	sbr.rel @p0 .LBB3_24-.Ltmp23, $3  }
0x17a: {  	_ =	sdelay $0x1  }
0x17b: {  	s0 =	simm.s32 $0x6  }
0x17c: {  	s3 =	simm.s32 $0x0;
	[sflag:s0] =	ssyncpa.u1 $0x1  }
0x17d: {  	s0 =	simm.s32 $0xC0  }
0x17e: {  	v0 =	vld.msk [tilespmem:s0+$0x0], $0x1;
	_ =	sdelay $0x4  }
0x17f: {  	(v2sf) =	vpush v0, $0x0;
	_ =	sdelay $0xe  }
0x180: {  	s2 =	sadd.s32 $0xFFFFFFFF, s2;
	s4 =	spop (v2sf)  }
0x181: {  	p1 =	sne.s32 s2, $0x0;
	p0 =	sgt.u32 s4, $0xC3FF  }
.Ltmp24:
0x182: {  	s5 =	sshrl.u32 @!p0 s4, $0x3;
	(pc) =	sbr.rel @!p1 .LBB3_23-.Ltmp24, $4  }
0x183: {  	s0 =	simm.s32 $0xE0;
	s4 =	sand.u32 @!p0 $0x7, s4;
	s5 =	sadd.s32 @!p0 s1, s5  }
0x184: {  	[hbm4b:s5+s4] =	stream.linear.scatter @!p0 [tilespmem:s0], [sflag:$0x5], $0x1, $0x38;
	[tilespmem:$0xF030] =	vst v63  }
0x185: {  	s5 =	simm.s32 $0x0  }
0x186: {  	s4 =	simm.s32 $0xC1;
	s5 =	simm.s32 @!p0 $0x4  }
.LBB3_22:
0x187: {  	v0 =	vld.msk [tilespmem:s4+$0x0], $0x1;
	s2 =	sadd.s32 $0xFFFFFFFF, s2;
	s3 =	sadd.s32 s3, s5  }
0x188: {  	p0 =	sne.s32 s2, $0x0;
	_ =	sdelay $0x3  }
0x189: {  	(v2sf) =	vpush v0, $0x0;
	_ =	sdelay $0xe  }
.Ltmp25:
0x18a: {  	s6 =	spop (v2sf);
	(pc) =	sbr.rel @p0 .LBB3_22-.Ltmp25, $4  }
0x18b: {  	s5 =	simm.s32 $0x0;
	p1 =	sgt.u32 s6, $0xC3FF  }
0x18c: {  	s0 =	sadd.s32 $0x1, s0;
	s5 =	simm.s32 @!p1 $0x4;
	s7 =	sshrl.u32 @!p1 s6, $0x3  }
0x18d: {  	s4 =	sadd.s32 $0x1, s4;
	s6 =	sand.u32 @!p1 $0x7, s6;
	s7 =	sadd.s32 @!p1 s1, s7  }
0x18e: {  	[hbm4b:s7+s6] =	stream.linear.scatter @!p1 [tilespmem:s0], [sflag:$0x5], $0x1, $0x38;
	[tilespmem:$0xF030] =	vst v63  }
.LBB3_23:
0x18f: {  	s0 =	sadd.s32 s3, s5  }
0x190: {  	s3 =	sshrl.u32 s0, $0x2  }
.LBB3_24:
0x191: {  	s0 =	simm.s32 $0x5  }
0x192: {  	_ =	swait.ge [sflag:s0], s3  }
0x193: {  	s1 =	ssub.s32 $0x0, s3;
	[sflag:s0] =	ssyncset.done $0x0  }
0x194: {  	[sflag:s0] =	ssyncadd.s32 s1  }
0x195: {  	[sflag:s0] =	ssyncpa.u1 $0x1  }
0x196: {  	s29 =	simm.s32 $0x1;
	_ =	sfence  }
0x197: {  	s30 =	simm.s32 $0x2;
	[sflag:s29] =	ssyncpa.u1 $0x1  }
0x198: {  	[sflag:s30] =	ssyncpa.u1 $0x1  }
0x199: {  	_ =	strace $0x90000056  }
0x19a: {  	[bflag:$0x2] =	sbarrier.arrive $0xFFFF  }
0x19b: {  	s31 =	rddreg [dreg:$0x1]  }
0x19c: {  	s0 =	sadd.s32 $0x100000, s31  }
0x19d: {  	[sflag:s0] =	ssyncadd.tile.s32 $0x1;
	_ =	shalt  }
.Lfunc_end3:
_tile_overlayer_lowered:
.L_overlay_start_3:
0x19e: {  	(tag) =	ssettag $0x3  }
0x19f: {  	s0 =	rddreg [dreg:$0x0];
	s2 =	stileid.u32  }
0x1a0: {  	s1 =	rddreg [dreg:$0x1];
	p0 =	sne.s32 s2, $0x0  }
0x1a1: {  	s3 =	rddreg [dreg:$0x2];
	[bflag:$0x3] =	sbarrier.arrive $0xFFFF;
	s2 =	simm.s32 @!p0 $0x1C01  }
0x1a2: {  	[timem:s3], [sflag:s2] =	dma.local @!p0 [hbm:s0], s1  }
0x1a3: {  	s0 =	simm.s32 @!p0 $0x1  }
0x1a4: {  	_ =	swait.ge @!p0 [sflag:s0], s1  }
0x1a5: {  	s1 =	ssub.s32 @!p0 $0x0, s1;
	[sflag:s0] =	ssyncset.done @!p0 $0x0  }
0x1a6: {  	[sflag:s0] =	ssyncadd.s32 @!p0 s1  }
0x1a7: {  	[bflag:$0x3] =	sbarrier.arrive $0xFFFF  }
0x1a8: {  	_ =	shalt  }

// kernel: scatter_offload_async_start.3
scs
__scs_entry_jumppad:
0x0: {  	(pc) =	sbr.rel $0x88, $3  }
0x1: {  	(tag) =	ssettag $0x0;
	lr =	simm.s32 $0x1  }
0x2: {  	[smem:$0x3F91] =	sst lr;
	_ =	strace $0xD0000000  }
0x3: {  	_ = 	snop  }
0x4: {  	_ = 	snop  }
0x5: {  	_ = 	snop  }
0x6: {  	_ = 	snop  }
0x7: {  	_ = 	snop  }
__scs_overlays_trampoline_lowered:
0x8: {  	[smem:$0x3FA0] =	sst s0  }
0x9: {  	[smem:$0x3FA1] =	sst s1  }
0xa: {  	[smem:$0x3FA2] =	sst s2  }
0xb: {  	[smem:$0x3FA3] =	sst s3  }
0xc: {  	[smem:$0x3FA4] =	sst s4  }
0xd: {  	[smem:$0x3FA5] =	sst s5  }
0xe: {  	[smem:$0x3FA6] =	sst s6  }
0xf: {  	[smem:$0x3FA7] =	sst s7  }
0x10: {  	[smem:$0x3FA8] =	sst s8  }
0x11: {  	[smem:$0x3FA9] =	sst s9;
	s0 =	simm.s32 @!p0 $0x0  }
0x12: {  	s1 =	sld [smem:$0x3F8F];
	s0 =	simm.s32 @p0 $0x1  }
0x13: {  	[smem:$0x3FAA] =	sst s0;
	s0 =	simm.s32 @!p1 $0x0  }
0x14: {  	s2 =	sld [smem:$0x3F8E];
	s0 =	simm.s32 @p1 $0x1  }
0x15: {  	[smem:$0x3FAB] =	sst s0;
	s0 =	simm.s32 @!p2 $0x0  }
0x16: {  	s3 =	sld [smem:$0x3FDB];
	s0 =	simm.s32 @p2 $0x1  }
0x17: {  	s4 =	simm.s32 $0x1BF5;
	[smem:$0x3FAD] =	sst s0  }
0x18: {  	s0 =	sld [smem:$0x3F90];
	_ =	swait.ge [sflag:s4], $0x0  }
0x19: {  	s7 =	sld [smem:$0x3F91]  }
0x1a: {  	s8 =	sadd.s32 $0xFFFFE003, lr  }
0x1b: {  	s9 =	sadd.s32 $0xFFFFFEF7, lr;
	s5 =	simm.s32 $0xFFFFFFFF;
	p2 =	slt.u32 s8, $0xFFFFF086  }
0x1c: {  	p1 =	slt.u32 s9, $0xF7A;
	s5 =	simm.s32 @!p2 $0x0  }
0x1d: {  	s5 =	simm.s32 @p1 $0x1;
	p0 =	seq.s32 s7, s2  }
0x1e: {  	s7 =	smul.u32 @!p0 $0xF7A, s2;
	p2 =	seq.s32 @!p0 s5, $0x0  }
0x1f: {  	s9 =	smul.u32 $0xF7A, s1;
	s8 =	simm.s32 @!p0 $0x1BF5;
	p2 =	por !p2, p0  }
0x20: {  	[sflag:s8] =	ssyncset.s32 @!p0 $0xFFFFF086;
	s6 =	sadd.s32 @!p0 s3, s7;
	s7 =	simm.s32 @!p0 $0x108  }
0x21: {  	s3 =	sadd.s32 s3, s9;
	s6 =	sadd.s32 @!p0 $0x88, s6;
	s7 =	simm.s32 @p2 $0x1082  }
0x22: {  	[simem:s7], [sflag:s8] =	dma.local @!p0 [hbm:s6], $0xF7A  }
0x23: {  	s9 =	sor.u32 $0xD0000000, s2;
	s6 =	simm.s32 $0x108;
	_ =	swait.ge @!p0 [sflag:s8], $0x0  }
0x24: {  	s3 =	sadd.s32 $0x88, s3;
	s6 =	simm.s32 @!p1 $0x1082;
	[sflag:s4] =	ssyncset.s32 $0xFFFFF086  }
0x25: {  	[simem:s6], [sflag:s4] =	dma.local [hbm:s3], $0xF7A  }
0x26: {  	[smem:$0x3F91] =	sst s1;
	(tag) =	ssettag s2;
	_ =	strace s9  }
0x27: {  	s1 =	sld [smem:$0x3FA1]  }
0x28: {  	s2 =	sld [smem:$0x3FA2]  }
0x29: {  	s4 =	sld [smem:$0x3FA4]  }
0x2a: {  	p0 =	seq.s32 s5, $0x0;
	s5 =	sld [smem:$0x3FA5]  }
0x2b: {  	s6 =	sld [smem:$0x3FA6]  }
0x2c: {  	s7 =	sld [smem:$0x3FA7]  }
0x2d: {  	s3 =	simm.s32 $0x108;
	s8 =	sld [smem:$0x3FA8]  }
0x2e: {  	s3 =	simm.s32 @!p0 $0x1082;
	s9 =	sld [smem:$0x3FA9]  }
0x2f: {  	lr =	sadd.s32 s0, s3;
	s0 =	sld [smem:$0x3FA0]  }
0x30: {  	s3 =	sld [smem:$0x3FA3]  }
0x31: {  	[smem:$0x3FAC] =	sst s10  }
0x32: {  	s10 =	sld [smem:$0x3FAA];
	_ =	sdelay $0x3  }
0x33: {  	p0 =	seq.s32 s10, $0x1;
	s10 =	sld [smem:$0x3FAC];
	_ =	sdelay $0x3  }
0x34: {  	[smem:$0x3FAC] =	sst s10  }
0x35: {  	s10 =	sld [smem:$0x3FAB];
	_ =	sdelay $0x3  }
0x36: {  	p1 =	seq.s32 s10, $0x1;
	s10 =	sld [smem:$0x3FAC];
	_ =	sdelay $0x3  }
0x37: {  	[smem:$0x3FAC] =	sst s10  }
0x38: {  	s10 =	sld [smem:$0x3FAD]  }
0x39: {  	_ = 	snop;
	(pc) =	sbr.ind lr, $3  }
0x3a: {  	_ = 	snop  }
0x3b: {  	_ = 	snop  }
0x3c: {  	p2 =	seq.s32 s10, $0x1;
	s10 =	sld [smem:$0x3FAC]  }
0x3d: {  	_ =	shalt  }
0x3e: {  	_ =	shalt  }
0x3f: {  	_ =	shalt  }
0x40: {  	_ =	shalt  }
0x41: {  	_ =	shalt  }
0x42: {  	_ =	shalt  }
0x43: {  	_ =	shalt  }
0x44: {  	_ =	shalt  }
0x45: {  	_ =	shalt  }
0x46: {  	_ =	shalt  }
0x47: {  	_ =	shalt  }
0x48: {  	_ =	shalt  }
0x49: {  	_ =	shalt  }
0x4a: {  	_ =	shalt  }
0x4b: {  	_ =	shalt  }
0x4c: {  	_ =	shalt  }
0x4d: {  	_ =	shalt  }
0x4e: {  	_ =	shalt  }
0x4f: {  	_ =	shalt  }
0x50: {  	_ =	shalt  }
0x51: {  	_ =	shalt  }
0x52: {  	_ =	shalt  }
0x53: {  	_ =	shalt  }
0x54: {  	_ =	shalt  }
0x55: {  	_ =	shalt  }
0x56: {  	_ =	shalt  }
0x57: {  	_ =	shalt  }
0x58: {  	_ =	shalt  }
0x59: {  	_ =	shalt  }
0x5a: {  	_ =	shalt  }
0x5b: {  	_ =	shalt  }
0x5c: {  	_ =	shalt  }
0x5d: {  	_ =	shalt  }
0x5e: {  	_ =	shalt  }
0x5f: {  	_ =	shalt  }
0x60: {  	_ =	shalt  }
0x61: {  	_ =	shalt  }
0x62: {  	_ =	shalt  }
0x63: {  	_ =	shalt  }
0x64: {  	_ =	shalt  }
0x65: {  	_ =	shalt  }
0x66: {  	_ =	shalt  }
0x67: {  	_ =	shalt  }
0x68: {  	_ =	shalt  }
0x69: {  	_ =	shalt  }
0x6a: {  	_ =	shalt  }
0x6b: {  	_ =	shalt  }
0x6c: {  	_ =	shalt  }
0x6d: {  	_ =	shalt  }
0x6e: {  	_ =	shalt  }
0x6f: {  	_ =	shalt  }
0x70: {  	_ =	shalt  }
0x71: {  	_ =	shalt  }
0x72: {  	_ =	shalt  }
0x73: {  	_ =	shalt  }
0x74: {  	_ =	shalt  }
0x75: {  	_ =	shalt  }
0x76: {  	_ =	shalt  }
0x77: {  	_ =	shalt  }
0x78: {  	_ =	shalt  }
0x79: {  	_ =	shalt  }
0x7a: {  	_ =	shalt  }
0x7b: {  	_ =	shalt  }
0x7c: {  	_ =	shalt  }
0x7d: {  	_ =	shalt  }
0x7e: {  	_ =	shalt  }
0x7f: {  	_ =	shalt  }
0x80: {  	_ =	shalt  }
0x81: {  	_ =	shalt  }
0x82: {  	_ =	shalt  }
0x83: {  	_ =	shalt  }
0x84: {  	_ =	shalt  }
0x85: {  	_ =	shalt  }
0x86: {  	_ =	shalt  }
0x87: {  	_ =	shalt  }
.Lfunc_end0:
.L_simem_size_0:
called_computation.3_lowered:
.L_overlay_start_0:
0x88: {  	s0 =	sld [smem:$0x3FD9]  }
0x89: {  	s1 =	sld [smem:$0x3FFE];
	_ =	sdelay $0x3  }
0x8a: {  	s0 =	sadd.s32 s1, s0  }
0x8b: {  	[smem:$0x3FB8] =	sst s0  }
0x8c: {  	_ = 	snop  }
0x8d: {  	(tm) =	ssettm $0x1  }
0x8e: {  	s14 =	sld [smem:$0x3FFB];
	_ =	sdelay $0x3  }
0x8f: {  	_ =	strace s14  }
0x90: {  	s0 =	sld [smem:$0x3FFC];
	_ =	sdelay $0x3  }
0x91: {  	_ =	strace s0  }
0x92: {  	s0 =	sld [smem:$0x3FFD];
	_ =	sdelay $0x3  }
0x93: {  	_ =	strace s0  }
0x94: {  	_ =	strace $0x8FFFFFFF  }
0x95: {  	s15 =	sld [smem:$0x3FDB];
	_ =	sdelay $0x1  }
0x96: {  	s16 =	simm.s32 $_scs_section_size  }
0x97: {  	s2 =	simm.s32 $_size__tile_overlayer_lowered;
	s3 =	simm.s32 $_tile_overlayer_lowered  }
0x98: {  	s4 =	simm.s32 $0x1BFF;
	s17 =	sshll.u32 s3, $0x1;
	s1 =	sadd.s32 s16, s15  }
0x99: {  	s18 =	simm.s32 $0x0;
	s2 =	sshll.u32 s2, $0x1;
	s3 =	sadd.s32 s17, s1  }
0x9a: {  	[timem:s18], [sflag:s4] =	dma.local [hbm:s3], s2  }
0x9b: {  	_ =	swait.ge [sflag:s4], s2  }
0x9c: {  	s2 =	ssub.s32 $0x0, s2;
	[sflag:s4] =	ssyncset.done $0x0  }
0x9d: {  	[sflag:s4] =	ssyncadd.s32 s2;
	_ =	sdelay $0x1  }
0x9e: {  	s19 =	simm.s32 $0x1B8B  }
0x9f: {  	_ =	swait.ge [sflag:s19], $0x1  }
0xa0: {  	[sflag:s19] =	ssyncset.done $0x0  }
0xa1: {  	s21 =	simm.s32 $0x1B8E;
	s20 =	sld [smem:$0x3FFE];
	[sflag:s19] =	ssyncadd.s32 $0xFFFFFFFF  }
0xa2: {  	s22 =	simm.s32 $execute0_lowered;
	[smem:$0x3FD2] =	sst s21  }
0xa3: {  	s3 =	sshll.u32 s22, $0x1;
	_ =	strace $0x80000058;
	[dreg:$0x1] =	wrdreg $0xFFFFFFFF  }
0xa4: {  	s23 =	simm.s32 $_size_execute0_lowered;
	s3 =	sadd.s32 s1, s3;
	[dreg:$0x0] =	wrdreg $0x0  }
0xa5: {  	s4 =	sshll.u32 s23, $0x1;
	[dreg:$0x2] =	wrdreg s3  }
0xa6: {  	[dreg:$0x3] =	wrdreg s4  }
0xa7: {  	[dreg:$0x4] =	wrdreg $0xC0  }
0xa8: {  	s24 =	simm.s32 $execute1_lowered;
	_ =	task [dreg:s18], $0x5FFFF  }
0xa9: {  	s3 =	sshll.u32 s24, $0x1;
	[dreg:$0x1] =	wrdreg $0xFFFFFFFF  }
0xaa: {  	s1 =	sadd.s32 s1, s3;
	[dreg:$0x0] =	wrdreg $0x60  }
0xab: {  	[dreg:$0x2] =	wrdreg s1  }
0xac: {  	[dreg:$0x3] =	wrdreg s20  }
0xad: {  	[dreg:$0x4] =	wrdreg $0xB  }
0xae: {  	_ =	task.clear_ibuf [dreg:s18], $0x5FFFF;
	_ =	strace $0x90000058  }
0xaf: {  	s25 =	simm.s32 $0xB;
	_ =	strace $0x8000005A  }
0xb0: {  	_ =	swait.ge [sflag:s25], $0x1  }
0xb1: {  	[sflag:s25] =	ssyncadd.s32 $0xFFFFFFFF  }
0xb2: {  	_ =	strace $0x9000005A  }
0xb3: {  	_ =	strace $0x8000005B;
	[dreg:$0x1] =	wrdreg $0xFFFFFFFF  }
0xb4: {  	[dreg:$0x0] =	wrdreg $0x2030  }
0xb5: {  	[dreg:$0x2] =	wrdreg s20  }
0xb6: {  	[dreg:$0x3] =	wrdreg $0xC  }
0xb7: {  	_ =	task.clear_ibuf [dreg:s18], $0x4FFFF;
	_ =	strace $0x9000005B  }
0xb8: {  	s26 =	simm.s32 $0xC;
	_ =	strace $0x8000005D  }
0xb9: {  	_ =	swait.ge [sflag:s26], $0x1  }
0xba: {  	[sflag:s26] =	ssyncadd.s32 $0xFFFFFFFF  }
0xbb: {  	_ =	strace $0x9000005D  }
0xbc: {  	_ =	sfence  }
0xbd: {  	s28 =	sld [smem:$0x0];
	_ =	sdelay $0x1  }
0xbe: {  	s29 =	srdreg.scid  }
0xbf: {  	s30 =	sshll.u32 s29, $0xD;
	s31 =	sshrl.u32 s29, $0x2  }
0xc0: {  	s2 =	sand.u32 $0x1, s29;
	s3 =	sand.u32 $0x4000, s30;
	s1 =	sadd.s32 s31, s28  }
0xc1: {  	s2 =	sor.u32 s3, s2;
	s1 =	sshll.u32 s1, $0x11  }
0xc2: {  	s1 =	sor.u32 s1, s2  }
0xc3: {  	s1 =	sadd.s32 $0x8F2B, s1  }
0xc4: {  	[sflag:s1] =	ssyncadd.remote.s32 $0x1  }
0xc5: {  	_ =	sfence.sel $0xFFFF  }
0xc6: {  	[dreg:$0x0] =	wrdreg $0xFFFFFFFF;
	(pc) =	sbr.abs _section_cstart, $3  }
0xc7: {  	[dreg:$0x1] =	wrdreg $0xFFFFFFFF  }
0xc8: {  	_ =	task.clear_ibuf [dreg:s18], $0x2FFFF;
	_ =	strace $0x9FFFFFFF  }
0xc9: {  	(tm) =	ssettm $0x7FFFFFFF  }
tec
execute0_lowered:
.L_overlay_start_1:
0x0: {  	(tag) =	ssettag $0x1  }
0x1: {  	s2 =	rddreg [dreg:$0x0]  }
0x2: {  	s5 =	rddreg [dreg:$0x1]  }
0x3: {  	s0 =	rddreg [dreg:$0x2];
	s3 =	stileid.u32  }
0x4: {  	[bflag:$0x3] =	sbarrier.arrive $0xFFFF;
	s1 =	simm.s32 $_size_execute1_lowered;
	s31 =	simm.s32 $0x2  }
0x5: {  	s13 =	simm.s32 $0x0;
	s8 =	simm.s32 $0x20;
	s9 =	simm.s32 $0x80  }
0x6: {  	s11 =	simm.s32 $0x0;
	s12 =	simm.s32 $0x0;
	p0 =	sne.s32 s3, $0x0  }
0x7: {  	s1 =	sshll.u32 s1, $0x1;
	s3 =	sshll.u32 s3, $0x9;
	s4 =	simm.s32 @!p0 $0x1C3F  }
.Ltmp0:
0x8: {  	s6 =	simm.s32 @!p0 $0x4060;
	s7 =	ssub.s32 $0xC200, s3;
	(pc) =	sbr.rel .LBB2_1-.Ltmp0, $4  }
0x9: {  	[timem:s6], [sflag:s4] =	dma.local @!p0 [hbm:s2], s1  }
0xa: {  	s10 =	smov.u32 s3;
	s4 =	simm.s32 $0x1;
	_ =	strace $0x80000059  }
0xb: {  	s2 =	sadd.s32 $0xEFCE00, s5;
	s6 =	sshrl.u32 s7, $0xD;
	[sflag:s4] =	ssyncpa.u1 $0x0  }
0xc: {  	s5 =	sadd.s32 $0xFC0400, s5;
	s7 =	sadd.s32 $0x2, s6;
	[sflag:s31] =	ssyncpa.u1 $0x0  }
.LBB2_5:
0xd: {  	_ =	sdelay $0x3  }
0xe: {  	[tilespmem:v1+s16+$0x0 ss:$0x1] =	vst.idx.msk $0xffff, v2  }
0xf: {  	[tilespmem:v1+s17+$0x0 ss:$0x1] =	vst.idx.msk $0xffff, v3  }
.LBB2_6:
0x10: {  	s16 =	sand.u32 $0x1FFFFFF, s11  }
0x11: {  	s17 =	smulhi.u32 $0x14F8B59, s16;
	_ =	sdelay $0x1  }
0x12: {  	s17 =	sshrl.u32 s17, $0x8  }
0x13: {  	s17 =	smul.u32 $0xC350, s17;
	_ =	sdelay $0x1  }
0x14: {  	s16 =	ssub.s32 s16, s17  }
0x15: {  	s16 =	sshll.u32 s16, $0x4  }
0x16: {  	s16 =	sadd.s32 s5, s16  }
0x17: {  	[hbm4b:s16+s8] =	stream.strided.scatter [tilespmem:s15], [sflag:$0x2], s14, s9, s8, $0x38;
	[tilespmem:$0x10000] =	vst v63  }
.LBB2_7:
0x18: {  	p1 =	slt.u32 s12, $0x2  }
0x19: {  	p2 =	sgt.s32 @!p1 s13, $0xC150  }
0x1a: {  	s14 =	smov.u32 s13;
	s15 =	sshra.s32 @!p1 s13, $0x1F;
	p2 =	por !p2, p1  }
0x1b: {  	s13 =	sand.u32 @!p1 s15, s13;
	s14 =	simm.s32 @p2 $0xC150  }
0x1c: {  	s13 =	ssub.s32 @!p1 s14, s13  }
0x1d: {  	s13 =	sadd.s32 @!p1 $0xFFFF3EB0, s13  }
0x1e: {  	s14 =	sshll.u32 @!p1 s13, $0x7  }
0x1f: {  	p2 =	sgt.s32 @!p1 s13, $0x1FF;
	s13 =	ssub.s32 @!p1 $0x10000, s14  }
0x20: {  	s15 =	sadd.s32 $0x2000, s10;
	p2 =	por !p2, p1;
	s13 =	sshrl.u32 @!p1 s13, $0x2  }
0x21: {  	s13 =	simm.s32 @!p2 $0x0;
	p2 =	sgt.s32 s15, $0xC34F  }
0x22: {  	s15 =	smov.u32 @p2 s3;
	p2 =	sne.s32 s12, s7  }
.Ltmp1:
0x23: {  	_ = 	snop;
	(pc) =	sbr.rel @!p2 .LBB2_8-.Ltmp1, $4  }
0x24: {  	s14 =	simm.s32 @!p1 $0x2  }
0x25: {  	_ =	swait.ge @!p1 [sflag:s14], s13;
	s16 =	ssub.s32 @!p1 $0x0, s13  }
0x26: {  	s13 =	smov.u32 s11;
	s12 =	sadd.s32 $0x1, s12;
	[sflag:s14] =	ssyncset.done @!p1 $0x0  }
0x27: {  	s11 =	smov.u32 s10;
	s10 =	smov.u32 s15;
	[sflag:s14] =	ssyncadd.s32 @!p1 s16  }
.LBB2_1:
0x28: {  	p1 =	sgt.u32 s12, s6  }
0x29: {  	s15 =	smov.u32 s10;
	p2 =	sgt.s32 @!p1 s10, $0xC150  }
0x2a: {  	s14 =	sand.u32 @!p1 $0x1FFFFFF, s10;
	s16 =	sshra.s32 @!p1 s10, $0x1F;
	p2 =	por !p2, p1  }
0x2b: {  	s17 =	smulhi.u32 @!p1 $0x14F8B59, s14;
	s16 =	sand.u32 @!p1 s16, s10;
	s15 =	simm.s32 @p2 $0xC150  }
0x2c: {  	s15 =	ssub.s32 @!p1 s15, s16  }
0x2d: {  	s16 =	sshrl.u32 @!p1 s17, $0x8;
	s15 =	sadd.s32 @!p1 $0xFFFF3EB0, s15  }
0x2e: {  	s17 =	sxor.u32 @!p1 $0xFFFFFFFF, s12;
	s16 =	smul.u32 @!p1 $0xC350, s16;
	s18 =	sshll.u32 @!p1 s15, $0x7  }
0x2f: {  	s17 =	sshll.u32 @!p1 s17, $0xE;
	p2 =	sgt.s32 @!p1 s15, $0x1FF;
	s15 =	ssub.s32 @!p1 $0x10000, s18  }
0x30: {  	s14 =	ssub.s32 @!p1 s14, s16;
	p2 =	por !p2, p1;
	s16 =	sand.u32 @!p1 $0x4000, s17  }
0x31: {  	s17 =	simm.s32 @!p1 $0x20;
	s15 =	sshrl.u32 @!p1 s15, $0x2;
	s14 =	sshll.u32 @!p1 s14, $0x4  }
0x32: {  	s18 =	simm.s32 @!p1 $0x80;
	s15 =	simm.s32 @!p2 $0x0;
	s14 =	sadd.s32 @!p1 s2, s14  }
0x33: {  	[tilespmem:s16], [sflag:$0x1] =	stream.strided.gather @!p1 [hbm4b:s14+s17], s15, s18, s17, $0x38;
	[tilespmem:$0x10000] =	vst v63  }
0x34: {  	p1 =	seq.s32 s12, $0x0  }
0x35: {  	p2 =	sge.u32 @!p1 s12, s7  }
0x36: {  	p1 =	por p1, p2  }
.Ltmp2:
0x37: {  	_ = 	snop;
	(pc) =	sbr.rel @p1 .LBB2_7-.Ltmp2, $1  }
0x38: {  	_ =	sdelay $0x3  }
0x39: {  	p1 =	sgt.s32 s11, $0xC150;
	s14 =	smov.u32 s11;
	s15 =	sshra.s32 s11, $0x1F  }
0x3a: {  	s14 =	simm.s32 @!p1 $0xC150;
	s15 =	sand.u32 s15, s11  }
0x3b: {  	s14 =	ssub.s32 s14, s15  }
0x3c: {  	s14 =	sadd.s32 $0xFFFF3EB0, s14  }
0x3d: {  	s31 =	sshll.u32 s14, $0x7  }
0x3e: {  	s15 =	ssub.s32 $0x10000, s31  }
0x3f: {  	p1 =	sgt.s32 s14, $0x1FF;
	s14 =	sshrl.u32 s15, $0x2;
	s15 =	sadd.s32 $0x200, s11  }
0x40: {  	s14 =	simm.s32 @p1 $0x0;
	p1 =	slt.s32 s15, $0xC350  }
0x41: {  	s15 =	simm.s32 @!p1 $0xC350  }
0x42: {  	s18 =	ssub.s32 s15, s11  }
0x43: {  	p1 =	slt.s32 s18, $0x1  }
.Ltmp3:
0x44: {  	_ = 	snop;
	(pc) =	sbr.rel @p1 .LBB2_6-.Ltmp3, $4  }
0x45: {  	_ = 	snop  }
0x46: {  	s16 =	sshll.u32 s12, $0xE;
	_ =	swait.ge [sflag:s4], s14  }
0x47: {  	s16 =	sand.u32 $0x4000, s16;
	s17 =	ssub.s32 $0x0, s14;
	[sflag:s4] =	ssyncset.done $0x0  }
0x48: {  	s15 =	sor.u32 $0x8000, s16;
	[sflag:s4] =	ssyncadd.s32 s17  }
0x49: {  	v0 =	vmov s16;
	_ =	sdelay $0x2  }
0x4a: {  	s31 =	simm.s32 $0x0;
	p1 =	sne.s32 s18, $0x1  }
.Ltmp4:
0x4b: {  	s16 =	sand.u32 $0x3FE0, s31;
	(pc) =	sbr.rel @!p1 .LBB2_5-.Ltmp4, $3  }
0x4c: {  	v1 =	vmov s15;
	s17 =	sor.u32 $0x10, s16;
	v2 =	vld.idx.msk [tilespmem:v0+s16+$0x0 ss:$0x1], $0xffff  }
0x4d: {  	v3 =	vld.idx.msk [tilespmem:v0+s17+$0x0 ss:$0x1], $0xffff;
	_ =	sdelay $0x1  }
0x4e: {  	s18 =	sadd.s32 $0xFFFFFFFF, s18;
	s19 =	simm.s32 $0x20  }
.LBB2_4:
0x4f: {  	s20 =	sand.u32 $0x3FE0, s19;
	p1 =	sne.s32 s18, $0x1;
	s18 =	sadd.s32 $0xFFFFFFFF, s18  }
.Ltmp5:
0x50: {  	s21 =	sor.u32 $0x10, s20;
	[tilespmem:v1+s16+$0x0 ss:$0x1] =	vst.idx.msk $0xffff, v2;
	v2 =	vld.idx.msk [tilespmem:v0+s20+$0x0 ss:$0x1], $0xffff;
	s16 =	smov.u32 s20;
	(pc) =	sbr.rel @p1 .LBB2_4-.Ltmp5, $2  }
0x51: {  	[tilespmem:v1+s17+$0x0 ss:$0x1] =	vst.idx.msk $0xffff, v3;
	v3 =	vld.idx.msk [tilespmem:v0+s21+$0x0 ss:$0x1], $0xffff;
	s17 =	smov.u32 s21;
	_ =	sdelay $0x2  }
0x52: {  	s19 =	sadd.s32 $0x20, s19  }
.Ltmp6:
0x53: {  	_ = 	snop;
	(pc) =	sbr.rel .LBB2_5-.Ltmp6, $1  }
0x54: {  	_ =	sdelay $0x3  }
.LBB2_8:
0x55: {  	_ =	sfence.sel $0x180000  }
0x56: {  	s2 =	simm.s32 $0x1;
	[bflag:$0x0] =	sbarrier.arrive $0xFFFF  }
0x57: {  	s31 =	simm.s32 $0x2;
	[sflag:s2] =	ssyncpa.u1 $0x1  }
0x58: {  	[sflag:s31] =	ssyncpa.u1 $0x1  }
0x59: {  	_ =	strace $0x90000059  }
0x5a: {  	s0 =	sadd.s32 @!p0 $0x100000, s0;
	[bflag:$0x2] =	sbarrier.arrive $0xFFFF  }
0x5b: {  	[sflag:s0] =	ssyncadd.tile.s32 @!p0 $0x1;
	s0 =	simm.s32 @!p0 $0x3F  }
0x5c: {  	_ =	swait.ge @!p0 [sflag:s0], s1  }
0x5d: {  	s1 =	ssub.s32 @!p0 $0x0, s1;
	[sflag:s0] =	ssyncset.done @!p0 $0x0  }
0x5e: {  	[sflag:s0] =	ssyncadd.s32 @!p0 s1  }
0x5f: {  	[bflag:$0x3] =	sbarrier.arrive $0xFFFF  }
0x60: {  	_ =	shalt  }
.Lfunc_end2:
execute1_lowered:
.L_overlay_start_2:
0x61: {  	(tag) =	ssettag $0x2  }
0x62: {  	s2 =	rddreg [dreg:$0x0];
	_ =	strace $0x8000005C;
	s1 =	simm.s32 $0x1  }
0x63: {  	v0 =	vimm.s32 $0x0;
	[sflag:s1] =	ssyncpa.u1 $0x0  }
0x64: {  	[tilespmem:$0x48] =	vst v0  }
0x65: {  	[tilespmem:$0x58] =	vst v0  }
0x66: {  	[tilespmem:$0x68] =	vst v0  }
0x67: {  	[tilespmem:$0x78] =	vst v0  }
0x68: {  	[tilespmem:$0x88] =	vst v0  }
0x69: {  	[tilespmem:$0x98] =	vst v0  }
0x6a: {  	[tilespmem:$0xA8] =	vst v0  }
0x6b: {  	[tilespmem:$0xB8] =	vst v0  }
0x6c: {  	[tilespmem:$0xC8] =	vst v0  }
0x6d: {  	[tilespmem:$0xD8] =	vst v0  }
0x6e: {  	[tilespmem:$0xE8] =	vst v0  }
0x6f: {  	[tilespmem:$0xF8] =	vst v0  }
0x70: {  	[tilespmem:$0x108] =	vst v0  }
0x71: {  	[tilespmem:$0x118] =	vst v0  }
0x72: {  	[tilespmem:$0x128] =	vst v0  }
0x73: {  	[tilespmem:$0x138] =	vst v0  }
0x74: {  	[tilespmem:$0x148] =	vst v0  }
0x75: {  	[tilespmem:$0x158] =	vst v0  }
0x76: {  	[tilespmem:$0x168] =	vst v0  }
0x77: {  	[tilespmem:$0x178] =	vst v0  }
0x78: {  	[tilespmem:$0x188] =	vst v0  }
0x79: {  	[tilespmem:$0x198] =	vst v0  }
0x7a: {  	[tilespmem:$0x1A8] =	vst v0  }
0x7b: {  	[tilespmem:$0x1B8] =	vst v0  }
0x7c: {  	[tilespmem:$0x1C8] =	vst v0  }
0x7d: {  	[tilespmem:$0x1D8] =	vst v0  }
0x7e: {  	[tilespmem:$0x1E8] =	vst v0  }
0x7f: {  	[tilespmem:$0x1F8] =	vst v0  }
0x80: {  	[tilespmem:$0x208] =	vst v0  }
0x81: {  	[tilespmem:$0x218] =	vst v0  }
0x82: {  	[tilespmem:$0x228] =	vst v0  }
0x83: {  	[tilespmem:$0x238] =	vst v0  }
0x84: {  	[tilespmem:$0x248] =	vst v0  }
0x85: {  	[tilespmem:$0x258] =	vst v0  }
0x86: {  	[tilespmem:$0x268] =	vst v0  }
0x87: {  	[tilespmem:$0x278] =	vst v0  }
0x88: {  	[tilespmem:$0x288] =	vst v0  }
0x89: {  	[tilespmem:$0x298] =	vst v0  }
0x8a: {  	[tilespmem:$0x2A8] =	vst v0  }
0x8b: {  	[tilespmem:$0x2B8] =	vst v0  }
0x8c: {  	[tilespmem:$0x2C8] =	vst v0  }
0x8d: {  	[tilespmem:$0x2D8] =	vst v0  }
0x8e: {  	[tilespmem:$0x2E8] =	vst v0  }
0x8f: {  	[tilespmem:$0x2F8] =	vst v0  }
0x90: {  	[tilespmem:$0x308] =	vst v0  }
0x91: {  	[tilespmem:$0x318] =	vst v0  }
0x92: {  	[tilespmem:$0x328] =	vst v0  }
0x93: {  	[tilespmem:$0x338] =	vst v0  }
0x94: {  	[tilespmem:$0x348] =	vst v0  }
0x95: {  	[tilespmem:$0x358] =	vst v0  }
0x96: {  	[tilespmem:$0x368] =	vst v0  }
0x97: {  	[tilespmem:$0x378] =	vst v0  }
0x98: {  	[tilespmem:$0x388] =	vst v0  }
0x99: {  	[tilespmem:$0x398] =	vst v0  }
0x9a: {  	[tilespmem:$0x3A8] =	vst v0  }
0x9b: {  	[tilespmem:$0x3B8] =	vst v0  }
0x9c: {  	[tilespmem:$0x3C8] =	vst v0  }
0x9d: {  	[tilespmem:$0x3D8] =	vst v0  }
0x9e: {  	[tilespmem:$0x3E8] =	vst v0  }
0x9f: {  	[tilespmem:$0x3F8] =	vst v0  }
0xa0: {  	[tilespmem:$0x408] =	vst v0  }
0xa1: {  	[tilespmem:$0x418] =	vst v0  }
0xa2: {  	[tilespmem:$0x428] =	vst v0  }
0xa3: {  	[tilespmem:$0x438] =	vst v0  }
0xa4: {  	[tilespmem:$0x448] =	vst v0  }
0xa5: {  	[tilespmem:$0x458] =	vst v0  }
0xa6: {  	[tilespmem:$0x468] =	vst v0  }
0xa7: {  	[tilespmem:$0x478] =	vst v0  }
0xa8: {  	[tilespmem:$0x488] =	vst v0  }
0xa9: {  	[tilespmem:$0x498] =	vst v0  }
0xaa: {  	[tilespmem:$0x4A8] =	vst v0  }
0xab: {  	[tilespmem:$0x4B8] =	vst v0  }
0xac: {  	[tilespmem:$0x4C8] =	vst v0  }
0xad: {  	[tilespmem:$0x4D8] =	vst v0  }
0xae: {  	[tilespmem:$0x4E8] =	vst v0  }
0xaf: {  	[tilespmem:$0x4F8] =	vst v0  }
0xb0: {  	[tilespmem:$0x508] =	vst v0  }
0xb1: {  	[tilespmem:$0x518] =	vst v0  }
0xb2: {  	[tilespmem:$0x528] =	vst v0  }
0xb3: {  	[tilespmem:$0x538] =	vst v0  }
0xb4: {  	[tilespmem:$0x548] =	vst v0  }
0xb5: {  	[tilespmem:$0x558] =	vst v0  }
0xb6: {  	[tilespmem:$0x568] =	vst v0  }
0xb7: {  	[tilespmem:$0x578] =	vst v0  }
0xb8: {  	[tilespmem:$0x588] =	vst v0  }
0xb9: {  	[tilespmem:$0x598] =	vst v0  }
0xba: {  	[tilespmem:$0x5A8] =	vst v0  }
0xbb: {  	[tilespmem:$0x5B8] =	vst v0  }
0xbc: {  	[tilespmem:$0x5C8] =	vst v0  }
0xbd: {  	[tilespmem:$0x5D8] =	vst v0  }
0xbe: {  	[tilespmem:$0x5E8] =	vst v0  }
0xbf: {  	[tilespmem:$0x5F8] =	vst v0  }
0xc0: {  	[tilespmem:$0x608] =	vst v0  }
0xc1: {  	[tilespmem:$0x618] =	vst v0  }
0xc2: {  	[tilespmem:$0x628] =	vst v0  }
0xc3: {  	[tilespmem:$0x638] =	vst v0  }
0xc4: {  	[tilespmem:$0x648] =	vst v0  }
0xc5: {  	[tilespmem:$0x658] =	vst v0  }
0xc6: {  	[tilespmem:$0x668] =	vst v0  }
0xc7: {  	[tilespmem:$0x678] =	vst v0  }
0xc8: {  	[tilespmem:$0x688] =	vst v0  }
0xc9: {  	[tilespmem:$0x698] =	vst v0  }
0xca: {  	[tilespmem:$0x6A8] =	vst v0  }
0xcb: {  	[tilespmem:$0x6B8] =	vst v0  }
0xcc: {  	[tilespmem:$0x6C8] =	vst v0  }
0xcd: {  	[tilespmem:$0x6D8] =	vst v0  }
0xce: {  	[tilespmem:$0x6E8] =	vst v0  }
0xcf: {  	[tilespmem:$0x6F8] =	vst v0  }
0xd0: {  	[tilespmem:$0x708] =	vst v0  }
0xd1: {  	[tilespmem:$0x718] =	vst v0  }
0xd2: {  	[tilespmem:$0x728] =	vst v0  }
0xd3: {  	[tilespmem:$0x738] =	vst v0  }
0xd4: {  	[tilespmem:$0x748] =	vst v0  }
0xd5: {  	[tilespmem:$0x758] =	vst v0  }
0xd6: {  	[tilespmem:$0x768] =	vst v0  }
0xd7: {  	[tilespmem:$0x778] =	vst v0  }
0xd8: {  	[tilespmem:$0x788] =	vst v0  }
0xd9: {  	[tilespmem:$0x798] =	vst v0  }
0xda: {  	[tilespmem:$0x7A8] =	vst v0  }
0xdb: {  	[tilespmem:$0x7B8] =	vst v0  }
0xdc: {  	[tilespmem:$0x7C8] =	vst v0  }
0xdd: {  	[tilespmem:$0x7D8] =	vst v0  }
0xde: {  	[tilespmem:$0x7E8] =	vst v0  }
0xdf: {  	[tilespmem:$0x7F8] =	vst v0  }
0xe0: {  	[tilespmem:$0x808] =	vst v0  }
0xe1: {  	[tilespmem:$0x818] =	vst v0  }
0xe2: {  	[tilespmem:$0x828] =	vst v0  }
0xe3: {  	[tilespmem:$0x838] =	vst v0  }
0xe4: {  	[tilespmem:$0x848] =	vst v0  }
0xe5: {  	[tilespmem:$0x858] =	vst v0  }
0xe6: {  	[tilespmem:$0x868] =	vst v0  }
0xe7: {  	[tilespmem:$0x878] =	vst v0  }
0xe8: {  	[tilespmem:$0x888] =	vst v0  }
0xe9: {  	[tilespmem:$0x898] =	vst v0  }
0xea: {  	[tilespmem:$0x8A8] =	vst v0  }
0xeb: {  	[tilespmem:$0x8B8] =	vst v0  }
0xec: {  	[tilespmem:$0x8C8] =	vst v0  }
0xed: {  	[tilespmem:$0x8D8] =	vst v0  }
0xee: {  	[tilespmem:$0x8E8] =	vst v0  }
0xef: {  	[tilespmem:$0x8F8] =	vst v0  }
0xf0: {  	[tilespmem:$0x908] =	vst v0  }
0xf1: {  	[tilespmem:$0x918] =	vst v0  }
0xf2: {  	[tilespmem:$0x928] =	vst v0  }
0xf3: {  	[tilespmem:$0x938] =	vst v0  }
0xf4: {  	[tilespmem:$0x948] =	vst v0  }
0xf5: {  	[tilespmem:$0x958] =	vst v0  }
0xf6: {  	[tilespmem:$0x968] =	vst v0  }
0xf7: {  	[tilespmem:$0x978] =	vst v0  }
0xf8: {  	[tilespmem:$0x988] =	vst v0  }
0xf9: {  	[tilespmem:$0x998] =	vst v0  }
0xfa: {  	[tilespmem:$0x9A8] =	vst v0  }
0xfb: {  	[tilespmem:$0x9B8] =	vst v0  }
0xfc: {  	[tilespmem:$0x9C8] =	vst v0  }
0xfd: {  	[tilespmem:$0x9D8] =	vst v0  }
0xfe: {  	[tilespmem:$0x9E8] =	vst v0  }
0xff: {  	[tilespmem:$0x9F8] =	vst v0  }
0x100: {  	[tilespmem:$0xA08] =	vst v0  }
0x101: {  	[tilespmem:$0xA18] =	vst v0  }
0x102: {  	[tilespmem:$0xA28] =	vst v0  }
0x103: {  	[tilespmem:$0xA38] =	vst v0  }
0x104: {  	[tilespmem:$0xA48] =	vst v0  }
0x105: {  	[tilespmem:$0xA58] =	vst v0  }
0x106: {  	[tilespmem:$0xA68] =	vst v0  }
0x107: {  	[tilespmem:$0xA78] =	vst v0  }
0x108: {  	[tilespmem:$0xA88] =	vst v0  }
0x109: {  	[tilespmem:$0xA98] =	vst v0  }
0x10a: {  	[tilespmem:$0xAA8] =	vst v0  }
0x10b: {  	[tilespmem:$0xAB8] =	vst v0  }
0x10c: {  	[tilespmem:$0xAC8] =	vst v0  }
0x10d: {  	[tilespmem:$0xAD8] =	vst v0  }
0x10e: {  	[tilespmem:$0xAE8] =	vst v0  }
0x10f: {  	[tilespmem:$0xAF8] =	vst v0  }
0x110: {  	[tilespmem:$0xB08] =	vst v0  }
0x111: {  	[tilespmem:$0xB18] =	vst v0  }
0x112: {  	[tilespmem:$0xB28] =	vst v0  }
0x113: {  	[tilespmem:$0xB38] =	vst v0  }
0x114: {  	[tilespmem:$0xB48] =	vst v0  }
0x115: {  	[tilespmem:$0xB58] =	vst v0  }
0x116: {  	[tilespmem:$0xB68] =	vst v0  }
0x117: {  	[tilespmem:$0xB78] =	vst v0  }
0x118: {  	[tilespmem:$0xB88] =	vst v0  }
0x119: {  	[tilespmem:$0xB98] =	vst v0  }
0x11a: {  	[tilespmem:$0xBA8] =	vst v0  }
0x11b: {  	[tilespmem:$0xBB8] =	vst v0  }
0x11c: {  	[tilespmem:$0xBC8] =	vst v0  }
0x11d: {  	[tilespmem:$0xBD8] =	vst v0  }
0x11e: {  	[tilespmem:$0xBE8] =	vst v0  }
0x11f: {  	[tilespmem:$0xBF8] =	vst v0  }
0x120: {  	[tilespmem:$0xC08] =	vst v0  }
0x121: {  	[tilespmem:$0xC18] =	vst v0  }
0x122: {  	[tilespmem:$0xC28] =	vst v0  }
0x123: {  	[tilespmem:$0xC38] =	vst v0  }
0x124: {  	[tilespmem:$0xC48] =	vst v0  }
0x125: {  	[tilespmem:$0xC58] =	vst v0  }
0x126: {  	[tilespmem:$0xC68] =	vst v0  }
0x127: {  	[tilespmem:$0xC78] =	vst v0  }
0x128: {  	[tilespmem:$0xC88] =	vst v0  }
0x129: {  	[tilespmem:$0xC98] =	vst v0  }
0x12a: {  	[tilespmem:$0xCA8] =	vst v0  }
0x12b: {  	[tilespmem:$0xCB8] =	vst v0  }
0x12c: {  	[tilespmem:$0xCC8] =	vst v0  }
0x12d: {  	[tilespmem:$0xCD8] =	vst v0  }
0x12e: {  	[tilespmem:$0xCE8] =	vst v0  }
0x12f: {  	[tilespmem:$0xCF8] =	vst v0  }
0x130: {  	[tilespmem:$0xD08] =	vst v0  }
0x131: {  	[tilespmem:$0xD18] =	vst v0  }
0x132: {  	[tilespmem:$0xD28] =	vst v0  }
0x133: {  	[tilespmem:$0xD38] =	vst v0  }
0x134: {  	[tilespmem:$0xD48] =	vst v0  }
0x135: {  	[tilespmem:$0xD58] =	vst v0  }
0x136: {  	[tilespmem:$0xD68] =	vst v0  }
0x137: {  	[tilespmem:$0xD78] =	vst v0  }
0x138: {  	[tilespmem:$0xD88] =	vst v0  }
0x139: {  	[tilespmem:$0xD98] =	vst v0  }
0x13a: {  	[tilespmem:$0xDA8] =	vst v0  }
0x13b: {  	[tilespmem:$0xDB8] =	vst v0  }
0x13c: {  	[tilespmem:$0xDC8] =	vst v0  }
0x13d: {  	[tilespmem:$0xDD8] =	vst v0  }
0x13e: {  	[tilespmem:$0xDE8] =	vst v0  }
0x13f: {  	[tilespmem:$0xDF8] =	vst v0  }
0x140: {  	[tilespmem:$0xE08] =	vst v0  }
0x141: {  	[tilespmem:$0xE18] =	vst v0  }
0x142: {  	[tilespmem:$0xE28] =	vst v0  }
0x143: {  	[tilespmem:$0xE38] =	vst v0  }
0x144: {  	[tilespmem:$0xE48] =	vst v0  }
0x145: {  	[tilespmem:$0xE58] =	vst v0  }
0x146: {  	[tilespmem:$0xE68] =	vst v0  }
0x147: {  	[tilespmem:$0xE78] =	vst v0  }
0x148: {  	[tilespmem:$0xE88] =	vst v0  }
0x149: {  	[tilespmem:$0xE98] =	vst v0  }
0x14a: {  	[tilespmem:$0xEA8] =	vst v0  }
0x14b: {  	[tilespmem:$0xEB8] =	vst v0  }
0x14c: {  	[tilespmem:$0xEC8] =	vst v0  }
0x14d: {  	[tilespmem:$0xED8] =	vst v0  }
0x14e: {  	[tilespmem:$0xEE8] =	vst v0  }
0x14f: {  	[tilespmem:$0xEF8] =	vst v0  }
0x150: {  	[tilespmem:$0xF08] =	vst v0  }
0x151: {  	[tilespmem:$0xF18] =	vst v0  }
0x152: {  	[tilespmem:$0xF28] =	vst v0  }
0x153: {  	[tilespmem:$0xF38] =	vst v0  }
0x154: {  	[tilespmem:$0xF48] =	vst v0  }
0x155: {  	[tilespmem:$0xF58] =	vst v0  }
0x156: {  	[tilespmem:$0xF68] =	vst v0  }
0x157: {  	[tilespmem:$0xF78] =	vst v0  }
0x158: {  	[tilespmem:$0xF88] =	vst v0  }
0x159: {  	[tilespmem:$0xF98] =	vst v0  }
0x15a: {  	[tilespmem:$0xFA8] =	vst v0  }
0x15b: {  	[tilespmem:$0xFB8] =	vst v0  }
0x15c: {  	[tilespmem:$0xFC8] =	vst v0  }
0x15d: {  	[tilespmem:$0xFD8] =	vst v0  }
0x15e: {  	[tilespmem:$0xFE8] =	vst v0  }
0x15f: {  	[tilespmem:$0xFF8] =	vst v0  }
0x160: {  	[tilespmem:$0x1008] =	vst v0  }
0x161: {  	[tilespmem:$0x1018] =	vst v0  }
0x162: {  	[tilespmem:$0x1028] =	vst v0  }
0x163: {  	[tilespmem:$0x1038] =	vst v0  }
0x164: {  	[tilespmem:$0x1048] =	vst v0  }
0x165: {  	[tilespmem:$0x1058] =	vst v0  }
0x166: {  	[tilespmem:$0x1068] =	vst v0  }
0x167: {  	[tilespmem:$0x1078] =	vst v0  }
0x168: {  	[tilespmem:$0x1088] =	vst v0  }
0x169: {  	[tilespmem:$0x1098] =	vst v0  }
0x16a: {  	[tilespmem:$0x10A8] =	vst v0  }
0x16b: {  	[tilespmem:$0x10B8] =	vst v0  }
0x16c: {  	[tilespmem:$0x10C8] =	vst v0  }
0x16d: {  	[tilespmem:$0x10D8] =	vst v0  }
0x16e: {  	[tilespmem:$0x10E8] =	vst v0  }
0x16f: {  	[tilespmem:$0x10F8] =	vst v0  }
0x170: {  	[tilespmem:$0x1108] =	vst v0  }
0x171: {  	[tilespmem:$0x1118] =	vst v0  }
0x172: {  	[tilespmem:$0x1128] =	vst v0  }
0x173: {  	[tilespmem:$0x1138] =	vst v0  }
0x174: {  	[tilespmem:$0x1148] =	vst v0  }
0x175: {  	[tilespmem:$0x1158] =	vst v0  }
0x176: {  	[tilespmem:$0x1168] =	vst v0  }
0x177: {  	[tilespmem:$0x1178] =	vst v0  }
0x178: {  	[tilespmem:$0x1188] =	vst v0  }
0x179: {  	[tilespmem:$0x1198] =	vst v0  }
0x17a: {  	[tilespmem:$0x11A8] =	vst v0  }
0x17b: {  	[tilespmem:$0x11B8] =	vst v0  }
0x17c: {  	[tilespmem:$0x11C8] =	vst v0  }
0x17d: {  	[tilespmem:$0x11D8] =	vst v0  }
0x17e: {  	[tilespmem:$0x11E8] =	vst v0  }
0x17f: {  	[tilespmem:$0x11F8] =	vst v0  }
0x180: {  	[tilespmem:$0x1208] =	vst v0  }
0x181: {  	[tilespmem:$0x1218] =	vst v0  }
0x182: {  	[tilespmem:$0x1228] =	vst v0  }
0x183: {  	[tilespmem:$0x1238] =	vst v0  }
0x184: {  	[tilespmem:$0x1248] =	vst v0  }
0x185: {  	[tilespmem:$0x1258] =	vst v0  }
0x186: {  	[tilespmem:$0x1268] =	vst v0  }
0x187: {  	[tilespmem:$0x1278] =	vst v0  }
0x188: {  	[tilespmem:$0x1288] =	vst v0  }
0x189: {  	[tilespmem:$0x1298] =	vst v0  }
0x18a: {  	[tilespmem:$0x12A8] =	vst v0  }
0x18b: {  	[tilespmem:$0x12B8] =	vst v0  }
0x18c: {  	[tilespmem:$0x12C8] =	vst v0  }
0x18d: {  	[tilespmem:$0x12D8] =	vst v0  }
0x18e: {  	[tilespmem:$0x12E8] =	vst v0  }
0x18f: {  	[tilespmem:$0x12F8] =	vst v0  }
0x190: {  	[tilespmem:$0x1308] =	vst v0  }
0x191: {  	[tilespmem:$0x1318] =	vst v0  }
0x192: {  	[tilespmem:$0x1328] =	vst v0  }
0x193: {  	[tilespmem:$0x1338] =	vst v0  }
0x194: {  	[tilespmem:$0x1348] =	vst v0  }
0x195: {  	[tilespmem:$0x1358] =	vst v0  }
0x196: {  	[tilespmem:$0x1368] =	vst v0  }
0x197: {  	[tilespmem:$0x1378] =	vst v0  }
0x198: {  	[tilespmem:$0x1388] =	vst v0  }
0x199: {  	[tilespmem:$0x1398] =	vst v0  }
0x19a: {  	[tilespmem:$0x13A8] =	vst v0  }
0x19b: {  	[tilespmem:$0x13B8] =	vst v0  }
0x19c: {  	[tilespmem:$0x13C8] =	vst v0  }
0x19d: {  	[tilespmem:$0x13D8] =	vst v0  }
0x19e: {  	[tilespmem:$0x13E8] =	vst v0  }
0x19f: {  	[tilespmem:$0x13F8] =	vst v0  }
0x1a0: {  	[tilespmem:$0x1408] =	vst v0  }
0x1a1: {  	[tilespmem:$0x1418] =	vst v0  }
0x1a2: {  	[tilespmem:$0x1428] =	vst v0  }
0x1a3: {  	[tilespmem:$0x1438] =	vst v0  }
0x1a4: {  	[tilespmem:$0x1448] =	vst v0  }
0x1a5: {  	[tilespmem:$0x1458] =	vst v0  }
0x1a6: {  	[tilespmem:$0x1468] =	vst v0  }
0x1a7: {  	[tilespmem:$0x1478] =	vst v0  }
0x1a8: {  	[tilespmem:$0x1488] =	vst v0  }
0x1a9: {  	[tilespmem:$0x1498] =	vst v0  }
0x1aa: {  	[tilespmem:$0x14A8] =	vst v0  }
0x1ab: {  	[tilespmem:$0x14B8] =	vst v0  }
0x1ac: {  	[tilespmem:$0x14C8] =	vst v0  }
0x1ad: {  	[tilespmem:$0x14D8] =	vst v0  }
0x1ae: {  	[tilespmem:$0x14E8] =	vst v0  }
0x1af: {  	[tilespmem:$0x14F8] =	vst v0  }
0x1b0: {  	[tilespmem:$0x1508] =	vst v0  }
0x1b1: {  	[tilespmem:$0x1518] =	vst v0  }
0x1b2: {  	[tilespmem:$0x1528] =	vst v0  }
0x1b3: {  	[tilespmem:$0x1538] =	vst v0  }
0x1b4: {  	[tilespmem:$0x1548] =	vst v0  }
0x1b5: {  	[tilespmem:$0x1558] =	vst v0  }
0x1b6: {  	[tilespmem:$0x1568] =	vst v0  }
0x1b7: {  	[tilespmem:$0x1578] =	vst v0  }
0x1b8: {  	[tilespmem:$0x1588] =	vst v0  }
0x1b9: {  	[tilespmem:$0x1598] =	vst v0  }
0x1ba: {  	[tilespmem:$0x15A8] =	vst v0  }
0x1bb: {  	[tilespmem:$0x15B8] =	vst v0  }
0x1bc: {  	[tilespmem:$0x15C8] =	vst v0  }
0x1bd: {  	[tilespmem:$0x15D8] =	vst v0  }
0x1be: {  	[tilespmem:$0x15E8] =	vst v0  }
0x1bf: {  	[tilespmem:$0x15F8] =	vst v0  }
0x1c0: {  	[tilespmem:$0x1608] =	vst v0  }
0x1c1: {  	[tilespmem:$0x1618] =	vst v0  }
0x1c2: {  	[tilespmem:$0x1628] =	vst v0  }
0x1c3: {  	[tilespmem:$0x1638] =	vst v0  }
0x1c4: {  	[tilespmem:$0x1648] =	vst v0  }
0x1c5: {  	[tilespmem:$0x1658] =	vst v0  }
0x1c6: {  	[tilespmem:$0x1668] =	vst v0  }
0x1c7: {  	[tilespmem:$0x1678] =	vst v0  }
0x1c8: {  	[tilespmem:$0x1688] =	vst v0  }
0x1c9: {  	[tilespmem:$0x1698] =	vst v0  }
0x1ca: {  	[tilespmem:$0x16A8] =	vst v0  }
0x1cb: {  	[tilespmem:$0x16B8] =	vst v0  }
0x1cc: {  	[tilespmem:$0x16C8] =	vst v0  }
0x1cd: {  	[tilespmem:$0x16D8] =	vst v0  }
0x1ce: {  	[tilespmem:$0x16E8] =	vst v0  }
0x1cf: {  	[tilespmem:$0x16F8] =	vst v0  }
0x1d0: {  	[tilespmem:$0x1708] =	vst v0  }
0x1d1: {  	[tilespmem:$0x1718] =	vst v0  }
0x1d2: {  	[tilespmem:$0x1728] =	vst v0  }
0x1d3: {  	[tilespmem:$0x1738] =	vst v0  }
0x1d4: {  	[tilespmem:$0x1748] =	vst v0  }
0x1d5: {  	[tilespmem:$0x1758] =	vst v0  }
0x1d6: {  	[tilespmem:$0x1768] =	vst v0  }
0x1d7: {  	[tilespmem:$0x1778] =	vst v0  }
0x1d8: {  	[tilespmem:$0x1788] =	vst v0  }
0x1d9: {  	[tilespmem:$0x1798] =	vst v0  }
0x1da: {  	[tilespmem:$0x17A8] =	vst v0  }
0x1db: {  	[tilespmem:$0x17B8] =	vst v0  }
0x1dc: {  	[tilespmem:$0x17C8] =	vst v0  }
0x1dd: {  	[tilespmem:$0x17D8] =	vst v0  }
0x1de: {  	[tilespmem:$0x17E8] =	vst v0  }
0x1df: {  	[tilespmem:$0x17F8] =	vst v0  }
0x1e0: {  	[tilespmem:$0x1808] =	vst v0  }
0x1e1: {  	[tilespmem:$0x1818] =	vst v0  }
0x1e2: {  	[tilespmem:$0x1828] =	vst v0  }
0x1e3: {  	[tilespmem:$0x1838] =	vst v0  }
0x1e4: {  	[tilespmem:$0x1848] =	vst v0  }
0x1e5: {  	[tilespmem:$0x1858] =	vst v0  }
0x1e6: {  	[tilespmem:$0x1868] =	vst v0  }
0x1e7: {  	[tilespmem:$0x1878] =	vst v0  }
0x1e8: {  	[tilespmem:$0x1888] =	vst v0  }
0x1e9: {  	[tilespmem:$0x1898] =	vst v0  }
0x1ea: {  	[tilespmem:$0x18A8] =	vst v0  }
0x1eb: {  	[tilespmem:$0x18B8] =	vst v0  }
0x1ec: {  	[tilespmem:$0x18C8] =	vst v0  }
0x1ed: {  	[tilespmem:$0x18D8] =	vst v0  }
0x1ee: {  	[tilespmem:$0x18E8] =	vst v0  }
0x1ef: {  	[tilespmem:$0x18F8] =	vst v0  }
0x1f0: {  	[tilespmem:$0x1908] =	vst v0  }
0x1f1: {  	[tilespmem:$0x1918] =	vst v0  }
0x1f2: {  	[tilespmem:$0x1928] =	vst v0  }
0x1f3: {  	[tilespmem:$0x1938] =	vst v0  }
0x1f4: {  	[tilespmem:$0x1948] =	vst v0  }
0x1f5: {  	[tilespmem:$0x1958] =	vst v0  }
0x1f6: {  	[tilespmem:$0x1968] =	vst v0  }
0x1f7: {  	[tilespmem:$0x1978] =	vst v0  }
0x1f8: {  	[tilespmem:$0x1988] =	vst v0  }
0x1f9: {  	[tilespmem:$0x1998] =	vst v0  }
0x1fa: {  	[tilespmem:$0x19A8] =	vst v0  }
0x1fb: {  	[tilespmem:$0x19B8] =	vst v0  }
0x1fc: {  	[tilespmem:$0x19C8] =	vst v0  }
0x1fd: {  	[tilespmem:$0x19D8] =	vst v0  }
0x1fe: {  	[tilespmem:$0x19E8] =	vst v0  }
0x1ff: {  	[tilespmem:$0x19F8] =	vst v0  }
0x200: {  	[tilespmem:$0x1A08] =	vst v0  }
0x201: {  	[tilespmem:$0x1A18] =	vst v0  }
0x202: {  	[tilespmem:$0x1A28] =	vst v0  }
0x203: {  	[tilespmem:$0x1A38] =	vst v0  }
0x204: {  	[tilespmem:$0x1A48] =	vst v0  }
0x205: {  	[tilespmem:$0x1A58] =	vst v0  }
0x206: {  	[tilespmem:$0x1A68] =	vst v0  }
0x207: {  	[tilespmem:$0x1A78] =	vst v0  }
0x208: {  	[tilespmem:$0x1A88] =	vst v0  }
0x209: {  	[tilespmem:$0x1A98] =	vst v0  }
0x20a: {  	[tilespmem:$0x1AA8] =	vst v0  }
0x20b: {  	[tilespmem:$0x1AB8] =	vst v0  }
0x20c: {  	[tilespmem:$0x1AC8] =	vst v0  }
0x20d: {  	[tilespmem:$0x1AD8] =	vst v0  }
0x20e: {  	[tilespmem:$0x1AE8] =	vst v0  }
0x20f: {  	[tilespmem:$0x1AF8] =	vst v0  }
0x210: {  	[tilespmem:$0x1B08] =	vst v0  }
0x211: {  	[tilespmem:$0x1B18] =	vst v0  }
0x212: {  	[tilespmem:$0x1B28] =	vst v0  }
0x213: {  	[tilespmem:$0x1B38] =	vst v0  }
0x214: {  	[tilespmem:$0x1B48] =	vst v0  }
0x215: {  	[tilespmem:$0x1B58] =	vst v0  }
0x216: {  	[tilespmem:$0x1B68] =	vst v0  }
0x217: {  	[tilespmem:$0x1B78] =	vst v0  }
0x218: {  	[tilespmem:$0x1B88] =	vst v0  }
0x219: {  	[tilespmem:$0x1B98] =	vst v0  }
0x21a: {  	[tilespmem:$0x1BA8] =	vst v0  }
0x21b: {  	[tilespmem:$0x1BB8] =	vst v0  }
0x21c: {  	[tilespmem:$0x1BC8] =	vst v0  }
0x21d: {  	[tilespmem:$0x1BD8] =	vst v0  }
0x21e: {  	[tilespmem:$0x1BE8] =	vst v0  }
0x21f: {  	[tilespmem:$0x1BF8] =	vst v0  }
0x220: {  	[tilespmem:$0x1C08] =	vst v0  }
0x221: {  	[tilespmem:$0x1C18] =	vst v0  }
0x222: {  	[tilespmem:$0x1C28] =	vst v0  }
0x223: {  	[tilespmem:$0x1C38] =	vst v0  }
0x224: {  	[tilespmem:$0x1C48] =	vst v0  }
0x225: {  	[tilespmem:$0x1C58] =	vst v0  }
0x226: {  	[tilespmem:$0x1C68] =	vst v0  }
0x227: {  	[tilespmem:$0x1C78] =	vst v0  }
0x228: {  	[tilespmem:$0x1C88] =	vst v0  }
0x229: {  	[tilespmem:$0x1C98] =	vst v0  }
0x22a: {  	[tilespmem:$0x1CA8] =	vst v0  }
0x22b: {  	[tilespmem:$0x1CB8] =	vst v0  }
0x22c: {  	[tilespmem:$0x1CC8] =	vst v0  }
0x22d: {  	[tilespmem:$0x1CD8] =	vst v0  }
0x22e: {  	[tilespmem:$0x1CE8] =	vst v0  }
0x22f: {  	[tilespmem:$0x1CF8] =	vst v0  }
0x230: {  	[tilespmem:$0x1D08] =	vst v0  }
0x231: {  	[tilespmem:$0x1D18] =	vst v0  }
0x232: {  	[tilespmem:$0x1D28] =	vst v0  }
0x233: {  	[tilespmem:$0x1D38] =	vst v0  }
0x234: {  	[tilespmem:$0x1D48] =	vst v0  }
0x235: {  	[tilespmem:$0x1D58] =	vst v0  }
0x236: {  	[tilespmem:$0x1D68] =	vst v0  }
0x237: {  	[tilespmem:$0x1D78] =	vst v0  }
0x238: {  	[tilespmem:$0x1D88] =	vst v0  }
0x239: {  	[tilespmem:$0x1D98] =	vst v0  }
0x23a: {  	[tilespmem:$0x1DA8] =	vst v0  }
0x23b: {  	[tilespmem:$0x1DB8] =	vst v0  }
0x23c: {  	[tilespmem:$0x1DC8] =	vst v0  }
0x23d: {  	[tilespmem:$0x1DD8] =	vst v0  }
0x23e: {  	[tilespmem:$0x1DE8] =	vst v0  }
0x23f: {  	[tilespmem:$0x1DF8] =	vst v0  }
0x240: {  	[tilespmem:$0x1E08] =	vst v0  }
0x241: {  	[tilespmem:$0x1E18] =	vst v0  }
0x242: {  	[tilespmem:$0x1E28] =	vst v0  }
0x243: {  	[tilespmem:$0x1E38] =	vst v0  }
0x244: {  	[tilespmem:$0x1E48] =	vst v0  }
0x245: {  	[tilespmem:$0x1E58] =	vst v0  }
0x246: {  	[tilespmem:$0x1E68] =	vst v0  }
0x247: {  	[tilespmem:$0x1E78] =	vst v0  }
0x248: {  	[tilespmem:$0x1E88] =	vst v0  }
0x249: {  	[tilespmem:$0x1E98] =	vst v0  }
0x24a: {  	[tilespmem:$0x1EA8] =	vst v0  }
0x24b: {  	[tilespmem:$0x1EB8] =	vst v0  }
0x24c: {  	[tilespmem:$0x1EC8] =	vst v0  }
0x24d: {  	[tilespmem:$0x1ED8] =	vst v0  }
0x24e: {  	[tilespmem:$0x1EE8] =	vst v0  }
0x24f: {  	[tilespmem:$0x1EF8] =	vst v0  }
0x250: {  	[tilespmem:$0x1F08] =	vst v0  }
0x251: {  	[tilespmem:$0x1F18] =	vst v0  }
0x252: {  	[tilespmem:$0x1F28] =	vst v0  }
0x253: {  	[tilespmem:$0x1F38] =	vst v0  }
0x254: {  	[tilespmem:$0x1F48] =	vst v0  }
0x255: {  	[tilespmem:$0x1F58] =	vst v0  }
0x256: {  	[tilespmem:$0x1F68] =	vst v0  }
0x257: {  	[tilespmem:$0x1F78] =	vst v0  }
0x258: {  	[tilespmem:$0x1F88] =	vst v0  }
0x259: {  	[tilespmem:$0x1F98] =	vst v0  }
0x25a: {  	[tilespmem:$0x1FA8] =	vst v0  }
0x25b: {  	[tilespmem:$0x1FB8] =	vst v0  }
0x25c: {  	[tilespmem:$0x1FC8] =	vst v0  }
0x25d: {  	[tilespmem:$0x1FD8] =	vst v0  }
0x25e: {  	[tilespmem:$0x1FE8] =	vst v0  }
0x25f: {  	[tilespmem:$0x1FF8] =	vst v0  }
0x260: {  	[tilespmem:$0x2008] =	vst v0  }
0x261: {  	[tilespmem:$0x2018] =	vst v0  }
0x262: {  	[tilespmem:$0x2028] =	vst v0  }
0x263: {  	[tilespmem:$0x2038] =	vst v0  }
0x264: {  	[tilespmem:$0x2048] =	vst v0  }
0x265: {  	[tilespmem:$0x2058] =	vst v0  }
0x266: {  	[tilespmem:$0x2068] =	vst v0  }
0x267: {  	[tilespmem:$0x2078] =	vst v0  }
0x268: {  	[tilespmem:$0x2088] =	vst v0  }
0x269: {  	[tilespmem:$0x2098] =	vst v0  }
0x26a: {  	[tilespmem:$0x20A8] =	vst v0  }
0x26b: {  	[tilespmem:$0x20B8] =	vst v0  }
0x26c: {  	[tilespmem:$0x20C8] =	vst v0  }
0x26d: {  	[tilespmem:$0x20D8] =	vst v0  }
0x26e: {  	[tilespmem:$0x20E8] =	vst v0  }
0x26f: {  	[tilespmem:$0x20F8] =	vst v0  }
0x270: {  	[tilespmem:$0x2108] =	vst v0  }
0x271: {  	[tilespmem:$0x2118] =	vst v0  }
0x272: {  	[tilespmem:$0x2128] =	vst v0  }
0x273: {  	[tilespmem:$0x2138] =	vst v0  }
0x274: {  	[tilespmem:$0x2148] =	vst v0  }
0x275: {  	[tilespmem:$0x2158] =	vst v0  }
0x276: {  	[tilespmem:$0x2168] =	vst v0  }
0x277: {  	[tilespmem:$0x2228] =	vst v0  }
0x278: {  	[tilespmem:$0x3058] =	vst v0  }
0x279: {  	[tilespmem:$0x3048] =	vst v0  }
0x27a: {  	[tilespmem:$0x3038] =	vst v0  }
0x27b: {  	[tilespmem:$0x3028] =	vst v0  }
0x27c: {  	[tilespmem:$0x3018] =	vst v0  }
0x27d: {  	[tilespmem:$0x3008] =	vst v0  }
0x27e: {  	[tilespmem:$0x2FF8] =	vst v0  }
0x27f: {  	[tilespmem:$0x2FE8] =	vst v0  }
0x280: {  	[tilespmem:$0x2FD8] =	vst v0  }
0x281: {  	[tilespmem:$0x2FC8] =	vst v0  }
0x282: {  	[tilespmem:$0x2FB8] =	vst v0  }
0x283: {  	[tilespmem:$0x2FA8] =	vst v0  }
0x284: {  	[tilespmem:$0x2F98] =	vst v0  }
0x285: {  	[tilespmem:$0x2F88] =	vst v0  }
0x286: {  	[tilespmem:$0x2F78] =	vst v0  }
0x287: {  	[tilespmem:$0x2F68] =	vst v0  }
0x288: {  	[tilespmem:$0x2F58] =	vst v0  }
0x289: {  	[tilespmem:$0x2F48] =	vst v0  }
0x28a: {  	[tilespmem:$0x2F38] =	vst v0  }
0x28b: {  	[tilespmem:$0x2F28] =	vst v0  }
0x28c: {  	[tilespmem:$0x2F18] =	vst v0  }
0x28d: {  	[tilespmem:$0x2F08] =	vst v0  }
0x28e: {  	[tilespmem:$0x2EF8] =	vst v0  }
0x28f: {  	[tilespmem:$0x2EE8] =	vst v0  }
0x290: {  	[tilespmem:$0x2ED8] =	vst v0  }
0x291: {  	[tilespmem:$0x2EC8] =	vst v0  }
0x292: {  	[tilespmem:$0x2EB8] =	vst v0  }
0x293: {  	[tilespmem:$0x2EA8] =	vst v0  }
0x294: {  	[tilespmem:$0x2E98] =	vst v0  }
0x295: {  	[tilespmem:$0x2E88] =	vst v0  }
0x296: {  	[tilespmem:$0x2E78] =	vst v0  }
0x297: {  	[tilespmem:$0x2E68] =	vst v0  }
0x298: {  	[tilespmem:$0x2E58] =	vst v0  }
0x299: {  	[tilespmem:$0x2E48] =	vst v0  }
0x29a: {  	[tilespmem:$0x2E38] =	vst v0  }
0x29b: {  	[tilespmem:$0x2E28] =	vst v0  }
0x29c: {  	[tilespmem:$0x2E18] =	vst v0  }
0x29d: {  	[tilespmem:$0x2E08] =	vst v0  }
0x29e: {  	[tilespmem:$0x2DF8] =	vst v0  }
0x29f: {  	[tilespmem:$0x2DE8] =	vst v0  }
0x2a0: {  	[tilespmem:$0x2DD8] =	vst v0  }
0x2a1: {  	[tilespmem:$0x2DC8] =	vst v0  }
0x2a2: {  	[tilespmem:$0x2DB8] =	vst v0  }
0x2a3: {  	[tilespmem:$0x2DA8] =	vst v0  }
0x2a4: {  	[tilespmem:$0x2D98] =	vst v0  }
0x2a5: {  	[tilespmem:$0x2D88] =	vst v0  }
0x2a6: {  	[tilespmem:$0x2D78] =	vst v0  }
0x2a7: {  	[tilespmem:$0x2D68] =	vst v0  }
0x2a8: {  	[tilespmem:$0x2D58] =	vst v0  }
0x2a9: {  	[tilespmem:$0x2D48] =	vst v0  }
0x2aa: {  	[tilespmem:$0x2D38] =	vst v0  }
0x2ab: {  	[tilespmem:$0x2D28] =	vst v0  }
0x2ac: {  	[tilespmem:$0x2D18] =	vst v0  }
0x2ad: {  	[tilespmem:$0x2D08] =	vst v0  }
0x2ae: {  	[tilespmem:$0x2CF8] =	vst v0  }
0x2af: {  	[tilespmem:$0x2CE8] =	vst v0  }
0x2b0: {  	[tilespmem:$0x2CD8] =	vst v0  }
0x2b1: {  	[tilespmem:$0x2CC8] =	vst v0  }
0x2b2: {  	[tilespmem:$0x2CB8] =	vst v0  }
0x2b3: {  	[tilespmem:$0x2CA8] =	vst v0  }
0x2b4: {  	[tilespmem:$0x2C98] =	vst v0  }
0x2b5: {  	[tilespmem:$0x2C88] =	vst v0  }
0x2b6: {  	[tilespmem:$0x2C78] =	vst v0  }
0x2b7: {  	[tilespmem:$0x2C68] =	vst v0  }
0x2b8: {  	[tilespmem:$0x2C58] =	vst v0  }
0x2b9: {  	[tilespmem:$0x2C48] =	vst v0  }
0x2ba: {  	[tilespmem:$0x2C38] =	vst v0  }
0x2bb: {  	[tilespmem:$0x2C28] =	vst v0  }
0x2bc: {  	[tilespmem:$0x2C18] =	vst v0  }
0x2bd: {  	[tilespmem:$0x2C08] =	vst v0  }
0x2be: {  	[tilespmem:$0x2BF8] =	vst v0  }
0x2bf: {  	[tilespmem:$0x2BE8] =	vst v0  }
0x2c0: {  	[tilespmem:$0x2BD8] =	vst v0  }
0x2c1: {  	[tilespmem:$0x2BC8] =	vst v0  }
0x2c2: {  	[tilespmem:$0x2BB8] =	vst v0  }
0x2c3: {  	[tilespmem:$0x2BA8] =	vst v0  }
0x2c4: {  	[tilespmem:$0x2B98] =	vst v0  }
0x2c5: {  	[tilespmem:$0x2B88] =	vst v0  }
0x2c6: {  	[tilespmem:$0x2B78] =	vst v0  }
0x2c7: {  	[tilespmem:$0x2B68] =	vst v0  }
0x2c8: {  	[tilespmem:$0x2B58] =	vst v0  }
0x2c9: {  	[tilespmem:$0x2B48] =	vst v0  }
0x2ca: {  	[tilespmem:$0x2B38] =	vst v0  }
0x2cb: {  	[tilespmem:$0x2B28] =	vst v0  }
0x2cc: {  	[tilespmem:$0x2B18] =	vst v0  }
0x2cd: {  	[tilespmem:$0x2B08] =	vst v0  }
0x2ce: {  	[tilespmem:$0x2AF8] =	vst v0  }
0x2cf: {  	[tilespmem:$0x2AE8] =	vst v0  }
0x2d0: {  	[tilespmem:$0x2AD8] =	vst v0  }
0x2d1: {  	[tilespmem:$0x2AC8] =	vst v0  }
0x2d2: {  	[tilespmem:$0x2AB8] =	vst v0  }
0x2d3: {  	[tilespmem:$0x2AA8] =	vst v0  }
0x2d4: {  	[tilespmem:$0x2A98] =	vst v0  }
0x2d5: {  	[tilespmem:$0x2A88] =	vst v0  }
0x2d6: {  	[tilespmem:$0x2A78] =	vst v0  }
0x2d7: {  	[tilespmem:$0x2A68] =	vst v0  }
0x2d8: {  	[tilespmem:$0x2A58] =	vst v0  }
0x2d9: {  	[tilespmem:$0x2A48] =	vst v0  }
0x2da: {  	[tilespmem:$0x2A38] =	vst v0  }
0x2db: {  	[tilespmem:$0x2A28] =	vst v0  }
0x2dc: {  	[tilespmem:$0x2A18] =	vst v0  }
0x2dd: {  	[tilespmem:$0x2A08] =	vst v0  }
0x2de: {  	[tilespmem:$0x29F8] =	vst v0  }
0x2df: {  	[tilespmem:$0x29E8] =	vst v0  }
0x2e0: {  	[tilespmem:$0x29D8] =	vst v0  }
0x2e1: {  	[tilespmem:$0x29C8] =	vst v0  }
0x2e2: {  	[tilespmem:$0x29B8] =	vst v0  }
0x2e3: {  	[tilespmem:$0x29A8] =	vst v0  }
0x2e4: {  	[tilespmem:$0x2998] =	vst v0  }
0x2e5: {  	[tilespmem:$0x2988] =	vst v0  }
0x2e6: {  	[tilespmem:$0x2978] =	vst v0  }
0x2e7: {  	[tilespmem:$0x2968] =	vst v0  }
0x2e8: {  	[tilespmem:$0x2958] =	vst v0  }
0x2e9: {  	[tilespmem:$0x2948] =	vst v0  }
0x2ea: {  	[tilespmem:$0x2938] =	vst v0  }
0x2eb: {  	[tilespmem:$0x2928] =	vst v0  }
0x2ec: {  	[tilespmem:$0x2918] =	vst v0  }
0x2ed: {  	[tilespmem:$0x2908] =	vst v0  }
0x2ee: {  	[tilespmem:$0x28F8] =	vst v0  }
0x2ef: {  	[tilespmem:$0x28E8] =	vst v0  }
0x2f0: {  	[tilespmem:$0x28D8] =	vst v0  }
0x2f1: {  	[tilespmem:$0x28C8] =	vst v0  }
0x2f2: {  	[tilespmem:$0x28B8] =	vst v0  }
0x2f3: {  	[tilespmem:$0x28A8] =	vst v0  }
0x2f4: {  	[tilespmem:$0x2898] =	vst v0  }
0x2f5: {  	[tilespmem:$0x2888] =	vst v0  }
0x2f6: {  	[tilespmem:$0x2878] =	vst v0  }
0x2f7: {  	[tilespmem:$0x2868] =	vst v0  }
0x2f8: {  	[tilespmem:$0x2858] =	vst v0  }
0x2f9: {  	[tilespmem:$0x2848] =	vst v0  }
0x2fa: {  	[tilespmem:$0x2838] =	vst v0  }
0x2fb: {  	[tilespmem:$0x2828] =	vst v0  }
0x2fc: {  	[tilespmem:$0x2818] =	vst v0  }
0x2fd: {  	[tilespmem:$0x2808] =	vst v0  }
0x2fe: {  	[tilespmem:$0x27F8] =	vst v0  }
0x2ff: {  	[tilespmem:$0x27E8] =	vst v0  }
0x300: {  	[tilespmem:$0x27D8] =	vst v0  }
0x301: {  	[tilespmem:$0x27C8] =	vst v0  }
0x302: {  	[tilespmem:$0x27B8] =	vst v0  }
0x303: {  	[tilespmem:$0x27A8] =	vst v0  }
0x304: {  	[tilespmem:$0x2798] =	vst v0  }
0x305: {  	[tilespmem:$0x2788] =	vst v0  }
0x306: {  	[tilespmem:$0x2778] =	vst v0  }
0x307: {  	[tilespmem:$0x2768] =	vst v0  }
0x308: {  	[tilespmem:$0x2758] =	vst v0  }
0x309: {  	[tilespmem:$0x2748] =	vst v0  }
0x30a: {  	[tilespmem:$0x2738] =	vst v0  }
0x30b: {  	[tilespmem:$0x2728] =	vst v0  }
0x30c: {  	[tilespmem:$0x2718] =	vst v0  }
0x30d: {  	[tilespmem:$0x2708] =	vst v0  }
0x30e: {  	[tilespmem:$0x26F8] =	vst v0  }
0x30f: {  	[tilespmem:$0x26E8] =	vst v0  }
0x310: {  	[tilespmem:$0x26D8] =	vst v0  }
0x311: {  	[tilespmem:$0x26C8] =	vst v0  }
0x312: {  	[tilespmem:$0x26B8] =	vst v0  }
0x313: {  	[tilespmem:$0x26A8] =	vst v0  }
0x314: {  	[tilespmem:$0x2698] =	vst v0  }
0x315: {  	[tilespmem:$0x2688] =	vst v0  }
0x316: {  	[tilespmem:$0x2678] =	vst v0  }
0x317: {  	[tilespmem:$0x2668] =	vst v0  }
0x318: {  	[tilespmem:$0x2658] =	vst v0  }
0x319: {  	[tilespmem:$0x2648] =	vst v0  }
0x31a: {  	[tilespmem:$0x2638] =	vst v0  }
0x31b: {  	[tilespmem:$0x2628] =	vst v0  }
0x31c: {  	[tilespmem:$0x2618] =	vst v0  }
0x31d: {  	[tilespmem:$0x2608] =	vst v0  }
0x31e: {  	[tilespmem:$0x25F8] =	vst v0  }
0x31f: {  	[tilespmem:$0x25E8] =	vst v0  }
0x320: {  	[tilespmem:$0x25D8] =	vst v0  }
0x321: {  	[tilespmem:$0x25C8] =	vst v0  }
0x322: {  	[tilespmem:$0x25B8] =	vst v0  }
0x323: {  	[tilespmem:$0x25A8] =	vst v0  }
0x324: {  	[tilespmem:$0x2598] =	vst v0  }
0x325: {  	[tilespmem:$0x2588] =	vst v0  }
0x326: {  	[tilespmem:$0x2578] =	vst v0  }
0x327: {  	[tilespmem:$0x2568] =	vst v0  }
0x328: {  	[tilespmem:$0x2558] =	vst v0  }
0x329: {  	[tilespmem:$0x2548] =	vst v0  }
0x32a: {  	[tilespmem:$0x2538] =	vst v0  }
0x32b: {  	[tilespmem:$0x2528] =	vst v0  }
0x32c: {  	[tilespmem:$0x2518] =	vst v0  }
0x32d: {  	[tilespmem:$0x2508] =	vst v0  }
0x32e: {  	[tilespmem:$0x24F8] =	vst v0  }
0x32f: {  	[tilespmem:$0x24E8] =	vst v0  }
0x330: {  	[tilespmem:$0x24D8] =	vst v0  }
0x331: {  	[tilespmem:$0x24C8] =	vst v0  }
0x332: {  	[tilespmem:$0x24B8] =	vst v0  }
0x333: {  	[tilespmem:$0x24A8] =	vst v0  }
0x334: {  	[tilespmem:$0x2498] =	vst v0  }
0x335: {  	[tilespmem:$0x2488] =	vst v0  }
0x336: {  	[tilespmem:$0x2478] =	vst v0  }
0x337: {  	[tilespmem:$0x2468] =	vst v0  }
0x338: {  	[tilespmem:$0x2458] =	vst v0  }
0x339: {  	[tilespmem:$0x2448] =	vst v0  }
0x33a: {  	[tilespmem:$0x2438] =	vst v0  }
0x33b: {  	[tilespmem:$0x2428] =	vst v0  }
0x33c: {  	[tilespmem:$0x2418] =	vst v0  }
0x33d: {  	[tilespmem:$0x2408] =	vst v0  }
0x33e: {  	[tilespmem:$0x23F8] =	vst v0  }
0x33f: {  	[tilespmem:$0x23E8] =	vst v0  }
0x340: {  	[tilespmem:$0x23D8] =	vst v0  }
0x341: {  	[tilespmem:$0x23C8] =	vst v0  }
0x342: {  	[tilespmem:$0x23B8] =	vst v0  }
0x343: {  	[tilespmem:$0x23A8] =	vst v0  }
0x344: {  	[tilespmem:$0x2398] =	vst v0  }
0x345: {  	[tilespmem:$0x2388] =	vst v0  }
0x346: {  	[tilespmem:$0x2378] =	vst v0  }
0x347: {  	[tilespmem:$0x2368] =	vst v0  }
0x348: {  	[tilespmem:$0x2358] =	vst v0  }
0x349: {  	[tilespmem:$0x2348] =	vst v0  }
0x34a: {  	[tilespmem:$0x2338] =	vst v0  }
0x34b: {  	[tilespmem:$0x2328] =	vst v0  }
0x34c: {  	[tilespmem:$0x2318] =	vst v0  }
0x34d: {  	[tilespmem:$0x2308] =	vst v0  }
0x34e: {  	[tilespmem:$0x22F8] =	vst v0  }
0x34f: {  	[tilespmem:$0x22E8] =	vst v0  }
0x350: {  	[tilespmem:$0x22D8] =	vst v0  }
0x351: {  	[tilespmem:$0x22C8] =	vst v0  }
0x352: {  	[tilespmem:$0x22B8] =	vst v0  }
0x353: {  	[tilespmem:$0x22A8] =	vst v0  }
0x354: {  	[tilespmem:$0x2298] =	vst v0  }
0x355: {  	[tilespmem:$0x2288] =	vst v0  }
0x356: {  	[tilespmem:$0x2278] =	vst v0  }
0x357: {  	s8 =	stileid.u32;
	[tilespmem:$0x2268] =	vst v0  }
0x358: {  	s0 =	smul.u32 $0x8A, s8;
	[tilespmem:$0x2258] =	vst v0  }
0x359: {  	s3 =	smin.u32 s8, $0x6;
	[tilespmem:$0x2248] =	vst v0  }
0x35a: {  	[tilespmem:$0x2238] =	vst v0;
	s0 =	sadd.s32 s3, s0  }
0x35b: {  	p0 =	slt.u32 s8, $0x6;
	[tilespmem:$0x2208] =	vst v0;
	s3 =	simm.s32 $0xD080;
	s5 =	smul.u32 $0x180, s0  }
0x35c: {  	s3 =	simm.s32 @!p0 $0xCF00;
	[tilespmem:$0x2218] =	vst v0  }
0x35d: {  	[tilespmem:$0x21F8] =	vst v0;
	s0 =	sadd.s32 s3, s5  }
0x35e: {  	[tilespmem:$0x2188] =	vst v0;
	s6 =	smin.u32 s0, $0xCF850  }
0x35f: {  	[tilespmem:$0x21E8] =	vst v0;
	s0 =	ssub.s32 s6, s5  }
0x360: {  	s4 =	simm.s32 $0x2;
	[tilespmem:$0x21D8] =	vst v0;
	p0 =	sgt.s32 s0, $0x0  }
0x361: {  	s11 =	simm.s32 $0x7;
	s31 =	simm.s32 $0x8;
	[tilespmem:$0x21C8] =	vst v0;
	s0 =	simm.s32 @!p0 $0x0  }
0x362: {  	s15 =	simm.s32 $0x0;
	p1 =	por $0x0, $0x0;
	[tilespmem:$0x21B8] =	vst v0;
	s29 =	smulhi.u32 $0x2AAAAAAB, s0  }
0x363: {  	s16 =	simm.s32 $0xA;
	s20 =	simm.s32 $0x0;
	s17 =	simm.s32 $0x0;
	[tilespmem:$0x21A8] =	vst v0  }
0x364: {  	s19 =	simm.s32 $0x0;
	s9 =	sadd.s32 $0x64A00, s2;
	[tilespmem:$0x2198] =	vst v0;
	s30 =	sshrl.u32 s29, $0x6  }
0x365: {  	s10 =	sadd.s32 $0x204800, s2;
	[tilespmem:$0x2178] =	vst v0;
	[sflag:s4] =	ssyncpa.u1 $0x0;
	v0 =	vimm.s32 $0xFFFFFFFF;
	s7 =	smul.u32 $0x180, s30  }
.Ltmp7:
0x366: {  	[tilespmem:$0x6088] =	vst v0;
	[sflag:s11] =	ssyncpa.u1 $0x0;
	s11 =	simm.s32 $0x9;
	(pc) =	sbr.rel .LBB3_1-.Ltmp7, $4  }
0x367: {  	[sflag:s31] =	ssyncpa.u1 $0x0;
	p0 =	sne.s32 s0, s7;
	s0 =	simm.s32 $0x1  }
0x368: {  	s13 =	sshll.u32 s8, $0x6;
	[sflag:s11] =	ssyncpa.u1 $0x0;
	s0 =	simm.s32 @!p0 $0x0  }
0x369: {  	s3 =	sadd.s32 $0xFC0400, s2;
	s2 =	sadd.s32 $0xCB600, s2;
	s12 =	sadd.s32 s0, s30  }
0x36a: {  	v0 =	vlaneseq.u32;
	s18 =	smov.u32 s5;
	p0 =	por $0x1, $0x1;
	s14 =	sadd.s32 $0x1, s12  }
.LBB3_22:
0x36b: {  	s0 =	sshrl.u32 s29, $0x2  }
.LBB3_24:
0x36c: {  	_ =	swait.ge [sflag:s16], s0  }
0x36d: {  	s31 =	ssub.s32 $0x0, s0;
	v1 =	vmov s22;
	vm0 =	veq.s32 v0, $0x0;
	[sflag:s16] =	ssyncset.done $0x0  }
0x36e: {  	vm15 =	veq.s32 v0, $0x2;
	v1 =	vsel vm0, s28, v1;
	[sflag:s16] =	ssyncadd.s32 s31  }
0x36f: {  	v1 =	vsel vm15, s20, v1;
	[sflag:s16] =	ssyncpa.u1 $0x1  }
0x370: {  	[tilespmem:$0x6088] =	vst v1  }
.LBB3_25:
0x371: {  	s0 =	sadd.s32 $0x180, s18  }
0x372: {  	s4 =	smov.u32 s5;
	p2 =	slt.s32 s0, s6  }
0x373: {  	s4 =	smov.u32 @p2 s0;
	p2 =	sne.s32 s19, s14  }
.Ltmp8:
0x374: {  	_ = 	snop;
	(pc) =	sbr.rel @!p2 .LBB3_26-.Ltmp8, $4  }
0x375: {  	_ = 	snop  }
0x376: {  	s20 =	smov.u32 s17  }
0x377: {  	s31 =	sadd.s32 $0x1, s19;
	s17 =	smov.u32 s18;
	p0 =	por !p0, !p0  }
0x378: {  	p1 =	por !p1, !p1;
	s19 =	smov.u32 s31;
	s18 =	smov.u32 s4  }
.LBB3_1:
0x379: {  	p2 =	sge.u32 s19, s12  }
0x37a: {  	s0 =	smulhi.u32 @!p2 $0xAAAAAAAB, s19  }
0x37b: {  	s4 =	smov.u32 s18;
	p3 =	sgt.s32 @!p2 s18, $0xCF6D0  }
0x37c: {  	s7 =	sshra.s32 @!p2 s18, $0x1F;
	p3 =	por !p3, p2;
	s0 =	sshrl.u32 @!p2 s0, $0x1  }
0x37d: {  	s7 =	sand.u32 @!p2 s7, s18;
	s4 =	simm.s32 @p3 $0xCF6D0;
	s0 =	smul.u32 @!p2 $0x3, s0  }
0x37e: {  	s4 =	ssub.s32 @!p2 s4, s7  }
0x37f: {  	s22 =	sadd.s32 $0xFFFFFFFF, s19;
	s4 =	sadd.s32 @!p2 $0xFFF30930, s4;
	s0 =	ssub.s32 @!p2 s19, s0  }
0x380: {  	s7 =	sshll.u32 @!p2 s4, $0x2;
	p3 =	sgt.s32 @!p2 s4, $0x17F;
	s0 =	smul.u32 @!p2 $0x600, s0  }
0x381: {  	s21 =	sand.u32 @!p2 $0x7, s18;
	s4 =	ssub.s32 @!p2 $0x600, s7;
	p3 =	por !p3, p2  }
0x382: {  	s7 =	sshrl.u32 @!p2 s18, $0x3;
	s4 =	sshrl.u32 @!p2 s4, $0x2;
	s0 =	sshrl.u32 @!p2 s0, $0x2  }
0x383: {  	s7 =	sadd.s32 @!p2 s2, s7;
	s4 =	simm.s32 @!p3 $0x0;
	s0 =	sadd.s32 @!p2 $0x64B8, s0  }
0x384: {  	[tilespmem:s0], [sflag:$0x8] =	stream.linear.gather @!p2 [hbm4b:s7+s21], s4, $0x38;
	[tilespmem:$0x1EC38] =	vst v63  }
0x385: {  	p2 =	sge.u32 s22, s12  }
0x386: {  	p3 =	sgt.s32 @!p2 s17, $0xCF6D0  }
0x387: {  	s0 =	smov.u32 s17;
	s4 =	sshra.s32 @!p2 s17, $0x1F;
	p3 =	por !p3, p2  }
0x388: {  	s4 =	sand.u32 @!p2 s4, s17;
	s0 =	simm.s32 @p3 $0xCF6D0  }
0x389: {  	s0 =	ssub.s32 @!p2 s0, s4  }
0x38a: {  	s0 =	sadd.s32 @!p2 $0xFFF30930, s0  }
0x38b: {  	s4 =	sshll.u32 @!p2 s0, $0x2  }
0x38c: {  	p3 =	sgt.s32 @!p2 s0, $0x17F;
	s0 =	ssub.s32 @!p2 $0x600, s4  }
0x38d: {  	p3 =	por !p3, p2;
	s0 =	sshrl.u32 @!p2 s0, $0x2  }
0x38e: {  	s7 =	simm.s32 @!p2 $0x8;
	s4 =	sand.u32 @!p2 $0x1, s22;
	s0 =	simm.s32 @!p3 $0x0  }
0x38f: {  	s4 =	smul.u32 @!p2 $0x600, s4;
	_ =	swait.ge @!p2 [sflag:s7], s0  }
0x390: {  	s21 =	ssub.s32 @!p2 $0x0, s0;
	[sflag:s7] =	ssyncset.done @!p2 $0x0  }
0x391: {  	s4 =	sshrl.u32 @!p2 s4, $0x2;
	[sflag:s7] =	ssyncadd.s32 @!p2 s21;
	s7 =	sshrl.u32 @!p2 s17, $0x3  }
0x392: {  	s4 =	sadd.s32 @!p2 $0x6938, s4;
	s21 =	sand.u32 @!p2 $0x7, s17;
	s7 =	sadd.s32 @!p2 s9, s7  }
0x393: {  	[tilespmem:s4], [sflag:$0x9] =	stream.linear.gather @!p2 [hbm4b:s7+s21], s0, $0x38;
	[tilespmem:$0x1EC38] =	vst v63  }
0x394: {  	s21 =	ssub.s32 @!p2 $0xCF850, s17  }
0x395: {  	p3 =	slt.s32 @!p2 s21, $0x1  }
0x396: {  	p3 =	por p2, p3  }
.Ltmp9:
0x397: {  	_ = 	snop;
	(pc) =	sbr.rel @p3 .LBB3_7-.Ltmp9, $1  }
0x398: {  	_ =	sdelay $0x3  }
0x399: {  	s0 =	smulhi.u32 $0xAAAAAAAB, s22;
	_ =	sdelay $0x1  }
0x39a: {  	s0 =	sshrl.u32 s0, $0x1  }
0x39b: {  	s0 =	smul.u32 $0x3, s0;
	_ =	sdelay $0x1  }
0x39c: {  	s0 =	ssub.s32 s22, s0  }
0x39d: {  	s4 =	simm.s32 $0x1;
	s0 =	smul.u32 $0x600, s0  }
.Ltmp10:
0x39e: {  	s4 =	simm.s32 @!p0 $0x0;
	(pc) =	sbr.rel .LBB3_4-.Ltmp10, $4  }
0x39f: {  	s4 =	smul.u32 $0x30000, s4  }
0x3a0: {  	p3 =	slt.s32 @!p2 s21, $0x180;
	s0 =	sshrl.u32 s0, $0x2  }
0x3a1: {  	p2 =	por !p3, p2;
	s4 =	sshrl.u32 s4, $0x2;
	s0 =	sadd.s32 $0x64B8, s0  }
0x3a2: {  	s23 =	simm.s32 $0x0;
	s21 =	simm.s32 @p2 $0x180;
	s22 =	sadd.s32 $0x6C38, s4;
	v1 =	vmov s0  }
.LBB3_3:
0x3a3: {  	p2 =	sge.s32 s23, s21  }
.Ltmp11:
0x3a4: {  	_ = 	snop;
	(pc) =	sbr.rel @p2 .LBB3_7-.Ltmp11, $2  }
0x3a5: {  	_ =	sdelay $0x2  }
0x3a6: {  	s22 =	sadd.s32 $0x800, s22  }
.LBB3_4:
0x3a7: {  	p2 =	sle.s32 s21, s23  }
.Ltmp12:
0x3a8: {  	_ = 	snop;
	(pc) =	sbr.rel @p2 .LBB3_3-.Ltmp12, $2  }
0x3a9: {  	_ =	sdelay $0x2  }
0x3aa: {  	s24 =	smov.u32 s23;
	s23 =	sadd.s32 $0x10, s23  }
0x3ab: {  	s0 =	ssub.s32 s21, s24  }
0x3ac: {  	p2 =	slt.s32 s0, $0x10  }
0x3ad: {  	s0 =	simm.s32 @!p2 $0x10  }
0x3ae: {  	v2 =	vmov s0  }
0x3af: {  	vm0 =	vgt.s32 v2, v0;
	_ =	sdelay $0x5  }
0x3b0: {  	v2 =	vld.idx.msk [tilespmem:v1+s24+$0x0 ss:$0x1], vm0;
	_ =	sdelay $0x2  }
0x3b1: {  	p2 =	slt.s32 s23, s21;
	s0 =	smov.u32 s21  }
0x3b2: {  	s4 =	smov.u32 s22;
	s25 =	simm.s32 $0x0;
	s0 =	smov.u32 @p2 s23  }
.LBB3_6:
0x3b3: {  	(v2sf) =	vpush v2, s25;
	_ =	sdelay $0xc  }
0x3b4: {  	s25 =	sadd.s32 $0x1, s25  }
0x3b5: {  	s31 =	sadd.s32 s25, s24  }
0x3b6: {  	p2 =	slt.s32 s31, s0;
	s7 =	spop (v2sf)  }
.Ltmp13:
0x3b7: {  	s7 =	sshll.u32 s7, $0x4;
	(pc) =	sbr.rel @p2 .LBB3_6-.Ltmp13, $4  }
0x3b8: {  	s7 =	sand.u32 $0x1FFFFFF0, s7  }
0x3b9: {  	s7 =	sadd.s32 s10, s7  }
0x3ba: {  	[tilespmem:s4], [sflag:$0x7] =	stream.linear.gather [hbm4b:s7+s15], $0x20, $0x38;
	[tilespmem:$0x1EC38] =	vst v63  }
0x3bb: {  	s4 =	sadd.s32 $0x80, s4  }
.Ltmp14:
0x3bc: {  	_ = 	snop;
	(pc) =	sbr.rel .LBB3_3-.Ltmp14, $1  }
0x3bd: {  	_ =	sdelay $0x3  }
.LBB3_7:
0x3be: {  	p2 =	slt.u32 s19, $0x2  }
.Ltmp15:
0x3bf: {  	_ = 	snop;
	(pc) =	sbr.rel @p2 .LBB3_25-.Ltmp15, $1  }
0x3c0: {  	_ =	sdelay $0x3  }
0x3c1: {  	p2 =	sgt.s32 s20, $0xCF6D0;
	s0 =	smov.u32 s20  }
0x3c2: {  	s4 =	sshra.s32 s20, $0x1F;
	s7 =	ssub.s32 $0xCF850, s20;
	s0 =	simm.s32 @!p2 $0xCF6D0  }
0x3c3: {  	s4 =	sand.u32 s4, s20;
	p2 =	slt.s32 s7, $0x180;
	s21 =	smov.u32 s7  }
0x3c4: {  	s0 =	ssub.s32 s0, s4;
	s21 =	simm.s32 @!p2 $0x180  }
0x3c5: {  	s0 =	sadd.s32 $0xFFF30930, s0;
	s26 =	sshll.u32 s21, $0x5  }
0x3c6: {  	s8 =	simm.s32 $0x7;
	s29 =	sshll.u32 s0, $0x2;
	s4 =	sand.u32 $0x3FFFFFE0, s26  }
0x3c7: {  	p2 =	sgt.s32 s0, $0x17F;
	s30 =	ssub.s32 $0x600, s29;
	_ =	swait.ge [sflag:s8], s4  }
0x3c8: {  	s4 =	ssub.s32 $0x0, s4;
	[sflag:s8] =	ssyncset.done $0x0;
	s0 =	sshrl.u32 s30, $0x2  }
0x3c9: {  	[sflag:s8] =	ssyncadd.s32 s4;
	s0 =	simm.s32 @p2 $0x0  }
0x3ca: {  	_ =	swait.ge [sflag:s11], s0  }
0x3cb: {  	s0 =	ssub.s32 $0x0, s0;
	[sflag:s11] =	ssyncset.done $0x0  }
0x3cc: {  	[sflag:s11] =	ssyncadd.s32 s0  }
0x3cd: {  	v1 =	vld [tilespmem:$0x6088];
	_ =	sdelay $0x4  }
0x3ce: {  	(v2sf) =	vpush v1, $0x0  }
0x3cf: {  	(v2sf) =	vpush v1, $0x1  }
0x3d0: {  	(v2sf) =	vpush v1, $0x2;
	_ =	sdelay $0x3  }
0x3d1: {  	s0 =	sadd.s32 $0x180, s20  }
0x3d2: {  	p2 =	slt.s32 s6, s0  }
0x3d3: {  	s0 =	smov.u32 @p2 s6;
	p2 =	sgt.s32 s7, $0x0  }
0x3d4: {  	s24 =	ssub.s32 s0, s20;
	s7 =	simm.s32 @!p2 $0x0  }
0x3d5: {  	p2 =	slt.s32 s7, s24  }
0x3d6: {  	s24 =	smov.u32 @p2 s7  }
0x3d7: {  	s23 =	simm.s32 $0x1;
	p2 =	slt.s32 s24, $0x1  }
.Ltmp16:
0x3d8: {  	s23 =	simm.s32 @!p1 $0x0;
	(pc) =	sbr.rel @p2 .LBB3_12-.Ltmp16, $4  }
0x3d9: {  	s31 =	smul.u32 $0x600, s23  }
0x3da: {  	s25 =	spop (v2sf)  }
0x3db: {  	s0 =	sshrl.u32 s31, $0x2;
	s28 =	spop (v2sf)  }
0x3dc: {  	s21 =	sadd.s32 $0x6938, s0;
	s20 =	spop (v2sf)  }
0x3dd: {  	s0 =	smin.u32 s24, $0x10  }
0x3de: {  	v1 =	vmov s0  }
0x3df: {  	p3 =	sgt.s32 s24, $0x10;
	vm1 =	vgt.u32 v1, v0  }
.Ltmp17:
0x3e0: {  	_ = 	snop;
	(pc) =	sbr.rel @!p3 .LBB3_11-.Ltmp17, $2  }
0x3e1: {  	_ =	sdelay $0x2  }
0x3e2: {  	s26 =	simm.s32 $0x10;
	s29 =	sadd.s32 $0xFFFFFFF0, s24;
	s22 =	smov.u32 s21;
	vm0 =	vmmov vm1  }
.LBB3_10:
0x3e3: {  	s0 =	smin.u32 s29, $0x10;
	s26 =	sadd.s32 $0x10, s26;
	v1 =	vld.msk [tilespmem:s22+$0x0 ss:$0x1], vm1  }
0x3e4: {  	v2 =	vmov s0;
	p3 =	slt.s32 s26, s24  }
0x3e5: {  	vm1 =	vgt.u32 v2, v0  }
.Ltmp18:
0x3e6: {  	(pc) =	sbr.rel @p3 .LBB3_10-.Ltmp18, $3  }
0x3e7: {  	_ =	sdelay $0x1  }
0x3e8: {  	v1 =	vshll.u32 v1, $0x4  }
0x3e9: {  	s29 =	sadd.s32 $0xFFFFFFF0, s29;
	[tilespmem:s22+$0x0] =	vst.msk vm0, v1;
	s22 =	sadd.s32 $0x10, s22;
	vm0 =	vmmov vm1  }
.LBB3_11:
0x3ea: {  	_ =	sdelay $0x4  }
0x3eb: {  	v1 =	vld.msk [tilespmem:s22+$0x0 ss:$0x1], vm1;
	_ =	sdelay $0x4  }
0x3ec: {  	v1 =	vshll.u32 v1, $0x4  }
0x3ed: {  	[tilespmem:s22+$0x0] =	vst.msk vm0, v1  }
.LBB3_12:
0x3ee: {  	s0 =	sand.u32 $0x1, s19  }
0x3ef: {  	s0 =	smul.u32 $0x180, s0  }
0x3f0: {  	p3 =	sne.s32 s28, $0xFFFFFFFF  }
0x3f1: {  	v1 =	vld.msk @!p3 [tilespmem:s0+$0x6938], $0x1;
	_ =	sdelay $0x4  }
0x3f2: {  	(v2sf) =	vpush @!p3 v1, $0x0;
	_ =	sdelay $0xc  }
.Ltmp19:
0x3f3: {  	_ = 	snop;
	(pc) =	sbr.rel @p2 .LBB3_23-.Ltmp19, $4  }
0x3f4: {  	_ = 	snop  }
0x3f5: {  	s26 =	spop @!p3 (v2sf)  }
0x3f6: {  	s20 =	simm.s32 @!p3 $0x0;
	s22 =	smov.u32 s26  }
0x3f7: {  	[sflag:s16] =	ssyncpa.u1 $0x0;
	s26 =	smov.u32 @p3 s25;
	s22 =	smov.u32 @p3 s28  }
0x3f8: {  	v1 =	vld.msk [tilespmem:s21+$0x0], $0x1;
	_ =	sdelay $0x4  }
0x3f9: {  	(v2sf) =	vpush v1, $0x0;
	_ =	sdelay $0xe  }
0x3fa: {  	s0 =	smul.u32 $0x30000, s23;
	s30 =	spop (v2sf)  }
0x3fb: {  	s24 =	ssub.s32 $0x0, s24;
	p2 =	seq.s32 s26, s30  }
0x3fc: {  	s28 =	sadd.s32 $0x1, s24;
	s0 =	sshrl.u32 s0, $0x2;
	p3 =	sgt.s32 @!p2 s26, $0x0  }
0x3fd: {  	s23 =	sadd.s32 $0x6C48, s0;
	s0 =	smov.u32 s26;
	p3 =	por !p3, p2  }
0x3fe: {  	s0 =	simm.s32 @p3 $0x0;
	p3 =	seq.s32 s28, $0x0  }
.Ltmp20:
0x3ff: {  	_ = 	snop;
	(pc) =	sbr.rel @p3 .LBB3_15-.Ltmp20, $4  }
0x400: {  	_ = 	snop  }
0x401: {  	s25 =	simm.s32 $0x0;
	s31 =	simm.s32 @!p2 $0x1;
	s4 =	smin.u32 @!p2 s0, $0xC34FC  }
0x402: {  	s29 =	sadd.s32 $0x1, s21;
	s31 =	smov.u32 @p2 s25;
	s7 =	sand.u32 @!p2 $0xFFFF8, s4  }
0x403: {  	s0 =	simm.s32 @!p2 $0x3068;
	s4 =	sand.u32 @!p2 $0x7, s4;
	s7 =	sadd.s32 @!p2 s3, s7  }
.LBB3_14:
0x404: {  	s8 =	smov.u32 s31  }
0x405: {  	[tilespmem:s0], [sflag:$0x2] =	stream.linear.gather @!p2 [hbm4b:s7+s4], $0x20, $0x38;
	[tilespmem:$0x1EC38] =	vst v63  }
0x406: {  	s28 =	sadd.s32 $0x1, s28;
	s4 =	smov.u32 s30;
	v1 =	vld.msk [tilespmem:s29+$0x0], $0x1  }
0x407: {  	p3 =	seq.s32 s28, $0x0;
	_ =	sdelay $0x3  }
0x408: {  	(v2sf) =	vpush v1, $0x0;
	_ =	sdelay $0xe  }
0x409: {  	s30 =	spop (v2sf)  }
0x40a: {  	p2 =	seq.s32 s4, s30  }
0x40b: {  	p4 =	sgt.s32 @!p2 s4, $0x0;
	s0 =	sshll.u32 @!p2 s31, $0x7;
	s31 =	sadd.s32 @!p2 $0x1, s31  }
.Ltmp21:
0x40c: {  	p4 =	por !p4, p2;
	s0 =	sshra.s32 @!p2 s0, $0x2;
	(pc) =	sbr.rel @!p3 .LBB3_14-.Ltmp21, $4  }
0x40d: {  	s31 =	smov.u32 @p2 s8;
	s4 =	simm.s32 @p4 $0x0;
	s0 =	sadd.s32 @!p2 $0x3068, s0  }
0x40e: {  	s4 =	smin.u32 @!p2 s4, $0xC34FC  }
0x40f: {  	s7 =	sand.u32 @!p2 $0xFFFF8, s4;
	s4 =	sand.u32 @!p2 $0x7, s4  }
0x410: {  	s29 =	sadd.s32 $0x1, s29;
	s7 =	sadd.s32 @!p2 s3, s7  }
.LBB3_15:
0x411: {  	[tilespmem:s0], [sflag:$0x2] =	stream.linear.gather @!p2 [hbm4b:s7+s4], $0x20, $0x38;
	[tilespmem:$0x1EC38] =	vst v63  }
.Ltmp22:
0x412: {  	s30 =	sshll.u32 s31, $0x5;
	(pc) =	sbr.rel .LBB3_16-.Ltmp22, $4  }
0x413: {  	s31 =	simm.s32 $0x2;
	s0 =	sand.u32 $0x3FFFFFE0, s30  }
0x414: {  	_ =	swait.ge [sflag:s31], s0  }
0x415: {  	s0 =	ssub.s32 $0x0, s0;
	[sflag:s31] =	ssyncset.done $0x0  }
0x416: {  	s29 =	simm.s32 $0x0;
	[sflag:s31] =	ssyncadd.s32 s0  }
.LBB3_17:
0x417: {  	v1 =	vld [tilespmem:s23+$0xFFFFFFF0];
	_ =	sdelay $0x4  }
0x418: {  	[tilespmem:s0+$0x48] =	vst.add.f32.msk $0xffff, v1  }
0x419: {  	v1 =	vld [tilespmem:s23+$0x0];
	_ =	sdelay $0x4  }
0x41a: {  	[tilespmem:s0+$0x58] =	vst.add.f32.msk $0xffff, v1  }
.LBB3_21:
0x41b: {  	s24 =	sadd.s32 $0x1, s24  }
0x41c: {  	p2 =	seq.s32 s24, $0x0  }
.Ltmp23:
0x41d: {  	_ = 	snop;
	(pc) =	sbr.rel @p2 .LBB3_22-.Ltmp23, $2  }
0x41e: {  	_ =	sdelay $0x2  }
0x41f: {  	s23 =	sadd.s32 $0x80, s23;
	s21 =	sadd.s32 $0x1, s21;
	s26 =	smov.u32 s28  }
.LBB3_16:
0x420: {  	v1 =	vld.msk [tilespmem:s21+$0x0], $0x1;
	_ =	sdelay $0x4  }
0x421: {  	(v2sf) =	vpush v1, $0x0;
	_ =	sdelay $0xe  }
0x422: {  	s28 =	spop (v2sf)  }
0x423: {  	p2 =	sne.s32 s26, s28  }
.Ltmp24:
0x424: {  	_ = 	snop;
	(pc) =	sbr.rel @!p2 .LBB3_17-.Ltmp24, $3  }
0x425: {  	_ =	sdelay $0x1  }
0x426: {  	s0 =	sshll.u32 s20, $0x7  }
0x427: {  	s0 =	sshra.s32 s0, $0x2  }
0x428: {  	p2 =	seq.s32 s26, s22  }
.Ltmp25:
0x429: {  	_ = 	snop;
	(pc) =	sbr.rel @!p2 .LBB3_19-.Ltmp25, $1  }
0x42a: {  	_ =	sdelay $0x3  }
.Ltmp26:
0x42b: {  	s0 =	sadd.s32 $0x48, s0;
	(pc) =	sbr.rel .LBB3_20-.Ltmp26, $4  }
0x42c: {  	[spmem:s13] =	stream.linear.scatter [tilespmem:s0], [sflag:$0x1], $0x20, $0x38;
	[tilespmem:$0x1EC38] =	vst v63  }
0x42d: {  	_ =	swait.ge [sflag:s1], $0x20  }
0x42e: {  	[sflag:s1] =	ssyncset.done $0x0  }
0x42f: {  	[sflag:s1] =	ssyncadd.s32 $0xFFFFFFE0  }
.LBB3_19:
0x430: {  	s4 =	sshll.u32 s25, $0x7  }
0x431: {  	s4 =	sshra.s32 s4, $0x2  }
0x432: {  	v1 =	vld [tilespmem:s4+$0x3068];
	_ =	sdelay $0x4  }
0x433: {  	[tilespmem:s0+$0x48] =	vst.add.f32.msk $0xffff, v1  }
0x434: {  	v1 =	vld [tilespmem:s4+$0x3078];
	_ =	sdelay $0x2  }
0x435: {  	p2 =	sgt.u32 s26, $0xC34FC  }
0x436: {  	s4 =	sand.u32 @!p2 $0xFFFF8, s26  }
0x437: {  	s7 =	sadd.s32 $0x48, s0;
	[tilespmem:s0+$0x58] =	vst.add.f32.msk $0xffff, v1;
	s0 =	sadd.s32 @!p2 s3, s4;
	s4 =	sand.u32 @!p2 $0x7, s26  }
0x438: {  	[hbm4b:s0+s4] =	stream.linear.scatter @!p2 [tilespmem:s7], [sflag:$0xA], $0x20, $0x38;
	[tilespmem:$0x1EC38] =	vst v63  }
0x439: {  	s0 =	simm.s32 $0x0  }
0x43a: {  	s0 =	simm.s32 @!p2 $0x80  }
0x43b: {  	s29 =	sadd.s32 s0, s29  }
.LBB3_20:
0x43c: {  	s0 =	sadd.s32 $0x1, s20  }
0x43d: {  	s4 =	smulhi.u32 $0xAAAAAAAB, s0;
	_ =	sdelay $0x1  }
0x43e: {  	v1 =	vld [tilespmem:s23+$0xFFFFFFF0];
	s4 =	sshrl.u32 s4, $0x8  }
0x43f: {  	s4 =	smul.u32 $0x180, s4;
	_ =	sdelay $0x1  }
0x440: {  	s20 =	ssub.s32 s0, s4  }
0x441: {  	s0 =	sshll.u32 s20, $0x5  }
0x442: {  	[tilespmem:s0+$0x48] =	vst v1  }
0x443: {  	v1 =	vld [tilespmem:s23+$0x0]  }
.Ltmp27:
0x444: {  	_ = 	snop;
	(pc) =	sbr.rel .LBB3_21-.Ltmp27, $2  }
0x445: {  	_ =	sdelay $0x2  }
0x446: {  	s25 =	sadd.s32 $0x1, s25;
	[tilespmem:s0+$0x58] =	vst v1  }
.LBB3_23:
.Ltmp28:
0x447: {  	(pc) =	sbr.rel .LBB3_24-.Ltmp28, $4  }
0x448: {  	_ = 	snop  }
0x449: {  	s0 =	simm.s32 $0x2  }
0x44a: {  	_ =	swait.ge [sflag:s0], $0x0  }
0x44b: {  	s28 =	smov.u32 s26;
	[sflag:s0] =	ssyncset.done $0x0;
	s0 =	simm.s32 $0x0  }
.LBB3_26:
0x44c: {  	_ =	sfence.sel $0x180000  }
0x44d: {  	s0 =	simm.s32 $0x7;
	[bflag:$0x0] =	sbarrier.arrive $0xFFFF  }
0x44e: {  	s25 =	simm.s32 $0x8;
	[sflag:s0] =	ssyncpa.u1 $0x1  }
0x44f: {  	s26 =	simm.s32 $0x9;
	[sflag:s25] =	ssyncpa.u1 $0x1  }
0x450: {  	s28 =	simm.s32 $0x2;
	[sflag:s26] =	ssyncpa.u1 $0x1  }
0x451: {  	[sflag:s28] =	ssyncpa.u1 $0x1  }
0x452: {  	v0 =	vld [tilespmem:$0x6088];
	_ =	sdelay $0x4  }
0x453: {  	(v2sf) =	vpush v0, $0x0  }
0x454: {  	(v2sf) =	vpush v0, $0x1;
	_ =	sdelay $0x1  }
0x455: {  	(v2sf) =	vpush v0, $0x2;
	_ =	sdelay $0xb  }
0x456: {  	s0 =	spop (v2sf)  }
0x457: {  	s1 =	spop (v2sf)  }
0x458: {  	s2 =	smov.u32 s0;
	p0 =	sne.s32 s0, s1  }
0x459: {  	s4 =	spop (v2sf);
	s2 =	simm.s32 @!p0 $0xFFFFFFFF  }
0x45a: {  	v2 =	vimm.s32 $0x1;
	v3 =	vlaneseq.u32;
	p0 =	seq.s32 s4, $0xFFFFFFFF;
	v1 =	vmov s2  }
0x45b: {  	s7 =	stileid.u32;
	v0 =	vperm.xlane v0, v2;
	p1 =	sne.s32 @!p0 s0, s1;
	v1 =	vperm.xlane v1, v3  }
0x45c: {  	vm0 =	vcmask $0x3F04;
	s6 =	simm.s32 $0x6088;
	s0 =	simm.s32 @!p0 $0x1;
	p1 =	por !p1, p0  }
0x45d: {  	s2 =	sshll.u32 s7, $0x1;
	s1 =	sshll.u32 @!p0 s4, $0x7;
	s0 =	simm.s32 @p1 $0x0;
	v0 =	vsel vm0, v1, v0  }
0x45e: {  	s5 =	sor.u32 $0x400, s2;
	s1 =	sshra.s32 @!p0 s1, $0x2;
	s0 =	sor.u32 @!p0 s0, s2;
	[tilespmem:$0x6088] =	vst v0  }
0x45f: {  	[spmem:s5] =	stream.linear.scatter [tilespmem:s6], [sflag:$0x1], $0x2, $0x38;
	[tilespmem:$0x1EC38] =	vst v63  }
0x460: {  	s1 =	sadd.s32 @!p0 $0x48, s1;
	s0 =	sshll.u32 @!p0 s0, $0x5  }
0x461: {  	[spmem:s0] =	stream.linear.scatter @!p0 [tilespmem:s1], [sflag:$0x1], $0x20, $0x38;
	[tilespmem:$0x1EC38] =	vst v63  }
0x462: {  	s1 =	simm.s32 @!p0 $0x22  }
0x463: {  	s0 =	simm.s32 $0x1;
	s1 =	simm.s32 @p0 $0x2  }
0x464: {  	_ =	swait.ge [sflag:s0], s1  }
0x465: {  	s1 =	ssub.s32 $0x0, s1;
	[sflag:s0] =	ssyncset.done $0x0  }
0x466: {  	[sflag:s0] =	ssyncadd.s32 s1  }
0x467: {  	_ =	sfence.stream.spmem  }
0x468: {  	s29 =	simm.s32 $0x3;
	[bflag:$0x0] =	sbarrier.arrive $0xFFFF  }
0x469: {  	s30 =	simm.s32 $0x4;
	[sflag:s29] =	ssyncpa.u1 $0x1  }
0x46a: {  	s31 =	simm.s32 $0x3C;
	[sflag:s30] =	ssyncpa.u1 $0x1  }
0x46b: {  	p0 =	sne.s32 s7, $0x0;
	[sflag:s31] =	ssyncpa.u1 $0x1  }
0x46c: {  	_ =	sfence @p0  }
0x46d: {  	[sflag:s0] =	ssyncpa.u1 @p0 $0x1  }
0x46e: {  	_ =	strace @p0 $0x9000005C  }
0x46f: {  	[bflag:$0x2] =	sbarrier.arrive @p0 $0xFFFF  }
0x470: {  	_ =	shalt @p0  }
.LBB3_27:
0x471: {  	_ =	sfence.stream.spmem;
	s0 =	simm.s32 $0x5  }
0x472: {  	s1 =	simm.s32 $0x400;
	s2 =	simm.s32 $0x6098;
	[sflag:s0] =	ssyncpa.u1 $0x0  }
0x473: {  	[tilespmem:s2], [sflag:$0x5] =	stream.linear.gather [spmem:s1], $0x20, $0x38;
	[tilespmem:$0x1EC38] =	vst v63  }
0x474: {  	s30 =	simm.s32 $0x60B8;
	s1 =	simm.s32 $0x0  }
0x475: {  	[tilespmem:s30], [sflag:$0x5] =	stream.linear.gather [spmem:s1], $0x400, $0x38;
	[tilespmem:$0x1EC38] =	vst v63  }
.Ltmp29:
0x476: {  	_ = 	snop;
	(pc) =	sbr.rel .LBB3_28-.Ltmp29, $4  }
0x477: {  	_ =	swait.ge [sflag:s0], $0x420  }
0x478: {  	[sflag:s0] =	ssyncset.done $0x0  }
0x479: {  	s31 =	simm.s32 $0x6;
	[sflag:s0] =	ssyncadd.s32 $0xFFFFFBE0  }
0x47a: {  	s2 =	simm.s32 $0x0;
	[sflag:s31] =	ssyncpa.u1 $0x0  }
.LBB3_34:
0x47b: {  	p0 =	slt.u32 s4, $0xC34FD  }
0x47c: {  	s0 =	sand.u32 @p0 $0xFFFF8, s4  }
0x47d: {  	s4 =	sand.u32 @p0 $0x7, s4;
	s5 =	simm.s32 @p0 $0x6068;
	s0 =	sadd.s32 @p0 s3, s0  }
0x47e: {  	[tilespmem:s5], [sflag:$0x6] =	stream.linear.gather @p0 [hbm4b:s0+s4], $0x20, $0x38;
	[tilespmem:$0x1EC38] =	vst v63  }
0x47f: {  	s0 =	simm.s32 @p0 $0x6  }
0x480: {  	_ =	swait.ge @p0 [sflag:s0], $0x20  }
0x481: {  	[sflag:s0] =	ssyncset.done @p0 $0x0  }
0x482: {  	[sflag:s0] =	ssyncadd.s32 @p0 $0xFFFFFFE0  }
0x483: {  	v1 =	vld @p0 [tilespmem:$0x6068];
	_ =	sdelay $0x2  }
0x484: {  	s0 =	sshll.u32 @p0 s2, $0x7  }
0x485: {  	s4 =	sshrl.u32 @p0 s0, $0x2  }
0x486: {  	[tilespmem:s4+$0x60B8] =	vst.add.f32.msk @p0 $0xffff, v1  }
0x487: {  	v1 =	vld @p0 [tilespmem:$0x6078];
	_ =	sdelay $0x3  }
0x488: {  	s5 =	sshll.u32 @!p0 s2, $0x7  }
0x489: {  	s5 =	smov.u32 @p0 s0;
	[tilespmem:s4+$0x60C8] =	vst.add.f32.msk @p0 $0xffff, v1  }
0x48a: {  	s0 =	sshrl.u32 s5, $0x2;
	[tilespmem:s1+$0x6098] =	vst.msk $0x1, v0  }
0x48b: {  	v0 =	vld [tilespmem:s0+$0x60B8];
	_ =	sdelay $0x2  }
0x48c: {  	s31 =	sshll.u32 s1, $0x7  }
0x48d: {  	s4 =	sshra.s32 s31, $0x2  }
0x48e: {  	[tilespmem:s4+$0x60B8] =	vst v0  }
0x48f: {  	v0 =	vld [tilespmem:s0+$0x60C8];
	_ =	sdelay $0x4  }
0x490: {  	s1 =	sadd.s32 $0x1, s1;
	[tilespmem:s4+$0x60C8] =	vst v0  }
.LBB3_35:
0x491: {  	s2 =	sadd.s32 $0x1, s2  }
0x492: {  	p0 =	sne.s32 s2, $0x20  }
.Ltmp30:
0x493: {  	_ = 	snop;
	(pc) =	sbr.rel @!p0 .LBB3_36-.Ltmp30, $1  }
0x494: {  	_ =	sdelay $0x3  }
.LBB3_28:
0x495: {  	v0 =	vld.msk [tilespmem:s2+$0x6098], $0x1;
	_ =	sdelay $0x4  }
0x496: {  	(v2sf) =	vpush v0, $0x0;
	_ =	sdelay $0xe  }
0x497: {  	s4 =	spop (v2sf)  }
0x498: {  	p0 =	seq.s32 s4, $0xFFFFFFFF  }
.Ltmp31:
0x499: {  	_ = 	snop;
	(pc) =	sbr.rel @p0 .LBB3_35-.Ltmp31, $1  }
0x49a: {  	_ =	sdelay $0x3  }
0x49b: {  	p0 =	slt.s32 s1, $0x1  }
.Ltmp32:
0x49c: {  	_ = 	snop;
	(pc) =	sbr.rel @p0 .LBB3_34-.Ltmp32, $1  }
0x49d: {  	_ =	sdelay $0x3  }
0x49e: {  	s5 =	simm.s32 $0x6098;
	p0 =	por $0x0, $0x0  }
0x49f: {  	v1 =	vld.msk @!p0 [tilespmem:s5+$0x0], $0x1;
	_ =	sdelay $0x4  }
0x4a0: {  	(v2sf) =	vpush @!p0 v1, $0x0;
	_ =	sdelay $0xd  }
0x4a1: {  	p2 =	sne.s32 s1, $0x1  }
.Ltmp33:
0x4a2: {  	s0 =	spop @!p0 (v2sf);
	(pc) =	sbr.rel @!p2 .LBB3_32-.Ltmp33, $4  }
0x4a3: {  	p1 =	seq.s32 @!p0 s4, s0  }
0x4a4: {  	s6 =	simm.s32 $0x0;
	p1 =	por !p1, p0  }
0x4a5: {  	s0 =	simm.s32 $0xFFFFFFFF;
	s6 =	simm.s32 @p1 $0xFFFFFFFF  }
0x4a6: {  	s7 =	simm.s32 $0x1;
	s6 =	smov.u32 @p0 s0  }
.LBB3_31:
0x4a7: {  	s0 =	smov.u32 s6;
	p0 =	sne.s32 s6, $0xFFFFFFFF  }
0x4a8: {  	s5 =	sadd.s32 $0x1, s5;
	s6 =	smov.u32 s7;
	s7 =	sadd.s32 $0x1, s7  }
0x4a9: {  	p1 =	sne.s32 s1, s7;
	v1 =	vld.msk @!p0 [tilespmem:s5+$0x0], $0x1;
	_ =	sdelay $0x4  }
0x4aa: {  	(v2sf) =	vpush @!p0 v1, $0x0;
	_ =	sdelay $0xe  }
.Ltmp34:
0x4ab: {  	s8 =	spop @!p0 (v2sf);
	(pc) =	sbr.rel @p1 .LBB3_31-.Ltmp34, $4  }
0x4ac: {  	p2 =	seq.s32 @!p0 s4, s8  }
0x4ad: {  	p2 =	por !p2, p0  }
0x4ae: {  	s6 =	simm.s32 @p2 $0xFFFFFFFF  }
0x4af: {  	s6 =	smov.u32 @p0 s0  }
.LBB3_32:
0x4b0: {  	p0 =	seq.s32 s6, $0xFFFFFFFF  }
.Ltmp35:
0x4b1: {  	_ = 	snop;
	(pc) =	sbr.rel @p0 .LBB3_34-.Ltmp35, $1  }
0x4b2: {  	_ =	sdelay $0x3  }
0x4b3: {  	s0 =	sshll.u32 s2, $0x5  }
0x4b4: {  	s0 =	sand.u32 $0x3FFFFFE0, s0  }
0x4b5: {  	v0 =	vld [tilespmem:s0+$0x60B8];
	_ =	sdelay $0x2  }
0x4b6: {  	s4 =	sshll.u32 s6, $0x7  }
0x4b7: {  	s4 =	sshra.s32 s4, $0x2  }
0x4b8: {  	[tilespmem:s4+$0x60B8] =	vst.add.f32.msk $0xffff, v0  }
0x4b9: {  	v0 =	vld [tilespmem:s0+$0x60C8]  }
.Ltmp36:
0x4ba: {  	_ = 	snop;
	(pc) =	sbr.rel .LBB3_35-.Ltmp36, $2  }
0x4bb: {  	_ =	sdelay $0x2  }
0x4bc: {  	[tilespmem:s4+$0x60C8] =	vst.add.f32.msk $0xffff, v0  }
.LBB3_36:
0x4bd: {  	p0 =	slt.s32 s1, $0x1  }
.Ltmp37:
0x4be: {  	_ = 	snop;
	(pc) =	sbr.rel @p0 .LBB3_40-.Ltmp37, $3  }
0x4bf: {  	_ =	sdelay $0x1  }
0x4c0: {  	s0 =	simm.s32 $0x6  }
0x4c1: {  	s2 =	simm.s32 $0x0;
	[sflag:s0] =	ssyncpa.u1 $0x1  }
0x4c2: {  	s0 =	simm.s32 $0x6098  }
0x4c3: {  	v0 =	vld.msk [tilespmem:s0+$0x0], $0x1;
	_ =	sdelay $0x4  }
0x4c4: {  	(v2sf) =	vpush v0, $0x0;
	_ =	sdelay $0xe  }
0x4c5: {  	s1 =	sadd.s32 $0xFFFFFFFF, s1;
	s0 =	spop (v2sf)  }
0x4c6: {  	p1 =	sne.s32 s1, $0x0;
	p0 =	sgt.u32 s0, $0xC34FC  }
.Ltmp38:
0x4c7: {  	s5 =	sand.u32 @!p0 $0xFFFF8, s0;
	(pc) =	sbr.rel @!p1 .LBB3_39-.Ltmp38, $4  }
0x4c8: {  	s4 =	simm.s32 $0x60B8;
	s0 =	sand.u32 @!p0 $0x7, s0;
	s5 =	sadd.s32 @!p0 s3, s5  }
0x4c9: {  	[hbm4b:s5+s0] =	stream.linear.scatter @!p0 [tilespmem:s4], [sflag:$0x5], $0x20, $0x38;
	[tilespmem:$0x1EC38] =	vst v63  }
0x4ca: {  	s0 =	simm.s32 $0x0  }
0x4cb: {  	s5 =	simm.s32 $0x6099;
	s0 =	simm.s32 @!p0 $0x80  }
.LBB3_38:
0x4cc: {  	v0 =	vld.msk [tilespmem:s5+$0x0], $0x1;
	s1 =	sadd.s32 $0xFFFFFFFF, s1;
	s2 =	sadd.s32 s2, s0  }
0x4cd: {  	p0 =	sne.s32 s1, $0x0;
	_ =	sdelay $0x3  }
0x4ce: {  	(v2sf) =	vpush v0, $0x0;
	_ =	sdelay $0xe  }
.Ltmp39:
0x4cf: {  	s6 =	spop (v2sf);
	(pc) =	sbr.rel @p0 .LBB3_38-.Ltmp39, $4  }
0x4d0: {  	s0 =	simm.s32 $0x0;
	p1 =	sgt.u32 s6, $0xC34FC  }
0x4d1: {  	s4 =	sadd.s32 $0x20, s4;
	s0 =	simm.s32 @!p1 $0x80;
	s7 =	sand.u32 @!p1 $0xFFFF8, s6  }
0x4d2: {  	s5 =	sadd.s32 $0x1, s5;
	s6 =	sand.u32 @!p1 $0x7, s6;
	s7 =	sadd.s32 @!p1 s3, s7  }
0x4d3: {  	[hbm4b:s7+s6] =	stream.linear.scatter @!p1 [tilespmem:s4], [sflag:$0x5], $0x20, $0x38;
	[tilespmem:$0x1EC38] =	vst v63  }
.LBB3_39:
0x4d4: {  	s0 =	sadd.s32 s2, s0  }
0x4d5: {  	s2 =	sshrl.u32 s0, $0x2  }
.LBB3_40:
0x4d6: {  	s0 =	simm.s32 $0x5  }
0x4d7: {  	_ =	swait.ge [sflag:s0], s2  }
0x4d8: {  	s1 =	ssub.s32 $0x0, s2;
	[sflag:s0] =	ssyncset.done $0x0  }
0x4d9: {  	[sflag:s0] =	ssyncadd.s32 s1  }
0x4da: {  	[sflag:s0] =	ssyncpa.u1 $0x1  }
0x4db: {  	s30 =	simm.s32 $0x1;
	_ =	sfence  }
0x4dc: {  	[sflag:s30] =	ssyncpa.u1 $0x1  }
0x4dd: {  	_ =	strace $0x9000005C  }
0x4de: {  	[bflag:$0x2] =	sbarrier.arrive $0xFFFF  }
0x4df: {  	s31 =	rddreg [dreg:$0x1]  }
0x4e0: {  	s0 =	sadd.s32 $0x100000, s31  }
0x4e1: {  	[sflag:s0] =	ssyncadd.tile.s32 $0x1;
	_ =	shalt  }
.Lfunc_end3:
_tile_overlayer_lowered:
.L_overlay_start_3:
0x4e2: {  	(tag) =	ssettag $0x3  }
0x4e3: {  	s0 =	rddreg [dreg:$0x0];
	s2 =	stileid.u32  }
0x4e4: {  	s1 =	rddreg [dreg:$0x1];
	p0 =	sne.s32 s2, $0x0  }
0x4e5: {  	s3 =	rddreg [dreg:$0x2];
	[bflag:$0x3] =	sbarrier.arrive $0xFFFF;
	s2 =	simm.s32 @!p0 $0x1C01  }
0x4e6: {  	[timem:s3], [sflag:s2] =	dma.local @!p0 [hbm:s0], s1  }
0x4e7: {  	s0 =	simm.s32 @!p0 $0x1  }
0x4e8: {  	_ =	swait.ge @!p0 [sflag:s0], s1  }
0x4e9: {  	s1 =	ssub.s32 @!p0 $0x0, s1;
	[sflag:s0] =	ssyncset.done @!p0 $0x0  }
0x4ea: {  	[sflag:s0] =	ssyncadd.s32 @!p0 s1  }
0x4eb: {  	[bflag:$0x3] =	sbarrier.arrive $0xFFFF  }
0x4ec: {  	_ =	shalt  }

// kernel: scatter_offload_async_start.4
scs
__scs_entry_jumppad:
0x0: {  	(pc) =	sbr.rel $0x88, $3  }
0x1: {  	(tag) =	ssettag $0x0;
	lr =	simm.s32 $0x1  }
0x2: {  	[smem:$0x3F91] =	sst lr;
	_ =	strace $0xD0000000  }
0x3: {  	_ = 	snop  }
0x4: {  	_ = 	snop  }
0x5: {  	_ = 	snop  }
0x6: {  	_ = 	snop  }
0x7: {  	_ = 	snop  }
__scs_overlays_trampoline_lowered:
0x8: {  	[smem:$0x3FA0] =	sst s0  }
0x9: {  	[smem:$0x3FA1] =	sst s1  }
0xa: {  	[smem:$0x3FA2] =	sst s2  }
0xb: {  	[smem:$0x3FA3] =	sst s3  }
0xc: {  	[smem:$0x3FA4] =	sst s4  }
0xd: {  	[smem:$0x3FA5] =	sst s5  }
0xe: {  	[smem:$0x3FA6] =	sst s6  }
0xf: {  	[smem:$0x3FA7] =	sst s7  }
0x10: {  	[smem:$0x3FA8] =	sst s8  }
0x11: {  	[smem:$0x3FA9] =	sst s9;
	s0 =	simm.s32 @!p0 $0x0  }
0x12: {  	s1 =	sld [smem:$0x3F8F];
	s0 =	simm.s32 @p0 $0x1  }
0x13: {  	[smem:$0x3FAA] =	sst s0;
	s0 =	simm.s32 @!p1 $0x0  }
0x14: {  	s2 =	sld [smem:$0x3F8E];
	s0 =	simm.s32 @p1 $0x1  }
0x15: {  	[smem:$0x3FAB] =	sst s0;
	s0 =	simm.s32 @!p2 $0x0  }
0x16: {  	s3 =	sld [smem:$0x3FDB];
	s0 =	simm.s32 @p2 $0x1  }
0x17: {  	s4 =	simm.s32 $0x1BF5;
	[smem:$0x3FAD] =	sst s0  }
0x18: {  	s0 =	sld [smem:$0x3F90];
	_ =	swait.ge [sflag:s4], $0x0  }
0x19: {  	s7 =	sld [smem:$0x3F91]  }
0x1a: {  	s8 =	sadd.s32 $0xFFFFE003, lr  }
0x1b: {  	s9 =	sadd.s32 $0xFFFFFEF7, lr;
	s5 =	simm.s32 $0xFFFFFFFF;
	p2 =	slt.u32 s8, $0xFFFFF086  }
0x1c: {  	p1 =	slt.u32 s9, $0xF7A;
	s5 =	simm.s32 @!p2 $0x0  }
0x1d: {  	s5 =	simm.s32 @p1 $0x1;
	p0 =	seq.s32 s7, s2  }
0x1e: {  	s7 =	smul.u32 @!p0 $0xF7A, s2;
	p2 =	seq.s32 @!p0 s5, $0x0  }
0x1f: {  	s9 =	smul.u32 $0xF7A, s1;
	s8 =	simm.s32 @!p0 $0x1BF5;
	p2 =	por !p2, p0  }
0x20: {  	[sflag:s8] =	ssyncset.s32 @!p0 $0xFFFFF086;
	s6 =	sadd.s32 @!p0 s3, s7;
	s7 =	simm.s32 @!p0 $0x108  }
0x21: {  	s3 =	sadd.s32 s3, s9;
	s6 =	sadd.s32 @!p0 $0x88, s6;
	s7 =	simm.s32 @p2 $0x1082  }
0x22: {  	[simem:s7], [sflag:s8] =	dma.local @!p0 [hbm:s6], $0xF7A  }
0x23: {  	s9 =	sor.u32 $0xD0000000, s2;
	s6 =	simm.s32 $0x108;
	_ =	swait.ge @!p0 [sflag:s8], $0x0  }
0x24: {  	s3 =	sadd.s32 $0x88, s3;
	s6 =	simm.s32 @!p1 $0x1082;
	[sflag:s4] =	ssyncset.s32 $0xFFFFF086  }
0x25: {  	[simem:s6], [sflag:s4] =	dma.local [hbm:s3], $0xF7A  }
0x26: {  	[smem:$0x3F91] =	sst s1;
	(tag) =	ssettag s2;
	_ =	strace s9  }
0x27: {  	s1 =	sld [smem:$0x3FA1]  }
0x28: {  	s2 =	sld [smem:$0x3FA2]  }
0x29: {  	s4 =	sld [smem:$0x3FA4]  }
0x2a: {  	p0 =	seq.s32 s5, $0x0;
	s5 =	sld [smem:$0x3FA5]  }
0x2b: {  	s6 =	sld [smem:$0x3FA6]  }
0x2c: {  	s7 =	sld [smem:$0x3FA7]  }
0x2d: {  	s3 =	simm.s32 $0x108;
	s8 =	sld [smem:$0x3FA8]  }
0x2e: {  	s3 =	simm.s32 @!p0 $0x1082;
	s9 =	sld [smem:$0x3FA9]  }
0x2f: {  	lr =	sadd.s32 s0, s3;
	s0 =	sld [smem:$0x3FA0]  }
0x30: {  	s3 =	sld [smem:$0x3FA3]  }
0x31: {  	[smem:$0x3FAC] =	sst s10  }
0x32: {  	s10 =	sld [smem:$0x3FAA];
	_ =	sdelay $0x3  }
0x33: {  	p0 =	seq.s32 s10, $0x1;
	s10 =	sld [smem:$0x3FAC];
	_ =	sdelay $0x3  }
0x34: {  	[smem:$0x3FAC] =	sst s10  }
0x35: {  	s10 =	sld [smem:$0x3FAB];
	_ =	sdelay $0x3  }
0x36: {  	p1 =	seq.s32 s10, $0x1;
	s10 =	sld [smem:$0x3FAC];
	_ =	sdelay $0x3  }
0x37: {  	[smem:$0x3FAC] =	sst s10  }
0x38: {  	s10 =	sld [smem:$0x3FAD]  }
0x39: {  	_ = 	snop;
	(pc) =	sbr.ind lr, $3  }
0x3a: {  	_ = 	snop  }
0x3b: {  	_ = 	snop  }
0x3c: {  	p2 =	seq.s32 s10, $0x1;
	s10 =	sld [smem:$0x3FAC]  }
0x3d: {  	_ =	shalt  }
0x3e: {  	_ =	shalt  }
0x3f: {  	_ =	shalt  }
0x40: {  	_ =	shalt  }
0x41: {  	_ =	shalt  }
0x42: {  	_ =	shalt  }
0x43: {  	_ =	shalt  }
0x44: {  	_ =	shalt  }
0x45: {  	_ =	shalt  }
0x46: {  	_ =	shalt  }
0x47: {  	_ =	shalt  }
0x48: {  	_ =	shalt  }
0x49: {  	_ =	shalt  }
0x4a: {  	_ =	shalt  }
0x4b: {  	_ =	shalt  }
0x4c: {  	_ =	shalt  }
0x4d: {  	_ =	shalt  }
0x4e: {  	_ =	shalt  }
0x4f: {  	_ =	shalt  }
0x50: {  	_ =	shalt  }
0x51: {  	_ =	shalt  }
0x52: {  	_ =	shalt  }
0x53: {  	_ =	shalt  }
0x54: {  	_ =	shalt  }
0x55: {  	_ =	shalt  }
0x56: {  	_ =	shalt  }
0x57: {  	_ =	shalt  }
0x58: {  	_ =	shalt  }
0x59: {  	_ =	shalt  }
0x5a: {  	_ =	shalt  }
0x5b: {  	_ =	shalt  }
0x5c: {  	_ =	shalt  }
0x5d: {  	_ =	shalt  }
0x5e: {  	_ =	shalt  }
0x5f: {  	_ =	shalt  }
0x60: {  	_ =	shalt  }
0x61: {  	_ =	shalt  }
0x62: {  	_ =	shalt  }
0x63: {  	_ =	shalt  }
0x64: {  	_ =	shalt  }
0x65: {  	_ =	shalt  }
0x66: {  	_ =	shalt  }
0x67: {  	_ =	shalt  }
0x68: {  	_ =	shalt  }
0x69: {  	_ =	shalt  }
0x6a: {  	_ =	shalt  }
0x6b: {  	_ =	shalt  }
0x6c: {  	_ =	shalt  }
0x6d: {  	_ =	shalt  }
0x6e: {  	_ =	shalt  }
0x6f: {  	_ =	shalt  }
0x70: {  	_ =	shalt  }
0x71: {  	_ =	shalt  }
0x72: {  	_ =	shalt  }
0x73: {  	_ =	shalt  }
0x74: {  	_ =	shalt  }
0x75: {  	_ =	shalt  }
0x76: {  	_ =	shalt  }
0x77: {  	_ =	shalt  }
0x78: {  	_ =	shalt  }
0x79: {  	_ =	shalt  }
0x7a: {  	_ =	shalt  }
0x7b: {  	_ =	shalt  }
0x7c: {  	_ =	shalt  }
0x7d: {  	_ =	shalt  }
0x7e: {  	_ =	shalt  }
0x7f: {  	_ =	shalt  }
0x80: {  	_ =	shalt  }
0x81: {  	_ =	shalt  }
0x82: {  	_ =	shalt  }
0x83: {  	_ =	shalt  }
0x84: {  	_ =	shalt  }
0x85: {  	_ =	shalt  }
0x86: {  	_ =	shalt  }
0x87: {  	_ =	shalt  }
.Lfunc_end0:
.L_simem_size_0:
called_computation.4_lowered:
.L_overlay_start_0:
0x88: {  	s0 =	sld [smem:$0x3FD9]  }
0x89: {  	s1 =	sld [smem:$0x3FFE];
	_ =	sdelay $0x3  }
0x8a: {  	s0 =	sadd.s32 s1, s0  }
0x8b: {  	[smem:$0x3FB8] =	sst s0  }
0x8c: {  	_ = 	snop  }
0x8d: {  	(tm) =	ssettm $0x1  }
0x8e: {  	s15 =	sld [smem:$0x3FFB];
	_ =	sdelay $0x3  }
0x8f: {  	_ =	strace s15  }
0x90: {  	s0 =	sld [smem:$0x3FFC];
	_ =	sdelay $0x3  }
0x91: {  	_ =	strace s0  }
0x92: {  	s0 =	sld [smem:$0x3FFD];
	_ =	sdelay $0x3  }
0x93: {  	_ =	strace s0  }
0x94: {  	_ =	strace $0x8FFFFFFF  }
0x95: {  	s16 =	sld [smem:$0x3FDB];
	_ =	sdelay $0x1  }
0x96: {  	s17 =	simm.s32 $_scs_section_size  }
0x97: {  	s2 =	simm.s32 $_size__tile_overlayer_lowered;
	s3 =	simm.s32 $_tile_overlayer_lowered  }
0x98: {  	s20 =	simm.s32 $0x1BFF;
	s19 =	sshll.u32 s3, $0x1;
	s0 =	sadd.s32 s17, s16  }
0x99: {  	s4 =	simm.s32 $0x0;
	s18 =	sshll.u32 s2, $0x1;
	s2 =	sadd.s32 s19, s0  }
0x9a: {  	[timem:s4], [sflag:s20] =	dma.local [hbm:s2], s18  }
0x9b: {  	_ =	swait.ge [sflag:s20], s18  }
0x9c: {  	s1 =	ssub.s32 $0x0, s18;
	[sflag:s20] =	ssyncset.done $0x0  }
0x9d: {  	[sflag:s20] =	ssyncadd.s32 s1;
	_ =	sdelay $0x1  }
0x9e: {  	s21 =	simm.s32 $0x1B8B  }
0x9f: {  	_ =	swait.ge [sflag:s21], $0x1  }
0xa0: {  	[sflag:s21] =	ssyncset.done $0x0  }
0xa1: {  	s23 =	simm.s32 $0x1B8E;
	s22 =	sld [smem:$0x3FFE];
	[sflag:s21] =	ssyncadd.s32 $0xFFFFFFFF  }
0xa2: {  	s24 =	simm.s32 $execute0_lowered;
	[smem:$0x3FD2] =	sst s23  }
0xa3: {  	s2 =	sshll.u32 s24, $0x1;
	_ =	strace $0x8000005E;
	[dreg:$0x1] =	wrdreg $0xFFFFFFFF  }
0xa4: {  	s25 =	simm.s32 $_size_execute0_lowered;
	s0 =	sadd.s32 s0, s2;
	[dreg:$0x0] =	wrdreg $0x0  }
0xa5: {  	s2 =	sshll.u32 s25, $0x1;
	[dreg:$0x2] =	wrdreg s0  }
0xa6: {  	[dreg:$0x3] =	wrdreg s2  }
0xa7: {  	[dreg:$0x4] =	wrdreg $0xC0  }
0xa8: {  	_ =	task [dreg:s4], $0x5FFFF  }
0xa9: {  	[dreg:$0x1] =	wrdreg $0xFFFFFFFF  }
0xaa: {  	[dreg:$0x0] =	wrdreg $0x60  }
0xab: {  	[dreg:$0x2] =	wrdreg s22  }
0xac: {  	[dreg:$0x3] =	wrdreg $0x9  }
0xad: {  	_ =	task.clear_ibuf [dreg:s4], $0x4FFFF;
	_ =	strace $0x9000005E  }
0xae: {  	s26 =	simm.s32 $0x9;
	_ =	strace $0x80000060  }
0xaf: {  	_ =	swait.ge [sflag:s26], $0x1  }
0xb0: {  	[sflag:s26] =	ssyncadd.s32 $0xFFFFFFFF  }
0xb1: {  	_ =	strace $0x90000060  }
0xb2: {  	_ =	sfence  }
0xb3: {  	s28 =	sld [smem:$0x0];
	_ =	sdelay $0x1  }
0xb4: {  	s29 =	srdreg.scid  }
0xb5: {  	s30 =	sshll.u32 s29, $0xD;
	s31 =	sshrl.u32 s29, $0x2  }
0xb6: {  	s1 =	sand.u32 $0x1, s29;
	s2 =	sand.u32 $0x4000, s30;
	s0 =	sadd.s32 s31, s28  }
0xb7: {  	s1 =	sor.u32 s2, s1;
	s0 =	sshll.u32 s0, $0x11  }
0xb8: {  	s0 =	sor.u32 s0, s1  }
0xb9: {  	s0 =	sadd.s32 $0x8F2B, s0  }
0xba: {  	[sflag:s0] =	ssyncadd.remote.s32 $0x1  }
0xbb: {  	_ =	sfence.sel $0xFFFF  }
0xbc: {  	[dreg:$0x0] =	wrdreg $0xFFFFFFFF;
	(pc) =	sbr.abs _section_cstart, $3  }
0xbd: {  	[dreg:$0x1] =	wrdreg $0xFFFFFFFF  }
0xbe: {  	_ =	task.clear_ibuf [dreg:s4], $0x2FFFF;
	_ =	strace $0x9FFFFFFF  }
0xbf: {  	(tm) =	ssettm $0x7FFFFFFF  }
tec
execute0_lowered:
.L_overlay_start_1:
0x0: {  	(tag) =	ssettag $0x1  }
0x1: {  	s0 =	rddreg [dreg:$0x0]  }
0x2: {  	s6 =	stileid.u32;
	_ =	strace $0x8000005F;
	s2 =	simm.s32 $0x1  }
0x3: {  	v1 =	vimm.s32 $0xFFFFFFFF;
	s1 =	smul.u32 $0x7, s6;
	[sflag:s2] =	ssyncpa.u1 $0x0  }
0x4: {  	s3 =	smin.u32 s6, $0xD;
	[tilespmem:$0x10] =	vst v1  }
0x5: {  	v0 =	vimm.f32 $0.0e+00;
	[tilespmem:$0x20] =	vst v1;
	s1 =	sadd.s32 s3, s1  }
0x6: {  	p0 =	slt.u32 s6, $0xD;
	[tilespmem:$0x30] =	vst v0;
	s3 =	smul.u32 $0x1A90, s1;
	s1 =	simm.s32 $0xD480  }
0x7: {  	[tilespmem:$0x40] =	vst v0;
	s1 =	simm.s32 @!p0 $0xB9F0  }
0x8: {  	[tilespmem:$0x50] =	vst v0;
	s1 =	sadd.s32 s1, s3  }
0x9: {  	[tilespmem:$0x60] =	vst v1;
	s4 =	smin.u32 s1, $0xCF850  }
0xa: {  	s7 =	simm.s32 $0x2;
	[tilespmem:$0x70] =	vst v1;
	s9 =	ssub.s32 s4, s3  }
0xb: {  	s8 =	simm.s32 $0x8;
	s31 =	simm.s32 $0x9;
	[tilespmem:$0x80] =	vst v1;
	p0 =	sgt.s32 s9, $0x0  }
0xc: {  	s16 =	simm.s32 $0x0;
	s17 =	simm.s32 $0xF0;
	v1 =	vimm.s32 $0x0;
	[tilespmem:$0xB0] =	vst v0;
	s9 =	simm.s32 @!p0 $0x0  }
0xd: {  	s18 =	simm.s32 $0xFFFFFFFF;
	s19 =	simm.s32 $0xFFFFCBE0;
	[tilespmem:$0x90] =	vst v1;
	s5 =	smulhi.u32 $0x134679AD, s9  }
0xe: {  	s20 =	simm.s32 $0xFFFFFFFE;
	[tilespmem:$0xA0] =	vst v1;
	[sflag:s7] =	ssyncpa.u1 $0x0;
	s7 =	simm.s32 $0x7  }
0xf: {  	s21 =	simm.s32 $0xF;
	[sflag:s7] =	ssyncpa.u1 $0x0;
	s10 =	sshrl.u32 s5, $0x9  }
0x10: {  	s25 =	simm.s32 $0x0;
	[sflag:s8] =	ssyncpa.u1 $0x0;
	s11 =	smul.u32 $0x1A90, s10  }
0x11: {  	s24 =	simm.s32 $0x0;
	s14 =	sshllo.u32 s6, $0x1;
	[sflag:s31] =	ssyncpa.u1 $0x0  }
.Ltmp0:
0x12: {  	s1 =	sadd.s32 $0x4D400, s0;
	p0 =	sne.s32 s9, s11;
	(pc) =	sbr.rel .LBB2_1-.Ltmp0, $4  }
0x13: {  	s5 =	sadd.s32 $0x2400, s0;
	s0 =	sadd.s32 $0x1C400, s0;
	s2 =	simm.s32 @!p0 $0x0  }
0x14: {  	s23 =	smov.u32 s3;
	[dreg:$0x2] =	wrdreg s0;
	s9 =	sadd.s32 s2, s10  }
0x15: {  	vm0 =	vmmov $0xffff;
	v2 =	vlaneseq.u32;
	p0 =	por $0x0, $0x0;
	s10 =	sshll.u32 s6, $0x1;
	s11 =	sadd.s32 $0x1, s9  }
0x16: {  	vm1 =	vmxor vm1, vm1;
	vm2 =	vmmov $0x1;
	vm3 =	vcmask $0x3F3C;
	s12 =	sadd.s32 $0x2, s9;
	s13 =	sor.u32 $0x81, s10;
	s15 =	sor.u32 $0x80, s10  }
.LBB2_9:
0x17: {  	p1 =	slt.u32 s24, $0x3  }
0x18: {  	s0 =	simm.s32 @!p1 $0x2  }
0x19: {  	_ =	swait.ge @!p1 [sflag:s0], $0x1A90  }
0x1a: {  	[sflag:s0] =	ssyncset.done @!p1 $0x0  }
0x1b: {  	[sflag:s0] =	ssyncadd.s32 @!p1 $0xFFFFE570;
	s0 =	simm.s32 @!p1 $0x9  }
0x1c: {  	_ =	swait.ge @!p1 [sflag:s0], $0x10  }
0x1d: {  	[sflag:s0] =	ssyncset.done @!p1 $0x0  }
0x1e: {  	[sflag:s0] =	ssyncadd.s32 @!p1 $0xFFFFFFF0;
	p1 =	sne.s32 s24, s12  }
.Ltmp1:
0x1f: {  	s2 =	sadd.s32 $0x1A90, s23;
	(pc) =	sbr.rel @!p1 .LBB2_10-.Ltmp1, $4  }
0x20: {  	s6 =	smov.u32 s3;
	s31 =	sadd.s32 $0x1, s24;
	s17 =	sadd.s32 $0x1A90, s17  }
0x21: {  	s18 =	sadd.s32 $0x1, s18;
	s25 =	smov.u32 s23;
	p2 =	slt.s32 s2, s4  }
0x22: {  	p0 =	por !p0, !p0;
	s19 =	sadd.s32 $0x1A90, s19;
	s6 =	smov.u32 @p2 s2  }
0x23: {  	s20 =	sadd.s32 $0x1, s20;
	s23 =	smov.u32 s6;
	s24 =	smov.u32 s31  }
.LBB2_1:
0x24: {  	p1 =	sge.u32 s24, s9  }
0x25: {  	s0 =	smulhi.u32 @!p1 $0xAAAAAAAB, s24;
	_ =	sdelay $0x1  }
0x26: {  	s0 =	sshrl.u32 @!p1 s0, $0x1  }
0x27: {  	s0 =	smul.u32 @!p1 $0x3, s0;
	_ =	sdelay $0x1  }
0x28: {  	s0 =	ssub.s32 @!p1 s24, s0  }
0x29: {  	s0 =	smul.u32 @!p1 $0x6A40, s0;
	_ =	sdelay $0x1  }
0x2a: {  	s2 =	sshrl.u32 @!p1 s23, $0x3;
	s0 =	sshrl.u32 @!p1 s0, $0x2  }
0x2b: {  	s22 =	sand.u32 @!p1 $0x7, s23;
	s2 =	sadd.s32 @!p1 s5, s2;
	s0 =	sadd.s32 @!p1 $0x100, s0  }
0x2c: {  	[tilespmem:s0], [sflag:$0x7] =	stream.linear.gather @!p1 [hbm4b:s2+s22], $0x1A90, $0x38;
	[tilespmem:$0xF030] =	vst v63  }
0x2d: {  	s0 =	sadd.s32 $0xFFFFFFFF, s24  }
0x2e: {  	p1 =	sge.u32 s0, s9  }
.Ltmp2:
0x2f: {  	_ = 	snop;
	(pc) =	sbr.rel @p1 .LBB2_5-.Ltmp2, $1  }
0x30: {  	_ =	sdelay $0x3  }
0x31: {  	s2 =	smulhi.u32 $0xAAAAAAAB, s0;
	_ =	sdelay $0x1  }
0x32: {  	s2 =	sshrl.u32 s2, $0x1  }
0x33: {  	s2 =	smul.u32 $0x3, s2;
	_ =	sdelay $0x1  }
0x34: {  	s2 =	ssub.s32 s0, s2  }
0x35: {  	s2 =	smul.u32 $0x6A40, s2  }
0x36: {  	_ =	swait.ge [sflag:s7], $0x1A90  }
0x37: {  	[sflag:s7] =	ssyncset.done $0x0;
	s2 =	sshrl.u32 s2, $0x2  }
0x38: {  	[sflag:s7] =	ssyncadd.s32 $0xFFFFE570;
	(ifvalue) =	ssetifvalue $0xFFFFFFFF;
	v3 =	vld.msk [tilespmem:s2+$0x100 ss:$0x1], $0xffff;
	_ =	sdelay $0x2  }
0x39: {  	s30 =	smulhi.u32 $0xAAAAAAAB, s18;
	p1 =	sne.s32 s24, $0x1  }
0x3a: {  	v4 =	vimm.s32 @!p1 $0x0  }
0x3b: {  	s2 =	sshrl.u32 s30, $0x1;
	v4 =	vperm.xlane @!p1 v3, v4  }
0x3c: {  	s22 =	sshll.u32 s24, $0x4;
	s2 =	smul.u32 $0xFFFEC140, s2;
	vm4 =	vlt.u32 v3, $0xC400  }
0x3d: {  	s22 =	sand.u32 $0x10, s22;
	v3 =	vnsel vm4, $0xFFFFFFFE, v3;
	vm4 =	vlt.u32 @!p1 v4, $0xC400  }
0x3e: {  	s2 =	sshra.s32 s2, $0x2;
	[tilespmem:s22+$0x60] =	vst v3;
	v3 =	vnsel @!p1 vm4, $0xFFFFFFFE, v4  }
0x3f: {  	s28 =	sadd.s32 s2, s17;
	[tilespmem:$0x80] =	vst @!p1 v3  }
0x40: {  	v3 =	vld.msk [tilespmem:s28+$0x0 ss:$0x1], $0xffff;
	_ =	sdelay $0x4  }
0x41: {  	(xrf1) =	vunique.msk.u32 $0xffff, v3;
	_ =	sdelay $0xd  }
0x42: {  	v4 =	vimm.s32 $0xFFFFFFFF;
	v5, _, _ =	vpop (xrf1)  }
0x43: {  	vm5 =	vne.s32 v3, v4;
	vm4 =	veq.s32 v5, v2  }
0x44: {  	vm6 =	vlt.u32 v3, $0xC400;
	vm4 =	vmand vm5, vm4  }
0x45: {  	vm4 =	vmand vm6, vm4  }
0x46: {  	v4 =	vnsel vm4, $0xFFFFFFFF, v3  }
0x47: {  	s31 =	sand.u32 $0x1, s0  }
0x48: {  	s0 =	simm.s32 $0x1A90;
	p1 =	seq.s32 s31, $0x1  }
0x49: {  	s0 =	simm.s32 @!p1 $0x0  }
0x4a: {  	s26 =	sadd.s32 $0x6B30, s0;
	(ifvalue) =	ssetifvalue $0xFFFFFFFF  }
0x4b: {  	v3 =	vperm.xlane v3, v1;
	[tilespmem:s26], [sflag:$0x8] =	stream.indirect_vreg.gather [hbm4b:s1+s16], $0x1, v4, vm0, $0x4038;
	v4 =	vnsel vm6, $0xFFFFFFFE, v4;
	[tilespmem:$0xF030] =	vst v63  }
0x4c: {  	s2 =	simm.s32 $0x0;
	s22 =	sadd.s32 $0xFFFFFFF0, s28;
	[tilespmem:s28+$0x0] =	vst v4  }
.LBB2_3:
0x4d: {  	v4 =	vld.msk [tilespmem:s22+$0x0 ss:$0x1], $0xffff;
	s2 =	sadd.s32 $0x10, s2;
	v5 =	vmov v3;
	s28 =	smov.u32 s22  }
0x4e: {  	p1 =	slt.u32 s2, $0x1A80;
	_ =	sdelay $0x4  }
0x4f: {  	v3 =	vperm.xlane v4, v1;
	(xrf1) =	vunique.msk.u32 $0xffff, v4;
	_ =	sdelay $0xd  }
0x50: {  	v6, _, _ =	vpop (xrf1)  }
0x51: {  	vm5 =	vne.s32 v4, v5;
	vm4 =	veq.s32 v6, v2  }
0x52: {  	vm6 =	vlt.u32 v4, $0xC400;
	vm4 =	vmand vm5, vm4  }
0x53: {  	vm4 =	vmand vm6, vm4  }
0x54: {  	v4 =	vnsel vm4, $0xFFFFFFFF, v4  }
.Ltmp3:
0x55: {  	v5 =	vnsel vm6, $0xFFFFFFFE, v4;
	(pc) =	sbr.rel @p1 .LBB2_3-.Ltmp3, $3  }
0x56: {  	_ =	sdelay $0x1  }
0x57: {  	s22 =	sadd.s32 $0xFFFFFFF0, s22;
	s26 =	sadd.s32 $0xFFFFFFF0, s26;
	(ifvalue) =	ssetifvalue $0xFFFFFFFF  }
0x58: {  	[tilespmem:s26], [sflag:$0x8] =	stream.indirect_vreg.gather [hbm4b:s1+s16], $0x1, v4, vm0, $0x4038;
	[tilespmem:s28+$0x0] =	vst v5  }
0x59: {  	s2 =	sshrl.u32 s25, $0x3;
	s6 =	rddreg [dreg:$0x2]  }
0x5a: {  	s0 =	sadd.s32 $0x85D0, s0;
	s2 =	sadd.s32 s6, s2  }
0x5b: {  	[tilespmem:s0], [sflag:$0x8] =	stream.linear.gather [hbm:s2], $0x1A90, $0x38;
	[tilespmem:$0xF030] =	vst v63  }
.LBB2_5:
0x5c: {  	p1 =	slt.u32 s24, $0x2  }
0x5d: {  	p2 =	sge.u32 @!p1 s24, s12  }
0x5e: {  	p1 =	por p1, p2  }
.Ltmp4:
0x5f: {  	_ = 	snop;
	(pc) =	sbr.rel @p1 .LBB2_9-.Ltmp4, $1  }
0x60: {  	_ =	sdelay $0x3  }
0x61: {  	s0 =	sadd.s32 $0xFFFFFFFE, s24  }
0x62: {  	s2 =	smulhi.u32 $0xAAAAAAAB, s0;
	_ =	sdelay $0x1  }
0x63: {  	s2 =	sshrl.u32 s2, $0x1  }
0x64: {  	s2 =	smul.u32 $0x3, s2;
	_ =	sdelay $0x1  }
0x65: {  	s0 =	ssub.s32 s0, s2  }
0x66: {  	_ =	swait.ge [sflag:s8], $0x3520;
	s0 =	smul.u32 $0x1A90, s0  }
0x67: {  	p1 =	sne.s32 s24, s11;
	[sflag:s8] =	ssyncset.done $0x0  }
0x68: {  	[sflag:s8] =	ssyncadd.s32 $0xFFFFCAE0;
	s2 =	sadd.s32 @!p1 $0x1B8F, s0  }
0x69: {  	[spmem:s13] =	stream.linear.scatter @!p1 [tilespmem:s2], [sflag:$0x1], $0x1, $0x38;
	[tilespmem:$0xF030] =	vst v63  }
0x6a: {  	s2 =	simm.s32 @!p1 $0x1  }
0x6b: {  	_ =	swait.ge @!p1 [sflag:s2], $0x1  }
0x6c: {  	s22 =	sshll.u32 s24, $0x4;
	[sflag:s2] =	ssyncset.done @!p1 $0x0  }
0x6d: {  	s25 =	sand.u32 $0x10, s22;
	[sflag:s2] =	ssyncadd.s32 @!p1 $0xFFFFFFFF  }
0x6e: {  	s2 =	sxor.u32 $0x10, s25;
	v4 =	vld [tilespmem:s25+$0x10]  }
0x6f: {  	v5 =	vld [tilespmem:s2+$0x60]  }
0x70: {  	v3 =	vld [tilespmem:$0x80];
	_ =	sdelay $0x2  }
0x71: {  	(v2sf) =	vpush v4, $0x0  }
0x72: {  	(v2sf) =	vpush v5, $0x0  }
0x73: {  	(v2sf) =	vpush v3, $0x0;
	_ =	sdelay $0xc  }
0x74: {  	s6 =	spop (v2sf)  }
0x75: {  	s28 =	spop (v2sf)  }
0x76: {  	s26 =	spop (v2sf)  }
0x77: {  	p2 =	seq.s32 s6, s28;
	p3 =	seq.s32 s26, s6  }
0x78: {  	p3 =	por p2, p3  }
0x79: {  	s6 =	sand.u32 $0x1, s24;
	v4 =	vpsel p3, $0xFFFFFFFF, v4  }
0x7a: {  	s28 =	smul.u32 $0x1A90, s6;
	[tilespmem:s25+$0x10] =	vst.msk $0x1, v4  }
0x7b: {  	v4 =	vld [tilespmem:$0x30]  }
0x7c: {  	v5 =	vld [tilespmem:s28+$0x85D0]  }
0x7d: {  	v6 =	vld [tilespmem:s25+$0x40];
	_ =	sdelay $0x3  }
0x7e: {  	vm4 =	vmmov vm1;
	v5 =	vadd.f32 v5, v4  }
0x7f: {  	vm5 =	vmmov vm2;
	vm4 =	vmmov @p2 vm2;
	v4 =	vadd.f32 v6, v4  }
0x80: {  	s22 =	sshll.u32 s6, $0x4;
	vm5 =	vmmov @p3 vm1;
	[tilespmem:s28+$0x85D0] =	vst.msk vm4, v5  }
0x81: {  	[tilespmem:s22+$0xF010] =	vst.msk vm5, v4  }
0x82: {  	v4 =	vld [tilespmem:s28+$0x6B30];
	_ =	sdelay $0x3  }
0x83: {  	v5 =	vimm.f32 $0.0e+00  }
0x84: {  	v4 =	vshift.insert v4, v5, s21  }
0x85: {  	s29 =	sor.u32 $0x40, s2  }
0x86: {  	[tilespmem:s29+$0x0] =	vst.msk $0x1, v4  }
0x87: {  	[tilespmem:s28+$0x6B3F] =	vst.msk $0x1, v5  }
0x88: {  	v4 =	vld [tilespmem:s0+$0x1B80];
	_ =	sdelay $0x1  }
0x89: {  	s29 =	smulhi.u32 $0xAAAAAAAB, s20;
	s0 =	simm.s32 $0x1  }
0x8a: {  	s0 =	simm.s32 @!p0 $0x0  }
0x8b: {  	s29 =	sshrl.u32 s29, $0x1;
	s0 =	smul.u32 $0x6A40, s0  }
0x8c: {  	s29 =	smul.u32 $0xFFFEC140, s29;
	v4 =	vshift.insert v4, v1, s21  }
0x8d: {  	s0 =	sshrl.u32 s0, $0x2  }
0x8e: {  	s29 =	sshra.s32 s29, $0x2;
	s30 =	sadd.s32 $0x85D0, s0;
	[tilespmem:s2+$0x10] =	vst.msk $0x1, v4  }
0x8f: {  	s6 =	sadd.s32 s29, s19;
	v6 =	vld [tilespmem:s30+$0x0]  }
0x90: {  	v7 =	vld [tilespmem:s6+$0x0];
	_ =	sdelay $0x3  }
0x91: {  	v5 =	vadd.f32 v6, v5  }
0x92: {  	vm4 =	vne.s32 v7, $0xFFFFFFFF  }
0x93: {  	(xrf2) =	vadd.seg.scan.f32 vm4, v5;
	_ =	sdelay $0x3  }
0x94: {  	s31 =	sadd.s32 $0x50B0, s0;
	v5 =	vperm.xlane v4, v1  }
0x95: {  	v6 =	vld [tilespmem:s31+$0x0]  }
0x96: {  	vm5 =	veq.s32 v7, v3;
	vm6 =	veq.s32 v7, v5  }
0x97: {  	vm7 =	vgt.u32 v7, $0xFFFFFFFD;
	vm6 =	vmor vm6, vm5  }
0x98: {  	vm6 =	vmor vm6, vm7  }
0x99: {  	v9 =	vld [tilespmem:$0xA0];
	v7 =	vsel vm6, $0xFFFFFFFF, v7  }
0x9a: {  	v10 =	vld [tilespmem:$0x90];
	v6 =	vsel vm5, $0x0, v6;
	v8, _, _ =	vpop (xrf2)  }
0x9b: {  	v6 =	vadd.f32 v8, v6  }
0x9c: {  	s0 =	sadd.s32 $0xBAF0, s0  }
0x9d: {  	vm4 =	vmand vm4, vm3;
	[tilespmem:s0+$0x0] =	vst v6;
	(ifvalue) =	ssetifvalue $0xFFFFFFFF  }
0x9e: {  	vm6 =	veq.s32 v9, $0x1;
	[hbm4b:s1+s16] =	stream.indirect_vreg.scatter [tilespmem:s0], [sflag:$0x2], $0x1, v7, vm0, $0x4038;
	v7 =	vsel vm4, $0x0, v8;
	[tilespmem:$0xF030] =	vst v63  }
0x9f: {  	s29 =	sadd.s32 $0xF010, s22;
	s22 =	sadd.s32 $0x10, s6;
	s2 =	simm.s32 $0x0;
	vm4 =	vmor vm6, vm5;
	v6 =	vsel vm5, v8, v10;
	v7 =	vshift.insert v7, v0, s21  }
.LBB2_7:
0xa0: {  	v8 =	vld [tilespmem:s22+$0x0];
	s30 =	sadd.s32 $0x10, s30  }
0xa1: {  	s31 =	sadd.s32 $0x10, s31;
	v9 =	vld [tilespmem:s30+$0x0]  }
0xa2: {  	s2 =	sadd.s32 $0x10, s2;
	v10 =	vld [tilespmem:s31+$0x0]  }
0xa3: {  	p2 =	slt.u32 s2, $0x1A80;
	_ =	sdelay $0x2  }
0xa4: {  	v7 =	vadd.f32 v9, v7  }
0xa5: {  	vm5 =	vne.s32 v8, $0xFFFFFFFF  }
0xa6: {  	vm6 =	vmand vm5, vm3;
	(xrf2) =	vadd.seg.scan.f32 vm5, v7;
	_ =	sdelay $0x5  }
0xa7: {  	vm7 =	veq.s32 v8, v5;
	vm5 =	veq.s32 v8, v3  }
0xa8: {  	vm8 =	vgt.u32 v8, $0xFFFFFFFD;
	vm4 =	vmor vm4, vm5;
	vm7 =	vmor vm7, vm5  }
0xa9: {  	vm7 =	vmor vm7, vm8  }
0xaa: {  	v8 =	vsel vm7, $0xFFFFFFFF, v8  }
.Ltmp5:
0xab: {  	v7 =	vsel vm5, $0x0, v10;
	v9, _, _ =	vpop (xrf2);
	(pc) =	sbr.rel @p2 .LBB2_7-.Ltmp5, $4  }
0xac: {  	v6 =	vsel vm5, v9, v6;
	v10 =	vadd.f32 v9, v7;
	v7 =	vsel vm6, $0x0, v9  }
0xad: {  	s0 =	sadd.s32 $0x10, s0;
	v7 =	vshift.insert v7, v0, s21  }
0xae: {  	s22 =	sadd.s32 $0x10, s22;
	[tilespmem:s0+$0x0] =	vst v10;
	(ifvalue) =	ssetifvalue $0xFFFFFFFF  }
0xaf: {  	[hbm4b:s1+s16] =	stream.indirect_vreg.scatter [tilespmem:s0], [sflag:$0x2], $0x1, v8, vm0, $0x4038;
	[tilespmem:$0xF030] =	vst v63  }
0xb0: {  	v3 =	vld [tilespmem:s28+$0xD570];
	_ =	sdelay $0x4  }
0xb1: {  	v3 =	vshift.insert v3, v0, s21  }
0xb2: {  	s0 =	simm.s32 $0x30  }
0xb3: {  	[tilespmem:s0+$0x0] =	vst.msk $0x1, v3  }
0xb4: {  	v3 =	vsel vm4, $0x1, v1;
	[tilespmem:$0x90] =	vst v6  }
0xb5: {  	s0 =	sadd.s32 @!p1 $0xD57F, s28;
	[tilespmem:$0xA0] =	vst v3  }
0xb6: {  	[spmem:s14] =	stream.linear.scatter @!p1 [tilespmem:s0], [sflag:$0x1], $0x1, $0x38;
	[tilespmem:$0xF030] =	vst v63  }
0xb7: {  	s0 =	simm.s32 @!p1 $0x1  }
0xb8: {  	v3 =	vmctz.xlane @!p1 vm4;
	_ =	swait.ge @!p1 [sflag:s0], $0x1  }
0xb9: {  	(v2sf) =	vpush @!p1 v4, $0x0  }
0xba: {  	(v2sf) =	vpush @!p1 v3, $0x0;
	_ =	sdelay $0xd  }
0xbb: {  	s2 =	spop @!p1 (v2sf)  }
0xbc: {  	s6 =	spop @!p1 (v2sf)  }
0xbd: {  	p2 =	sne.s32 @!p1 s26, s2;
	p3 =	slt.s32 @!p1 s6, $0xF  }
0xbe: {  	[sflag:s0] =	ssyncset.done @!p1 $0x0;
	p2 =	por p2, p1;
	p3 =	por !p3, p1  }
0xbf: {  	[sflag:s0] =	ssyncadd.s32 @!p1 $0xFFFFFFFF;
	v3 =	vimm.s32 @!p2 $0xFFFFFFFF;
	s6 =	simm.s32 @p3 $0xF  }
0xc0: {  	[tilespmem:$0x80] =	vst @!p2 v3;
	s2 =	sadd.s32 @!p1 $0x90, s6  }
0xc1: {  	[spmem:s10] =	stream.linear.scatter @!p1 [tilespmem:s2], [sflag:$0x1], $0x1, $0x38;
	[tilespmem:$0xF030] =	vst v63  }
0xc2: {  	_ =	swait.ge @!p1 [sflag:s0], $0x1  }
0xc3: {  	[sflag:s0] =	ssyncset.done @!p1 $0x0  }
0xc4: {  	s2 =	simm.s32 @!p1 $0x80;
	[sflag:s0] =	ssyncadd.s32 @!p1 $0xFFFFFFFF  }
0xc5: {  	[spmem:s15] =	stream.linear.scatter @!p1 [tilespmem:s2], [sflag:$0x1], $0x1, $0x38;
	[tilespmem:$0xF030] =	vst v63  }
0xc6: {  	_ =	swait.ge @!p1 [sflag:s0], $0x1  }
0xc7: {  	[sflag:s0] =	ssyncset.done @!p1 $0x0  }
0xc8: {  	[sflag:s0] =	ssyncadd.s32 @!p1 $0xFFFFFFFF;
	(ifvalue) =	ssetifvalue $0xFFFFFFFF;
	v3 =	vld [tilespmem:s25+$0x10];
	_ =	sdelay $0x3  }
.Ltmp6:
0xc9: {  	_ = 	snop;
	(pc) =	sbr.rel .LBB2_9-.Ltmp6, $3  }
0xca: {  	_ =	sdelay $0x1  }
0xcb: {  	(ifvalue) =	ssetifvalue $0xFFFFFFFF  }
0xcc: {  	[hbm4b:s1+s16] =	stream.indirect_vreg.scatter [tilespmem:s29], [sflag:$0x9], $0x1, v3, vm0, $0x4038;
	[tilespmem:$0xF030] =	vst v63  }
.LBB2_10:
0xcd: {  	_ =	sfence.sel $0x180000  }
0xce: {  	s0 =	simm.s32 $0x7;
	[bflag:$0x0] =	sbarrier.arrive $0xFFFF  }
0xcf: {  	s26 =	simm.s32 $0x8;
	[sflag:s0] =	ssyncpa.u1 $0x1  }
0xd0: {  	s28 =	simm.s32 $0x9;
	[sflag:s26] =	ssyncpa.u1 $0x1  }
0xd1: {  	[sflag:s28] =	ssyncpa.u1 $0x1  }
0xd2: {  	_ =	sfence.stream.spmem  }
0xd3: {  	s29 =	simm.s32 $0x3;
	[bflag:$0x0] =	sbarrier.arrive $0xFFFF  }
0xd4: {  	s30 =	simm.s32 $0x4;
	[sflag:s29] =	ssyncpa.u1 $0x1  }
0xd5: {  	s31 =	simm.s32 $0x3C;
	s2 =	stileid.u32;
	[sflag:s30] =	ssyncpa.u1 $0x1  }
0xd6: {  	p0 =	sne.s32 s2, $0x0;
	[sflag:s31] =	ssyncpa.u1 $0x1  }
0xd7: {  	s0 =	simm.s32 @p0 $0x1;
	_ =	sfence @p0  }
0xd8: {  	[sflag:s0] =	ssyncpa.u1 @p0 $0x1;
	s0 =	simm.s32 @p0 $0x2  }
0xd9: {  	[sflag:s0] =	ssyncpa.u1 @p0 $0x1  }
0xda: {  	_ =	strace @p0 $0x9000005F  }
0xdb: {  	[bflag:$0x2] =	sbarrier.arrive @p0 $0xFFFF  }
0xdc: {  	_ =	shalt @p0  }
.LBB2_11:
0xdd: {  	_ =	sfence.stream.spmem;
	s0 =	simm.s32 $0x5  }
0xde: {  	s2 =	simm.s32 $0x80;
	s3 =	simm.s32 $0xC0;
	[sflag:s0] =	ssyncpa.u1 $0x0  }
0xdf: {  	[tilespmem:s3], [sflag:$0x5] =	stream.linear.gather [spmem:s2], $0x20, $0x38;
	[tilespmem:$0xF030] =	vst v63  }
0xe0: {  	s2 =	simm.s32 $0x0;
	s3 =	simm.s32 $0xE0  }
0xe1: {  	[tilespmem:s3], [sflag:$0x5] =	stream.linear.gather [spmem:s2], $0x20, $0x38;
	[tilespmem:$0xF030] =	vst v63  }
.Ltmp7:
0xe2: {  	_ = 	snop;
	(pc) =	sbr.rel .LBB2_12-.Ltmp7, $4  }
0xe3: {  	_ =	swait.ge [sflag:s0], $0x40  }
0xe4: {  	[sflag:s0] =	ssyncset.done $0x0  }
0xe5: {  	s31 =	simm.s32 $0x6;
	[sflag:s0] =	ssyncadd.s32 $0xFFFFFFC0  }
0xe6: {  	s4 =	simm.s32 $0x0;
	[sflag:s31] =	ssyncpa.u1 $0x0  }
.LBB2_17:
0xe7: {  	p0 =	sgt.u32 s5, $0xC3FF  }
0xe8: {  	s0 =	sshrl.u32 @!p0 s5, $0x3  }
0xe9: {  	s5 =	sand.u32 @!p0 $0x7, s5;
	s6 =	simm.s32 @!p0 $0xB0;
	s0 =	sadd.s32 @!p0 s1, s0  }
0xea: {  	[tilespmem:s6], [sflag:$0x6] =	stream.linear.gather @!p0 [hbm4b:s0+s5], $0x1, $0x38;
	[tilespmem:$0xF030] =	vst v63  }
0xeb: {  	s0 =	simm.s32 @!p0 $0x6  }
0xec: {  	_ =	swait.ge @!p0 [sflag:s0], $0x1  }
0xed: {  	[sflag:s0] =	ssyncset.done @!p0 $0x0  }
0xee: {  	[sflag:s0] =	ssyncadd.s32 @!p0 $0xFFFFFFFF  }
0xef: {  	v2 =	vmov @!p0 s4;
	v1 =	vld.msk @!p0 [tilespmem:$0xB0], $0x1;
	_ =	sdelay $0x3  }
0xf0: {  	s0 =	simm.s32 @!p0 $0xE0  }
0xf1: {  	[tilespmem:v2+s0+$0x0], v1 =	vst.idx.ret.add.f32.msk @!p0 $0x1, v1  }
0xf2: {  	[tilespmem:s2+$0xC0] =	vst.msk $0x1, v0  }
0xf3: {  	v0 =	vld.msk [tilespmem:s4+$0xE0], $0x1;
	_ =	sdelay $0x4  }
0xf4: {  	[tilespmem:s2+$0xE0] =	vst.msk $0x1, v0;
	s2 =	sadd.s32 $0x1, s2  }
.LBB2_19:
0xf5: {  	s4 =	sadd.s32 $0x1, s4  }
0xf6: {  	p0 =	sne.s32 s4, $0x20  }
.Ltmp8:
0xf7: {  	_ = 	snop;
	(pc) =	sbr.rel @!p0 .LBB2_20-.Ltmp8, $1  }
0xf8: {  	_ =	sdelay $0x3  }
.LBB2_12:
0xf9: {  	v0 =	vld.msk [tilespmem:s4+$0xC0], $0x1;
	_ =	sdelay $0x4  }
0xfa: {  	(v2sf) =	vpush v0, $0x0;
	_ =	sdelay $0xe  }
0xfb: {  	s5 =	spop (v2sf)  }
0xfc: {  	p0 =	seq.s32 s5, $0xFFFFFFFF  }
.Ltmp9:
0xfd: {  	_ = 	snop;
	(pc) =	sbr.rel @p0 .LBB2_19-.Ltmp9, $1  }
0xfe: {  	_ =	sdelay $0x3  }
0xff: {  	p0 =	slt.s32 s2, $0x1  }
.Ltmp10:
0x100: {  	_ = 	snop;
	(pc) =	sbr.rel @p0 .LBB2_17-.Ltmp10, $1  }
0x101: {  	_ =	sdelay $0x3  }
0x102: {  	s0 =	simm.s32 $0xC0;
	p0 =	por $0x0, $0x0  }
0x103: {  	v1 =	vld.msk @!p0 [tilespmem:s0+$0x0], $0x1;
	_ =	sdelay $0x4  }
0x104: {  	(v2sf) =	vpush @!p0 v1, $0x0;
	_ =	sdelay $0xd  }
0x105: {  	p2 =	sne.s32 s2, $0x1  }
.Ltmp11:
0x106: {  	s6 =	spop @!p0 (v2sf);
	(pc) =	sbr.rel @!p2 .LBB2_16-.Ltmp11, $4  }
0x107: {  	p1 =	seq.s32 @!p0 s5, s6  }
0x108: {  	s6 =	simm.s32 $0x0;
	p1 =	por !p1, p0  }
0x109: {  	s8 =	simm.s32 $0xFFFFFFFF;
	s6 =	simm.s32 @p1 $0xFFFFFFFF  }
0x10a: {  	s7 =	simm.s32 $0x1;
	s6 =	smov.u32 @p0 s8  }
.LBB2_15:
0x10b: {  	s8 =	smov.u32 s6;
	p0 =	sne.s32 s6, $0xFFFFFFFF  }
0x10c: {  	s0 =	sadd.s32 $0x1, s0;
	s6 =	smov.u32 s7;
	s7 =	sadd.s32 $0x1, s7  }
0x10d: {  	p1 =	sne.s32 s2, s7;
	v1 =	vld.msk @!p0 [tilespmem:s0+$0x0], $0x1;
	_ =	sdelay $0x4  }
0x10e: {  	(v2sf) =	vpush @!p0 v1, $0x0;
	_ =	sdelay $0xe  }
.Ltmp12:
0x10f: {  	s9 =	spop @!p0 (v2sf);
	(pc) =	sbr.rel @p1 .LBB2_15-.Ltmp12, $4  }
0x110: {  	p2 =	seq.s32 @!p0 s5, s9  }
0x111: {  	p2 =	por !p2, p0  }
0x112: {  	s6 =	simm.s32 @p2 $0xFFFFFFFF  }
0x113: {  	s6 =	smov.u32 @p0 s8  }
.LBB2_16:
0x114: {  	p0 =	sne.s32 s6, $0xFFFFFFFF  }
.Ltmp13:
0x115: {  	_ = 	snop;
	(pc) =	sbr.rel @!p0 .LBB2_17-.Ltmp13, $1  }
0x116: {  	_ =	sdelay $0x3  }
0x117: {  	v0 =	vld.msk [tilespmem:s4+$0xE0], $0x1;
	v1 =	vmov s6  }
.Ltmp14:
0x118: {  	_ = 	snop;
	(pc) =	sbr.rel .LBB2_19-.Ltmp14, $2  }
0x119: {  	_ =	sdelay $0x2  }
0x11a: {  	[tilespmem:v1+s3+$0x0], v0 =	vst.idx.ret.add.f32.msk $0x1, v0  }
.LBB2_20:
0x11b: {  	p0 =	slt.s32 s2, $0x1  }
.Ltmp15:
0x11c: {  	_ = 	snop;
	(pc) =	sbr.rel @p0 .LBB2_24-.Ltmp15, $3  }
0x11d: {  	_ =	sdelay $0x1  }
0x11e: {  	s0 =	simm.s32 $0x6  }
0x11f: {  	s3 =	simm.s32 $0x0;
	[sflag:s0] =	ssyncpa.u1 $0x1  }
0x120: {  	s0 =	simm.s32 $0xC0  }
0x121: {  	v0 =	vld.msk [tilespmem:s0+$0x0], $0x1;
	_ =	sdelay $0x4  }
0x122: {  	(v2sf) =	vpush v0, $0x0;
	_ =	sdelay $0xe  }
0x123: {  	s2 =	sadd.s32 $0xFFFFFFFF, s2;
	s4 =	spop (v2sf)  }
0x124: {  	p1 =	sne.s32 s2, $0x0;
	p0 =	sgt.u32 s4, $0xC3FF  }
.Ltmp16:
0x125: {  	s5 =	sshrl.u32 @!p0 s4, $0x3;
	(pc) =	sbr.rel @!p1 .LBB2_23-.Ltmp16, $4  }
0x126: {  	s0 =	simm.s32 $0xE0;
	s4 =	sand.u32 @!p0 $0x7, s4;
	s5 =	sadd.s32 @!p0 s1, s5  }
0x127: {  	[hbm4b:s5+s4] =	stream.linear.scatter @!p0 [tilespmem:s0], [sflag:$0x5], $0x1, $0x38;
	[tilespmem:$0xF030] =	vst v63  }
0x128: {  	s5 =	simm.s32 $0x0  }
0x129: {  	s4 =	simm.s32 $0xC1;
	s5 =	simm.s32 @!p0 $0x4  }
.LBB2_22:
0x12a: {  	v0 =	vld.msk [tilespmem:s4+$0x0], $0x1;
	s2 =	sadd.s32 $0xFFFFFFFF, s2;
	s3 =	sadd.s32 s3, s5  }
0x12b: {  	p0 =	sne.s32 s2, $0x0;
	_ =	sdelay $0x3  }
0x12c: {  	(v2sf) =	vpush v0, $0x0;
	_ =	sdelay $0xe  }
.Ltmp17:
0x12d: {  	s6 =	spop (v2sf);
	(pc) =	sbr.rel @p0 .LBB2_22-.Ltmp17, $4  }
0x12e: {  	s5 =	simm.s32 $0x0;
	p1 =	sgt.u32 s6, $0xC3FF  }
0x12f: {  	s0 =	sadd.s32 $0x1, s0;
	s5 =	simm.s32 @!p1 $0x4;
	s7 =	sshrl.u32 @!p1 s6, $0x3  }
0x130: {  	s4 =	sadd.s32 $0x1, s4;
	s6 =	sand.u32 @!p1 $0x7, s6;
	s7 =	sadd.s32 @!p1 s1, s7  }
0x131: {  	[hbm4b:s7+s6] =	stream.linear.scatter @!p1 [tilespmem:s0], [sflag:$0x5], $0x1, $0x38;
	[tilespmem:$0xF030] =	vst v63  }
.LBB2_23:
0x132: {  	s0 =	sadd.s32 s3, s5  }
0x133: {  	s3 =	sshrl.u32 s0, $0x2  }
.LBB2_24:
0x134: {  	s0 =	simm.s32 $0x5  }
0x135: {  	_ =	swait.ge [sflag:s0], s3  }
0x136: {  	s1 =	ssub.s32 $0x0, s3;
	[sflag:s0] =	ssyncset.done $0x0  }
0x137: {  	[sflag:s0] =	ssyncadd.s32 s1  }
0x138: {  	[sflag:s0] =	ssyncpa.u1 $0x1  }
0x139: {  	s29 =	simm.s32 $0x1;
	_ =	sfence  }
0x13a: {  	s30 =	simm.s32 $0x2;
	[sflag:s29] =	ssyncpa.u1 $0x1  }
0x13b: {  	[sflag:s30] =	ssyncpa.u1 $0x1  }
0x13c: {  	_ =	strace $0x9000005F  }
0x13d: {  	[bflag:$0x2] =	sbarrier.arrive $0xFFFF  }
0x13e: {  	s31 =	rddreg [dreg:$0x1]  }
0x13f: {  	s0 =	sadd.s32 $0x100000, s31  }
0x140: {  	[sflag:s0] =	ssyncadd.tile.s32 $0x1;
	_ =	shalt  }
.Lfunc_end2:
_tile_overlayer_lowered:
.L_overlay_start_2:
0x141: {  	(tag) =	ssettag $0x2  }
0x142: {  	s0 =	rddreg [dreg:$0x0];
	s2 =	stileid.u32  }
0x143: {  	s1 =	rddreg [dreg:$0x1];
	p0 =	sne.s32 s2, $0x0  }
0x144: {  	s3 =	rddreg [dreg:$0x2];
	[bflag:$0x3] =	sbarrier.arrive $0xFFFF;
	s2 =	simm.s32 @!p0 $0x1C01  }
0x145: {  	[timem:s3], [sflag:s2] =	dma.local @!p0 [hbm:s0], s1  }
0x146: {  	s0 =	simm.s32 @!p0 $0x1  }
0x147: {  	_ =	swait.ge @!p0 [sflag:s0], s1  }
0x148: {  	s1 =	ssub.s32 @!p0 $0x0, s1;
	[sflag:s0] =	ssyncset.done @!p0 $0x0  }
0x149: {  	[sflag:s0] =	ssyncadd.s32 @!p0 s1  }
0x14a: {  	[bflag:$0x3] =	sbarrier.arrive $0xFFFF  }
0x14b: {  	_ =	shalt  }

// kernel: scatter_offload_async_start.5
scs
__scs_entry_jumppad:
0x0: {  	(pc) =	sbr.rel $0x88, $3  }
0x1: {  	(tag) =	ssettag $0x0;
	lr =	simm.s32 $0x1  }
0x2: {  	[smem:$0x3F91] =	sst lr;
	_ =	strace $0xD0000000  }
0x3: {  	_ = 	snop  }
0x4: {  	_ = 	snop  }
0x5: {  	_ = 	snop  }
0x6: {  	_ = 	snop  }
0x7: {  	_ = 	snop  }
__scs_overlays_trampoline_lowered:
0x8: {  	[smem:$0x3FA0] =	sst s0  }
0x9: {  	[smem:$0x3FA1] =	sst s1  }
0xa: {  	[smem:$0x3FA2] =	sst s2  }
0xb: {  	[smem:$0x3FA3] =	sst s3  }
0xc: {  	[smem:$0x3FA4] =	sst s4  }
0xd: {  	[smem:$0x3FA5] =	sst s5  }
0xe: {  	[smem:$0x3FA6] =	sst s6  }
0xf: {  	[smem:$0x3FA7] =	sst s7  }
0x10: {  	[smem:$0x3FA8] =	sst s8  }
0x11: {  	[smem:$0x3FA9] =	sst s9;
	s0 =	simm.s32 @!p0 $0x0  }
0x12: {  	s1 =	sld [smem:$0x3F8F];
	s0 =	simm.s32 @p0 $0x1  }
0x13: {  	[smem:$0x3FAA] =	sst s0;
	s0 =	simm.s32 @!p1 $0x0  }
0x14: {  	s2 =	sld [smem:$0x3F8E];
	s0 =	simm.s32 @p1 $0x1  }
0x15: {  	[smem:$0x3FAB] =	sst s0;
	s0 =	simm.s32 @!p2 $0x0  }
0x16: {  	s3 =	sld [smem:$0x3FDB];
	s0 =	simm.s32 @p2 $0x1  }
0x17: {  	s4 =	simm.s32 $0x1BF5;
	[smem:$0x3FAD] =	sst s0  }
0x18: {  	s0 =	sld [smem:$0x3F90];
	_ =	swait.ge [sflag:s4], $0x0  }
0x19: {  	s7 =	sld [smem:$0x3F91]  }
0x1a: {  	s8 =	sadd.s32 $0xFFFFE003, lr  }
0x1b: {  	s9 =	sadd.s32 $0xFFFFFEF7, lr;
	s5 =	simm.s32 $0xFFFFFFFF;
	p2 =	slt.u32 s8, $0xFFFFF086  }
0x1c: {  	p1 =	slt.u32 s9, $0xF7A;
	s5 =	simm.s32 @!p2 $0x0  }
0x1d: {  	s5 =	simm.s32 @p1 $0x1;
	p0 =	seq.s32 s7, s2  }
0x1e: {  	s7 =	smul.u32 @!p0 $0xF7A, s2;
	p2 =	seq.s32 @!p0 s5, $0x0  }
0x1f: {  	s9 =	smul.u32 $0xF7A, s1;
	s8 =	simm.s32 @!p0 $0x1BF5;
	p2 =	por !p2, p0  }
0x20: {  	[sflag:s8] =	ssyncset.s32 @!p0 $0xFFFFF086;
	s6 =	sadd.s32 @!p0 s3, s7;
	s7 =	simm.s32 @!p0 $0x108  }
0x21: {  	s3 =	sadd.s32 s3, s9;
	s6 =	sadd.s32 @!p0 $0x88, s6;
	s7 =	simm.s32 @p2 $0x1082  }
0x22: {  	[simem:s7], [sflag:s8] =	dma.local @!p0 [hbm:s6], $0xF7A  }
0x23: {  	s9 =	sor.u32 $0xD0000000, s2;
	s6 =	simm.s32 $0x108;
	_ =	swait.ge @!p0 [sflag:s8], $0x0  }
0x24: {  	s3 =	sadd.s32 $0x88, s3;
	s6 =	simm.s32 @!p1 $0x1082;
	[sflag:s4] =	ssyncset.s32 $0xFFFFF086  }
0x25: {  	[simem:s6], [sflag:s4] =	dma.local [hbm:s3], $0xF7A  }
0x26: {  	[smem:$0x3F91] =	sst s1;
	(tag) =	ssettag s2;
	_ =	strace s9  }
0x27: {  	s1 =	sld [smem:$0x3FA1]  }
0x28: {  	s2 =	sld [smem:$0x3FA2]  }
0x29: {  	s4 =	sld [smem:$0x3FA4]  }
0x2a: {  	p0 =	seq.s32 s5, $0x0;
	s5 =	sld [smem:$0x3FA5]  }
0x2b: {  	s6 =	sld [smem:$0x3FA6]  }
0x2c: {  	s7 =	sld [smem:$0x3FA7]  }
0x2d: {  	s3 =	simm.s32 $0x108;
	s8 =	sld [smem:$0x3FA8]  }
0x2e: {  	s3 =	simm.s32 @!p0 $0x1082;
	s9 =	sld [smem:$0x3FA9]  }
0x2f: {  	lr =	sadd.s32 s0, s3;
	s0 =	sld [smem:$0x3FA0]  }
0x30: {  	s3 =	sld [smem:$0x3FA3]  }
0x31: {  	[smem:$0x3FAC] =	sst s10  }
0x32: {  	s10 =	sld [smem:$0x3FAA];
	_ =	sdelay $0x3  }
0x33: {  	p0 =	seq.s32 s10, $0x1;
	s10 =	sld [smem:$0x3FAC];
	_ =	sdelay $0x3  }
0x34: {  	[smem:$0x3FAC] =	sst s10  }
0x35: {  	s10 =	sld [smem:$0x3FAB];
	_ =	sdelay $0x3  }
0x36: {  	p1 =	seq.s32 s10, $0x1;
	s10 =	sld [smem:$0x3FAC];
	_ =	sdelay $0x3  }
0x37: {  	[smem:$0x3FAC] =	sst s10  }
0x38: {  	s10 =	sld [smem:$0x3FAD]  }
0x39: {  	_ = 	snop;
	(pc) =	sbr.ind lr, $3  }
0x3a: {  	_ = 	snop  }
0x3b: {  	_ = 	snop  }
0x3c: {  	p2 =	seq.s32 s10, $0x1;
	s10 =	sld [smem:$0x3FAC]  }
0x3d: {  	_ =	shalt  }
0x3e: {  	_ =	shalt  }
0x3f: {  	_ =	shalt  }
0x40: {  	_ =	shalt  }
0x41: {  	_ =	shalt  }
0x42: {  	_ =	shalt  }
0x43: {  	_ =	shalt  }
0x44: {  	_ =	shalt  }
0x45: {  	_ =	shalt  }
0x46: {  	_ =	shalt  }
0x47: {  	_ =	shalt  }
0x48: {  	_ =	shalt  }
0x49: {  	_ =	shalt  }
0x4a: {  	_ =	shalt  }
0x4b: {  	_ =	shalt  }
0x4c: {  	_ =	shalt  }
0x4d: {  	_ =	shalt  }
0x4e: {  	_ =	shalt  }
0x4f: {  	_ =	shalt  }
0x50: {  	_ =	shalt  }
0x51: {  	_ =	shalt  }
0x52: {  	_ =	shalt  }
0x53: {  	_ =	shalt  }
0x54: {  	_ =	shalt  }
0x55: {  	_ =	shalt  }
0x56: {  	_ =	shalt  }
0x57: {  	_ =	shalt  }
0x58: {  	_ =	shalt  }
0x59: {  	_ =	shalt  }
0x5a: {  	_ =	shalt  }
0x5b: {  	_ =	shalt  }
0x5c: {  	_ =	shalt  }
0x5d: {  	_ =	shalt  }
0x5e: {  	_ =	shalt  }
0x5f: {  	_ =	shalt  }
0x60: {  	_ =	shalt  }
0x61: {  	_ =	shalt  }
0x62: {  	_ =	shalt  }
0x63: {  	_ =	shalt  }
0x64: {  	_ =	shalt  }
0x65: {  	_ =	shalt  }
0x66: {  	_ =	shalt  }
0x67: {  	_ =	shalt  }
0x68: {  	_ =	shalt  }
0x69: {  	_ =	shalt  }
0x6a: {  	_ =	shalt  }
0x6b: {  	_ =	shalt  }
0x6c: {  	_ =	shalt  }
0x6d: {  	_ =	shalt  }
0x6e: {  	_ =	shalt  }
0x6f: {  	_ =	shalt  }
0x70: {  	_ =	shalt  }
0x71: {  	_ =	shalt  }
0x72: {  	_ =	shalt  }
0x73: {  	_ =	shalt  }
0x74: {  	_ =	shalt  }
0x75: {  	_ =	shalt  }
0x76: {  	_ =	shalt  }
0x77: {  	_ =	shalt  }
0x78: {  	_ =	shalt  }
0x79: {  	_ =	shalt  }
0x7a: {  	_ =	shalt  }
0x7b: {  	_ =	shalt  }
0x7c: {  	_ =	shalt  }
0x7d: {  	_ =	shalt  }
0x7e: {  	_ =	shalt  }
0x7f: {  	_ =	shalt  }
0x80: {  	_ =	shalt  }
0x81: {  	_ =	shalt  }
0x82: {  	_ =	shalt  }
0x83: {  	_ =	shalt  }
0x84: {  	_ =	shalt  }
0x85: {  	_ =	shalt  }
0x86: {  	_ =	shalt  }
0x87: {  	_ =	shalt  }
.Lfunc_end0:
.L_simem_size_0:
called_computation.5_lowered:
.L_overlay_start_0:
0x88: {  	s0 =	sld [smem:$0x3FD9]  }
0x89: {  	s1 =	sld [smem:$0x3FFE];
	_ =	sdelay $0x3  }
0x8a: {  	s0 =	sadd.s32 s1, s0  }
0x8b: {  	[smem:$0x3FB8] =	sst s0  }
0x8c: {  	_ = 	snop  }
0x8d: {  	(tm) =	ssettm $0x1  }
0x8e: {  	s15 =	sld [smem:$0x3FFB];
	_ =	sdelay $0x3  }
0x8f: {  	_ =	strace s15  }
0x90: {  	s0 =	sld [smem:$0x3FFC];
	_ =	sdelay $0x3  }
0x91: {  	_ =	strace s0  }
0x92: {  	s0 =	sld [smem:$0x3FFD];
	_ =	sdelay $0x3  }
0x93: {  	_ =	strace s0  }
0x94: {  	_ =	strace $0x8FFFFFFF  }
0x95: {  	s16 =	sld [smem:$0x3FDB];
	_ =	sdelay $0x1  }
0x96: {  	s17 =	simm.s32 $_scs_section_size  }
0x97: {  	s2 =	simm.s32 $_size__tile_overlayer_lowered;
	s3 =	simm.s32 $_tile_overlayer_lowered  }
0x98: {  	s20 =	simm.s32 $0x1BFF;
	s19 =	sshll.u32 s3, $0x1;
	s0 =	sadd.s32 s17, s16  }
0x99: {  	s4 =	simm.s32 $0x0;
	s18 =	sshll.u32 s2, $0x1;
	s2 =	sadd.s32 s19, s0  }
0x9a: {  	[timem:s4], [sflag:s20] =	dma.local [hbm:s2], s18  }
0x9b: {  	_ =	swait.ge [sflag:s20], s18  }
0x9c: {  	s1 =	ssub.s32 $0x0, s18;
	[sflag:s20] =	ssyncset.done $0x0  }
0x9d: {  	[sflag:s20] =	ssyncadd.s32 s1;
	_ =	sdelay $0x1  }
0x9e: {  	s21 =	simm.s32 $0x1B8B  }
0x9f: {  	_ =	swait.ge [sflag:s21], $0x1  }
0xa0: {  	[sflag:s21] =	ssyncset.done $0x0  }
0xa1: {  	s23 =	simm.s32 $0x1B8E;
	s22 =	sld [smem:$0x3FFE];
	[sflag:s21] =	ssyncadd.s32 $0xFFFFFFFF  }
0xa2: {  	s24 =	simm.s32 $execute0_lowered;
	[smem:$0x3FD2] =	sst s23  }
0xa3: {  	s2 =	sshll.u32 s24, $0x1;
	_ =	strace $0x80000061;
	[dreg:$0x1] =	wrdreg $0xFFFFFFFF  }
0xa4: {  	s25 =	simm.s32 $_size_execute0_lowered;
	s0 =	sadd.s32 s0, s2;
	[dreg:$0x0] =	wrdreg $0x0  }
0xa5: {  	s2 =	sshll.u32 s25, $0x1;
	[dreg:$0x2] =	wrdreg s0  }
0xa6: {  	[dreg:$0x3] =	wrdreg s2  }
0xa7: {  	[dreg:$0x4] =	wrdreg $0xC0  }
0xa8: {  	_ =	task [dreg:s4], $0x5FFFF  }
0xa9: {  	[dreg:$0x1] =	wrdreg $0xFFFFFFFF  }
0xaa: {  	[dreg:$0x0] =	wrdreg $0x60  }
0xab: {  	[dreg:$0x2] =	wrdreg s22  }
0xac: {  	[dreg:$0x3] =	wrdreg $0xA  }
0xad: {  	_ =	task.clear_ibuf [dreg:s4], $0x4FFFF;
	_ =	strace $0x90000061  }
0xae: {  	s26 =	simm.s32 $0xA;
	_ =	strace $0x80000063  }
0xaf: {  	_ =	swait.ge [sflag:s26], $0x1  }
0xb0: {  	[sflag:s26] =	ssyncadd.s32 $0xFFFFFFFF  }
0xb1: {  	_ =	strace $0x90000063  }
0xb2: {  	_ =	sfence  }
0xb3: {  	s28 =	sld [smem:$0x0];
	_ =	sdelay $0x1  }
0xb4: {  	s29 =	srdreg.scid  }
0xb5: {  	s30 =	sshll.u32 s29, $0xD;
	s31 =	sshrl.u32 s29, $0x2  }
0xb6: {  	s1 =	sand.u32 $0x1, s29;
	s2 =	sand.u32 $0x4000, s30;
	s0 =	sadd.s32 s31, s28  }
0xb7: {  	s1 =	sor.u32 s2, s1;
	s0 =	sshll.u32 s0, $0x11  }
0xb8: {  	s0 =	sor.u32 s0, s1  }
0xb9: {  	s0 =	sadd.s32 $0x8F2B, s0  }
0xba: {  	[sflag:s0] =	ssyncadd.remote.s32 $0x1  }
0xbb: {  	_ =	sfence.sel $0xFFFF  }
0xbc: {  	[dreg:$0x0] =	wrdreg $0xFFFFFFFF;
	(pc) =	sbr.abs _section_cstart, $3  }
0xbd: {  	[dreg:$0x1] =	wrdreg $0xFFFFFFFF  }
0xbe: {  	_ =	task.clear_ibuf [dreg:s4], $0x2FFFF;
	_ =	strace $0x9FFFFFFF  }
0xbf: {  	(tm) =	ssettm $0x7FFFFFFF  }
tec
execute0_lowered:
.L_overlay_start_1:
0x0: {  	(tag) =	ssettag $0x1  }
0x1: {  	s2 =	rddreg [dreg:$0x0];
	_ =	strace $0x80000062;
	s1 =	simm.s32 $0x1  }
0x2: {  	v0 =	vimm.s32 $0x0;
	[sflag:s1] =	ssyncpa.u1 $0x0  }
0x3: {  	[tilespmem:$0x48] =	vst v0  }
0x4: {  	[tilespmem:$0x58] =	vst v0  }
0x5: {  	[tilespmem:$0x68] =	vst v0  }
0x6: {  	[tilespmem:$0x78] =	vst v0  }
0x7: {  	[tilespmem:$0x88] =	vst v0  }
0x8: {  	[tilespmem:$0x98] =	vst v0  }
0x9: {  	[tilespmem:$0xA8] =	vst v0  }
0xa: {  	[tilespmem:$0xB8] =	vst v0  }
0xb: {  	[tilespmem:$0xC8] =	vst v0  }
0xc: {  	[tilespmem:$0xD8] =	vst v0  }
0xd: {  	[tilespmem:$0xE8] =	vst v0  }
0xe: {  	[tilespmem:$0xF8] =	vst v0  }
0xf: {  	[tilespmem:$0x108] =	vst v0  }
0x10: {  	[tilespmem:$0x118] =	vst v0  }
0x11: {  	[tilespmem:$0x128] =	vst v0  }
0x12: {  	[tilespmem:$0x138] =	vst v0  }
0x13: {  	[tilespmem:$0x148] =	vst v0  }
0x14: {  	[tilespmem:$0x158] =	vst v0  }
0x15: {  	[tilespmem:$0x168] =	vst v0  }
0x16: {  	[tilespmem:$0x178] =	vst v0  }
0x17: {  	[tilespmem:$0x188] =	vst v0  }
0x18: {  	[tilespmem:$0x198] =	vst v0  }
0x19: {  	[tilespmem:$0x1A8] =	vst v0  }
0x1a: {  	[tilespmem:$0x1B8] =	vst v0  }
0x1b: {  	[tilespmem:$0x1C8] =	vst v0  }
0x1c: {  	[tilespmem:$0x1D8] =	vst v0  }
0x1d: {  	[tilespmem:$0x1E8] =	vst v0  }
0x1e: {  	[tilespmem:$0x1F8] =	vst v0  }
0x1f: {  	[tilespmem:$0x208] =	vst v0  }
0x20: {  	[tilespmem:$0x218] =	vst v0  }
0x21: {  	[tilespmem:$0x228] =	vst v0  }
0x22: {  	[tilespmem:$0x238] =	vst v0  }
0x23: {  	[tilespmem:$0x248] =	vst v0  }
0x24: {  	[tilespmem:$0x258] =	vst v0  }
0x25: {  	[tilespmem:$0x268] =	vst v0  }
0x26: {  	[tilespmem:$0x278] =	vst v0  }
0x27: {  	[tilespmem:$0x288] =	vst v0  }
0x28: {  	[tilespmem:$0x298] =	vst v0  }
0x29: {  	[tilespmem:$0x2A8] =	vst v0  }
0x2a: {  	[tilespmem:$0x2B8] =	vst v0  }
0x2b: {  	[tilespmem:$0x2C8] =	vst v0  }
0x2c: {  	[tilespmem:$0x2D8] =	vst v0  }
0x2d: {  	[tilespmem:$0x2E8] =	vst v0  }
0x2e: {  	[tilespmem:$0x2F8] =	vst v0  }
0x2f: {  	[tilespmem:$0x308] =	vst v0  }
0x30: {  	[tilespmem:$0x318] =	vst v0  }
0x31: {  	[tilespmem:$0x328] =	vst v0  }
0x32: {  	[tilespmem:$0x338] =	vst v0  }
0x33: {  	[tilespmem:$0x348] =	vst v0  }
0x34: {  	[tilespmem:$0x358] =	vst v0  }
0x35: {  	[tilespmem:$0x368] =	vst v0  }
0x36: {  	[tilespmem:$0x378] =	vst v0  }
0x37: {  	[tilespmem:$0x388] =	vst v0  }
0x38: {  	[tilespmem:$0x398] =	vst v0  }
0x39: {  	[tilespmem:$0x3A8] =	vst v0  }
0x3a: {  	[tilespmem:$0x3B8] =	vst v0  }
0x3b: {  	[tilespmem:$0x3C8] =	vst v0  }
0x3c: {  	[tilespmem:$0x3D8] =	vst v0  }
0x3d: {  	[tilespmem:$0x3E8] =	vst v0  }
0x3e: {  	[tilespmem:$0x3F8] =	vst v0  }
0x3f: {  	[tilespmem:$0x408] =	vst v0  }
0x40: {  	[tilespmem:$0x418] =	vst v0  }
0x41: {  	[tilespmem:$0x428] =	vst v0  }
0x42: {  	[tilespmem:$0x438] =	vst v0  }
0x43: {  	[tilespmem:$0x448] =	vst v0  }
0x44: {  	[tilespmem:$0x458] =	vst v0  }
0x45: {  	[tilespmem:$0x468] =	vst v0  }
0x46: {  	[tilespmem:$0x478] =	vst v0  }
0x47: {  	[tilespmem:$0x488] =	vst v0  }
0x48: {  	[tilespmem:$0x498] =	vst v0  }
0x49: {  	[tilespmem:$0x4A8] =	vst v0  }
0x4a: {  	[tilespmem:$0x4B8] =	vst v0  }
0x4b: {  	[tilespmem:$0x4C8] =	vst v0  }
0x4c: {  	[tilespmem:$0x4D8] =	vst v0  }
0x4d: {  	[tilespmem:$0x4E8] =	vst v0  }
0x4e: {  	[tilespmem:$0x4F8] =	vst v0  }
0x4f: {  	[tilespmem:$0x508] =	vst v0  }
0x50: {  	[tilespmem:$0x518] =	vst v0  }
0x51: {  	[tilespmem:$0x528] =	vst v0  }
0x52: {  	[tilespmem:$0x538] =	vst v0  }
0x53: {  	[tilespmem:$0x548] =	vst v0  }
0x54: {  	[tilespmem:$0x558] =	vst v0  }
0x55: {  	[tilespmem:$0x568] =	vst v0  }
0x56: {  	[tilespmem:$0x578] =	vst v0  }
0x57: {  	[tilespmem:$0x588] =	vst v0  }
0x58: {  	[tilespmem:$0x598] =	vst v0  }
0x59: {  	[tilespmem:$0x5A8] =	vst v0  }
0x5a: {  	[tilespmem:$0x5B8] =	vst v0  }
0x5b: {  	[tilespmem:$0x5C8] =	vst v0  }
0x5c: {  	[tilespmem:$0x5D8] =	vst v0  }
0x5d: {  	[tilespmem:$0x5E8] =	vst v0  }
0x5e: {  	[tilespmem:$0x5F8] =	vst v0  }
0x5f: {  	[tilespmem:$0x608] =	vst v0  }
0x60: {  	[tilespmem:$0x618] =	vst v0  }
0x61: {  	[tilespmem:$0x628] =	vst v0  }
0x62: {  	[tilespmem:$0x638] =	vst v0  }
0x63: {  	[tilespmem:$0x648] =	vst v0  }
0x64: {  	[tilespmem:$0x658] =	vst v0  }
0x65: {  	[tilespmem:$0x668] =	vst v0  }
0x66: {  	[tilespmem:$0x678] =	vst v0  }
0x67: {  	[tilespmem:$0x688] =	vst v0  }
0x68: {  	[tilespmem:$0x698] =	vst v0  }
0x69: {  	[tilespmem:$0x6A8] =	vst v0  }
0x6a: {  	[tilespmem:$0x6B8] =	vst v0  }
0x6b: {  	[tilespmem:$0x6C8] =	vst v0  }
0x6c: {  	[tilespmem:$0x6D8] =	vst v0  }
0x6d: {  	[tilespmem:$0x6E8] =	vst v0  }
0x6e: {  	[tilespmem:$0x6F8] =	vst v0  }
0x6f: {  	[tilespmem:$0x708] =	vst v0  }
0x70: {  	[tilespmem:$0x718] =	vst v0  }
0x71: {  	[tilespmem:$0x728] =	vst v0  }
0x72: {  	[tilespmem:$0x738] =	vst v0  }
0x73: {  	[tilespmem:$0x748] =	vst v0  }
0x74: {  	[tilespmem:$0x758] =	vst v0  }
0x75: {  	[tilespmem:$0x768] =	vst v0  }
0x76: {  	[tilespmem:$0x778] =	vst v0  }
0x77: {  	[tilespmem:$0x788] =	vst v0  }
0x78: {  	[tilespmem:$0x798] =	vst v0  }
0x79: {  	[tilespmem:$0x7A8] =	vst v0  }
0x7a: {  	[tilespmem:$0x7B8] =	vst v0  }
0x7b: {  	[tilespmem:$0x7C8] =	vst v0  }
0x7c: {  	[tilespmem:$0x7D8] =	vst v0  }
0x7d: {  	[tilespmem:$0x7E8] =	vst v0  }
0x7e: {  	[tilespmem:$0x7F8] =	vst v0  }
0x7f: {  	[tilespmem:$0x808] =	vst v0  }
0x80: {  	[tilespmem:$0x818] =	vst v0  }
0x81: {  	[tilespmem:$0x828] =	vst v0  }
0x82: {  	[tilespmem:$0x838] =	vst v0  }
0x83: {  	[tilespmem:$0x848] =	vst v0  }
0x84: {  	[tilespmem:$0x858] =	vst v0  }
0x85: {  	[tilespmem:$0x868] =	vst v0  }
0x86: {  	[tilespmem:$0x878] =	vst v0  }
0x87: {  	[tilespmem:$0x888] =	vst v0  }
0x88: {  	[tilespmem:$0x898] =	vst v0  }
0x89: {  	[tilespmem:$0x8A8] =	vst v0  }
0x8a: {  	[tilespmem:$0x8B8] =	vst v0  }
0x8b: {  	[tilespmem:$0x8C8] =	vst v0  }
0x8c: {  	[tilespmem:$0x8D8] =	vst v0  }
0x8d: {  	[tilespmem:$0x8E8] =	vst v0  }
0x8e: {  	[tilespmem:$0x8F8] =	vst v0  }
0x8f: {  	[tilespmem:$0x908] =	vst v0  }
0x90: {  	[tilespmem:$0x918] =	vst v0  }
0x91: {  	[tilespmem:$0x928] =	vst v0  }
0x92: {  	[tilespmem:$0x938] =	vst v0  }
0x93: {  	[tilespmem:$0x948] =	vst v0  }
0x94: {  	[tilespmem:$0x958] =	vst v0  }
0x95: {  	[tilespmem:$0x968] =	vst v0  }
0x96: {  	[tilespmem:$0x978] =	vst v0  }
0x97: {  	[tilespmem:$0x988] =	vst v0  }
0x98: {  	[tilespmem:$0x998] =	vst v0  }
0x99: {  	[tilespmem:$0x9A8] =	vst v0  }
0x9a: {  	[tilespmem:$0x9B8] =	vst v0  }
0x9b: {  	[tilespmem:$0x9C8] =	vst v0  }
0x9c: {  	[tilespmem:$0x9D8] =	vst v0  }
0x9d: {  	[tilespmem:$0x9E8] =	vst v0  }
0x9e: {  	[tilespmem:$0x9F8] =	vst v0  }
0x9f: {  	[tilespmem:$0xA08] =	vst v0  }
0xa0: {  	[tilespmem:$0xA18] =	vst v0  }
0xa1: {  	[tilespmem:$0xA28] =	vst v0  }
0xa2: {  	[tilespmem:$0xA38] =	vst v0  }
0xa3: {  	[tilespmem:$0xA48] =	vst v0  }
0xa4: {  	[tilespmem:$0xA58] =	vst v0  }
0xa5: {  	[tilespmem:$0xA68] =	vst v0  }
0xa6: {  	[tilespmem:$0xA78] =	vst v0  }
0xa7: {  	[tilespmem:$0xA88] =	vst v0  }
0xa8: {  	[tilespmem:$0xA98] =	vst v0  }
0xa9: {  	[tilespmem:$0xAA8] =	vst v0  }
0xaa: {  	[tilespmem:$0xAB8] =	vst v0  }
0xab: {  	[tilespmem:$0xAC8] =	vst v0  }
0xac: {  	[tilespmem:$0xAD8] =	vst v0  }
0xad: {  	[tilespmem:$0xAE8] =	vst v0  }
0xae: {  	[tilespmem:$0xAF8] =	vst v0  }
0xaf: {  	[tilespmem:$0xB08] =	vst v0  }
0xb0: {  	[tilespmem:$0xB18] =	vst v0  }
0xb1: {  	[tilespmem:$0xB28] =	vst v0  }
0xb2: {  	[tilespmem:$0xB38] =	vst v0  }
0xb3: {  	[tilespmem:$0xB48] =	vst v0  }
0xb4: {  	[tilespmem:$0xB58] =	vst v0  }
0xb5: {  	[tilespmem:$0xB68] =	vst v0  }
0xb6: {  	[tilespmem:$0xB78] =	vst v0  }
0xb7: {  	[tilespmem:$0xB88] =	vst v0  }
0xb8: {  	[tilespmem:$0xB98] =	vst v0  }
0xb9: {  	[tilespmem:$0xBA8] =	vst v0  }
0xba: {  	[tilespmem:$0xBB8] =	vst v0  }
0xbb: {  	[tilespmem:$0xBC8] =	vst v0  }
0xbc: {  	[tilespmem:$0xBD8] =	vst v0  }
0xbd: {  	[tilespmem:$0xBE8] =	vst v0  }
0xbe: {  	[tilespmem:$0xBF8] =	vst v0  }
0xbf: {  	[tilespmem:$0xC08] =	vst v0  }
0xc0: {  	[tilespmem:$0xC18] =	vst v0  }
0xc1: {  	[tilespmem:$0xC28] =	vst v0  }
0xc2: {  	[tilespmem:$0xC38] =	vst v0  }
0xc3: {  	[tilespmem:$0xC48] =	vst v0  }
0xc4: {  	[tilespmem:$0xC58] =	vst v0  }
0xc5: {  	[tilespmem:$0xC68] =	vst v0  }
0xc6: {  	[tilespmem:$0xC78] =	vst v0  }
0xc7: {  	[tilespmem:$0xC88] =	vst v0  }
0xc8: {  	[tilespmem:$0xC98] =	vst v0  }
0xc9: {  	[tilespmem:$0xCA8] =	vst v0  }
0xca: {  	[tilespmem:$0xCB8] =	vst v0  }
0xcb: {  	[tilespmem:$0xCC8] =	vst v0  }
0xcc: {  	[tilespmem:$0xCD8] =	vst v0  }
0xcd: {  	[tilespmem:$0xCE8] =	vst v0  }
0xce: {  	[tilespmem:$0xCF8] =	vst v0  }
0xcf: {  	[tilespmem:$0xD08] =	vst v0  }
0xd0: {  	[tilespmem:$0xD18] =	vst v0  }
0xd1: {  	[tilespmem:$0xD28] =	vst v0  }
0xd2: {  	[tilespmem:$0xD38] =	vst v0  }
0xd3: {  	[tilespmem:$0xD48] =	vst v0  }
0xd4: {  	[tilespmem:$0xD58] =	vst v0  }
0xd5: {  	[tilespmem:$0xD68] =	vst v0  }
0xd6: {  	[tilespmem:$0xD78] =	vst v0  }
0xd7: {  	[tilespmem:$0xD88] =	vst v0  }
0xd8: {  	[tilespmem:$0xD98] =	vst v0  }
0xd9: {  	[tilespmem:$0xDA8] =	vst v0  }
0xda: {  	[tilespmem:$0xDB8] =	vst v0  }
0xdb: {  	[tilespmem:$0xDC8] =	vst v0  }
0xdc: {  	[tilespmem:$0xDD8] =	vst v0  }
0xdd: {  	[tilespmem:$0xDE8] =	vst v0  }
0xde: {  	[tilespmem:$0xDF8] =	vst v0  }
0xdf: {  	[tilespmem:$0xE08] =	vst v0  }
0xe0: {  	[tilespmem:$0xE18] =	vst v0  }
0xe1: {  	[tilespmem:$0xE28] =	vst v0  }
0xe2: {  	[tilespmem:$0xE38] =	vst v0  }
0xe3: {  	[tilespmem:$0xE48] =	vst v0  }
0xe4: {  	[tilespmem:$0xE58] =	vst v0  }
0xe5: {  	[tilespmem:$0xE68] =	vst v0  }
0xe6: {  	[tilespmem:$0xE78] =	vst v0  }
0xe7: {  	[tilespmem:$0xE88] =	vst v0  }
0xe8: {  	[tilespmem:$0xE98] =	vst v0  }
0xe9: {  	[tilespmem:$0xEA8] =	vst v0  }
0xea: {  	[tilespmem:$0xEB8] =	vst v0  }
0xeb: {  	[tilespmem:$0xEC8] =	vst v0  }
0xec: {  	[tilespmem:$0xED8] =	vst v0  }
0xed: {  	[tilespmem:$0xEE8] =	vst v0  }
0xee: {  	[tilespmem:$0xEF8] =	vst v0  }
0xef: {  	[tilespmem:$0xF08] =	vst v0  }
0xf0: {  	[tilespmem:$0xF18] =	vst v0  }
0xf1: {  	[tilespmem:$0xF28] =	vst v0  }
0xf2: {  	[tilespmem:$0xF38] =	vst v0  }
0xf3: {  	[tilespmem:$0xF48] =	vst v0  }
0xf4: {  	[tilespmem:$0xF58] =	vst v0  }
0xf5: {  	[tilespmem:$0xF68] =	vst v0  }
0xf6: {  	[tilespmem:$0xF78] =	vst v0  }
0xf7: {  	[tilespmem:$0xF88] =	vst v0  }
0xf8: {  	[tilespmem:$0xF98] =	vst v0  }
0xf9: {  	[tilespmem:$0xFA8] =	vst v0  }
0xfa: {  	[tilespmem:$0xFB8] =	vst v0  }
0xfb: {  	[tilespmem:$0xFC8] =	vst v0  }
0xfc: {  	[tilespmem:$0xFD8] =	vst v0  }
0xfd: {  	[tilespmem:$0xFE8] =	vst v0  }
0xfe: {  	[tilespmem:$0xFF8] =	vst v0  }
0xff: {  	[tilespmem:$0x1008] =	vst v0  }
0x100: {  	[tilespmem:$0x1018] =	vst v0  }
0x101: {  	[tilespmem:$0x1028] =	vst v0  }
0x102: {  	[tilespmem:$0x1038] =	vst v0  }
0x103: {  	[tilespmem:$0x1048] =	vst v0  }
0x104: {  	[tilespmem:$0x1058] =	vst v0  }
0x105: {  	[tilespmem:$0x1068] =	vst v0  }
0x106: {  	[tilespmem:$0x1078] =	vst v0  }
0x107: {  	[tilespmem:$0x1088] =	vst v0  }
0x108: {  	[tilespmem:$0x1098] =	vst v0  }
0x109: {  	[tilespmem:$0x10A8] =	vst v0  }
0x10a: {  	[tilespmem:$0x10B8] =	vst v0  }
0x10b: {  	[tilespmem:$0x10C8] =	vst v0  }
0x10c: {  	[tilespmem:$0x10D8] =	vst v0  }
0x10d: {  	[tilespmem:$0x10E8] =	vst v0  }
0x10e: {  	[tilespmem:$0x10F8] =	vst v0  }
0x10f: {  	[tilespmem:$0x1108] =	vst v0  }
0x110: {  	[tilespmem:$0x1118] =	vst v0  }
0x111: {  	[tilespmem:$0x1128] =	vst v0  }
0x112: {  	[tilespmem:$0x1138] =	vst v0  }
0x113: {  	[tilespmem:$0x1148] =	vst v0  }
0x114: {  	[tilespmem:$0x1158] =	vst v0  }
0x115: {  	[tilespmem:$0x1168] =	vst v0  }
0x116: {  	[tilespmem:$0x1178] =	vst v0  }
0x117: {  	[tilespmem:$0x1188] =	vst v0  }
0x118: {  	[tilespmem:$0x1198] =	vst v0  }
0x119: {  	[tilespmem:$0x11A8] =	vst v0  }
0x11a: {  	[tilespmem:$0x11B8] =	vst v0  }
0x11b: {  	[tilespmem:$0x11C8] =	vst v0  }
0x11c: {  	[tilespmem:$0x11D8] =	vst v0  }
0x11d: {  	[tilespmem:$0x11E8] =	vst v0  }
0x11e: {  	[tilespmem:$0x11F8] =	vst v0  }
0x11f: {  	[tilespmem:$0x1208] =	vst v0  }
0x120: {  	[tilespmem:$0x1218] =	vst v0  }
0x121: {  	[tilespmem:$0x1228] =	vst v0  }
0x122: {  	[tilespmem:$0x1238] =	vst v0  }
0x123: {  	[tilespmem:$0x1248] =	vst v0  }
0x124: {  	[tilespmem:$0x1258] =	vst v0  }
0x125: {  	[tilespmem:$0x1268] =	vst v0  }
0x126: {  	[tilespmem:$0x1278] =	vst v0  }
0x127: {  	[tilespmem:$0x1288] =	vst v0  }
0x128: {  	[tilespmem:$0x1298] =	vst v0  }
0x129: {  	[tilespmem:$0x12A8] =	vst v0  }
0x12a: {  	[tilespmem:$0x12B8] =	vst v0  }
0x12b: {  	[tilespmem:$0x12C8] =	vst v0  }
0x12c: {  	[tilespmem:$0x12D8] =	vst v0  }
0x12d: {  	[tilespmem:$0x12E8] =	vst v0  }
0x12e: {  	[tilespmem:$0x12F8] =	vst v0  }
0x12f: {  	[tilespmem:$0x1308] =	vst v0  }
0x130: {  	[tilespmem:$0x1318] =	vst v0  }
0x131: {  	[tilespmem:$0x1328] =	vst v0  }
0x132: {  	[tilespmem:$0x1338] =	vst v0  }
0x133: {  	[tilespmem:$0x1348] =	vst v0  }
0x134: {  	[tilespmem:$0x1358] =	vst v0  }
0x135: {  	[tilespmem:$0x1368] =	vst v0  }
0x136: {  	[tilespmem:$0x1378] =	vst v0  }
0x137: {  	[tilespmem:$0x1388] =	vst v0  }
0x138: {  	[tilespmem:$0x1398] =	vst v0  }
0x139: {  	[tilespmem:$0x13A8] =	vst v0  }
0x13a: {  	[tilespmem:$0x13B8] =	vst v0  }
0x13b: {  	[tilespmem:$0x13C8] =	vst v0  }
0x13c: {  	[tilespmem:$0x13D8] =	vst v0  }
0x13d: {  	[tilespmem:$0x13E8] =	vst v0  }
0x13e: {  	[tilespmem:$0x13F8] =	vst v0  }
0x13f: {  	[tilespmem:$0x1408] =	vst v0  }
0x140: {  	[tilespmem:$0x1418] =	vst v0  }
0x141: {  	[tilespmem:$0x1428] =	vst v0  }
0x142: {  	[tilespmem:$0x1438] =	vst v0  }
0x143: {  	[tilespmem:$0x1448] =	vst v0  }
0x144: {  	[tilespmem:$0x1458] =	vst v0  }
0x145: {  	[tilespmem:$0x1468] =	vst v0  }
0x146: {  	[tilespmem:$0x1478] =	vst v0  }
0x147: {  	[tilespmem:$0x1488] =	vst v0  }
0x148: {  	[tilespmem:$0x1498] =	vst v0  }
0x149: {  	[tilespmem:$0x14A8] =	vst v0  }
0x14a: {  	[tilespmem:$0x14B8] =	vst v0  }
0x14b: {  	[tilespmem:$0x14C8] =	vst v0  }
0x14c: {  	[tilespmem:$0x14D8] =	vst v0  }
0x14d: {  	[tilespmem:$0x14E8] =	vst v0  }
0x14e: {  	[tilespmem:$0x14F8] =	vst v0  }
0x14f: {  	[tilespmem:$0x1508] =	vst v0  }
0x150: {  	[tilespmem:$0x1518] =	vst v0  }
0x151: {  	[tilespmem:$0x1528] =	vst v0  }
0x152: {  	[tilespmem:$0x1538] =	vst v0  }
0x153: {  	[tilespmem:$0x1548] =	vst v0  }
0x154: {  	[tilespmem:$0x1558] =	vst v0  }
0x155: {  	[tilespmem:$0x1568] =	vst v0  }
0x156: {  	[tilespmem:$0x1578] =	vst v0  }
0x157: {  	[tilespmem:$0x1588] =	vst v0  }
0x158: {  	[tilespmem:$0x1598] =	vst v0  }
0x159: {  	[tilespmem:$0x15A8] =	vst v0  }
0x15a: {  	[tilespmem:$0x15B8] =	vst v0  }
0x15b: {  	[tilespmem:$0x15C8] =	vst v0  }
0x15c: {  	[tilespmem:$0x15D8] =	vst v0  }
0x15d: {  	[tilespmem:$0x15E8] =	vst v0  }
0x15e: {  	[tilespmem:$0x15F8] =	vst v0  }
0x15f: {  	[tilespmem:$0x1608] =	vst v0  }
0x160: {  	[tilespmem:$0x1618] =	vst v0  }
0x161: {  	[tilespmem:$0x1628] =	vst v0  }
0x162: {  	[tilespmem:$0x1638] =	vst v0  }
0x163: {  	[tilespmem:$0x1648] =	vst v0  }
0x164: {  	[tilespmem:$0x1658] =	vst v0  }
0x165: {  	[tilespmem:$0x1668] =	vst v0  }
0x166: {  	[tilespmem:$0x1678] =	vst v0  }
0x167: {  	[tilespmem:$0x1688] =	vst v0  }
0x168: {  	[tilespmem:$0x1698] =	vst v0  }
0x169: {  	[tilespmem:$0x16A8] =	vst v0  }
0x16a: {  	[tilespmem:$0x16B8] =	vst v0  }
0x16b: {  	[tilespmem:$0x16C8] =	vst v0  }
0x16c: {  	[tilespmem:$0x16D8] =	vst v0  }
0x16d: {  	[tilespmem:$0x16E8] =	vst v0  }
0x16e: {  	[tilespmem:$0x16F8] =	vst v0  }
0x16f: {  	[tilespmem:$0x1708] =	vst v0  }
0x170: {  	[tilespmem:$0x1718] =	vst v0  }
0x171: {  	[tilespmem:$0x1728] =	vst v0  }
0x172: {  	[tilespmem:$0x1738] =	vst v0  }
0x173: {  	[tilespmem:$0x1748] =	vst v0  }
0x174: {  	[tilespmem:$0x1758] =	vst v0  }
0x175: {  	[tilespmem:$0x1768] =	vst v0  }
0x176: {  	[tilespmem:$0x1778] =	vst v0  }
0x177: {  	[tilespmem:$0x1788] =	vst v0  }
0x178: {  	[tilespmem:$0x1798] =	vst v0  }
0x179: {  	[tilespmem:$0x17A8] =	vst v0  }
0x17a: {  	[tilespmem:$0x17B8] =	vst v0  }
0x17b: {  	[tilespmem:$0x17C8] =	vst v0  }
0x17c: {  	[tilespmem:$0x17D8] =	vst v0  }
0x17d: {  	[tilespmem:$0x17E8] =	vst v0  }
0x17e: {  	[tilespmem:$0x17F8] =	vst v0  }
0x17f: {  	[tilespmem:$0x1808] =	vst v0  }
0x180: {  	[tilespmem:$0x1818] =	vst v0  }
0x181: {  	[tilespmem:$0x1828] =	vst v0  }
0x182: {  	[tilespmem:$0x1838] =	vst v0  }
0x183: {  	[tilespmem:$0x1848] =	vst v0  }
0x184: {  	[tilespmem:$0x1858] =	vst v0  }
0x185: {  	[tilespmem:$0x1868] =	vst v0  }
0x186: {  	[tilespmem:$0x1878] =	vst v0  }
0x187: {  	[tilespmem:$0x1888] =	vst v0  }
0x188: {  	[tilespmem:$0x1898] =	vst v0  }
0x189: {  	[tilespmem:$0x18A8] =	vst v0  }
0x18a: {  	[tilespmem:$0x18B8] =	vst v0  }
0x18b: {  	[tilespmem:$0x18C8] =	vst v0  }
0x18c: {  	[tilespmem:$0x18D8] =	vst v0  }
0x18d: {  	[tilespmem:$0x18E8] =	vst v0  }
0x18e: {  	[tilespmem:$0x18F8] =	vst v0  }
0x18f: {  	[tilespmem:$0x1908] =	vst v0  }
0x190: {  	[tilespmem:$0x1918] =	vst v0  }
0x191: {  	[tilespmem:$0x1928] =	vst v0  }
0x192: {  	[tilespmem:$0x1938] =	vst v0  }
0x193: {  	[tilespmem:$0x1948] =	vst v0  }
0x194: {  	[tilespmem:$0x1958] =	vst v0  }
0x195: {  	[tilespmem:$0x1968] =	vst v0  }
0x196: {  	[tilespmem:$0x1978] =	vst v0  }
0x197: {  	[tilespmem:$0x1988] =	vst v0  }
0x198: {  	[tilespmem:$0x1998] =	vst v0  }
0x199: {  	[tilespmem:$0x19A8] =	vst v0  }
0x19a: {  	[tilespmem:$0x19B8] =	vst v0  }
0x19b: {  	[tilespmem:$0x19C8] =	vst v0  }
0x19c: {  	[tilespmem:$0x19D8] =	vst v0  }
0x19d: {  	[tilespmem:$0x19E8] =	vst v0  }
0x19e: {  	[tilespmem:$0x19F8] =	vst v0  }
0x19f: {  	[tilespmem:$0x1A08] =	vst v0  }
0x1a0: {  	[tilespmem:$0x1A18] =	vst v0  }
0x1a1: {  	[tilespmem:$0x1A28] =	vst v0  }
0x1a2: {  	[tilespmem:$0x1A38] =	vst v0  }
0x1a3: {  	[tilespmem:$0x1A48] =	vst v0  }
0x1a4: {  	[tilespmem:$0x1A58] =	vst v0  }
0x1a5: {  	[tilespmem:$0x1A68] =	vst v0  }
0x1a6: {  	[tilespmem:$0x1A78] =	vst v0  }
0x1a7: {  	[tilespmem:$0x1A88] =	vst v0  }
0x1a8: {  	[tilespmem:$0x1A98] =	vst v0  }
0x1a9: {  	[tilespmem:$0x1AA8] =	vst v0  }
0x1aa: {  	[tilespmem:$0x1AB8] =	vst v0  }
0x1ab: {  	[tilespmem:$0x1AC8] =	vst v0  }
0x1ac: {  	[tilespmem:$0x1AD8] =	vst v0  }
0x1ad: {  	[tilespmem:$0x1AE8] =	vst v0  }
0x1ae: {  	[tilespmem:$0x1AF8] =	vst v0  }
0x1af: {  	[tilespmem:$0x1B08] =	vst v0  }
0x1b0: {  	[tilespmem:$0x1B18] =	vst v0  }
0x1b1: {  	[tilespmem:$0x1B28] =	vst v0  }
0x1b2: {  	[tilespmem:$0x1B38] =	vst v0  }
0x1b3: {  	[tilespmem:$0x1B48] =	vst v0  }
0x1b4: {  	[tilespmem:$0x1B58] =	vst v0  }
0x1b5: {  	[tilespmem:$0x1B68] =	vst v0  }
0x1b6: {  	[tilespmem:$0x1B78] =	vst v0  }
0x1b7: {  	[tilespmem:$0x1B88] =	vst v0  }
0x1b8: {  	[tilespmem:$0x1B98] =	vst v0  }
0x1b9: {  	[tilespmem:$0x1BA8] =	vst v0  }
0x1ba: {  	[tilespmem:$0x1BB8] =	vst v0  }
0x1bb: {  	[tilespmem:$0x1BC8] =	vst v0  }
0x1bc: {  	[tilespmem:$0x1BD8] =	vst v0  }
0x1bd: {  	[tilespmem:$0x1BE8] =	vst v0  }
0x1be: {  	[tilespmem:$0x1BF8] =	vst v0  }
0x1bf: {  	[tilespmem:$0x1C08] =	vst v0  }
0x1c0: {  	[tilespmem:$0x1C18] =	vst v0  }
0x1c1: {  	[tilespmem:$0x1C28] =	vst v0  }
0x1c2: {  	[tilespmem:$0x1C38] =	vst v0  }
0x1c3: {  	[tilespmem:$0x1C48] =	vst v0  }
0x1c4: {  	[tilespmem:$0x1C58] =	vst v0  }
0x1c5: {  	[tilespmem:$0x1C68] =	vst v0  }
0x1c6: {  	[tilespmem:$0x1C78] =	vst v0  }
0x1c7: {  	[tilespmem:$0x1C88] =	vst v0  }
0x1c8: {  	[tilespmem:$0x1C98] =	vst v0  }
0x1c9: {  	[tilespmem:$0x1CA8] =	vst v0  }
0x1ca: {  	[tilespmem:$0x1CB8] =	vst v0  }
0x1cb: {  	[tilespmem:$0x1CC8] =	vst v0  }
0x1cc: {  	[tilespmem:$0x1CD8] =	vst v0  }
0x1cd: {  	[tilespmem:$0x1CE8] =	vst v0  }
0x1ce: {  	[tilespmem:$0x1CF8] =	vst v0  }
0x1cf: {  	[tilespmem:$0x1D08] =	vst v0  }
0x1d0: {  	[tilespmem:$0x1D18] =	vst v0  }
0x1d1: {  	[tilespmem:$0x1D28] =	vst v0  }
0x1d2: {  	[tilespmem:$0x1D38] =	vst v0  }
0x1d3: {  	[tilespmem:$0x1D48] =	vst v0  }
0x1d4: {  	[tilespmem:$0x1D58] =	vst v0  }
0x1d5: {  	[tilespmem:$0x1D68] =	vst v0  }
0x1d6: {  	[tilespmem:$0x1D78] =	vst v0  }
0x1d7: {  	[tilespmem:$0x1D88] =	vst v0  }
0x1d8: {  	[tilespmem:$0x1D98] =	vst v0  }
0x1d9: {  	[tilespmem:$0x1DA8] =	vst v0  }
0x1da: {  	[tilespmem:$0x1DB8] =	vst v0  }
0x1db: {  	[tilespmem:$0x1DC8] =	vst v0  }
0x1dc: {  	[tilespmem:$0x1DD8] =	vst v0  }
0x1dd: {  	[tilespmem:$0x1DE8] =	vst v0  }
0x1de: {  	[tilespmem:$0x1DF8] =	vst v0  }
0x1df: {  	[tilespmem:$0x1E08] =	vst v0  }
0x1e0: {  	[tilespmem:$0x1E18] =	vst v0  }
0x1e1: {  	[tilespmem:$0x1E28] =	vst v0  }
0x1e2: {  	[tilespmem:$0x1E38] =	vst v0  }
0x1e3: {  	[tilespmem:$0x1E48] =	vst v0  }
0x1e4: {  	[tilespmem:$0x1E58] =	vst v0  }
0x1e5: {  	[tilespmem:$0x1E68] =	vst v0  }
0x1e6: {  	[tilespmem:$0x1E78] =	vst v0  }
0x1e7: {  	[tilespmem:$0x1E88] =	vst v0  }
0x1e8: {  	[tilespmem:$0x1E98] =	vst v0  }
0x1e9: {  	[tilespmem:$0x1EA8] =	vst v0  }
0x1ea: {  	[tilespmem:$0x1EB8] =	vst v0  }
0x1eb: {  	[tilespmem:$0x1EC8] =	vst v0  }
0x1ec: {  	[tilespmem:$0x1ED8] =	vst v0  }
0x1ed: {  	[tilespmem:$0x1EE8] =	vst v0  }
0x1ee: {  	[tilespmem:$0x1EF8] =	vst v0  }
0x1ef: {  	[tilespmem:$0x1F08] =	vst v0  }
0x1f0: {  	[tilespmem:$0x1F18] =	vst v0  }
0x1f1: {  	[tilespmem:$0x1F28] =	vst v0  }
0x1f2: {  	[tilespmem:$0x1F38] =	vst v0  }
0x1f3: {  	[tilespmem:$0x1F48] =	vst v0  }
0x1f4: {  	[tilespmem:$0x1F58] =	vst v0  }
0x1f5: {  	[tilespmem:$0x1F68] =	vst v0  }
0x1f6: {  	[tilespmem:$0x1F78] =	vst v0  }
0x1f7: {  	[tilespmem:$0x1F88] =	vst v0  }
0x1f8: {  	[tilespmem:$0x1F98] =	vst v0  }
0x1f9: {  	[tilespmem:$0x1FA8] =	vst v0  }
0x1fa: {  	[tilespmem:$0x1FB8] =	vst v0  }
0x1fb: {  	[tilespmem:$0x1FC8] =	vst v0  }
0x1fc: {  	[tilespmem:$0x1FD8] =	vst v0  }
0x1fd: {  	[tilespmem:$0x1FE8] =	vst v0  }
0x1fe: {  	[tilespmem:$0x1FF8] =	vst v0  }
0x1ff: {  	[tilespmem:$0x2008] =	vst v0  }
0x200: {  	[tilespmem:$0x2018] =	vst v0  }
0x201: {  	[tilespmem:$0x2028] =	vst v0  }
0x202: {  	[tilespmem:$0x2038] =	vst v0  }
0x203: {  	[tilespmem:$0x2048] =	vst v0  }
0x204: {  	[tilespmem:$0x2058] =	vst v0  }
0x205: {  	[tilespmem:$0x2068] =	vst v0  }
0x206: {  	[tilespmem:$0x2078] =	vst v0  }
0x207: {  	[tilespmem:$0x2088] =	vst v0  }
0x208: {  	[tilespmem:$0x2098] =	vst v0  }
0x209: {  	[tilespmem:$0x20A8] =	vst v0  }
0x20a: {  	[tilespmem:$0x20B8] =	vst v0  }
0x20b: {  	[tilespmem:$0x20C8] =	vst v0  }
0x20c: {  	[tilespmem:$0x20D8] =	vst v0  }
0x20d: {  	[tilespmem:$0x20E8] =	vst v0  }
0x20e: {  	[tilespmem:$0x20F8] =	vst v0  }
0x20f: {  	[tilespmem:$0x2108] =	vst v0  }
0x210: {  	[tilespmem:$0x2118] =	vst v0  }
0x211: {  	[tilespmem:$0x2128] =	vst v0  }
0x212: {  	[tilespmem:$0x2138] =	vst v0  }
0x213: {  	[tilespmem:$0x2148] =	vst v0  }
0x214: {  	[tilespmem:$0x2158] =	vst v0  }
0x215: {  	[tilespmem:$0x2168] =	vst v0  }
0x216: {  	[tilespmem:$0x2228] =	vst v0  }
0x217: {  	[tilespmem:$0x3058] =	vst v0  }
0x218: {  	[tilespmem:$0x3048] =	vst v0  }
0x219: {  	[tilespmem:$0x3038] =	vst v0  }
0x21a: {  	[tilespmem:$0x3028] =	vst v0  }
0x21b: {  	[tilespmem:$0x3018] =	vst v0  }
0x21c: {  	[tilespmem:$0x3008] =	vst v0  }
0x21d: {  	[tilespmem:$0x2FF8] =	vst v0  }
0x21e: {  	[tilespmem:$0x2FE8] =	vst v0  }
0x21f: {  	[tilespmem:$0x2FD8] =	vst v0  }
0x220: {  	[tilespmem:$0x2FC8] =	vst v0  }
0x221: {  	[tilespmem:$0x2FB8] =	vst v0  }
0x222: {  	[tilespmem:$0x2FA8] =	vst v0  }
0x223: {  	[tilespmem:$0x2F98] =	vst v0  }
0x224: {  	[tilespmem:$0x2F88] =	vst v0  }
0x225: {  	[tilespmem:$0x2F78] =	vst v0  }
0x226: {  	[tilespmem:$0x2F68] =	vst v0  }
0x227: {  	[tilespmem:$0x2F58] =	vst v0  }
0x228: {  	[tilespmem:$0x2F48] =	vst v0  }
0x229: {  	[tilespmem:$0x2F38] =	vst v0  }
0x22a: {  	[tilespmem:$0x2F28] =	vst v0  }
0x22b: {  	[tilespmem:$0x2F18] =	vst v0  }
0x22c: {  	[tilespmem:$0x2F08] =	vst v0  }
0x22d: {  	[tilespmem:$0x2EF8] =	vst v0  }
0x22e: {  	[tilespmem:$0x2EE8] =	vst v0  }
0x22f: {  	[tilespmem:$0x2ED8] =	vst v0  }
0x230: {  	[tilespmem:$0x2EC8] =	vst v0  }
0x231: {  	[tilespmem:$0x2EB8] =	vst v0  }
0x232: {  	[tilespmem:$0x2EA8] =	vst v0  }
0x233: {  	[tilespmem:$0x2E98] =	vst v0  }
0x234: {  	[tilespmem:$0x2E88] =	vst v0  }
0x235: {  	[tilespmem:$0x2E78] =	vst v0  }
0x236: {  	[tilespmem:$0x2E68] =	vst v0  }
0x237: {  	[tilespmem:$0x2E58] =	vst v0  }
0x238: {  	[tilespmem:$0x2E48] =	vst v0  }
0x239: {  	[tilespmem:$0x2E38] =	vst v0  }
0x23a: {  	[tilespmem:$0x2E28] =	vst v0  }
0x23b: {  	[tilespmem:$0x2E18] =	vst v0  }
0x23c: {  	[tilespmem:$0x2E08] =	vst v0  }
0x23d: {  	[tilespmem:$0x2DF8] =	vst v0  }
0x23e: {  	[tilespmem:$0x2DE8] =	vst v0  }
0x23f: {  	[tilespmem:$0x2DD8] =	vst v0  }
0x240: {  	[tilespmem:$0x2DC8] =	vst v0  }
0x241: {  	[tilespmem:$0x2DB8] =	vst v0  }
0x242: {  	[tilespmem:$0x2DA8] =	vst v0  }
0x243: {  	[tilespmem:$0x2D98] =	vst v0  }
0x244: {  	[tilespmem:$0x2D88] =	vst v0  }
0x245: {  	[tilespmem:$0x2D78] =	vst v0  }
0x246: {  	[tilespmem:$0x2D68] =	vst v0  }
0x247: {  	[tilespmem:$0x2D58] =	vst v0  }
0x248: {  	[tilespmem:$0x2D48] =	vst v0  }
0x249: {  	[tilespmem:$0x2D38] =	vst v0  }
0x24a: {  	[tilespmem:$0x2D28] =	vst v0  }
0x24b: {  	[tilespmem:$0x2D18] =	vst v0  }
0x24c: {  	[tilespmem:$0x2D08] =	vst v0  }
0x24d: {  	[tilespmem:$0x2CF8] =	vst v0  }
0x24e: {  	[tilespmem:$0x2CE8] =	vst v0  }
0x24f: {  	[tilespmem:$0x2CD8] =	vst v0  }
0x250: {  	[tilespmem:$0x2CC8] =	vst v0  }
0x251: {  	[tilespmem:$0x2CB8] =	vst v0  }
0x252: {  	[tilespmem:$0x2CA8] =	vst v0  }
0x253: {  	[tilespmem:$0x2C98] =	vst v0  }
0x254: {  	[tilespmem:$0x2C88] =	vst v0  }
0x255: {  	[tilespmem:$0x2C78] =	vst v0  }
0x256: {  	[tilespmem:$0x2C68] =	vst v0  }
0x257: {  	[tilespmem:$0x2C58] =	vst v0  }
0x258: {  	[tilespmem:$0x2C48] =	vst v0  }
0x259: {  	[tilespmem:$0x2C38] =	vst v0  }
0x25a: {  	[tilespmem:$0x2C28] =	vst v0  }
0x25b: {  	[tilespmem:$0x2C18] =	vst v0  }
0x25c: {  	[tilespmem:$0x2C08] =	vst v0  }
0x25d: {  	[tilespmem:$0x2BF8] =	vst v0  }
0x25e: {  	[tilespmem:$0x2BE8] =	vst v0  }
0x25f: {  	[tilespmem:$0x2BD8] =	vst v0  }
0x260: {  	[tilespmem:$0x2BC8] =	vst v0  }
0x261: {  	[tilespmem:$0x2BB8] =	vst v0  }
0x262: {  	[tilespmem:$0x2BA8] =	vst v0  }
0x263: {  	[tilespmem:$0x2B98] =	vst v0  }
0x264: {  	[tilespmem:$0x2B88] =	vst v0  }
0x265: {  	[tilespmem:$0x2B78] =	vst v0  }
0x266: {  	[tilespmem:$0x2B68] =	vst v0  }
0x267: {  	[tilespmem:$0x2B58] =	vst v0  }
0x268: {  	[tilespmem:$0x2B48] =	vst v0  }
0x269: {  	[tilespmem:$0x2B38] =	vst v0  }
0x26a: {  	[tilespmem:$0x2B28] =	vst v0  }
0x26b: {  	[tilespmem:$0x2B18] =	vst v0  }
0x26c: {  	[tilespmem:$0x2B08] =	vst v0  }
0x26d: {  	[tilespmem:$0x2AF8] =	vst v0  }
0x26e: {  	[tilespmem:$0x2AE8] =	vst v0  }
0x26f: {  	[tilespmem:$0x2AD8] =	vst v0  }
0x270: {  	[tilespmem:$0x2AC8] =	vst v0  }
0x271: {  	[tilespmem:$0x2AB8] =	vst v0  }
0x272: {  	[tilespmem:$0x2AA8] =	vst v0  }
0x273: {  	[tilespmem:$0x2A98] =	vst v0  }
0x274: {  	[tilespmem:$0x2A88] =	vst v0  }
0x275: {  	[tilespmem:$0x2A78] =	vst v0  }
0x276: {  	[tilespmem:$0x2A68] =	vst v0  }
0x277: {  	[tilespmem:$0x2A58] =	vst v0  }
0x278: {  	[tilespmem:$0x2A48] =	vst v0  }
0x279: {  	[tilespmem:$0x2A38] =	vst v0  }
0x27a: {  	[tilespmem:$0x2A28] =	vst v0  }
0x27b: {  	[tilespmem:$0x2A18] =	vst v0  }
0x27c: {  	[tilespmem:$0x2A08] =	vst v0  }
0x27d: {  	[tilespmem:$0x29F8] =	vst v0  }
0x27e: {  	[tilespmem:$0x29E8] =	vst v0  }
0x27f: {  	[tilespmem:$0x29D8] =	vst v0  }
0x280: {  	[tilespmem:$0x29C8] =	vst v0  }
0x281: {  	[tilespmem:$0x29B8] =	vst v0  }
0x282: {  	[tilespmem:$0x29A8] =	vst v0  }
0x283: {  	[tilespmem:$0x2998] =	vst v0  }
0x284: {  	[tilespmem:$0x2988] =	vst v0  }
0x285: {  	[tilespmem:$0x2978] =	vst v0  }
0x286: {  	[tilespmem:$0x2968] =	vst v0  }
0x287: {  	[tilespmem:$0x2958] =	vst v0  }
0x288: {  	[tilespmem:$0x2948] =	vst v0  }
0x289: {  	[tilespmem:$0x2938] =	vst v0  }
0x28a: {  	[tilespmem:$0x2928] =	vst v0  }
0x28b: {  	[tilespmem:$0x2918] =	vst v0  }
0x28c: {  	[tilespmem:$0x2908] =	vst v0  }
0x28d: {  	[tilespmem:$0x28F8] =	vst v0  }
0x28e: {  	[tilespmem:$0x28E8] =	vst v0  }
0x28f: {  	[tilespmem:$0x28D8] =	vst v0  }
0x290: {  	[tilespmem:$0x28C8] =	vst v0  }
0x291: {  	[tilespmem:$0x28B8] =	vst v0  }
0x292: {  	[tilespmem:$0x28A8] =	vst v0  }
0x293: {  	[tilespmem:$0x2898] =	vst v0  }
0x294: {  	[tilespmem:$0x2888] =	vst v0  }
0x295: {  	[tilespmem:$0x2878] =	vst v0  }
0x296: {  	[tilespmem:$0x2868] =	vst v0  }
0x297: {  	[tilespmem:$0x2858] =	vst v0  }
0x298: {  	[tilespmem:$0x2848] =	vst v0  }
0x299: {  	[tilespmem:$0x2838] =	vst v0  }
0x29a: {  	[tilespmem:$0x2828] =	vst v0  }
0x29b: {  	[tilespmem:$0x2818] =	vst v0  }
0x29c: {  	[tilespmem:$0x2808] =	vst v0  }
0x29d: {  	[tilespmem:$0x27F8] =	vst v0  }
0x29e: {  	[tilespmem:$0x27E8] =	vst v0  }
0x29f: {  	[tilespmem:$0x27D8] =	vst v0  }
0x2a0: {  	[tilespmem:$0x27C8] =	vst v0  }
0x2a1: {  	[tilespmem:$0x27B8] =	vst v0  }
0x2a2: {  	[tilespmem:$0x27A8] =	vst v0  }
0x2a3: {  	[tilespmem:$0x2798] =	vst v0  }
0x2a4: {  	[tilespmem:$0x2788] =	vst v0  }
0x2a5: {  	[tilespmem:$0x2778] =	vst v0  }
0x2a6: {  	[tilespmem:$0x2768] =	vst v0  }
0x2a7: {  	[tilespmem:$0x2758] =	vst v0  }
0x2a8: {  	[tilespmem:$0x2748] =	vst v0  }
0x2a9: {  	[tilespmem:$0x2738] =	vst v0  }
0x2aa: {  	[tilespmem:$0x2728] =	vst v0  }
0x2ab: {  	[tilespmem:$0x2718] =	vst v0  }
0x2ac: {  	[tilespmem:$0x2708] =	vst v0  }
0x2ad: {  	[tilespmem:$0x26F8] =	vst v0  }
0x2ae: {  	[tilespmem:$0x26E8] =	vst v0  }
0x2af: {  	[tilespmem:$0x26D8] =	vst v0  }
0x2b0: {  	[tilespmem:$0x26C8] =	vst v0  }
0x2b1: {  	[tilespmem:$0x26B8] =	vst v0  }
0x2b2: {  	[tilespmem:$0x26A8] =	vst v0  }
0x2b3: {  	[tilespmem:$0x2698] =	vst v0  }
0x2b4: {  	[tilespmem:$0x2688] =	vst v0  }
0x2b5: {  	[tilespmem:$0x2678] =	vst v0  }
0x2b6: {  	[tilespmem:$0x2668] =	vst v0  }
0x2b7: {  	[tilespmem:$0x2658] =	vst v0  }
0x2b8: {  	[tilespmem:$0x2648] =	vst v0  }
0x2b9: {  	[tilespmem:$0x2638] =	vst v0  }
0x2ba: {  	[tilespmem:$0x2628] =	vst v0  }
0x2bb: {  	[tilespmem:$0x2618] =	vst v0  }
0x2bc: {  	[tilespmem:$0x2608] =	vst v0  }
0x2bd: {  	[tilespmem:$0x25F8] =	vst v0  }
0x2be: {  	[tilespmem:$0x25E8] =	vst v0  }
0x2bf: {  	[tilespmem:$0x25D8] =	vst v0  }
0x2c0: {  	[tilespmem:$0x25C8] =	vst v0  }
0x2c1: {  	[tilespmem:$0x25B8] =	vst v0  }
0x2c2: {  	[tilespmem:$0x25A8] =	vst v0  }
0x2c3: {  	[tilespmem:$0x2598] =	vst v0  }
0x2c4: {  	[tilespmem:$0x2588] =	vst v0  }
0x2c5: {  	[tilespmem:$0x2578] =	vst v0  }
0x2c6: {  	[tilespmem:$0x2568] =	vst v0  }
0x2c7: {  	[tilespmem:$0x2558] =	vst v0  }
0x2c8: {  	[tilespmem:$0x2548] =	vst v0  }
0x2c9: {  	[tilespmem:$0x2538] =	vst v0  }
0x2ca: {  	[tilespmem:$0x2528] =	vst v0  }
0x2cb: {  	[tilespmem:$0x2518] =	vst v0  }
0x2cc: {  	[tilespmem:$0x2508] =	vst v0  }
0x2cd: {  	[tilespmem:$0x24F8] =	vst v0  }
0x2ce: {  	[tilespmem:$0x24E8] =	vst v0  }
0x2cf: {  	[tilespmem:$0x24D8] =	vst v0  }
0x2d0: {  	[tilespmem:$0x24C8] =	vst v0  }
0x2d1: {  	[tilespmem:$0x24B8] =	vst v0  }
0x2d2: {  	[tilespmem:$0x24A8] =	vst v0  }
0x2d3: {  	[tilespmem:$0x2498] =	vst v0  }
0x2d4: {  	[tilespmem:$0x2488] =	vst v0  }
0x2d5: {  	[tilespmem:$0x2478] =	vst v0  }
0x2d6: {  	[tilespmem:$0x2468] =	vst v0  }
0x2d7: {  	[tilespmem:$0x2458] =	vst v0  }
0x2d8: {  	[tilespmem:$0x2448] =	vst v0  }
0x2d9: {  	[tilespmem:$0x2438] =	vst v0  }
0x2da: {  	[tilespmem:$0x2428] =	vst v0  }
0x2db: {  	[tilespmem:$0x2418] =	vst v0  }
0x2dc: {  	[tilespmem:$0x2408] =	vst v0  }
0x2dd: {  	[tilespmem:$0x23F8] =	vst v0  }
0x2de: {  	[tilespmem:$0x23E8] =	vst v0  }
0x2df: {  	[tilespmem:$0x23D8] =	vst v0  }
0x2e0: {  	[tilespmem:$0x23C8] =	vst v0  }
0x2e1: {  	[tilespmem:$0x23B8] =	vst v0  }
0x2e2: {  	[tilespmem:$0x23A8] =	vst v0  }
0x2e3: {  	[tilespmem:$0x2398] =	vst v0  }
0x2e4: {  	[tilespmem:$0x2388] =	vst v0  }
0x2e5: {  	[tilespmem:$0x2378] =	vst v0  }
0x2e6: {  	[tilespmem:$0x2368] =	vst v0  }
0x2e7: {  	[tilespmem:$0x2358] =	vst v0  }
0x2e8: {  	[tilespmem:$0x2348] =	vst v0  }
0x2e9: {  	[tilespmem:$0x2338] =	vst v0  }
0x2ea: {  	[tilespmem:$0x2328] =	vst v0  }
0x2eb: {  	[tilespmem:$0x2318] =	vst v0  }
0x2ec: {  	[tilespmem:$0x2308] =	vst v0  }
0x2ed: {  	[tilespmem:$0x22F8] =	vst v0  }
0x2ee: {  	[tilespmem:$0x22E8] =	vst v0  }
0x2ef: {  	[tilespmem:$0x22D8] =	vst v0  }
0x2f0: {  	[tilespmem:$0x22C8] =	vst v0  }
0x2f1: {  	[tilespmem:$0x22B8] =	vst v0  }
0x2f2: {  	[tilespmem:$0x22A8] =	vst v0  }
0x2f3: {  	[tilespmem:$0x2298] =	vst v0  }
0x2f4: {  	[tilespmem:$0x2288] =	vst v0  }
0x2f5: {  	[tilespmem:$0x2278] =	vst v0  }
0x2f6: {  	s8 =	stileid.u32;
	[tilespmem:$0x2268] =	vst v0  }
0x2f7: {  	s0 =	smul.u32 $0x8A, s8;
	[tilespmem:$0x2258] =	vst v0  }
0x2f8: {  	s3 =	smin.u32 s8, $0x6;
	[tilespmem:$0x2248] =	vst v0  }
0x2f9: {  	[tilespmem:$0x2238] =	vst v0;
	s0 =	sadd.s32 s3, s0  }
0x2fa: {  	p0 =	slt.u32 s8, $0x6;
	[tilespmem:$0x2208] =	vst v0;
	s3 =	simm.s32 $0xD080;
	s5 =	smul.u32 $0x180, s0  }
0x2fb: {  	s3 =	simm.s32 @!p0 $0xCF00;
	[tilespmem:$0x2218] =	vst v0  }
0x2fc: {  	[tilespmem:$0x21F8] =	vst v0;
	s0 =	sadd.s32 s3, s5  }
0x2fd: {  	[tilespmem:$0x2188] =	vst v0;
	s6 =	smin.u32 s0, $0xCF850  }
0x2fe: {  	[tilespmem:$0x21E8] =	vst v0;
	s0 =	ssub.s32 s6, s5  }
0x2ff: {  	s4 =	simm.s32 $0x2;
	[tilespmem:$0x21D8] =	vst v0;
	p0 =	sgt.s32 s0, $0x0  }
0x300: {  	s11 =	simm.s32 $0x7;
	s31 =	simm.s32 $0x8;
	[tilespmem:$0x21C8] =	vst v0;
	s0 =	simm.s32 @!p0 $0x0  }
0x301: {  	s15 =	simm.s32 $0x0;
	p1 =	por $0x0, $0x0;
	[tilespmem:$0x21B8] =	vst v0;
	s29 =	smulhi.u32 $0x2AAAAAAB, s0  }
0x302: {  	s16 =	simm.s32 $0xA;
	s20 =	simm.s32 $0x0;
	s17 =	simm.s32 $0x0;
	[tilespmem:$0x21A8] =	vst v0  }
0x303: {  	s19 =	simm.s32 $0x0;
	s9 =	sadd.s32 $0x64A00, s2;
	[tilespmem:$0x2198] =	vst v0;
	s30 =	sshrl.u32 s29, $0x6  }
0x304: {  	s10 =	sadd.s32 $0x204800, s2;
	[tilespmem:$0x2178] =	vst v0;
	[sflag:s4] =	ssyncpa.u1 $0x0;
	v0 =	vimm.s32 $0xFFFFFFFF;
	s7 =	smul.u32 $0x180, s30  }
.Ltmp0:
0x305: {  	[tilespmem:$0x6088] =	vst v0;
	[sflag:s11] =	ssyncpa.u1 $0x0;
	s11 =	simm.s32 $0x9;
	(pc) =	sbr.rel .LBB2_1-.Ltmp0, $4  }
0x306: {  	[sflag:s31] =	ssyncpa.u1 $0x0;
	p0 =	sne.s32 s0, s7;
	s0 =	simm.s32 $0x1  }
0x307: {  	s13 =	sshll.u32 s8, $0x6;
	[sflag:s11] =	ssyncpa.u1 $0x0;
	s0 =	simm.s32 @!p0 $0x0  }
0x308: {  	s3 =	sadd.s32 $0xEFCE00, s2;
	s2 =	sadd.s32 $0xCB600, s2;
	s12 =	sadd.s32 s0, s30  }
0x309: {  	v0 =	vlaneseq.u32;
	s18 =	smov.u32 s5;
	p0 =	por $0x1, $0x1;
	s14 =	sadd.s32 $0x1, s12  }
.LBB2_22:
0x30a: {  	s0 =	sshrl.u32 s29, $0x2  }
.LBB2_24:
0x30b: {  	_ =	swait.ge [sflag:s16], s0  }
0x30c: {  	s31 =	ssub.s32 $0x0, s0;
	v1 =	vmov s22;
	vm0 =	veq.s32 v0, $0x0;
	[sflag:s16] =	ssyncset.done $0x0  }
0x30d: {  	vm15 =	veq.s32 v0, $0x2;
	v1 =	vsel vm0, s28, v1;
	[sflag:s16] =	ssyncadd.s32 s31  }
0x30e: {  	v1 =	vsel vm15, s20, v1;
	[sflag:s16] =	ssyncpa.u1 $0x1  }
0x30f: {  	[tilespmem:$0x6088] =	vst v1  }
.LBB2_25:
0x310: {  	s0 =	sadd.s32 $0x180, s18  }
0x311: {  	s4 =	smov.u32 s5;
	p2 =	slt.s32 s0, s6  }
0x312: {  	s4 =	smov.u32 @p2 s0;
	p2 =	sne.s32 s19, s14  }
.Ltmp1:
0x313: {  	_ = 	snop;
	(pc) =	sbr.rel @!p2 .LBB2_26-.Ltmp1, $4  }
0x314: {  	_ = 	snop  }
0x315: {  	s20 =	smov.u32 s17  }
0x316: {  	s31 =	sadd.s32 $0x1, s19;
	s17 =	smov.u32 s18;
	p0 =	por !p0, !p0  }
0x317: {  	p1 =	por !p1, !p1;
	s19 =	smov.u32 s31;
	s18 =	smov.u32 s4  }
.LBB2_1:
0x318: {  	p2 =	sge.u32 s19, s12  }
0x319: {  	s0 =	smulhi.u32 @!p2 $0xAAAAAAAB, s19  }
0x31a: {  	s4 =	smov.u32 s18;
	p3 =	sgt.s32 @!p2 s18, $0xCF6D0  }
0x31b: {  	s7 =	sshra.s32 @!p2 s18, $0x1F;
	p3 =	por !p3, p2;
	s0 =	sshrl.u32 @!p2 s0, $0x1  }
0x31c: {  	s7 =	sand.u32 @!p2 s7, s18;
	s4 =	simm.s32 @p3 $0xCF6D0;
	s0 =	smul.u32 @!p2 $0x3, s0  }
0x31d: {  	s4 =	ssub.s32 @!p2 s4, s7  }
0x31e: {  	s22 =	sadd.s32 $0xFFFFFFFF, s19;
	s4 =	sadd.s32 @!p2 $0xFFF30930, s4;
	s0 =	ssub.s32 @!p2 s19, s0  }
0x31f: {  	s7 =	sshll.u32 @!p2 s4, $0x2;
	p3 =	sgt.s32 @!p2 s4, $0x17F;
	s0 =	smul.u32 @!p2 $0x600, s0  }
0x320: {  	s21 =	sand.u32 @!p2 $0x7, s18;
	s4 =	ssub.s32 @!p2 $0x600, s7;
	p3 =	por !p3, p2  }
0x321: {  	s7 =	sshrl.u32 @!p2 s18, $0x3;
	s4 =	sshrl.u32 @!p2 s4, $0x2;
	s0 =	sshrl.u32 @!p2 s0, $0x2  }
0x322: {  	s7 =	sadd.s32 @!p2 s2, s7;
	s4 =	simm.s32 @!p3 $0x0;
	s0 =	sadd.s32 @!p2 $0x64B8, s0  }
0x323: {  	[tilespmem:s0], [sflag:$0x8] =	stream.linear.gather @!p2 [hbm4b:s7+s21], s4, $0x38;
	[tilespmem:$0x1EC38] =	vst v63  }
0x324: {  	p2 =	sge.u32 s22, s12  }
0x325: {  	p3 =	sgt.s32 @!p2 s17, $0xCF6D0  }
0x326: {  	s0 =	smov.u32 s17;
	s4 =	sshra.s32 @!p2 s17, $0x1F;
	p3 =	por !p3, p2  }
0x327: {  	s4 =	sand.u32 @!p2 s4, s17;
	s0 =	simm.s32 @p3 $0xCF6D0  }
0x328: {  	s0 =	ssub.s32 @!p2 s0, s4  }
0x329: {  	s0 =	sadd.s32 @!p2 $0xFFF30930, s0  }
0x32a: {  	s4 =	sshll.u32 @!p2 s0, $0x2  }
0x32b: {  	p3 =	sgt.s32 @!p2 s0, $0x17F;
	s0 =	ssub.s32 @!p2 $0x600, s4  }
0x32c: {  	p3 =	por !p3, p2;
	s0 =	sshrl.u32 @!p2 s0, $0x2  }
0x32d: {  	s7 =	simm.s32 @!p2 $0x8;
	s4 =	sand.u32 @!p2 $0x1, s22;
	s0 =	simm.s32 @!p3 $0x0  }
0x32e: {  	s4 =	smul.u32 @!p2 $0x600, s4;
	_ =	swait.ge @!p2 [sflag:s7], s0  }
0x32f: {  	s21 =	ssub.s32 @!p2 $0x0, s0;
	[sflag:s7] =	ssyncset.done @!p2 $0x0  }
0x330: {  	s4 =	sshrl.u32 @!p2 s4, $0x2;
	[sflag:s7] =	ssyncadd.s32 @!p2 s21;
	s7 =	sshrl.u32 @!p2 s17, $0x3  }
0x331: {  	s4 =	sadd.s32 @!p2 $0x6938, s4;
	s21 =	sand.u32 @!p2 $0x7, s17;
	s7 =	sadd.s32 @!p2 s9, s7  }
0x332: {  	[tilespmem:s4], [sflag:$0x9] =	stream.linear.gather @!p2 [hbm4b:s7+s21], s0, $0x38;
	[tilespmem:$0x1EC38] =	vst v63  }
0x333: {  	s21 =	ssub.s32 @!p2 $0xCF850, s17  }
0x334: {  	p3 =	slt.s32 @!p2 s21, $0x1  }
0x335: {  	p3 =	por p2, p3  }
.Ltmp2:
0x336: {  	_ = 	snop;
	(pc) =	sbr.rel @p3 .LBB2_7-.Ltmp2, $1  }
0x337: {  	_ =	sdelay $0x3  }
0x338: {  	s0 =	smulhi.u32 $0xAAAAAAAB, s22;
	_ =	sdelay $0x1  }
0x339: {  	s0 =	sshrl.u32 s0, $0x1  }
0x33a: {  	s0 =	smul.u32 $0x3, s0;
	_ =	sdelay $0x1  }
0x33b: {  	s0 =	ssub.s32 s22, s0  }
0x33c: {  	s4 =	simm.s32 $0x1;
	s0 =	smul.u32 $0x600, s0  }
.Ltmp3:
0x33d: {  	s4 =	simm.s32 @!p0 $0x0;
	(pc) =	sbr.rel .LBB2_4-.Ltmp3, $4  }
0x33e: {  	s4 =	smul.u32 $0x30000, s4  }
0x33f: {  	p3 =	slt.s32 @!p2 s21, $0x180;
	s0 =	sshrl.u32 s0, $0x2  }
0x340: {  	p2 =	por !p3, p2;
	s4 =	sshrl.u32 s4, $0x2;
	s0 =	sadd.s32 $0x64B8, s0  }
0x341: {  	s23 =	simm.s32 $0x0;
	s21 =	simm.s32 @p2 $0x180;
	s22 =	sadd.s32 $0x6C38, s4;
	v1 =	vmov s0  }
.LBB2_3:
0x342: {  	p2 =	sge.s32 s23, s21  }
.Ltmp4:
0x343: {  	_ = 	snop;
	(pc) =	sbr.rel @p2 .LBB2_7-.Ltmp4, $2  }
0x344: {  	_ =	sdelay $0x2  }
0x345: {  	s22 =	sadd.s32 $0x800, s22  }
.LBB2_4:
0x346: {  	p2 =	sle.s32 s21, s23  }
.Ltmp5:
0x347: {  	_ = 	snop;
	(pc) =	sbr.rel @p2 .LBB2_3-.Ltmp5, $2  }
0x348: {  	_ =	sdelay $0x2  }
0x349: {  	s24 =	smov.u32 s23;
	s23 =	sadd.s32 $0x10, s23  }
0x34a: {  	s0 =	ssub.s32 s21, s24  }
0x34b: {  	p2 =	slt.s32 s0, $0x10  }
0x34c: {  	s0 =	simm.s32 @!p2 $0x10  }
0x34d: {  	v2 =	vmov s0  }
0x34e: {  	vm0 =	vgt.s32 v2, v0;
	_ =	sdelay $0x5  }
0x34f: {  	v2 =	vld.idx.msk [tilespmem:v1+s24+$0x0 ss:$0x1], vm0;
	_ =	sdelay $0x2  }
0x350: {  	p2 =	slt.s32 s23, s21;
	s0 =	smov.u32 s21  }
0x351: {  	s4 =	smov.u32 s22;
	s25 =	simm.s32 $0x0;
	s0 =	smov.u32 @p2 s23  }
.LBB2_6:
0x352: {  	(v2sf) =	vpush v2, s25;
	_ =	sdelay $0xc  }
0x353: {  	s25 =	sadd.s32 $0x1, s25  }
0x354: {  	s31 =	sadd.s32 s25, s24  }
0x355: {  	p2 =	slt.s32 s31, s0;
	s7 =	spop (v2sf)  }
.Ltmp6:
0x356: {  	s7 =	sshll.u32 s7, $0x4;
	(pc) =	sbr.rel @p2 .LBB2_6-.Ltmp6, $4  }
0x357: {  	s7 =	sand.u32 $0x1FFFFFF0, s7  }
0x358: {  	s7 =	sadd.s32 s10, s7  }
0x359: {  	[tilespmem:s4], [sflag:$0x7] =	stream.linear.gather [hbm4b:s7+s15], $0x20, $0x38;
	[tilespmem:$0x1EC38] =	vst v63  }
0x35a: {  	s4 =	sadd.s32 $0x80, s4  }
.Ltmp7:
0x35b: {  	_ = 	snop;
	(pc) =	sbr.rel .LBB2_3-.Ltmp7, $1  }
0x35c: {  	_ =	sdelay $0x3  }
.LBB2_7:
0x35d: {  	p2 =	slt.u32 s19, $0x2  }
.Ltmp8:
0x35e: {  	_ = 	snop;
	(pc) =	sbr.rel @p2 .LBB2_25-.Ltmp8, $1  }
0x35f: {  	_ =	sdelay $0x3  }
0x360: {  	p2 =	sgt.s32 s20, $0xCF6D0;
	s0 =	smov.u32 s20  }
0x361: {  	s4 =	sshra.s32 s20, $0x1F;
	s7 =	ssub.s32 $0xCF850, s20;
	s0 =	simm.s32 @!p2 $0xCF6D0  }
0x362: {  	s4 =	sand.u32 s4, s20;
	p2 =	slt.s32 s7, $0x180;
	s21 =	smov.u32 s7  }
0x363: {  	s0 =	ssub.s32 s0, s4;
	s21 =	simm.s32 @!p2 $0x180  }
0x364: {  	s0 =	sadd.s32 $0xFFF30930, s0;
	s26 =	sshll.u32 s21, $0x5  }
0x365: {  	s8 =	simm.s32 $0x7;
	s29 =	sshll.u32 s0, $0x2;
	s4 =	sand.u32 $0x3FFFFFE0, s26  }
0x366: {  	p2 =	sgt.s32 s0, $0x17F;
	s30 =	ssub.s32 $0x600, s29;
	_ =	swait.ge [sflag:s8], s4  }
0x367: {  	s4 =	ssub.s32 $0x0, s4;
	[sflag:s8] =	ssyncset.done $0x0;
	s0 =	sshrl.u32 s30, $0x2  }
0x368: {  	[sflag:s8] =	ssyncadd.s32 s4;
	s0 =	simm.s32 @p2 $0x0  }
0x369: {  	_ =	swait.ge [sflag:s11], s0  }
0x36a: {  	s0 =	ssub.s32 $0x0, s0;
	[sflag:s11] =	ssyncset.done $0x0  }
0x36b: {  	[sflag:s11] =	ssyncadd.s32 s0  }
0x36c: {  	v1 =	vld [tilespmem:$0x6088];
	_ =	sdelay $0x4  }
0x36d: {  	(v2sf) =	vpush v1, $0x0  }
0x36e: {  	(v2sf) =	vpush v1, $0x1  }
0x36f: {  	(v2sf) =	vpush v1, $0x2;
	_ =	sdelay $0x3  }
0x370: {  	s0 =	sadd.s32 $0x180, s20  }
0x371: {  	p2 =	slt.s32 s6, s0  }
0x372: {  	s0 =	smov.u32 @p2 s6;
	p2 =	sgt.s32 s7, $0x0  }
0x373: {  	s24 =	ssub.s32 s0, s20;
	s7 =	simm.s32 @!p2 $0x0  }
0x374: {  	p2 =	slt.s32 s7, s24  }
0x375: {  	s24 =	smov.u32 @p2 s7  }
0x376: {  	s23 =	simm.s32 $0x1;
	p2 =	slt.s32 s24, $0x1  }
.Ltmp9:
0x377: {  	s23 =	simm.s32 @!p1 $0x0;
	(pc) =	sbr.rel @p2 .LBB2_12-.Ltmp9, $4  }
0x378: {  	s31 =	smul.u32 $0x600, s23  }
0x379: {  	s25 =	spop (v2sf)  }
0x37a: {  	s0 =	sshrl.u32 s31, $0x2;
	s28 =	spop (v2sf)  }
0x37b: {  	s21 =	sadd.s32 $0x6938, s0;
	s20 =	spop (v2sf)  }
0x37c: {  	s0 =	smin.u32 s24, $0x10  }
0x37d: {  	v1 =	vmov s0  }
0x37e: {  	p3 =	sgt.s32 s24, $0x10;
	vm1 =	vgt.u32 v1, v0  }
.Ltmp10:
0x37f: {  	_ = 	snop;
	(pc) =	sbr.rel @!p3 .LBB2_11-.Ltmp10, $2  }
0x380: {  	_ =	sdelay $0x2  }
0x381: {  	s26 =	simm.s32 $0x10;
	s29 =	sadd.s32 $0xFFFFFFF0, s24;
	s22 =	smov.u32 s21;
	vm0 =	vmmov vm1  }
.LBB2_10:
0x382: {  	s0 =	smin.u32 s29, $0x10;
	s26 =	sadd.s32 $0x10, s26;
	v1 =	vld.msk [tilespmem:s22+$0x0 ss:$0x1], vm1  }
0x383: {  	v2 =	vmov s0;
	p3 =	slt.s32 s26, s24  }
0x384: {  	vm1 =	vgt.u32 v2, v0  }
.Ltmp11:
0x385: {  	(pc) =	sbr.rel @p3 .LBB2_10-.Ltmp11, $3  }
0x386: {  	_ =	sdelay $0x1  }
0x387: {  	v1 =	vshll.u32 v1, $0x4  }
0x388: {  	s29 =	sadd.s32 $0xFFFFFFF0, s29;
	[tilespmem:s22+$0x0] =	vst.msk vm0, v1;
	s22 =	sadd.s32 $0x10, s22;
	vm0 =	vmmov vm1  }
.LBB2_11:
0x389: {  	_ =	sdelay $0x4  }
0x38a: {  	v1 =	vld.msk [tilespmem:s22+$0x0 ss:$0x1], vm1;
	_ =	sdelay $0x4  }
0x38b: {  	v1 =	vshll.u32 v1, $0x4  }
0x38c: {  	[tilespmem:s22+$0x0] =	vst.msk vm0, v1  }
.LBB2_12:
0x38d: {  	s0 =	sand.u32 $0x1, s19  }
0x38e: {  	s0 =	smul.u32 $0x180, s0  }
0x38f: {  	p3 =	sne.s32 s28, $0xFFFFFFFF  }
0x390: {  	v1 =	vld.msk @!p3 [tilespmem:s0+$0x6938], $0x1;
	_ =	sdelay $0x4  }
0x391: {  	(v2sf) =	vpush @!p3 v1, $0x0;
	_ =	sdelay $0xc  }
.Ltmp12:
0x392: {  	_ = 	snop;
	(pc) =	sbr.rel @p2 .LBB2_23-.Ltmp12, $4  }
0x393: {  	_ = 	snop  }
0x394: {  	s26 =	spop @!p3 (v2sf)  }
0x395: {  	s20 =	simm.s32 @!p3 $0x0;
	s22 =	smov.u32 s26  }
0x396: {  	[sflag:s16] =	ssyncpa.u1 $0x0;
	s26 =	smov.u32 @p3 s25;
	s22 =	smov.u32 @p3 s28  }
0x397: {  	v1 =	vld.msk [tilespmem:s21+$0x0], $0x1;
	_ =	sdelay $0x4  }
0x398: {  	(v2sf) =	vpush v1, $0x0;
	_ =	sdelay $0xe  }
0x399: {  	s0 =	smul.u32 $0x30000, s23;
	s30 =	spop (v2sf)  }
0x39a: {  	s24 =	ssub.s32 $0x0, s24;
	p2 =	seq.s32 s26, s30  }
0x39b: {  	s28 =	sadd.s32 $0x1, s24;
	s0 =	sshrl.u32 s0, $0x2;
	p3 =	sgt.s32 @!p2 s26, $0x0  }
0x39c: {  	s23 =	sadd.s32 $0x6C48, s0;
	s0 =	smov.u32 s26;
	p3 =	por !p3, p2  }
0x39d: {  	s0 =	simm.s32 @p3 $0x0;
	p3 =	seq.s32 s28, $0x0  }
.Ltmp13:
0x39e: {  	_ = 	snop;
	(pc) =	sbr.rel @p3 .LBB2_15-.Ltmp13, $4  }
0x39f: {  	_ = 	snop  }
0x3a0: {  	s25 =	simm.s32 $0x0;
	s31 =	simm.s32 @!p2 $0x1;
	s4 =	smin.u32 @!p2 s0, $0xC34FC  }
0x3a1: {  	s29 =	sadd.s32 $0x1, s21;
	s31 =	smov.u32 @p2 s25;
	s7 =	sand.u32 @!p2 $0xFFFF8, s4  }
0x3a2: {  	s0 =	simm.s32 @!p2 $0x3068;
	s4 =	sand.u32 @!p2 $0x7, s4;
	s7 =	sadd.s32 @!p2 s3, s7  }
.LBB2_14:
0x3a3: {  	s8 =	smov.u32 s31  }
0x3a4: {  	[tilespmem:s0], [sflag:$0x2] =	stream.linear.gather @!p2 [hbm4b:s7+s4], $0x20, $0x38;
	[tilespmem:$0x1EC38] =	vst v63  }
0x3a5: {  	s28 =	sadd.s32 $0x1, s28;
	s4 =	smov.u32 s30;
	v1 =	vld.msk [tilespmem:s29+$0x0], $0x1  }
0x3a6: {  	p3 =	seq.s32 s28, $0x0;
	_ =	sdelay $0x3  }
0x3a7: {  	(v2sf) =	vpush v1, $0x0;
	_ =	sdelay $0xe  }
0x3a8: {  	s30 =	spop (v2sf)  }
0x3a9: {  	p2 =	seq.s32 s4, s30  }
0x3aa: {  	p4 =	sgt.s32 @!p2 s4, $0x0;
	s0 =	sshll.u32 @!p2 s31, $0x7;
	s31 =	sadd.s32 @!p2 $0x1, s31  }
.Ltmp14:
0x3ab: {  	p4 =	por !p4, p2;
	s0 =	sshra.s32 @!p2 s0, $0x2;
	(pc) =	sbr.rel @!p3 .LBB2_14-.Ltmp14, $4  }
0x3ac: {  	s31 =	smov.u32 @p2 s8;
	s4 =	simm.s32 @p4 $0x0;
	s0 =	sadd.s32 @!p2 $0x3068, s0  }
0x3ad: {  	s4 =	smin.u32 @!p2 s4, $0xC34FC  }
0x3ae: {  	s7 =	sand.u32 @!p2 $0xFFFF8, s4;
	s4 =	sand.u32 @!p2 $0x7, s4  }
0x3af: {  	s29 =	sadd.s32 $0x1, s29;
	s7 =	sadd.s32 @!p2 s3, s7  }
.LBB2_15:
0x3b0: {  	[tilespmem:s0], [sflag:$0x2] =	stream.linear.gather @!p2 [hbm4b:s7+s4], $0x20, $0x38;
	[tilespmem:$0x1EC38] =	vst v63  }
.Ltmp15:
0x3b1: {  	s30 =	sshll.u32 s31, $0x5;
	(pc) =	sbr.rel .LBB2_16-.Ltmp15, $4  }
0x3b2: {  	s31 =	simm.s32 $0x2;
	s0 =	sand.u32 $0x3FFFFFE0, s30  }
0x3b3: {  	_ =	swait.ge [sflag:s31], s0  }
0x3b4: {  	s0 =	ssub.s32 $0x0, s0;
	[sflag:s31] =	ssyncset.done $0x0  }
0x3b5: {  	s29 =	simm.s32 $0x0;
	[sflag:s31] =	ssyncadd.s32 s0  }
.LBB2_17:
0x3b6: {  	v1 =	vld [tilespmem:s23+$0xFFFFFFF0];
	_ =	sdelay $0x4  }
0x3b7: {  	[tilespmem:s0+$0x48] =	vst.add.f32.msk $0xffff, v1  }
0x3b8: {  	v1 =	vld [tilespmem:s23+$0x0];
	_ =	sdelay $0x4  }
0x3b9: {  	[tilespmem:s0+$0x58] =	vst.add.f32.msk $0xffff, v1  }
.LBB2_21:
0x3ba: {  	s24 =	sadd.s32 $0x1, s24  }
0x3bb: {  	p2 =	seq.s32 s24, $0x0  }
.Ltmp16:
0x3bc: {  	_ = 	snop;
	(pc) =	sbr.rel @p2 .LBB2_22-.Ltmp16, $2  }
0x3bd: {  	_ =	sdelay $0x2  }
0x3be: {  	s23 =	sadd.s32 $0x80, s23;
	s21 =	sadd.s32 $0x1, s21;
	s26 =	smov.u32 s28  }
.LBB2_16:
0x3bf: {  	v1 =	vld.msk [tilespmem:s21+$0x0], $0x1;
	_ =	sdelay $0x4  }
0x3c0: {  	(v2sf) =	vpush v1, $0x0;
	_ =	sdelay $0xe  }
0x3c1: {  	s28 =	spop (v2sf)  }
0x3c2: {  	p2 =	sne.s32 s26, s28  }
.Ltmp17:
0x3c3: {  	_ = 	snop;
	(pc) =	sbr.rel @!p2 .LBB2_17-.Ltmp17, $3  }
0x3c4: {  	_ =	sdelay $0x1  }
0x3c5: {  	s0 =	sshll.u32 s20, $0x7  }
0x3c6: {  	s0 =	sshra.s32 s0, $0x2  }
0x3c7: {  	p2 =	seq.s32 s26, s22  }
.Ltmp18:
0x3c8: {  	_ = 	snop;
	(pc) =	sbr.rel @!p2 .LBB2_19-.Ltmp18, $1  }
0x3c9: {  	_ =	sdelay $0x3  }
.Ltmp19:
0x3ca: {  	s0 =	sadd.s32 $0x48, s0;
	(pc) =	sbr.rel .LBB2_20-.Ltmp19, $4  }
0x3cb: {  	[spmem:s13] =	stream.linear.scatter [tilespmem:s0], [sflag:$0x1], $0x20, $0x38;
	[tilespmem:$0x1EC38] =	vst v63  }
0x3cc: {  	_ =	swait.ge [sflag:s1], $0x20  }
0x3cd: {  	[sflag:s1] =	ssyncset.done $0x0  }
0x3ce: {  	[sflag:s1] =	ssyncadd.s32 $0xFFFFFFE0  }
.LBB2_19:
0x3cf: {  	s4 =	sshll.u32 s25, $0x7  }
0x3d0: {  	s4 =	sshra.s32 s4, $0x2  }
0x3d1: {  	v1 =	vld [tilespmem:s4+$0x3068];
	_ =	sdelay $0x4  }
0x3d2: {  	[tilespmem:s0+$0x48] =	vst.add.f32.msk $0xffff, v1  }
0x3d3: {  	v1 =	vld [tilespmem:s4+$0x3078];
	_ =	sdelay $0x2  }
0x3d4: {  	p2 =	sgt.u32 s26, $0xC34FC  }
0x3d5: {  	s4 =	sand.u32 @!p2 $0xFFFF8, s26  }
0x3d6: {  	s7 =	sadd.s32 $0x48, s0;
	[tilespmem:s0+$0x58] =	vst.add.f32.msk $0xffff, v1;
	s0 =	sadd.s32 @!p2 s3, s4;
	s4 =	sand.u32 @!p2 $0x7, s26  }
0x3d7: {  	[hbm4b:s0+s4] =	stream.linear.scatter @!p2 [tilespmem:s7], [sflag:$0xA], $0x20, $0x38;
	[tilespmem:$0x1EC38] =	vst v63  }
0x3d8: {  	s0 =	simm.s32 $0x0  }
0x3d9: {  	s0 =	simm.s32 @!p2 $0x80  }
0x3da: {  	s29 =	sadd.s32 s0, s29  }
.LBB2_20:
0x3db: {  	s0 =	sadd.s32 $0x1, s20  }
0x3dc: {  	s4 =	smulhi.u32 $0xAAAAAAAB, s0;
	_ =	sdelay $0x1  }
0x3dd: {  	v1 =	vld [tilespmem:s23+$0xFFFFFFF0];
	s4 =	sshrl.u32 s4, $0x8  }
0x3de: {  	s4 =	smul.u32 $0x180, s4;
	_ =	sdelay $0x1  }
0x3df: {  	s20 =	ssub.s32 s0, s4  }
0x3e0: {  	s0 =	sshll.u32 s20, $0x5  }
0x3e1: {  	[tilespmem:s0+$0x48] =	vst v1  }
0x3e2: {  	v1 =	vld [tilespmem:s23+$0x0]  }
.Ltmp20:
0x3e3: {  	_ = 	snop;
	(pc) =	sbr.rel .LBB2_21-.Ltmp20, $2  }
0x3e4: {  	_ =	sdelay $0x2  }
0x3e5: {  	s25 =	sadd.s32 $0x1, s25;
	[tilespmem:s0+$0x58] =	vst v1  }
.LBB2_23:
.Ltmp21:
0x3e6: {  	(pc) =	sbr.rel .LBB2_24-.Ltmp21, $4  }
0x3e7: {  	_ = 	snop  }
0x3e8: {  	s0 =	simm.s32 $0x2  }
0x3e9: {  	_ =	swait.ge [sflag:s0], $0x0  }
0x3ea: {  	s28 =	smov.u32 s26;
	[sflag:s0] =	ssyncset.done $0x0;
	s0 =	simm.s32 $0x0  }
.LBB2_26:
0x3eb: {  	_ =	sfence.sel $0x180000  }
0x3ec: {  	s0 =	simm.s32 $0x7;
	[bflag:$0x0] =	sbarrier.arrive $0xFFFF  }
0x3ed: {  	s25 =	simm.s32 $0x8;
	[sflag:s0] =	ssyncpa.u1 $0x1  }
0x3ee: {  	s26 =	simm.s32 $0x9;
	[sflag:s25] =	ssyncpa.u1 $0x1  }
0x3ef: {  	s28 =	simm.s32 $0x2;
	[sflag:s26] =	ssyncpa.u1 $0x1  }
0x3f0: {  	[sflag:s28] =	ssyncpa.u1 $0x1  }
0x3f1: {  	v0 =	vld [tilespmem:$0x6088];
	_ =	sdelay $0x4  }
0x3f2: {  	(v2sf) =	vpush v0, $0x0  }
0x3f3: {  	(v2sf) =	vpush v0, $0x1;
	_ =	sdelay $0x1  }
0x3f4: {  	(v2sf) =	vpush v0, $0x2;
	_ =	sdelay $0xb  }
0x3f5: {  	s0 =	spop (v2sf)  }
0x3f6: {  	s1 =	spop (v2sf)  }
0x3f7: {  	s2 =	smov.u32 s0;
	p0 =	sne.s32 s0, s1  }
0x3f8: {  	s4 =	spop (v2sf);
	s2 =	simm.s32 @!p0 $0xFFFFFFFF  }
0x3f9: {  	v2 =	vimm.s32 $0x1;
	v3 =	vlaneseq.u32;
	p0 =	seq.s32 s4, $0xFFFFFFFF;
	v1 =	vmov s2  }
0x3fa: {  	s7 =	stileid.u32;
	v0 =	vperm.xlane v0, v2;
	p1 =	sne.s32 @!p0 s0, s1;
	v1 =	vperm.xlane v1, v3  }
0x3fb: {  	vm0 =	vcmask $0x3F04;
	s6 =	simm.s32 $0x6088;
	s0 =	simm.s32 @!p0 $0x1;
	p1 =	por !p1, p0  }
0x3fc: {  	s2 =	sshll.u32 s7, $0x1;
	s1 =	sshll.u32 @!p0 s4, $0x7;
	s0 =	simm.s32 @p1 $0x0;
	v0 =	vsel vm0, v1, v0  }
0x3fd: {  	s5 =	sor.u32 $0x400, s2;
	s1 =	sshra.s32 @!p0 s1, $0x2;
	s0 =	sor.u32 @!p0 s0, s2;
	[tilespmem:$0x6088] =	vst v0  }
0x3fe: {  	[spmem:s5] =	stream.linear.scatter [tilespmem:s6], [sflag:$0x1], $0x2, $0x38;
	[tilespmem:$0x1EC38] =	vst v63  }
0x3ff: {  	s1 =	sadd.s32 @!p0 $0x48, s1;
	s0 =	sshll.u32 @!p0 s0, $0x5  }
0x400: {  	[spmem:s0] =	stream.linear.scatter @!p0 [tilespmem:s1], [sflag:$0x1], $0x20, $0x38;
	[tilespmem:$0x1EC38] =	vst v63  }
0x401: {  	s1 =	simm.s32 @!p0 $0x22  }
0x402: {  	s0 =	simm.s32 $0x1;
	s1 =	simm.s32 @p0 $0x2  }
0x403: {  	_ =	swait.ge [sflag:s0], s1  }
0x404: {  	s1 =	ssub.s32 $0x0, s1;
	[sflag:s0] =	ssyncset.done $0x0  }
0x405: {  	[sflag:s0] =	ssyncadd.s32 s1  }
0x406: {  	_ =	sfence.stream.spmem  }
0x407: {  	s29 =	simm.s32 $0x3;
	[bflag:$0x0] =	sbarrier.arrive $0xFFFF  }
0x408: {  	s30 =	simm.s32 $0x4;
	[sflag:s29] =	ssyncpa.u1 $0x1  }
0x409: {  	s31 =	simm.s32 $0x3C;
	[sflag:s30] =	ssyncpa.u1 $0x1  }
0x40a: {  	p0 =	sne.s32 s7, $0x0;
	[sflag:s31] =	ssyncpa.u1 $0x1  }
0x40b: {  	_ =	sfence @p0  }
0x40c: {  	[sflag:s0] =	ssyncpa.u1 @p0 $0x1  }
0x40d: {  	_ =	strace @p0 $0x90000062  }
0x40e: {  	[bflag:$0x2] =	sbarrier.arrive @p0 $0xFFFF  }
0x40f: {  	_ =	shalt @p0  }
.LBB2_27:
0x410: {  	_ =	sfence.stream.spmem;
	s0 =	simm.s32 $0x5  }
0x411: {  	s1 =	simm.s32 $0x400;
	s2 =	simm.s32 $0x6098;
	[sflag:s0] =	ssyncpa.u1 $0x0  }
0x412: {  	[tilespmem:s2], [sflag:$0x5] =	stream.linear.gather [spmem:s1], $0x20, $0x38;
	[tilespmem:$0x1EC38] =	vst v63  }
0x413: {  	s30 =	simm.s32 $0x60B8;
	s1 =	simm.s32 $0x0  }
0x414: {  	[tilespmem:s30], [sflag:$0x5] =	stream.linear.gather [spmem:s1], $0x400, $0x38;
	[tilespmem:$0x1EC38] =	vst v63  }
.Ltmp22:
0x415: {  	_ = 	snop;
	(pc) =	sbr.rel .LBB2_28-.Ltmp22, $4  }
0x416: {  	_ =	swait.ge [sflag:s0], $0x420  }
0x417: {  	[sflag:s0] =	ssyncset.done $0x0  }
0x418: {  	s31 =	simm.s32 $0x6;
	[sflag:s0] =	ssyncadd.s32 $0xFFFFFBE0  }
0x419: {  	s2 =	simm.s32 $0x0;
	[sflag:s31] =	ssyncpa.u1 $0x0  }
.LBB2_34:
0x41a: {  	p0 =	slt.u32 s4, $0xC34FD  }
0x41b: {  	s0 =	sand.u32 @p0 $0xFFFF8, s4  }
0x41c: {  	s4 =	sand.u32 @p0 $0x7, s4;
	s5 =	simm.s32 @p0 $0x6068;
	s0 =	sadd.s32 @p0 s3, s0  }
0x41d: {  	[tilespmem:s5], [sflag:$0x6] =	stream.linear.gather @p0 [hbm4b:s0+s4], $0x20, $0x38;
	[tilespmem:$0x1EC38] =	vst v63  }
0x41e: {  	s0 =	simm.s32 @p0 $0x6  }
0x41f: {  	_ =	swait.ge @p0 [sflag:s0], $0x20  }
0x420: {  	[sflag:s0] =	ssyncset.done @p0 $0x0  }
0x421: {  	[sflag:s0] =	ssyncadd.s32 @p0 $0xFFFFFFE0  }
0x422: {  	v1 =	vld @p0 [tilespmem:$0x6068];
	_ =	sdelay $0x2  }
0x423: {  	s0 =	sshll.u32 @p0 s2, $0x7  }
0x424: {  	s4 =	sshrl.u32 @p0 s0, $0x2  }
0x425: {  	[tilespmem:s4+$0x60B8] =	vst.add.f32.msk @p0 $0xffff, v1  }
0x426: {  	v1 =	vld @p0 [tilespmem:$0x6078];
	_ =	sdelay $0x3  }
0x427: {  	s5 =	sshll.u32 @!p0 s2, $0x7  }
0x428: {  	s5 =	smov.u32 @p0 s0;
	[tilespmem:s4+$0x60C8] =	vst.add.f32.msk @p0 $0xffff, v1  }
0x429: {  	s0 =	sshrl.u32 s5, $0x2;
	[tilespmem:s1+$0x6098] =	vst.msk $0x1, v0  }
0x42a: {  	v0 =	vld [tilespmem:s0+$0x60B8];
	_ =	sdelay $0x2  }
0x42b: {  	s31 =	sshll.u32 s1, $0x7  }
0x42c: {  	s4 =	sshra.s32 s31, $0x2  }
0x42d: {  	[tilespmem:s4+$0x60B8] =	vst v0  }
0x42e: {  	v0 =	vld [tilespmem:s0+$0x60C8];
	_ =	sdelay $0x4  }
0x42f: {  	s1 =	sadd.s32 $0x1, s1;
	[tilespmem:s4+$0x60C8] =	vst v0  }
.LBB2_35:
0x430: {  	s2 =	sadd.s32 $0x1, s2  }
0x431: {  	p0 =	sne.s32 s2, $0x20  }
.Ltmp23:
0x432: {  	_ = 	snop;
	(pc) =	sbr.rel @!p0 .LBB2_36-.Ltmp23, $1  }
0x433: {  	_ =	sdelay $0x3  }
.LBB2_28:
0x434: {  	v0 =	vld.msk [tilespmem:s2+$0x6098], $0x1;
	_ =	sdelay $0x4  }
0x435: {  	(v2sf) =	vpush v0, $0x0;
	_ =	sdelay $0xe  }
0x436: {  	s4 =	spop (v2sf)  }
0x437: {  	p0 =	seq.s32 s4, $0xFFFFFFFF  }
.Ltmp24:
0x438: {  	_ = 	snop;
	(pc) =	sbr.rel @p0 .LBB2_35-.Ltmp24, $1  }
0x439: {  	_ =	sdelay $0x3  }
0x43a: {  	p0 =	slt.s32 s1, $0x1  }
.Ltmp25:
0x43b: {  	_ = 	snop;
	(pc) =	sbr.rel @p0 .LBB2_34-.Ltmp25, $1  }
0x43c: {  	_ =	sdelay $0x3  }
0x43d: {  	s5 =	simm.s32 $0x6098;
	p0 =	por $0x0, $0x0  }
0x43e: {  	v1 =	vld.msk @!p0 [tilespmem:s5+$0x0], $0x1;
	_ =	sdelay $0x4  }
0x43f: {  	(v2sf) =	vpush @!p0 v1, $0x0;
	_ =	sdelay $0xd  }
0x440: {  	p2 =	sne.s32 s1, $0x1  }
.Ltmp26:
0x441: {  	s0 =	spop @!p0 (v2sf);
	(pc) =	sbr.rel @!p2 .LBB2_32-.Ltmp26, $4  }
0x442: {  	p1 =	seq.s32 @!p0 s4, s0  }
0x443: {  	s6 =	simm.s32 $0x0;
	p1 =	por !p1, p0  }
0x444: {  	s0 =	simm.s32 $0xFFFFFFFF;
	s6 =	simm.s32 @p1 $0xFFFFFFFF  }
0x445: {  	s7 =	simm.s32 $0x1;
	s6 =	smov.u32 @p0 s0  }
.LBB2_31:
0x446: {  	s0 =	smov.u32 s6;
	p0 =	sne.s32 s6, $0xFFFFFFFF  }
0x447: {  	s5 =	sadd.s32 $0x1, s5;
	s6 =	smov.u32 s7;
	s7 =	sadd.s32 $0x1, s7  }
0x448: {  	p1 =	sne.s32 s1, s7;
	v1 =	vld.msk @!p0 [tilespmem:s5+$0x0], $0x1;
	_ =	sdelay $0x4  }
0x449: {  	(v2sf) =	vpush @!p0 v1, $0x0;
	_ =	sdelay $0xe  }
.Ltmp27:
0x44a: {  	s8 =	spop @!p0 (v2sf);
	(pc) =	sbr.rel @p1 .LBB2_31-.Ltmp27, $4  }
0x44b: {  	p2 =	seq.s32 @!p0 s4, s8  }
0x44c: {  	p2 =	por !p2, p0  }
0x44d: {  	s6 =	simm.s32 @p2 $0xFFFFFFFF  }
0x44e: {  	s6 =	smov.u32 @p0 s0  }
.LBB2_32:
0x44f: {  	p0 =	seq.s32 s6, $0xFFFFFFFF  }
.Ltmp28:
0x450: {  	_ = 	snop;
	(pc) =	sbr.rel @p0 .LBB2_34-.Ltmp28, $1  }
0x451: {  	_ =	sdelay $0x3  }
0x452: {  	s0 =	sshll.u32 s2, $0x5  }
0x453: {  	s0 =	sand.u32 $0x3FFFFFE0, s0  }
0x454: {  	v0 =	vld [tilespmem:s0+$0x60B8];
	_ =	sdelay $0x2  }
0x455: {  	s4 =	sshll.u32 s6, $0x7  }
0x456: {  	s4 =	sshra.s32 s4, $0x2  }
0x457: {  	[tilespmem:s4+$0x60B8] =	vst.add.f32.msk $0xffff, v0  }
0x458: {  	v0 =	vld [tilespmem:s0+$0x60C8]  }
.Ltmp29:
0x459: {  	_ = 	snop;
	(pc) =	sbr.rel .LBB2_35-.Ltmp29, $2  }
0x45a: {  	_ =	sdelay $0x2  }
0x45b: {  	[tilespmem:s4+$0x60C8] =	vst.add.f32.msk $0xffff, v0  }
.LBB2_36:
0x45c: {  	p0 =	slt.s32 s1, $0x1  }
.Ltmp30:
0x45d: {  	_ = 	snop;
	(pc) =	sbr.rel @p0 .LBB2_40-.Ltmp30, $3  }
0x45e: {  	_ =	sdelay $0x1  }
0x45f: {  	s0 =	simm.s32 $0x6  }
0x460: {  	s2 =	simm.s32 $0x0;
	[sflag:s0] =	ssyncpa.u1 $0x1  }
0x461: {  	s0 =	simm.s32 $0x6098  }
0x462: {  	v0 =	vld.msk [tilespmem:s0+$0x0], $0x1;
	_ =	sdelay $0x4  }
0x463: {  	(v2sf) =	vpush v0, $0x0;
	_ =	sdelay $0xe  }
0x464: {  	s1 =	sadd.s32 $0xFFFFFFFF, s1;
	s0 =	spop (v2sf)  }
0x465: {  	p1 =	sne.s32 s1, $0x0;
	p0 =	sgt.u32 s0, $0xC34FC  }
.Ltmp31:
0x466: {  	s5 =	sand.u32 @!p0 $0xFFFF8, s0;
	(pc) =	sbr.rel @!p1 .LBB2_39-.Ltmp31, $4  }
0x467: {  	s4 =	simm.s32 $0x60B8;
	s0 =	sand.u32 @!p0 $0x7, s0;
	s5 =	sadd.s32 @!p0 s3, s5  }
0x468: {  	[hbm4b:s5+s0] =	stream.linear.scatter @!p0 [tilespmem:s4], [sflag:$0x5], $0x20, $0x38;
	[tilespmem:$0x1EC38] =	vst v63  }
0x469: {  	s0 =	simm.s32 $0x0  }
0x46a: {  	s5 =	simm.s32 $0x6099;
	s0 =	simm.s32 @!p0 $0x80  }
.LBB2_38:
0x46b: {  	v0 =	vld.msk [tilespmem:s5+$0x0], $0x1;
	s1 =	sadd.s32 $0xFFFFFFFF, s1;
	s2 =	sadd.s32 s2, s0  }
0x46c: {  	p0 =	sne.s32 s1, $0x0;
	_ =	sdelay $0x3  }
0x46d: {  	(v2sf) =	vpush v0, $0x0;
	_ =	sdelay $0xe  }
.Ltmp32:
0x46e: {  	s6 =	spop (v2sf);
	(pc) =	sbr.rel @p0 .LBB2_38-.Ltmp32, $4  }
0x46f: {  	s0 =	simm.s32 $0x0;
	p1 =	sgt.u32 s6, $0xC34FC  }
0x470: {  	s4 =	sadd.s32 $0x20, s4;
	s0 =	simm.s32 @!p1 $0x80;
	s7 =	sand.u32 @!p1 $0xFFFF8, s6  }
0x471: {  	s5 =	sadd.s32 $0x1, s5;
	s6 =	sand.u32 @!p1 $0x7, s6;
	s7 =	sadd.s32 @!p1 s3, s7  }
0x472: {  	[hbm4b:s7+s6] =	stream.linear.scatter @!p1 [tilespmem:s4], [sflag:$0x5], $0x20, $0x38;
	[tilespmem:$0x1EC38] =	vst v63  }
.LBB2_39:
0x473: {  	s0 =	sadd.s32 s2, s0  }
0x474: {  	s2 =	sshrl.u32 s0, $0x2  }
.LBB2_40:
0x475: {  	s0 =	simm.s32 $0x5  }
0x476: {  	_ =	swait.ge [sflag:s0], s2  }
0x477: {  	s1 =	ssub.s32 $0x0, s2;
	[sflag:s0] =	ssyncset.done $0x0  }
0x478: {  	[sflag:s0] =	ssyncadd.s32 s1  }
0x479: {  	[sflag:s0] =	ssyncpa.u1 $0x1  }
0x47a: {  	s30 =	simm.s32 $0x1;
	_ =	sfence  }
0x47b: {  	[sflag:s30] =	ssyncpa.u1 $0x1  }
0x47c: {  	_ =	strace $0x90000062  }
0x47d: {  	[bflag:$0x2] =	sbarrier.arrive $0xFFFF  }
0x47e: {  	s31 =	rddreg [dreg:$0x1]  }
0x47f: {  	s0 =	sadd.s32 $0x100000, s31  }
0x480: {  	[sflag:s0] =	ssyncadd.tile.s32 $0x1;
	_ =	shalt  }
.Lfunc_end2:
_tile_overlayer_lowered:
.L_overlay_start_2:
0x481: {  	(tag) =	ssettag $0x2  }
0x482: {  	s0 =	rddreg [dreg:$0x0];
	s2 =	stileid.u32  }
0x483: {  	s1 =	rddreg [dreg:$0x1];
	p0 =	sne.s32 s2, $0x0  }
0x484: {  	s3 =	rddreg [dreg:$0x2];
	[bflag:$0x3] =	sbarrier.arrive $0xFFFF;
	s2 =	simm.s32 @!p0 $0x1C01  }
0x485: {  	[timem:s3], [sflag:s2] =	dma.local @!p0 [hbm:s0], s1  }
0x486: {  	s0 =	simm.s32 @!p0 $0x1  }
0x487: {  	_ =	swait.ge @!p0 [sflag:s0], s1  }
0x488: {  	s1 =	ssub.s32 @!p0 $0x0, s1;
	[sflag:s0] =	ssyncset.done @!p0 $0x0  }
0x489: {  	[sflag:s0] =	ssyncadd.s32 @!p0 s1  }
0x48a: {  	[bflag:$0x3] =	sbarrier.arrive $0xFFFF  }
0x48b: {  	_ =	shalt  }

// kernel: scatter_offload_async_start
scs
__scs_entry_jumppad:
0x0: {  	(pc) =	sbr.rel $0x88, $3  }
0x1: {  	(tag) =	ssettag $0x0;
	lr =	simm.s32 $0x1  }
0x2: {  	[smem:$0x3F91] =	sst lr;
	_ =	strace $0xD0000000  }
0x3: {  	_ = 	snop  }
0x4: {  	_ = 	snop  }
0x5: {  	_ = 	snop  }
0x6: {  	_ = 	snop  }
0x7: {  	_ = 	snop  }
__scs_overlays_trampoline_lowered:
0x8: {  	[smem:$0x3FA0] =	sst s0  }
0x9: {  	[smem:$0x3FA1] =	sst s1  }
0xa: {  	[smem:$0x3FA2] =	sst s2  }
0xb: {  	[smem:$0x3FA3] =	sst s3  }
0xc: {  	[smem:$0x3FA4] =	sst s4  }
0xd: {  	[smem:$0x3FA5] =	sst s5  }
0xe: {  	[smem:$0x3FA6] =	sst s6  }
0xf: {  	[smem:$0x3FA7] =	sst s7  }
0x10: {  	[smem:$0x3FA8] =	sst s8  }
0x11: {  	[smem:$0x3FA9] =	sst s9;
	s0 =	simm.s32 @!p0 $0x0  }
0x12: {  	s1 =	sld [smem:$0x3F8F];
	s0 =	simm.s32 @p0 $0x1  }
0x13: {  	[smem:$0x3FAA] =	sst s0;
	s0 =	simm.s32 @!p1 $0x0  }
0x14: {  	s2 =	sld [smem:$0x3F8E];
	s0 =	simm.s32 @p1 $0x1  }
0x15: {  	[smem:$0x3FAB] =	sst s0;
	s0 =	simm.s32 @!p2 $0x0  }
0x16: {  	s3 =	sld [smem:$0x3FDB];
	s0 =	simm.s32 @p2 $0x1  }
0x17: {  	s4 =	simm.s32 $0x1BF5;
	[smem:$0x3FAD] =	sst s0  }
0x18: {  	s0 =	sld [smem:$0x3F90];
	_ =	swait.ge [sflag:s4], $0x0  }
0x19: {  	s7 =	sld [smem:$0x3F91]  }
0x1a: {  	s8 =	sadd.s32 $0xFFFFE003, lr  }
0x1b: {  	s9 =	sadd.s32 $0xFFFFFEF7, lr;
	s5 =	simm.s32 $0xFFFFFFFF;
	p2 =	slt.u32 s8, $0xFFFFF086  }
0x1c: {  	p1 =	slt.u32 s9, $0xF7A;
	s5 =	simm.s32 @!p2 $0x0  }
0x1d: {  	s5 =	simm.s32 @p1 $0x1;
	p0 =	seq.s32 s7, s2  }
0x1e: {  	s7 =	smul.u32 @!p0 $0xF7A, s2;
	p2 =	seq.s32 @!p0 s5, $0x0  }
0x1f: {  	s9 =	smul.u32 $0xF7A, s1;
	s8 =	simm.s32 @!p0 $0x1BF5;
	p2 =	por !p2, p0  }
0x20: {  	[sflag:s8] =	ssyncset.s32 @!p0 $0xFFFFF086;
	s6 =	sadd.s32 @!p0 s3, s7;
	s7 =	simm.s32 @!p0 $0x108  }
0x21: {  	s3 =	sadd.s32 s3, s9;
	s6 =	sadd.s32 @!p0 $0x88, s6;
	s7 =	simm.s32 @p2 $0x1082  }
0x22: {  	[simem:s7], [sflag:s8] =	dma.local @!p0 [hbm:s6], $0xF7A  }
0x23: {  	s9 =	sor.u32 $0xD0000000, s2;
	s6 =	simm.s32 $0x108;
	_ =	swait.ge @!p0 [sflag:s8], $0x0  }
0x24: {  	s3 =	sadd.s32 $0x88, s3;
	s6 =	simm.s32 @!p1 $0x1082;
	[sflag:s4] =	ssyncset.s32 $0xFFFFF086  }
0x25: {  	[simem:s6], [sflag:s4] =	dma.local [hbm:s3], $0xF7A  }
0x26: {  	[smem:$0x3F91] =	sst s1;
	(tag) =	ssettag s2;
	_ =	strace s9  }
0x27: {  	s1 =	sld [smem:$0x3FA1]  }
0x28: {  	s2 =	sld [smem:$0x3FA2]  }
0x29: {  	s4 =	sld [smem:$0x3FA4]  }
0x2a: {  	p0 =	seq.s32 s5, $0x0;
	s5 =	sld [smem:$0x3FA5]  }
0x2b: {  	s6 =	sld [smem:$0x3FA6]  }
0x2c: {  	s7 =	sld [smem:$0x3FA7]  }
0x2d: {  	s3 =	simm.s32 $0x108;
	s8 =	sld [smem:$0x3FA8]  }
0x2e: {  	s3 =	simm.s32 @!p0 $0x1082;
	s9 =	sld [smem:$0x3FA9]  }
0x2f: {  	lr =	sadd.s32 s0, s3;
	s0 =	sld [smem:$0x3FA0]  }
0x30: {  	s3 =	sld [smem:$0x3FA3]  }
0x31: {  	[smem:$0x3FAC] =	sst s10  }
0x32: {  	s10 =	sld [smem:$0x3FAA];
	_ =	sdelay $0x3  }
0x33: {  	p0 =	seq.s32 s10, $0x1;
	s10 =	sld [smem:$0x3FAC];
	_ =	sdelay $0x3  }
0x34: {  	[smem:$0x3FAC] =	sst s10  }
0x35: {  	s10 =	sld [smem:$0x3FAB];
	_ =	sdelay $0x3  }
0x36: {  	p1 =	seq.s32 s10, $0x1;
	s10 =	sld [smem:$0x3FAC];
	_ =	sdelay $0x3  }
0x37: {  	[smem:$0x3FAC] =	sst s10  }
0x38: {  	s10 =	sld [smem:$0x3FAD]  }
0x39: {  	_ = 	snop;
	(pc) =	sbr.ind lr, $3  }
0x3a: {  	_ = 	snop  }
0x3b: {  	_ = 	snop  }
0x3c: {  	p2 =	seq.s32 s10, $0x1;
	s10 =	sld [smem:$0x3FAC]  }
0x3d: {  	_ =	shalt  }
0x3e: {  	_ =	shalt  }
0x3f: {  	_ =	shalt  }
0x40: {  	_ =	shalt  }
0x41: {  	_ =	shalt  }
0x42: {  	_ =	shalt  }
0x43: {  	_ =	shalt  }
0x44: {  	_ =	shalt  }
0x45: {  	_ =	shalt  }
0x46: {  	_ =	shalt  }
0x47: {  	_ =	shalt  }
0x48: {  	_ =	shalt  }
0x49: {  	_ =	shalt  }
0x4a: {  	_ =	shalt  }
0x4b: {  	_ =	shalt  }
0x4c: {  	_ =	shalt  }
0x4d: {  	_ =	shalt  }
0x4e: {  	_ =	shalt  }
0x4f: {  	_ =	shalt  }
0x50: {  	_ =	shalt  }
0x51: {  	_ =	shalt  }
0x52: {  	_ =	shalt  }
0x53: {  	_ =	shalt  }
0x54: {  	_ =	shalt  }
0x55: {  	_ =	shalt  }
0x56: {  	_ =	shalt  }
0x57: {  	_ =	shalt  }
0x58: {  	_ =	shalt  }
0x59: {  	_ =	shalt  }
0x5a: {  	_ =	shalt  }
0x5b: {  	_ =	shalt  }
0x5c: {  	_ =	shalt  }
0x5d: {  	_ =	shalt  }
0x5e: {  	_ =	shalt  }
0x5f: {  	_ =	shalt  }
0x60: {  	_ =	shalt  }
0x61: {  	_ =	shalt  }
0x62: {  	_ =	shalt  }
0x63: {  	_ =	shalt  }
0x64: {  	_ =	shalt  }
0x65: {  	_ =	shalt  }
0x66: {  	_ =	shalt  }
0x67: {  	_ =	shalt  }
0x68: {  	_ =	shalt  }
0x69: {  	_ =	shalt  }
0x6a: {  	_ =	shalt  }
0x6b: {  	_ =	shalt  }
0x6c: {  	_ =	shalt  }
0x6d: {  	_ =	shalt  }
0x6e: {  	_ =	shalt  }
0x6f: {  	_ =	shalt  }
0x70: {  	_ =	shalt  }
0x71: {  	_ =	shalt  }
0x72: {  	_ =	shalt  }
0x73: {  	_ =	shalt  }
0x74: {  	_ =	shalt  }
0x75: {  	_ =	shalt  }
0x76: {  	_ =	shalt  }
0x77: {  	_ =	shalt  }
0x78: {  	_ =	shalt  }
0x79: {  	_ =	shalt  }
0x7a: {  	_ =	shalt  }
0x7b: {  	_ =	shalt  }
0x7c: {  	_ =	shalt  }
0x7d: {  	_ =	shalt  }
0x7e: {  	_ =	shalt  }
0x7f: {  	_ =	shalt  }
0x80: {  	_ =	shalt  }
0x81: {  	_ =	shalt  }
0x82: {  	_ =	shalt  }
0x83: {  	_ =	shalt  }
0x84: {  	_ =	shalt  }
0x85: {  	_ =	shalt  }
0x86: {  	_ =	shalt  }
0x87: {  	_ =	shalt  }
.Lfunc_end0:
.L_simem_size_0:
called_computation_lowered:
.L_overlay_start_0:
0x88: {  	s0 =	sld [smem:$0x3FD9]  }
0x89: {  	s1 =	sld [smem:$0x3FFE];
	_ =	sdelay $0x3  }
0x8a: {  	s0 =	sadd.s32 s1, s0  }
0x8b: {  	[smem:$0x3FB8] =	sst s0  }
0x8c: {  	_ = 	snop  }
0x8d: {  	(tm) =	ssettm $0x1  }
0x8e: {  	s14 =	sld [smem:$0x3FFB];
	_ =	sdelay $0x3  }
0x8f: {  	_ =	strace s14  }
0x90: {  	s0 =	sld [smem:$0x3FFC];
	_ =	sdelay $0x3  }
0x91: {  	_ =	strace s0  }
0x92: {  	s0 =	sld [smem:$0x3FFD];
	_ =	sdelay $0x3  }
0x93: {  	_ =	strace s0  }
0x94: {  	_ =	strace $0x8FFFFFFF  }
0x95: {  	s15 =	sld [smem:$0x3FDB];
	_ =	sdelay $0x1  }
0x96: {  	s16 =	simm.s32 $_scs_section_size  }
0x97: {  	s2 =	simm.s32 $_size__tile_overlayer_lowered;
	s3 =	simm.s32 $_tile_overlayer_lowered  }
0x98: {  	s4 =	simm.s32 $0x1BFF;
	s17 =	sshll.u32 s3, $0x1;
	s1 =	sadd.s32 s16, s15  }
0x99: {  	s18 =	simm.s32 $0x0;
	s2 =	sshll.u32 s2, $0x1;
	s3 =	sadd.s32 s17, s1  }
0x9a: {  	[timem:s18], [sflag:s4] =	dma.local [hbm:s3], s2  }
0x9b: {  	_ =	swait.ge [sflag:s4], s2  }
0x9c: {  	s2 =	ssub.s32 $0x0, s2;
	[sflag:s4] =	ssyncset.done $0x0  }
0x9d: {  	[sflag:s4] =	ssyncadd.s32 s2;
	_ =	sdelay $0x1  }
0x9e: {  	s19 =	simm.s32 $0x1B8B  }
0x9f: {  	_ =	swait.ge [sflag:s19], $0x1  }
0xa0: {  	[sflag:s19] =	ssyncset.done $0x0  }
0xa1: {  	s21 =	simm.s32 $0x1B8E;
	s20 =	sld [smem:$0x3FFE];
	[sflag:s19] =	ssyncadd.s32 $0xFFFFFFFF  }
0xa2: {  	s22 =	simm.s32 $execute0_lowered;
	[smem:$0x3FD2] =	sst s21  }
0xa3: {  	s3 =	sshll.u32 s22, $0x1;
	_ =	strace $0x80000046;
	[dreg:$0x1] =	wrdreg $0xFFFFFFFF  }
0xa4: {  	s23 =	simm.s32 $_size_execute0_lowered;
	s3 =	sadd.s32 s1, s3;
	[dreg:$0x0] =	wrdreg $0x0  }
0xa5: {  	s4 =	sshll.u32 s23, $0x1;
	[dreg:$0x2] =	wrdreg s3  }
0xa6: {  	[dreg:$0x3] =	wrdreg s4  }
0xa7: {  	[dreg:$0x4] =	wrdreg $0xC0  }
0xa8: {  	s24 =	simm.s32 $execute1_lowered;
	_ =	task [dreg:s18], $0x5FFFF  }
0xa9: {  	s3 =	sshll.u32 s24, $0x1;
	[dreg:$0x1] =	wrdreg $0xFFFFFFFF  }
0xaa: {  	s1 =	sadd.s32 s1, s3;
	[dreg:$0x0] =	wrdreg $0x60  }
0xab: {  	[dreg:$0x2] =	wrdreg s1  }
0xac: {  	[dreg:$0x3] =	wrdreg s20  }
0xad: {  	[dreg:$0x4] =	wrdreg $0x9  }
0xae: {  	_ =	task.clear_ibuf [dreg:s18], $0x5FFFF;
	_ =	strace $0x90000046  }
0xaf: {  	s25 =	simm.s32 $0x9;
	_ =	strace $0x80000048  }
0xb0: {  	_ =	swait.ge [sflag:s25], $0x1  }
0xb1: {  	[sflag:s25] =	ssyncadd.s32 $0xFFFFFFFF  }
0xb2: {  	_ =	strace $0x90000048  }
0xb3: {  	_ =	strace $0x80000049;
	[dreg:$0x1] =	wrdreg $0xFFFFFFFF  }
0xb4: {  	[dreg:$0x0] =	wrdreg $0x2030  }
0xb5: {  	[dreg:$0x2] =	wrdreg s20  }
0xb6: {  	[dreg:$0x3] =	wrdreg $0xA  }
0xb7: {  	_ =	task.clear_ibuf [dreg:s18], $0x4FFFF;
	_ =	strace $0x90000049  }
0xb8: {  	s26 =	simm.s32 $0xA;
	_ =	strace $0x8000004B  }
0xb9: {  	_ =	swait.ge [sflag:s26], $0x1  }
0xba: {  	[sflag:s26] =	ssyncadd.s32 $0xFFFFFFFF  }
0xbb: {  	_ =	strace $0x9000004B  }
0xbc: {  	_ =	sfence  }
0xbd: {  	s28 =	sld [smem:$0x0];
	_ =	sdelay $0x1  }
0xbe: {  	s29 =	srdreg.scid  }
0xbf: {  	s30 =	sshll.u32 s29, $0xD;
	s31 =	sshrl.u32 s29, $0x2  }
0xc0: {  	s2 =	sand.u32 $0x1, s29;
	s3 =	sand.u32 $0x4000, s30;
	s1 =	sadd.s32 s31, s28  }
0xc1: {  	s2 =	sor.u32 s3, s2;
	s1 =	sshll.u32 s1, $0x11  }
0xc2: {  	s1 =	sor.u32 s1, s2  }
0xc3: {  	s1 =	sadd.s32 $0x8F2B, s1  }
0xc4: {  	[sflag:s1] =	ssyncadd.remote.s32 $0x1  }
0xc5: {  	_ =	sfence.sel $0xFFFF  }
0xc6: {  	[dreg:$0x0] =	wrdreg $0xFFFFFFFF;
	(pc) =	sbr.abs _section_cstart, $3  }
0xc7: {  	[dreg:$0x1] =	wrdreg $0xFFFFFFFF  }
0xc8: {  	_ =	task.clear_ibuf [dreg:s18], $0x2FFFF;
	_ =	strace $0x9FFFFFFF  }
0xc9: {  	(tm) =	ssettm $0x7FFFFFFF  }
tec
execute0_lowered:
.L_overlay_start_1:
0x0: {  	(tag) =	ssettag $0x1  }
0x1: {  	s2 =	rddreg [dreg:$0x0]  }
0x2: {  	s4 =	rddreg [dreg:$0x1]  }
0x3: {  	s0 =	rddreg [dreg:$0x2];
	s3 =	stileid.u32  }
0x4: {  	[bflag:$0x3] =	sbarrier.arrive $0xFFFF;
	s1 =	simm.s32 $_size_execute1_lowered;
	p0 =	sne.s32 s3, $0x0  }
0x5: {  	s1 =	sshll.u32 s1, $0x1;
	s5 =	simm.s32 @!p0 $0x1C3F;
	s6 =	simm.s32 @!p0 $0x4060  }
0x6: {  	[timem:s6], [sflag:s5] =	dma.local @!p0 [hbm:s2], s1  }
0x7: {  	s2 =	smul.u32 $0xC40, s3  }
.Ltmp0:
0x8: {  	s31 =	simm.s32 $0x2;
	s7 =	simm.s32 $0xC40;
	(pc) =	sbr.rel .LBB2_1-.Ltmp0, $4  }
0x9: {  	s8 =	simm.s32 $0x24C0;
	s10 =	simm.s32 $0x0;
	s9 =	simm.s32 $0x0  }
0xa: {  	s3 =	simm.s32 $0x1;
	_ =	strace $0x80000047;
	s30 =	sshrl.u32 s2, $0x3  }
0xb: {  	s6 =	simm.s32 $0x0;
	[sflag:s3] =	ssyncpa.u1 $0x0;
	s5 =	sadd.s32 s30, s4  }
0xc: {  	s4 =	sadd.s32 $0x4EE00, s4;
	[sflag:s31] =	ssyncpa.u1 $0x0;
	s5 =	sadd.s32 $0x4D400, s5  }
.LBB2_9:
0xd: {  	p1 =	seq.s32 s9, $0x2  }
.Ltmp1:
0xe: {  	_ = 	snop;
	(pc) =	sbr.rel @p1 .LBB2_11-.Ltmp1, $1  }
0xf: {  	_ =	sdelay $0x3  }
.LBB2_10:
0x10: {  	s9 =	sadd.s32 $0x1, s9;
	s10 =	smov.u32 s2  }
.LBB2_1:
0x11: {  	p1 =	sne.s32 s9, $0x0  }
.Ltmp2:
0x12: {  	_ = 	snop;
	(pc) =	sbr.rel @!p1 .LBB2_2-.Ltmp2, $1  }
0x13: {  	_ =	sdelay $0x3  }
0x14: {  	s11 =	sand.u32 $0x1, s9  }
0x15: {  	p1 =	seq.s32 s11, $0x0  }
.Ltmp3:
0x16: {  	_ = 	snop;
	(pc) =	sbr.rel @p1 .LBB2_9-.Ltmp3, $1  }
0x17: {  	_ =	sdelay $0x3  }
0x18: {  	_ =	swait.ge [sflag:s3], $0xC40  }
0x19: {  	[sflag:s3] =	ssyncset.done $0x0  }
0x1a: {  	s16 =	simm.s32 $0xD30;
	[sflag:s3] =	ssyncadd.s32 $0xFFFFF3C0  }
0x1b: {  	v0 =	vld [tilespmem:s16+$0x0]  }
0x1c: {  	v1 =	vld [tilespmem:s16+$0xFFFFFF20]  }
0x1d: {  	v2 =	vld [tilespmem:s16+$0xFFFFFF30]  }
0x1e: {  	v3 =	vld [tilespmem:s16+$0xFFFFFF40]  }
0x1f: {  	s11 =	simm.s32 $0x25B0;
	v4 =	vld [tilespmem:s16+$0xFFFFFF50]  }
0x20: {  	v5 =	vld [tilespmem:s16+$0xFFFFFF60];
	[tilespmem:s11+$0x0] =	vst v0  }
0x21: {  	[tilespmem:s11+$0xFFFFFF20] =	vst v1;
	v0 =	vld [tilespmem:s16+$0xFFFFFF70]  }
0x22: {  	[tilespmem:s11+$0xFFFFFF30] =	vst v2;
	v1 =	vld [tilespmem:s16+$0xFFFFFF80]  }
0x23: {  	[tilespmem:s11+$0xFFFFFF40] =	vst v3;
	v2 =	vld [tilespmem:s16+$0xFFFFFF90]  }
0x24: {  	[tilespmem:s11+$0xFFFFFF50] =	vst v4;
	v3 =	vld [tilespmem:s16+$0xFFFFFFA0]  }
0x25: {  	[tilespmem:s11+$0xFFFFFF60] =	vst v5;
	v5 =	vld [tilespmem:s16+$0xFFFFFFB0]  }
0x26: {  	[tilespmem:s11+$0xFFFFFF70] =	vst v0;
	v0 =	vld [tilespmem:s16+$0xFFFFFFC0]  }
0x27: {  	[tilespmem:s11+$0xFFFFFF80] =	vst v1;
	v1 =	vld [tilespmem:s16+$0xFFFFFFD0]  }
0x28: {  	[tilespmem:s11+$0xFFFFFF90] =	vst v2;
	v2 =	vld [tilespmem:s16+$0xFFFFFFE0]  }
0x29: {  	s15 =	simm.s32 $0x0;
	s12 =	simm.s32 $0xBF0;
	[tilespmem:s11+$0xFFFFFFA0] =	vst v3;
	v3 =	vld [tilespmem:s16+$0xFFFFFFF0]  }
0x2a: {  	s13 =	simm.s32 $0x30C0;
	s14 =	simm.s32 $0x1840;
	v4 =	vld [tilespmem:s16+$0xFFFFFF10];
	[tilespmem:s11+$0xFFFFFFB0] =	vst v5;
	s16 =	simm.s32 $0xE30  }
.LBB2_5:
0x2b: {  	v5 =	vld [tilespmem:s16+$0x0];
	s15 =	sadd.s32 $0x100, s15;
	[tilespmem:s11+$0xFFFFFFC0] =	vst v0  }
0x2c: {  	v0 =	vld [tilespmem:s16+$0xFFFFFF20];
	p1 =	slt.u32 s15, $0xB00;
	[tilespmem:s11+$0xFFFFFFD0] =	vst v1  }
0x2d: {  	v1 =	vld [tilespmem:s16+$0xFFFFFF30];
	[tilespmem:s11+$0xFFFFFFE0] =	vst v2  }
0x2e: {  	v2 =	vld [tilespmem:s16+$0xFFFFFF40];
	[tilespmem:s11+$0xFFFFFFF0] =	vst v3  }
0x2f: {  	v3 =	vld [tilespmem:s16+$0xFFFFFF50];
	[tilespmem:s11+$0xFFFFFF10] =	vst v4;
	s11 =	sadd.s32 $0x100, s11  }
0x30: {  	v4 =	vld [tilespmem:s16+$0xFFFFFF60];
	[tilespmem:s11+$0x0] =	vst v5  }
0x31: {  	[tilespmem:s11+$0xFFFFFF20] =	vst v0;
	v0 =	vld [tilespmem:s16+$0xFFFFFF70]  }
0x32: {  	[tilespmem:s11+$0xFFFFFF30] =	vst v1;
	v1 =	vld [tilespmem:s16+$0xFFFFFF80]  }
0x33: {  	[tilespmem:s11+$0xFFFFFF40] =	vst v2;
	v2 =	vld [tilespmem:s16+$0xFFFFFF90]  }
0x34: {  	[tilespmem:s11+$0xFFFFFF50] =	vst v3;
	v3 =	vld [tilespmem:s16+$0xFFFFFFA0]  }
0x35: {  	[tilespmem:s11+$0xFFFFFF60] =	vst v4;
	v5 =	vld [tilespmem:s16+$0xFFFFFFB0]  }
.Ltmp4:
0x36: {  	[tilespmem:s11+$0xFFFFFF70] =	vst v0;
	v0 =	vld [tilespmem:s16+$0xFFFFFFC0];
	(pc) =	sbr.rel @p1 .LBB2_5-.Ltmp4, $4  }
0x37: {  	[tilespmem:s11+$0xFFFFFF80] =	vst v1;
	v1 =	vld [tilespmem:s16+$0xFFFFFFD0]  }
0x38: {  	[tilespmem:s11+$0xFFFFFF90] =	vst v2;
	v2 =	vld [tilespmem:s16+$0xFFFFFFE0]  }
0x39: {  	[tilespmem:s11+$0xFFFFFFA0] =	vst v3;
	v3 =	vld [tilespmem:s16+$0xFFFFFFF0]  }
0x3a: {  	v4 =	vld [tilespmem:s16+$0xFFFFFF10];
	[tilespmem:s11+$0xFFFFFFB0] =	vst v5;
	s16 =	sadd.s32 $0x100, s16  }
0x3b: {  	[tilespmem:s11+$0xFFFFFFC0] =	vst v0  }
0x3c: {  	[tilespmem:s11+$0xFFFFFFD0] =	vst v1  }
0x3d: {  	[tilespmem:s11+$0xFFFFFFE0] =	vst v2  }
0x3e: {  	[tilespmem:s11+$0xFFFFFFF0] =	vst v3  }
0x3f: {  	[tilespmem:s11+$0xFFFFFF10] =	vst v4  }
.LBB2_7:
0x40: {  	s12 =	sadd.s32 $0x10, s12  }
0x41: {  	v0 =	vld [tilespmem:s14+$0x0];
	p1 =	slt.u32 s12, $0xC30  }
.Ltmp5:
0x42: {  	_ = 	snop;
	(pc) =	sbr.rel @p1 .LBB2_7-.Ltmp5, $2  }
0x43: {  	_ =	sdelay $0x2  }
0x44: {  	s14 =	sadd.s32 $0x10, s14;
	[tilespmem:s13+$0x0] =	vst v0;
	s13 =	sadd.s32 $0x10, s13  }
.Ltmp6:
0x45: {  	(pc) =	sbr.rel .LBB2_9-.Ltmp6, $4  }
0x46: {  	_ = 	snop  }
0x47: {  	s10 =	sshrl.u32 s10, $0x3  }
0x48: {  	s10 =	sadd.s32 s4, s10  }
0x49: {  	[hbm4b:s10+s6] =	stream.linear.scatter [tilespmem:s8], [sflag:$0x2], $0xC40, $0x38;
	[tilespmem:$0x3100] =	vst v63  }
.LBB2_2:
.Ltmp7:
0x4a: {  	(pc) =	sbr.rel .LBB2_10-.Ltmp7, $2  }
0x4b: {  	_ =	sdelay $0x2  }
0x4c: {  	[tilespmem:s7], [sflag:$0x1] =	stream.linear.gather [hbm4b:s5+s6], $0xC40, $0x38;
	[tilespmem:$0x3100] =	vst v63  }
.LBB2_11:
0x4d: {  	s2 =	simm.s32 $0x2  }
0x4e: {  	_ =	swait.ge [sflag:s2], $0xC40  }
0x4f: {  	[sflag:s2] =	ssyncset.done $0x0  }
0x50: {  	[sflag:s2] =	ssyncadd.s32 $0xFFFFF3C0  }
0x51: {  	_ =	sfence.sel $0x180000  }
0x52: {  	s3 =	simm.s32 $0x1;
	[bflag:$0x0] =	sbarrier.arrive $0xFFFF  }
0x53: {  	[sflag:s3] =	ssyncpa.u1 $0x1  }
0x54: {  	[sflag:s2] =	ssyncpa.u1 $0x1  }
0x55: {  	_ =	strace $0x90000047  }
0x56: {  	s0 =	sadd.s32 @!p0 $0x100000, s0;
	[bflag:$0x2] =	sbarrier.arrive $0xFFFF  }
0x57: {  	[sflag:s0] =	ssyncadd.tile.s32 @!p0 $0x1;
	s0 =	simm.s32 @!p0 $0x3F  }
0x58: {  	_ =	swait.ge @!p0 [sflag:s0], s1  }
0x59: {  	s1 =	ssub.s32 @!p0 $0x0, s1;
	[sflag:s0] =	ssyncset.done @!p0 $0x0  }
0x5a: {  	[sflag:s0] =	ssyncadd.s32 @!p0 s1  }
0x5b: {  	[bflag:$0x3] =	sbarrier.arrive $0xFFFF  }
0x5c: {  	_ =	shalt  }
.Lfunc_end2:
execute1_lowered:
.L_overlay_start_2:
0x5d: {  	(tag) =	ssettag $0x2  }
0x5e: {  	s0 =	rddreg [dreg:$0x0]  }
0x5f: {  	s6 =	stileid.u32;
	_ =	strace $0x8000004A;
	s2 =	simm.s32 $0x1  }
0x60: {  	v1 =	vimm.s32 $0xFFFFFFFF;
	s1 =	smul.u32 $0x7, s6;
	[sflag:s2] =	ssyncpa.u1 $0x0  }
0x61: {  	s3 =	smin.u32 s6, $0xD;
	[tilespmem:$0x10] =	vst v1  }
0x62: {  	v0 =	vimm.f32 $0.0e+00;
	[tilespmem:$0x20] =	vst v1;
	s1 =	sadd.s32 s3, s1  }
0x63: {  	p0 =	slt.u32 s6, $0xD;
	[tilespmem:$0x30] =	vst v0;
	s3 =	smul.u32 $0x1A90, s1;
	s1 =	simm.s32 $0xD480  }
0x64: {  	[tilespmem:$0x40] =	vst v0;
	s1 =	simm.s32 @!p0 $0xB9F0  }
0x65: {  	[tilespmem:$0x50] =	vst v0;
	s1 =	sadd.s32 s1, s3  }
0x66: {  	[tilespmem:$0x60] =	vst v1;
	s4 =	smin.u32 s1, $0xCF850  }
0x67: {  	s7 =	simm.s32 $0x2;
	[tilespmem:$0x70] =	vst v1;
	s9 =	ssub.s32 s4, s3  }
0x68: {  	s8 =	simm.s32 $0x8;
	s31 =	simm.s32 $0x9;
	[tilespmem:$0x80] =	vst v1;
	p0 =	sgt.s32 s9, $0x0  }
0x69: {  	s16 =	simm.s32 $0x0;
	s17 =	simm.s32 $0xF0;
	v1 =	vimm.s32 $0x0;
	[tilespmem:$0xB0] =	vst v0;
	s9 =	simm.s32 @!p0 $0x0  }
0x6a: {  	s18 =	simm.s32 $0xFFFFFFFF;
	s19 =	simm.s32 $0xFFFFCBE0;
	[tilespmem:$0x90] =	vst v1;
	s5 =	smulhi.u32 $0x134679AD, s9  }
0x6b: {  	s20 =	simm.s32 $0xFFFFFFFE;
	[tilespmem:$0xA0] =	vst v1;
	[sflag:s7] =	ssyncpa.u1 $0x0;
	s7 =	simm.s32 $0x7  }
0x6c: {  	s21 =	simm.s32 $0xF;
	[sflag:s7] =	ssyncpa.u1 $0x0;
	s10 =	sshrl.u32 s5, $0x9  }
0x6d: {  	s25 =	simm.s32 $0x0;
	[sflag:s8] =	ssyncpa.u1 $0x0;
	s11 =	smul.u32 $0x1A90, s10  }
0x6e: {  	s24 =	simm.s32 $0x0;
	s14 =	sshllo.u32 s6, $0x1;
	[sflag:s31] =	ssyncpa.u1 $0x0  }
.Ltmp8:
0x6f: {  	s1 =	sadd.s32 $0x4EE00, s0;
	p0 =	sne.s32 s9, s11;
	(pc) =	sbr.rel .LBB3_1-.Ltmp8, $4  }
0x70: {  	s5 =	sadd.s32 $0x7EA00, s0;
	s0 =	sadd.s32 $0xE5600, s0;
	s2 =	simm.s32 @!p0 $0x0  }
0x71: {  	s23 =	smov.u32 s3;
	[dreg:$0x2] =	wrdreg s0;
	s9 =	sadd.s32 s2, s10  }
0x72: {  	vm0 =	vmmov $0xffff;
	v2 =	vlaneseq.u32;
	p0 =	por $0x0, $0x0;
	s10 =	sshll.u32 s6, $0x1;
	s11 =	sadd.s32 $0x1, s9  }
0x73: {  	vm1 =	vmxor vm1, vm1;
	vm2 =	vmmov $0x1;
	vm3 =	vcmask $0x3F3C;
	s12 =	sadd.s32 $0x2, s9;
	s13 =	sor.u32 $0x81, s10;
	s15 =	sor.u32 $0x80, s10  }
.LBB3_9:
0x74: {  	p1 =	slt.u32 s24, $0x3  }
0x75: {  	s0 =	simm.s32 @!p1 $0x2  }
0x76: {  	_ =	swait.ge @!p1 [sflag:s0], $0x1A90  }
0x77: {  	[sflag:s0] =	ssyncset.done @!p1 $0x0  }
0x78: {  	[sflag:s0] =	ssyncadd.s32 @!p1 $0xFFFFE570;
	s0 =	simm.s32 @!p1 $0x9  }
0x79: {  	_ =	swait.ge @!p1 [sflag:s0], $0x10  }
0x7a: {  	[sflag:s0] =	ssyncset.done @!p1 $0x0  }
0x7b: {  	[sflag:s0] =	ssyncadd.s32 @!p1 $0xFFFFFFF0;
	p1 =	sne.s32 s24, s12  }
.Ltmp9:
0x7c: {  	s2 =	sadd.s32 $0x1A90, s23;
	(pc) =	sbr.rel @!p1 .LBB3_10-.Ltmp9, $4  }
0x7d: {  	s6 =	smov.u32 s3;
	s31 =	sadd.s32 $0x1, s24;
	s17 =	sadd.s32 $0x1A90, s17  }
0x7e: {  	s18 =	sadd.s32 $0x1, s18;
	s25 =	smov.u32 s23;
	p2 =	slt.s32 s2, s4  }
0x7f: {  	p0 =	por !p0, !p0;
	s19 =	sadd.s32 $0x1A90, s19;
	s6 =	smov.u32 @p2 s2  }
0x80: {  	s20 =	sadd.s32 $0x1, s20;
	s23 =	smov.u32 s6;
	s24 =	smov.u32 s31  }
.LBB3_1:
0x81: {  	p1 =	sge.u32 s24, s9  }
0x82: {  	s0 =	smulhi.u32 @!p1 $0xAAAAAAAB, s24;
	_ =	sdelay $0x1  }
0x83: {  	s0 =	sshrl.u32 @!p1 s0, $0x1  }
0x84: {  	s0 =	smul.u32 @!p1 $0x3, s0;
	_ =	sdelay $0x1  }
0x85: {  	s0 =	ssub.s32 @!p1 s24, s0  }
0x86: {  	s0 =	smul.u32 @!p1 $0x6A40, s0;
	_ =	sdelay $0x1  }
0x87: {  	s2 =	sshrl.u32 @!p1 s23, $0x3;
	s0 =	sshrl.u32 @!p1 s0, $0x2  }
0x88: {  	s22 =	sand.u32 @!p1 $0x7, s23;
	s2 =	sadd.s32 @!p1 s5, s2;
	s0 =	sadd.s32 @!p1 $0x100, s0  }
0x89: {  	[tilespmem:s0], [sflag:$0x7] =	stream.linear.gather @!p1 [hbm4b:s2+s22], $0x1A90, $0x38;
	[tilespmem:$0xF030] =	vst v63  }
0x8a: {  	s0 =	sadd.s32 $0xFFFFFFFF, s24  }
0x8b: {  	p1 =	sge.u32 s0, s9  }
.Ltmp10:
0x8c: {  	_ = 	snop;
	(pc) =	sbr.rel @p1 .LBB3_5-.Ltmp10, $1  }
0x8d: {  	_ =	sdelay $0x3  }
0x8e: {  	s2 =	smulhi.u32 $0xAAAAAAAB, s0;
	_ =	sdelay $0x1  }
0x8f: {  	s2 =	sshrl.u32 s2, $0x1  }
0x90: {  	s2 =	smul.u32 $0x3, s2;
	_ =	sdelay $0x1  }
0x91: {  	s2 =	ssub.s32 s0, s2  }
0x92: {  	s2 =	smul.u32 $0x6A40, s2  }
0x93: {  	_ =	swait.ge [sflag:s7], $0x1A90  }
0x94: {  	[sflag:s7] =	ssyncset.done $0x0;
	s2 =	sshrl.u32 s2, $0x2  }
0x95: {  	[sflag:s7] =	ssyncadd.s32 $0xFFFFE570;
	(ifvalue) =	ssetifvalue $0xFFFFFFFF;
	v3 =	vld.msk [tilespmem:s2+$0x100 ss:$0x1], $0xffff;
	_ =	sdelay $0x2  }
0x96: {  	s30 =	smulhi.u32 $0xAAAAAAAB, s18;
	p1 =	sne.s32 s24, $0x1  }
0x97: {  	v4 =	vimm.s32 @!p1 $0x0  }
0x98: {  	s2 =	sshrl.u32 s30, $0x1;
	v4 =	vperm.xlane @!p1 v3, v4  }
0x99: {  	s22 =	sshll.u32 s24, $0x4;
	s2 =	smul.u32 $0xFFFEC140, s2;
	vm4 =	vlt.u32 v3, $0xC400  }
0x9a: {  	s22 =	sand.u32 $0x10, s22;
	v3 =	vnsel vm4, $0xFFFFFFFE, v3;
	vm4 =	vlt.u32 @!p1 v4, $0xC400  }
0x9b: {  	s2 =	sshra.s32 s2, $0x2;
	[tilespmem:s22+$0x60] =	vst v3;
	v3 =	vnsel @!p1 vm4, $0xFFFFFFFE, v4  }
0x9c: {  	s28 =	sadd.s32 s2, s17;
	[tilespmem:$0x80] =	vst @!p1 v3  }
0x9d: {  	v3 =	vld.msk [tilespmem:s28+$0x0 ss:$0x1], $0xffff;
	_ =	sdelay $0x4  }
0x9e: {  	(xrf1) =	vunique.msk.u32 $0xffff, v3;
	_ =	sdelay $0xd  }
0x9f: {  	v4 =	vimm.s32 $0xFFFFFFFF;
	v5, _, _ =	vpop (xrf1)  }
0xa0: {  	vm5 =	vne.s32 v3, v4;
	vm4 =	veq.s32 v5, v2  }
0xa1: {  	vm6 =	vlt.u32 v3, $0xC400;
	vm4 =	vmand vm5, vm4  }
0xa2: {  	vm4 =	vmand vm6, vm4  }
0xa3: {  	v4 =	vnsel vm4, $0xFFFFFFFF, v3  }
0xa4: {  	s31 =	sand.u32 $0x1, s0  }
0xa5: {  	s0 =	simm.s32 $0x1A90;
	p1 =	seq.s32 s31, $0x1  }
0xa6: {  	s0 =	simm.s32 @!p1 $0x0  }
0xa7: {  	s26 =	sadd.s32 $0x6B30, s0;
	(ifvalue) =	ssetifvalue $0xFFFFFFFF  }
0xa8: {  	v3 =	vperm.xlane v3, v1;
	[tilespmem:s26], [sflag:$0x8] =	stream.indirect_vreg.gather [hbm4b:s1+s16], $0x1, v4, vm0, $0x4038;
	v4 =	vnsel vm6, $0xFFFFFFFE, v4;
	[tilespmem:$0xF030] =	vst v63  }
0xa9: {  	s2 =	simm.s32 $0x0;
	s22 =	sadd.s32 $0xFFFFFFF0, s28;
	[tilespmem:s28+$0x0] =	vst v4  }
.LBB3_3:
0xaa: {  	v4 =	vld.msk [tilespmem:s22+$0x0 ss:$0x1], $0xffff;
	s2 =	sadd.s32 $0x10, s2;
	v5 =	vmov v3;
	s28 =	smov.u32 s22  }
0xab: {  	p1 =	slt.u32 s2, $0x1A80;
	_ =	sdelay $0x4  }
0xac: {  	v3 =	vperm.xlane v4, v1;
	(xrf1) =	vunique.msk.u32 $0xffff, v4;
	_ =	sdelay $0xd  }
0xad: {  	v6, _, _ =	vpop (xrf1)  }
0xae: {  	vm5 =	vne.s32 v4, v5;
	vm4 =	veq.s32 v6, v2  }
0xaf: {  	vm6 =	vlt.u32 v4, $0xC400;
	vm4 =	vmand vm5, vm4  }
0xb0: {  	vm4 =	vmand vm6, vm4  }
0xb1: {  	v4 =	vnsel vm4, $0xFFFFFFFF, v4  }
.Ltmp11:
0xb2: {  	v5 =	vnsel vm6, $0xFFFFFFFE, v4;
	(pc) =	sbr.rel @p1 .LBB3_3-.Ltmp11, $3  }
0xb3: {  	_ =	sdelay $0x1  }
0xb4: {  	s22 =	sadd.s32 $0xFFFFFFF0, s22;
	s26 =	sadd.s32 $0xFFFFFFF0, s26;
	(ifvalue) =	ssetifvalue $0xFFFFFFFF  }
0xb5: {  	[tilespmem:s26], [sflag:$0x8] =	stream.indirect_vreg.gather [hbm4b:s1+s16], $0x1, v4, vm0, $0x4038;
	[tilespmem:s28+$0x0] =	vst v5  }
0xb6: {  	s2 =	sshrl.u32 s25, $0x3;
	s6 =	rddreg [dreg:$0x2]  }
0xb7: {  	s0 =	sadd.s32 $0x85D0, s0;
	s2 =	sadd.s32 s6, s2  }
0xb8: {  	[tilespmem:s0], [sflag:$0x8] =	stream.linear.gather [hbm:s2], $0x1A90, $0x38;
	[tilespmem:$0xF030] =	vst v63  }
.LBB3_5:
0xb9: {  	p1 =	slt.u32 s24, $0x2  }
0xba: {  	p2 =	sge.u32 @!p1 s24, s12  }
0xbb: {  	p1 =	por p1, p2  }
.Ltmp12:
0xbc: {  	_ = 	snop;
	(pc) =	sbr.rel @p1 .LBB3_9-.Ltmp12, $1  }
0xbd: {  	_ =	sdelay $0x3  }
0xbe: {  	s0 =	sadd.s32 $0xFFFFFFFE, s24  }
0xbf: {  	s2 =	smulhi.u32 $0xAAAAAAAB, s0;
	_ =	sdelay $0x1  }
0xc0: {  	s2 =	sshrl.u32 s2, $0x1  }
0xc1: {  	s2 =	smul.u32 $0x3, s2;
	_ =	sdelay $0x1  }
0xc2: {  	s0 =	ssub.s32 s0, s2  }
0xc3: {  	_ =	swait.ge [sflag:s8], $0x3520;
	s0 =	smul.u32 $0x1A90, s0  }
0xc4: {  	p1 =	sne.s32 s24, s11;
	[sflag:s8] =	ssyncset.done $0x0  }
0xc5: {  	[sflag:s8] =	ssyncadd.s32 $0xFFFFCAE0;
	s2 =	sadd.s32 @!p1 $0x1B8F, s0  }
0xc6: {  	[spmem:s13] =	stream.linear.scatter @!p1 [tilespmem:s2], [sflag:$0x1], $0x1, $0x38;
	[tilespmem:$0xF030] =	vst v63  }
0xc7: {  	s2 =	simm.s32 @!p1 $0x1  }
0xc8: {  	_ =	swait.ge @!p1 [sflag:s2], $0x1  }
0xc9: {  	s22 =	sshll.u32 s24, $0x4;
	[sflag:s2] =	ssyncset.done @!p1 $0x0  }
0xca: {  	s25 =	sand.u32 $0x10, s22;
	[sflag:s2] =	ssyncadd.s32 @!p1 $0xFFFFFFFF  }
0xcb: {  	s2 =	sxor.u32 $0x10, s25;
	v4 =	vld [tilespmem:s25+$0x10]  }
0xcc: {  	v5 =	vld [tilespmem:s2+$0x60]  }
0xcd: {  	v3 =	vld [tilespmem:$0x80];
	_ =	sdelay $0x2  }
0xce: {  	(v2sf) =	vpush v4, $0x0  }
0xcf: {  	(v2sf) =	vpush v5, $0x0  }
0xd0: {  	(v2sf) =	vpush v3, $0x0;
	_ =	sdelay $0xc  }
0xd1: {  	s6 =	spop (v2sf)  }
0xd2: {  	s28 =	spop (v2sf)  }
0xd3: {  	s26 =	spop (v2sf)  }
0xd4: {  	p2 =	seq.s32 s6, s28;
	p3 =	seq.s32 s26, s6  }
0xd5: {  	p3 =	por p2, p3  }
0xd6: {  	s6 =	sand.u32 $0x1, s24;
	v4 =	vpsel p3, $0xFFFFFFFF, v4  }
0xd7: {  	s28 =	smul.u32 $0x1A90, s6;
	[tilespmem:s25+$0x10] =	vst.msk $0x1, v4  }
0xd8: {  	v4 =	vld [tilespmem:$0x30]  }
0xd9: {  	v5 =	vld [tilespmem:s28+$0x85D0]  }
0xda: {  	v6 =	vld [tilespmem:s25+$0x40];
	_ =	sdelay $0x3  }
0xdb: {  	vm4 =	vmmov vm1;
	v5 =	vadd.f32 v5, v4  }
0xdc: {  	vm5 =	vmmov vm2;
	vm4 =	vmmov @p2 vm2;
	v4 =	vadd.f32 v6, v4  }
0xdd: {  	s22 =	sshll.u32 s6, $0x4;
	vm5 =	vmmov @p3 vm1;
	[tilespmem:s28+$0x85D0] =	vst.msk vm4, v5  }
0xde: {  	[tilespmem:s22+$0xF010] =	vst.msk vm5, v4  }
0xdf: {  	v4 =	vld [tilespmem:s28+$0x6B30];
	_ =	sdelay $0x3  }
0xe0: {  	v5 =	vimm.f32 $0.0e+00  }
0xe1: {  	v4 =	vshift.insert v4, v5, s21  }
0xe2: {  	s29 =	sor.u32 $0x40, s2  }
0xe3: {  	[tilespmem:s29+$0x0] =	vst.msk $0x1, v4  }
0xe4: {  	[tilespmem:s28+$0x6B3F] =	vst.msk $0x1, v5  }
0xe5: {  	v4 =	vld [tilespmem:s0+$0x1B80];
	_ =	sdelay $0x1  }
0xe6: {  	s29 =	smulhi.u32 $0xAAAAAAAB, s20;
	s0 =	simm.s32 $0x1  }
0xe7: {  	s0 =	simm.s32 @!p0 $0x0  }
0xe8: {  	s29 =	sshrl.u32 s29, $0x1;
	s0 =	smul.u32 $0x6A40, s0  }
0xe9: {  	s29 =	smul.u32 $0xFFFEC140, s29;
	v4 =	vshift.insert v4, v1, s21  }
0xea: {  	s0 =	sshrl.u32 s0, $0x2  }
0xeb: {  	s29 =	sshra.s32 s29, $0x2;
	s30 =	sadd.s32 $0x85D0, s0;
	[tilespmem:s2+$0x10] =	vst.msk $0x1, v4  }
0xec: {  	s6 =	sadd.s32 s29, s19;
	v6 =	vld [tilespmem:s30+$0x0]  }
0xed: {  	v7 =	vld [tilespmem:s6+$0x0];
	_ =	sdelay $0x3  }
0xee: {  	v5 =	vadd.f32 v6, v5  }
0xef: {  	vm4 =	vne.s32 v7, $0xFFFFFFFF  }
0xf0: {  	(xrf2) =	vadd.seg.scan.f32 vm4, v5;
	_ =	sdelay $0x3  }
0xf1: {  	s31 =	sadd.s32 $0x50B0, s0;
	v5 =	vperm.xlane v4, v1  }
0xf2: {  	v6 =	vld [tilespmem:s31+$0x0]  }
0xf3: {  	vm5 =	veq.s32 v7, v3;
	vm6 =	veq.s32 v7, v5  }
0xf4: {  	vm7 =	vgt.u32 v7, $0xFFFFFFFD;
	vm6 =	vmor vm6, vm5  }
0xf5: {  	vm6 =	vmor vm6, vm7  }
0xf6: {  	v9 =	vld [tilespmem:$0xA0];
	v7 =	vsel vm6, $0xFFFFFFFF, v7  }
0xf7: {  	v10 =	vld [tilespmem:$0x90];
	v6 =	vsel vm5, $0x0, v6;
	v8, _, _ =	vpop (xrf2)  }
0xf8: {  	v6 =	vadd.f32 v8, v6  }
0xf9: {  	s0 =	sadd.s32 $0xBAF0, s0  }
0xfa: {  	vm4 =	vmand vm4, vm3;
	[tilespmem:s0+$0x0] =	vst v6;
	(ifvalue) =	ssetifvalue $0xFFFFFFFF  }
0xfb: {  	vm6 =	veq.s32 v9, $0x1;
	[hbm4b:s1+s16] =	stream.indirect_vreg.scatter [tilespmem:s0], [sflag:$0x2], $0x1, v7, vm0, $0x4038;
	v7 =	vsel vm4, $0x0, v8;
	[tilespmem:$0xF030] =	vst v63  }
0xfc: {  	s29 =	sadd.s32 $0xF010, s22;
	s22 =	sadd.s32 $0x10, s6;
	s2 =	simm.s32 $0x0;
	vm4 =	vmor vm6, vm5;
	v6 =	vsel vm5, v8, v10;
	v7 =	vshift.insert v7, v0, s21  }
.LBB3_7:
0xfd: {  	v8 =	vld [tilespmem:s22+$0x0];
	s30 =	sadd.s32 $0x10, s30  }
0xfe: {  	s31 =	sadd.s32 $0x10, s31;
	v9 =	vld [tilespmem:s30+$0x0]  }
0xff: {  	s2 =	sadd.s32 $0x10, s2;
	v10 =	vld [tilespmem:s31+$0x0]  }
0x100: {  	p2 =	slt.u32 s2, $0x1A80;
	_ =	sdelay $0x2  }
0x101: {  	v7 =	vadd.f32 v9, v7  }
0x102: {  	vm5 =	vne.s32 v8, $0xFFFFFFFF  }
0x103: {  	vm6 =	vmand vm5, vm3;
	(xrf2) =	vadd.seg.scan.f32 vm5, v7;
	_ =	sdelay $0x5  }
0x104: {  	vm7 =	veq.s32 v8, v5;
	vm5 =	veq.s32 v8, v3  }
0x105: {  	vm8 =	vgt.u32 v8, $0xFFFFFFFD;
	vm4 =	vmor vm4, vm5;
	vm7 =	vmor vm7, vm5  }
0x106: {  	vm7 =	vmor vm7, vm8  }
0x107: {  	v8 =	vsel vm7, $0xFFFFFFFF, v8  }
.Ltmp13:
0x108: {  	v7 =	vsel vm5, $0x0, v10;
	v9, _, _ =	vpop (xrf2);
	(pc) =	sbr.rel @p2 .LBB3_7-.Ltmp13, $4  }
0x109: {  	v6 =	vsel vm5, v9, v6;
	v10 =	vadd.f32 v9, v7;
	v7 =	vsel vm6, $0x0, v9  }
0x10a: {  	s0 =	sadd.s32 $0x10, s0;
	v7 =	vshift.insert v7, v0, s21  }
0x10b: {  	s22 =	sadd.s32 $0x10, s22;
	[tilespmem:s0+$0x0] =	vst v10;
	(ifvalue) =	ssetifvalue $0xFFFFFFFF  }
0x10c: {  	[hbm4b:s1+s16] =	stream.indirect_vreg.scatter [tilespmem:s0], [sflag:$0x2], $0x1, v8, vm0, $0x4038;
	[tilespmem:$0xF030] =	vst v63  }
0x10d: {  	v3 =	vld [tilespmem:s28+$0xD570];
	_ =	sdelay $0x4  }
0x10e: {  	v3 =	vshift.insert v3, v0, s21  }
0x10f: {  	s0 =	simm.s32 $0x30  }
0x110: {  	[tilespmem:s0+$0x0] =	vst.msk $0x1, v3  }
0x111: {  	v3 =	vsel vm4, $0x1, v1;
	[tilespmem:$0x90] =	vst v6  }
0x112: {  	s0 =	sadd.s32 @!p1 $0xD57F, s28;
	[tilespmem:$0xA0] =	vst v3  }
0x113: {  	[spmem:s14] =	stream.linear.scatter @!p1 [tilespmem:s0], [sflag:$0x1], $0x1, $0x38;
	[tilespmem:$0xF030] =	vst v63  }
0x114: {  	s0 =	simm.s32 @!p1 $0x1  }
0x115: {  	v3 =	vmctz.xlane @!p1 vm4;
	_ =	swait.ge @!p1 [sflag:s0], $0x1  }
0x116: {  	(v2sf) =	vpush @!p1 v4, $0x0  }
0x117: {  	(v2sf) =	vpush @!p1 v3, $0x0;
	_ =	sdelay $0xd  }
0x118: {  	s2 =	spop @!p1 (v2sf)  }
0x119: {  	s6 =	spop @!p1 (v2sf)  }
0x11a: {  	p2 =	sne.s32 @!p1 s26, s2;
	p3 =	slt.s32 @!p1 s6, $0xF  }
0x11b: {  	[sflag:s0] =	ssyncset.done @!p1 $0x0;
	p2 =	por p2, p1;
	p3 =	por !p3, p1  }
0x11c: {  	[sflag:s0] =	ssyncadd.s32 @!p1 $0xFFFFFFFF;
	v3 =	vimm.s32 @!p2 $0xFFFFFFFF;
	s6 =	simm.s32 @p3 $0xF  }
0x11d: {  	[tilespmem:$0x80] =	vst @!p2 v3;
	s2 =	sadd.s32 @!p1 $0x90, s6  }
0x11e: {  	[spmem:s10] =	stream.linear.scatter @!p1 [tilespmem:s2], [sflag:$0x1], $0x1, $0x38;
	[tilespmem:$0xF030] =	vst v63  }
0x11f: {  	_ =	swait.ge @!p1 [sflag:s0], $0x1  }
0x120: {  	[sflag:s0] =	ssyncset.done @!p1 $0x0  }
0x121: {  	s2 =	simm.s32 @!p1 $0x80;
	[sflag:s0] =	ssyncadd.s32 @!p1 $0xFFFFFFFF  }
0x122: {  	[spmem:s15] =	stream.linear.scatter @!p1 [tilespmem:s2], [sflag:$0x1], $0x1, $0x38;
	[tilespmem:$0xF030] =	vst v63  }
0x123: {  	_ =	swait.ge @!p1 [sflag:s0], $0x1  }
0x124: {  	[sflag:s0] =	ssyncset.done @!p1 $0x0  }
0x125: {  	[sflag:s0] =	ssyncadd.s32 @!p1 $0xFFFFFFFF;
	(ifvalue) =	ssetifvalue $0xFFFFFFFF;
	v3 =	vld [tilespmem:s25+$0x10];
	_ =	sdelay $0x3  }
.Ltmp14:
0x126: {  	_ = 	snop;
	(pc) =	sbr.rel .LBB3_9-.Ltmp14, $3  }
0x127: {  	_ =	sdelay $0x1  }
0x128: {  	(ifvalue) =	ssetifvalue $0xFFFFFFFF  }
0x129: {  	[hbm4b:s1+s16] =	stream.indirect_vreg.scatter [tilespmem:s29], [sflag:$0x9], $0x1, v3, vm0, $0x4038;
	[tilespmem:$0xF030] =	vst v63  }
.LBB3_10:
0x12a: {  	_ =	sfence.sel $0x180000  }
0x12b: {  	s0 =	simm.s32 $0x7;
	[bflag:$0x0] =	sbarrier.arrive $0xFFFF  }
0x12c: {  	s26 =	simm.s32 $0x8;
	[sflag:s0] =	ssyncpa.u1 $0x1  }
0x12d: {  	s28 =	simm.s32 $0x9;
	[sflag:s26] =	ssyncpa.u1 $0x1  }
0x12e: {  	[sflag:s28] =	ssyncpa.u1 $0x1  }
0x12f: {  	_ =	sfence.stream.spmem  }
0x130: {  	s29 =	simm.s32 $0x3;
	[bflag:$0x0] =	sbarrier.arrive $0xFFFF  }
0x131: {  	s30 =	simm.s32 $0x4;
	[sflag:s29] =	ssyncpa.u1 $0x1  }
0x132: {  	s31 =	simm.s32 $0x3C;
	s2 =	stileid.u32;
	[sflag:s30] =	ssyncpa.u1 $0x1  }
0x133: {  	p0 =	sne.s32 s2, $0x0;
	[sflag:s31] =	ssyncpa.u1 $0x1  }
0x134: {  	s0 =	simm.s32 @p0 $0x1;
	_ =	sfence @p0  }
0x135: {  	[sflag:s0] =	ssyncpa.u1 @p0 $0x1;
	s0 =	simm.s32 @p0 $0x2  }
0x136: {  	[sflag:s0] =	ssyncpa.u1 @p0 $0x1  }
0x137: {  	_ =	strace @p0 $0x9000004A  }
0x138: {  	[bflag:$0x2] =	sbarrier.arrive @p0 $0xFFFF  }
0x139: {  	_ =	shalt @p0  }
.LBB3_11:
0x13a: {  	_ =	sfence.stream.spmem;
	s0 =	simm.s32 $0x5  }
0x13b: {  	s2 =	simm.s32 $0x80;
	s3 =	simm.s32 $0xC0;
	[sflag:s0] =	ssyncpa.u1 $0x0  }
0x13c: {  	[tilespmem:s3], [sflag:$0x5] =	stream.linear.gather [spmem:s2], $0x20, $0x38;
	[tilespmem:$0xF030] =	vst v63  }
0x13d: {  	s2 =	simm.s32 $0x0;
	s3 =	simm.s32 $0xE0  }
0x13e: {  	[tilespmem:s3], [sflag:$0x5] =	stream.linear.gather [spmem:s2], $0x20, $0x38;
	[tilespmem:$0xF030] =	vst v63  }
.Ltmp15:
0x13f: {  	_ = 	snop;
	(pc) =	sbr.rel .LBB3_12-.Ltmp15, $4  }
0x140: {  	_ =	swait.ge [sflag:s0], $0x40  }
0x141: {  	[sflag:s0] =	ssyncset.done $0x0  }
0x142: {  	s31 =	simm.s32 $0x6;
	[sflag:s0] =	ssyncadd.s32 $0xFFFFFFC0  }
0x143: {  	s4 =	simm.s32 $0x0;
	[sflag:s31] =	ssyncpa.u1 $0x0  }
.LBB3_17:
0x144: {  	p0 =	sgt.u32 s5, $0xC3FF  }
0x145: {  	s0 =	sshrl.u32 @!p0 s5, $0x3  }
0x146: {  	s5 =	sand.u32 @!p0 $0x7, s5;
	s6 =	simm.s32 @!p0 $0xB0;
	s0 =	sadd.s32 @!p0 s1, s0  }
0x147: {  	[tilespmem:s6], [sflag:$0x6] =	stream.linear.gather @!p0 [hbm4b:s0+s5], $0x1, $0x38;
	[tilespmem:$0xF030] =	vst v63  }
0x148: {  	s0 =	simm.s32 @!p0 $0x6  }
0x149: {  	_ =	swait.ge @!p0 [sflag:s0], $0x1  }
0x14a: {  	[sflag:s0] =	ssyncset.done @!p0 $0x0  }
0x14b: {  	[sflag:s0] =	ssyncadd.s32 @!p0 $0xFFFFFFFF  }
0x14c: {  	v2 =	vmov @!p0 s4;
	v1 =	vld.msk @!p0 [tilespmem:$0xB0], $0x1;
	_ =	sdelay $0x3  }
0x14d: {  	s0 =	simm.s32 @!p0 $0xE0  }
0x14e: {  	[tilespmem:v2+s0+$0x0], v1 =	vst.idx.ret.add.f32.msk @!p0 $0x1, v1  }
0x14f: {  	[tilespmem:s2+$0xC0] =	vst.msk $0x1, v0  }
0x150: {  	v0 =	vld.msk [tilespmem:s4+$0xE0], $0x1;
	_ =	sdelay $0x4  }
0x151: {  	[tilespmem:s2+$0xE0] =	vst.msk $0x1, v0;
	s2 =	sadd.s32 $0x1, s2  }
.LBB3_19:
0x152: {  	s4 =	sadd.s32 $0x1, s4  }
0x153: {  	p0 =	sne.s32 s4, $0x20  }
.Ltmp16:
0x154: {  	_ = 	snop;
	(pc) =	sbr.rel @!p0 .LBB3_20-.Ltmp16, $1  }
0x155: {  	_ =	sdelay $0x3  }
.LBB3_12:
0x156: {  	v0 =	vld.msk [tilespmem:s4+$0xC0], $0x1;
	_ =	sdelay $0x4  }
0x157: {  	(v2sf) =	vpush v0, $0x0;
	_ =	sdelay $0xe  }
0x158: {  	s5 =	spop (v2sf)  }
0x159: {  	p0 =	seq.s32 s5, $0xFFFFFFFF  }
.Ltmp17:
0x15a: {  	_ = 	snop;
	(pc) =	sbr.rel @p0 .LBB3_19-.Ltmp17, $1  }
0x15b: {  	_ =	sdelay $0x3  }
0x15c: {  	p0 =	slt.s32 s2, $0x1  }
.Ltmp18:
0x15d: {  	_ = 	snop;
	(pc) =	sbr.rel @p0 .LBB3_17-.Ltmp18, $1  }
0x15e: {  	_ =	sdelay $0x3  }
0x15f: {  	s0 =	simm.s32 $0xC0;
	p0 =	por $0x0, $0x0  }
0x160: {  	v1 =	vld.msk @!p0 [tilespmem:s0+$0x0], $0x1;
	_ =	sdelay $0x4  }
0x161: {  	(v2sf) =	vpush @!p0 v1, $0x0;
	_ =	sdelay $0xd  }
0x162: {  	p2 =	sne.s32 s2, $0x1  }
.Ltmp19:
0x163: {  	s6 =	spop @!p0 (v2sf);
	(pc) =	sbr.rel @!p2 .LBB3_16-.Ltmp19, $4  }
0x164: {  	p1 =	seq.s32 @!p0 s5, s6  }
0x165: {  	s6 =	simm.s32 $0x0;
	p1 =	por !p1, p0  }
0x166: {  	s8 =	simm.s32 $0xFFFFFFFF;
	s6 =	simm.s32 @p1 $0xFFFFFFFF  }
0x167: {  	s7 =	simm.s32 $0x1;
	s6 =	smov.u32 @p0 s8  }
.LBB3_15:
0x168: {  	s8 =	smov.u32 s6;
	p0 =	sne.s32 s6, $0xFFFFFFFF  }
0x169: {  	s0 =	sadd.s32 $0x1, s0;
	s6 =	smov.u32 s7;
	s7 =	sadd.s32 $0x1, s7  }
0x16a: {  	p1 =	sne.s32 s2, s7;
	v1 =	vld.msk @!p0 [tilespmem:s0+$0x0], $0x1;
	_ =	sdelay $0x4  }
0x16b: {  	(v2sf) =	vpush @!p0 v1, $0x0;
	_ =	sdelay $0xe  }
.Ltmp20:
0x16c: {  	s9 =	spop @!p0 (v2sf);
	(pc) =	sbr.rel @p1 .LBB3_15-.Ltmp20, $4  }
0x16d: {  	p2 =	seq.s32 @!p0 s5, s9  }
0x16e: {  	p2 =	por !p2, p0  }
0x16f: {  	s6 =	simm.s32 @p2 $0xFFFFFFFF  }
0x170: {  	s6 =	smov.u32 @p0 s8  }
.LBB3_16:
0x171: {  	p0 =	sne.s32 s6, $0xFFFFFFFF  }
.Ltmp21:
0x172: {  	_ = 	snop;
	(pc) =	sbr.rel @!p0 .LBB3_17-.Ltmp21, $1  }
0x173: {  	_ =	sdelay $0x3  }
0x174: {  	v0 =	vld.msk [tilespmem:s4+$0xE0], $0x1;
	v1 =	vmov s6  }
.Ltmp22:
0x175: {  	_ = 	snop;
	(pc) =	sbr.rel .LBB3_19-.Ltmp22, $2  }
0x176: {  	_ =	sdelay $0x2  }
0x177: {  	[tilespmem:v1+s3+$0x0], v0 =	vst.idx.ret.add.f32.msk $0x1, v0  }
.LBB3_20:
0x178: {  	p0 =	slt.s32 s2, $0x1  }
.Ltmp23:
0x179: {  	_ = 	snop;
	(pc) =	sbr.rel @p0 .LBB3_24-.Ltmp23, $3  }
0x17a: {  	_ =	sdelay $0x1  }
0x17b: {  	s0 =	simm.s32 $0x6  }
0x17c: {  	s3 =	simm.s32 $0x0;
	[sflag:s0] =	ssyncpa.u1 $0x1  }
0x17d: {  	s0 =	simm.s32 $0xC0  }
0x17e: {  	v0 =	vld.msk [tilespmem:s0+$0x0], $0x1;
	_ =	sdelay $0x4  }
0x17f: {  	(v2sf) =	vpush v0, $0x0;
	_ =	sdelay $0xe  }
0x180: {  	s2 =	sadd.s32 $0xFFFFFFFF, s2;
	s4 =	spop (v2sf)  }
0x181: {  	p1 =	sne.s32 s2, $0x0;
	p0 =	sgt.u32 s4, $0xC3FF  }
.Ltmp24:
0x182: {  	s5 =	sshrl.u32 @!p0 s4, $0x3;
	(pc) =	sbr.rel @!p1 .LBB3_23-.Ltmp24, $4  }
0x183: {  	s0 =	simm.s32 $0xE0;
	s4 =	sand.u32 @!p0 $0x7, s4;
	s5 =	sadd.s32 @!p0 s1, s5  }
0x184: {  	[hbm4b:s5+s4] =	stream.linear.scatter @!p0 [tilespmem:s0], [sflag:$0x5], $0x1, $0x38;
	[tilespmem:$0xF030] =	vst v63  }
0x185: {  	s5 =	simm.s32 $0x0  }
0x186: {  	s4 =	simm.s32 $0xC1;
	s5 =	simm.s32 @!p0 $0x4  }
.LBB3_22:
0x187: {  	v0 =	vld.msk [tilespmem:s4+$0x0], $0x1;
	s2 =	sadd.s32 $0xFFFFFFFF, s2;
	s3 =	sadd.s32 s3, s5  }
0x188: {  	p0 =	sne.s32 s2, $0x0;
	_ =	sdelay $0x3  }
0x189: {  	(v2sf) =	vpush v0, $0x0;
	_ =	sdelay $0xe  }
.Ltmp25:
0x18a: {  	s6 =	spop (v2sf);
	(pc) =	sbr.rel @p0 .LBB3_22-.Ltmp25, $4  }
0x18b: {  	s5 =	simm.s32 $0x0;
	p1 =	sgt.u32 s6, $0xC3FF  }
0x18c: {  	s0 =	sadd.s32 $0x1, s0;
	s5 =	simm.s32 @!p1 $0x4;
	s7 =	sshrl.u32 @!p1 s6, $0x3  }
0x18d: {  	s4 =	sadd.s32 $0x1, s4;
	s6 =	sand.u32 @!p1 $0x7, s6;
	s7 =	sadd.s32 @!p1 s1, s7  }
0x18e: {  	[hbm4b:s7+s6] =	stream.linear.scatter @!p1 [tilespmem:s0], [sflag:$0x5], $0x1, $0x38;
	[tilespmem:$0xF030] =	vst v63  }
.LBB3_23:
0x18f: {  	s0 =	sadd.s32 s3, s5  }
0x190: {  	s3 =	sshrl.u32 s0, $0x2  }
.LBB3_24:
0x191: {  	s0 =	simm.s32 $0x5  }
0x192: {  	_ =	swait.ge [sflag:s0], s3  }
0x193: {  	s1 =	ssub.s32 $0x0, s3;
	[sflag:s0] =	ssyncset.done $0x0  }
0x194: {  	[sflag:s0] =	ssyncadd.s32 s1  }
0x195: {  	[sflag:s0] =	ssyncpa.u1 $0x1  }
0x196: {  	s29 =	simm.s32 $0x1;
	_ =	sfence  }
0x197: {  	s30 =	simm.s32 $0x2;
	[sflag:s29] =	ssyncpa.u1 $0x1  }
0x198: {  	[sflag:s30] =	ssyncpa.u1 $0x1  }
0x199: {  	_ =	strace $0x9000004A  }
0x19a: {  	[bflag:$0x2] =	sbarrier.arrive $0xFFFF  }
0x19b: {  	s31 =	rddreg [dreg:$0x1]  }
0x19c: {  	s0 =	sadd.s32 $0x100000, s31  }
0x19d: {  	[sflag:s0] =	ssyncadd.tile.s32 $0x1;
	_ =	shalt  }
.Lfunc_end3:
_tile_overlayer_lowered:
.L_overlay_start_3:
0x19e: {  	(tag) =	ssettag $0x3  }
0x19f: {  	s0 =	rddreg [dreg:$0x0];
	s2 =	stileid.u32  }
0x1a0: {  	s1 =	rddreg [dreg:$0x1];
	p0 =	sne.s32 s2, $0x0  }
0x1a1: {  	s3 =	rddreg [dreg:$0x2];
	[bflag:$0x3] =	sbarrier.arrive $0xFFFF;
	s2 =	simm.s32 @!p0 $0x1C01  }
0x1a2: {  	[timem:s3], [sflag:s2] =	dma.local @!p0 [hbm:s0], s1  }
0x1a3: {  	s0 =	simm.s32 @!p0 $0x1  }
0x1a4: {  	_ =	swait.ge @!p0 [sflag:s0], s1  }
0x1a5: {  	s1 =	ssub.s32 @!p0 $0x0, s1;
	[sflag:s0] =	ssyncset.done @!p0 $0x0  }
0x1a6: {  	[sflag:s0] =	ssyncadd.s32 @!p0 s1  }
0x1a7: {  	[bflag:$0x3] =	sbarrier.arrive $0xFFFF  }
0x1a8: {  	_ =	shalt  }

</sc_bundles>
